<compile_context>
chip_gen: v7x
topology: tpu7x:2x2x1
jax: 0.10.2.dev20260603
libtpu: 0.0.44.dev20260713+nightly
codegen_flags: <defaults>
</compile_context>

<pallas_src>
import functools

import jax
import jax.numpy as jnp
from jax import lax
from jax.experimental import pallas as pl
from jax.experimental.pallas import tpu as pltpu
from jax.experimental.pallas import tpu_sc as plsc

N = 10000
E = 320000
D = 128
G = 16
GP = 32

NSUB = 16
NPT = 640
NP = NSUB * NPT
CH = 128
ECH = 158
EPT = ECH * CH
EP = NSUB * EPT
NCH = NPT // CH
LR = NP // 128
LRT = NPT // 128


def _sc_passes(x0, x1, s0, d0, s1, d1, b0, b1, z128, ones128):
    mesh = plsc.VectorSubcoreMesh(core_axis_name="c", subcore_axis_name="s")
    f32 = jnp.float32
    outs = (
        jax.ShapeDtypeStruct((NP, D), f32),
        jax.ShapeDtypeStruct((NP, D), f32),
        jax.ShapeDtypeStruct((GP, D), f32),
        jax.ShapeDtypeStruct((GP, D), f32),
        jax.ShapeDtypeStruct((GP, D), f32),
        jax.ShapeDtypeStruct((GP, D), f32),
        jax.ShapeDtypeStruct((GP, D), f32),
        jax.ShapeDtypeStruct((GP, D), f32),
        jax.ShapeDtypeStruct((GP, D), f32),
        jax.ShapeDtypeStruct((GP, D), f32),
        jax.ShapeDtypeStruct((GP, D), f32),
        jax.ShapeDtypeStruct((GP, D), f32),
    )

    @functools.partial(
        pl.kernel,
        mesh=mesh,
        compiler_params=pltpu.CompilerParams(needs_layout_passes=False),
        out_type=outs,
        scratch_types=[
            pltpu.VMEM((2, 2, CH), jnp.int32),
            pltpu.VMEM((2, 2, CH), jnp.int32),
            pltpu.VMEM((CH, D), f32),
            pltpu.VMEM((CH, D), f32),
            pltpu.VMEM((LR, D), f32),
            pltpu.VMEM((LRT, D), f32),
            pltpu.VMEM((NCH, CH), jnp.int32),
            pltpu.VMEM((1, 64), jnp.int32),
            pltpu.VMEM((1, 16), jnp.int32),
            pltpu.VMEM_SHARED((NP, D), f32),
            pltpu.VMEM_SHARED((LR, D), f32),
            pltpu.VMEM_SHARED((GP, D), f32),
            pltpu.VMEM_SHARED((GP, D), f32),
            pltpu.VMEM_SHARED((GP, D), f32),
            pltpu.VMEM_SHARED((GP, D), f32),
            pltpu.VMEM_SHARED((GP, D), f32),
            pltpu.SemaphoreType.DMA,
            pltpu.SemaphoreType.DMA,
            pltpu.SemaphoreType.DMA,
            pltpu.SemaphoreType.DMA,
            pltpu.SemaphoreType.DMA,
        ],
    )
    def body(x0r, x1r, s0r, d0r, s1r, d1r, b0r, b1r, z128r, ones128r,
             y0r, y1r, px0r, py0r, pw0r, pm0r, nc0r,
             px1r, py1r, pw1r, pm1r, nc1r,
             sidx, didx, rows, rowsB, loc, cntf, bv, idxA, idxB,
             acc, cntW, pxS, pyS, pwS, pmS, ncS, sem, semB, semI, semS, semT):
        c = lax.axis_index("c")
        s = lax.axis_index("s")
        r0 = s * NPT
        i32 = jnp.int32

        def cnt_vec(r):
            ii = jnp.zeros((16,), i32) + r
            return plsc.load_gather(
                cntf, [lax.shift_right_logical(ii, 7), lax.bitwise_and(ii, 127)])

        def divide_rows():
            def rowfix(i, carry):
                dv = jnp.maximum(cnt_vec(carry + i), 1.0)
                for cc in range(D // 16):
                    rows[i, pl.ds(cc * 16, 16)] = rows[i, pl.ds(cc * 16, 16)] / dv
                return carry
            return rowfix

        def zero_acc_slice():
            def zrow(k, carry):
                pltpu.sync_copy(rows, acc.at[pl.ds(r0 + k * CH, CH)])
                return carry
            lax.fori_loop(0, NCH, zrow, 0)

        pltpu.sync_copy(z128r, rows)
        zero_acc_slice()
        pltpu.sync_copy(z128r.at[pl.ds(0, LR)], loc)
        pltpu.sync_copy(z128r.at[pl.ds(0, LRT)], cntf)
        for u in range(4):
            idxA[0, pl.ds(u * 16, 16)] = lax.iota(i32, 16) + (u * 16)
        idxB[0, :] = lax.iota(i32, 16) + 64

        @pl.when(s == 0)
        def _():
            pltpu.sync_copy(rows.at[pl.ds(0, GP)], pxS)
            pltpu.sync_copy(rows.at[pl.ds(0, GP)], pyS)
            pltpu.sync_copy(rows.at[pl.ds(0, GP)], pwS)
            pltpu.sync_copy(rows.at[pl.ds(0, GP)], pmS)
            pltpu.sync_copy(rows.at[pl.ds(0, GP)], ncS)
            pltpu.sync_copy(rows.at[pl.ds(0, LR)], cntW)

        @pl.when(c == 0)
        def _():
            pltpu.sync_copy(b0r.at[s], bv)

        @pl.when(c == 1)
        def _():
            pltpu.sync_copy(b1r.at[s], bv)

        plsc.subcore_barrier()

        ones16 = jnp.ones((16,), f32)

        def hist_slot(q, phase):
            for u in range(CH // 16):
                d = didx[q, phase, pl.ds(u * 16, 16)]
                plsc.addupdate_scatter(
                    loc, [lax.shift_right_logical(d, 7),
                          lax.bitwise_and(d, 127)], ones16)

        NPAIR = ECH // 2

        def gather_scatter_loop(tab, sr, dr, do_hist):
            pltpu.sync_copy(sr.at[s, pl.ds(0, 2)], sidx.at[0])
            pltpu.sync_copy(dr.at[s, pl.ds(0, 2)], didx.at[0])
            pltpu.async_copy(tab.at[sidx.at[0, 0]], rows, sem)

            def pair(j2, carry):
                q = j2 % 2
                qn = 1 - q

                @pl.when(j2 > 0)
                def _():
                    pltpu.make_async_copy(rowsB, acc.at[didx.at[q, 1]],
                                          semT).wait()

                pltpu.async_copy(tab.at[sidx.at[q, 1]], rowsB, semB)

                @pl.when(j2 + 1 < NPAIR)
                def _():
                    pltpu.async_copy(sr.at[s, pl.ds(2 * (j2 + 1), 2)],
                                     sidx.at[qn], semI)
                    pltpu.async_copy(dr.at[s, pl.ds(2 * (j2 + 1), 2)],
                                     didx.at[qn], semI)

                pltpu.make_async_copy(tab.at[sidx.at[q, 0]], rows, sem).wait()
                pltpu.async_copy(rows, acc.at[didx.at[q, 0]], semS, add=True)
                if do_hist:
                    hist_slot(q, 0)

                @pl.when(j2 + 1 < NPAIR)
                def _():
                    pltpu.make_async_copy(sr.at[s, pl.ds(0, 2)],
                                          sidx.at[qn], semI).wait()
                    pltpu.make_async_copy(dr.at[s, pl.ds(0, 2)],
                                          didx.at[qn], semI).wait()
                    pltpu.make_async_copy(rows, acc.at[didx.at[q, 0]],
                                          semS).wait()
                    pltpu.async_copy(tab.at[sidx.at[qn, 0]], rows, sem)

                pltpu.make_async_copy(tab.at[sidx.at[q, 1]], rowsB, semB).wait()
                pltpu.async_copy(rowsB, acc.at[didx.at[q, 1]], semT, add=True)
                if do_hist:
                    hist_slot(q, 1)
                return carry
            lax.fori_loop(0, NPAIR, pair, 0)
            pltpu.make_async_copy(rows, acc.at[didx.at[0, 0]], semS).wait()
            pltpu.make_async_copy(rowsB, acc.at[didx.at[0, 1]], semT).wait()

        @pl.when(c == 0)
        def _():
            gather_scatter_loop(x0r, s0r, d0r, True)

        @pl.when(c == 1)
        def _():
            gather_scatter_loop(x1r, s1r, d1r, True)

        pltpu.sync_copy(loc.at[pl.ds(0, 64)], cntW.at[idxA.at[0]], add=True)
        pltpu.sync_copy(loc.at[pl.ds(64, 16)], cntW.at[idxB.at[0]], add=True)
        plsc.subcore_barrier()
        pltpu.sync_copy(cntW.at[pl.ds(LRT * s, LRT)], cntf)

        def p2_loop(xr, yr):
            def p2(k, carry):
                row0 = r0 + k * CH
                pltpu.sync_copy(acc.at[pl.ds(row0, CH)], rows)
                lax.fori_loop(0, CH, divide_rows(), k * CH)

                def mrow(i, carry2):
                    mval = jnp.where(cnt_vec(carry2 + i) > 0.0, 1.0, 0.0)
                    for cc in range(D // 16):
                        rowsB[i, pl.ds(cc * 16, 16)] = mval
                    return carry2
                lax.fori_loop(0, CH, mrow, k * CH)
                pltpu.sync_copy(rows, yr.at[pl.ds(row0, CH)])
                pltpu.sync_copy(rows, pyS.at[bv.at[k]], add=True)
                pltpu.sync_copy(rowsB, pmS.at[bv.at[k]], add=True)
                pltpu.sync_copy(xr.at[pl.ds(row0, CH)], rows)
                pltpu.sync_copy(rows, pxS.at[bv.at[k]], add=True)
                pltpu.sync_copy(ones128r, rows)
                pltpu.sync_copy(rows, ncS.at[bv.at[k]], add=True)
                return carry
            lax.fori_loop(0, NCH, p2, 0)

        @pl.when(c == 0)
        def _():
            p2_loop(x0r, y0r)

        @pl.when(c == 1)
        def _():
            p2_loop(x1r, y1r)

        pltpu.sync_copy(z128r, rows)
        zero_acc_slice()
        plsc.subcore_barrier()

        @pl.when(c == 0)
        def _():
            gather_scatter_loop(y0r, s0r, d0r, False)

        @pl.when(c == 1)
        def _():
            gather_scatter_loop(y1r, s1r, d1r, False)

        plsc.subcore_barrier()

        def p4(k, carry):
            row0 = r0 + k * CH
            pltpu.sync_copy(acc.at[pl.ds(row0, CH)], rows)
            lax.fori_loop(0, CH, divide_rows(), k * CH)
            pltpu.sync_copy(rows, pwS.at[bv.at[k]], add=True)
            return carry
        lax.fori_loop(0, NCH, p4, 0)
        plsc.subcore_barrier()

        def publish(pxo, pyo, pwo, pmo, nco):
            pltpu.sync_copy(pxS, rows.at[pl.ds(0, GP)])
            pltpu.sync_copy(rows.at[pl.ds(0, GP)], pxo)
            pltpu.sync_copy(pyS, rows.at[pl.ds(0, GP)])
            pltpu.sync_copy(rows.at[pl.ds(0, GP)], pyo)
            pltpu.sync_copy(pwS, rows.at[pl.ds(0, GP)])
            pltpu.sync_copy(rows.at[pl.ds(0, GP)], pwo)
            pltpu.sync_copy(pmS, rows.at[pl.ds(0, GP)])
            pltpu.sync_copy(rows.at[pl.ds(0, GP)], pmo)
            pltpu.sync_copy(ncS, rows.at[pl.ds(0, GP)])
            pltpu.sync_copy(rows.at[pl.ds(0, GP)], nco)

        @pl.when((s == 0) & (c == 0))
        def _():
            publish(px0r, py0r, pw0r, pm0r, nc0r)

        @pl.when((s == 0) & (c == 1))
        def _():
            publish(px1r, py1r, pw1r, pm1r, nc1r)

    return body(x0, x1, s0, d0, s1, d1, b0, b1, z128, ones128)


def _mm(a, b):
    return lax.dot_general(a, b, (((1,), (1,)), ((), ())),
                           precision=lax.Precision.HIGHEST,
                           preferred_element_type=jnp.float32)


def _sigmoid(x):
    return 1.0 / (1.0 + jnp.exp(-x))


def _tc_dense(px0, py0, pw0, pm0, nc0, px1, py1, pw1, pm1, nc1,
              Wl1, bl1, Wr1, Wl2, bl2, Wr2, Wc1, bc1, Wc2, bc2):
    def body(px0r, py0r, pw0r, pm0r, nc0r, px1r, py1r, pw1r, pm1r, nc1r,
             Wl1r, bl1r, Wr1r, Wl2r, bl2r, Wr2r, Wc1r, bc1r, Wc2r, bc2r,
             outr):
        A1, B1 = Wl1r[...], bl1r[...]
        R1 = Wr1r[...]
        A2, B2, R2 = Wl2r[...], bl2r[...], Wr2r[...]

        def graph(pxr, pyr, pwr, pmr, ncr):
            nc = ncr[...][:G, 0:1]
            inv = 1.0 / jnp.maximum(nc, 1.0)
            u = jnp.where(nc > 0.0, 1.0, 0.0)
            px = pxr[...][:G, :] * inv
            py = pyr[...][:G, :] * inv
            pw = pwr[...][:G, :] * inv
            pm = pmr[...][:G, 0:1] * inv
            Pf = _mm(py, A1) + _mm(px, R1) + u * B1
            Pz = _mm(pw, A1) + _mm(py, R1) + pm * B1
            return _mm(Pz, A2) + _mm(Pf, R2) + u * B2

        e0 = graph(px0r, py0r, pw0r, pm0r, nc0r)
        e1 = graph(px1r, py1r, pw1r, pm1r, nc1r)
        comb = jnp.concatenate([e0, e1], axis=1)
        h = _sigmoid(_mm(comb, Wc1r[...]) + bc1r[...])
        o = jnp.sum(h * Wc2r[...], axis=1, keepdims=True) + bc2r[...][0, 0]
        outr[...] = _sigmoid(o)

    return pl.pallas_call(
        body,
        out_shape=jax.ShapeDtypeStruct((G, 1), jnp.float32),
    )(px0, py0, pw0, pm0, nc0, px1, py1, pw1, pm1, nc1,
      Wl1, bl1.reshape(1, -1), Wr1, Wl2, bl2.reshape(1, -1), Wr2,
      Wc1, bc1.reshape(1, -1), Wc2, bc2.reshape(1, 1))


def _prep_graph(x, edge_index, batch):
    src = edge_index[0].astype(jnp.int32)
    dst = edge_index[1].astype(jnp.int32)
    srcp = jnp.concatenate([src, jnp.zeros((EP - E,), jnp.int32)]).reshape(NSUB, ECH, CH)
    dstp = jnp.concatenate([dst, jnp.full((EP - E,), N, jnp.int32)]).reshape(NSUB, ECH, CH)
    xp = jnp.concatenate([x, jnp.zeros((NP - N, D), x.dtype)], axis=0)
    bflat = jnp.concatenate([batch.astype(jnp.int32),
                             jnp.full((NP - N,), G, jnp.int32)])
    bp = bflat.reshape(NSUB, NCH, CH)
    return xp, srcp, dstp, bp


def kernel(x0, edge_index0, batch0, x1, edge_index1, batch1,
           Wl1, bl1, Wr1, Wl2, bl2, Wr2, Wc1, bc1, Wc2, bc2):
    x0p, s0, d0, b0 = _prep_graph(x0, edge_index0, batch0)
    x1p, s1, d1, b1 = _prep_graph(x1, edge_index1, batch1)
    z128 = jnp.zeros((CH, D), jnp.float32)
    ones128 = jnp.ones((CH, D), jnp.float32)

    hbm = lambda a: pltpu.with_memory_space_constraint(a, pltpu.HBM)
    (_, _, px0, py0, pw0, pm0, nc0, px1, py1, pw1, pm1, nc1) = _sc_passes(
        hbm(x0p), hbm(x1p), hbm(s0), hbm(d0), hbm(s1), hbm(d1),
        hbm(b0), hbm(b1), hbm(z128), hbm(ones128))

    prob = _tc_dense(px0, py0, pw0, pm0, nc0, px1, py1, pw1, pm1, nc1,
                     Wl1, bl1, Wr1, Wl2, bl2, Wr2, Wc1, bc1, Wc2, bc2)
    return jnp.squeeze(prob, axis=-1)

# --- scband reference (transcript-rebuilt; emitter-appended) ---
"""Pipeline reference for scband-circuit-rank-net-47983374631310 (READ-ONLY COPY).

The authoritative reference and input builder live on the scoring server;
editing this copy changes nothing except your own understanding.
"""

import jax, jax.numpy as jnp
import numpy as np

N_NODES = 10000
N_EDGES = 320000
D = 128
NUM_GRAPHS = 16


def setup_inputs(seed: int = 0) -> dict:
    key = jax.random.key(seed)
    ks = jax.random.split(key, 20)
    x0 = jax.random.normal(ks[0], (N_NODES, D), dtype=jnp.float32)
    edge_index0 = jax.random.randint(ks[1], (2, N_EDGES), 0, N_NODES, dtype=jnp.int64)
    batch0 = jnp.sort(jax.random.randint(ks[2], (N_NODES,), 0, NUM_GRAPHS, dtype=jnp.int64))
    x1 = jax.random.normal(ks[3], (N_NODES, D), dtype=jnp.float32)
    edge_index1 = jax.random.randint(ks[4], (2, N_EDGES), 0, N_NODES, dtype=jnp.int64)
    batch1 = jnp.sort(jax.random.randint(ks[5], (N_NODES,), 0, NUM_GRAPHS, dtype=jnp.int64))
    s = 0.05
    Wl1 = jax.random.normal(ks[6], (2 * D, D), dtype=jnp.float32) * s
    bl1 = jnp.zeros((2 * D,), dtype=jnp.float32)
    Wr1 = jax.random.normal(ks[7], (2 * D, D), dtype=jnp.float32) * s
    Wl2 = jax.random.normal(ks[8], (2 * D, 2 * D), dtype=jnp.float32) * s
    bl2 = jnp.zeros((2 * D,), dtype=jnp.float32)
    Wr2 = jax.random.normal(ks[9], (2 * D, 2 * D), dtype=jnp.float32) * s
    Wc1 = jax.random.normal(ks[10], (2 * D, 4 * D), dtype=jnp.float32) * s
    bc1 = jnp.zeros((2 * D,), dtype=jnp.float32)
    Wc2 = jax.random.normal(ks[11], (1, 2 * D), dtype=jnp.float32) * s
    bc2 = jnp.zeros((1,), dtype=jnp.float32)
    return {"x0": x0, "edge_index0": edge_index0, "batch0": batch0,
            "x1": x1, "edge_index1": edge_index1, "batch1": batch1,
            "Wl1": Wl1, "bl1": bl1, "Wr1": Wr1,
            "Wl2": Wl2, "bl2": bl2, "Wr2": Wr2,
            "Wc1": Wc1, "bc1": bc1, "Wc2": Wc2, "bc2": bc2}


def _sage_conv(x, edge_index, Wl, bl, Wr):
    # PyG SAGEConv (aggr='mean'): out = lin_l(mean_{j in N(i)} x_j) + lin_r(x_i)
    src = edge_index[0]
    dst = edge_index[1]
    msg = jnp.take(x, src, axis=0)
    s = jax.ops.segment_sum(msg, dst, num_segments=N_NODES)
    cnt = jax.ops.segment_sum(jnp.ones((edge_index.shape[1],), dtype=x.dtype), dst, num_segments=N_NODES)
    agg = s / jnp.maximum(cnt, 1.0)[:, None]
    return agg @ Wl.T + bl + x @ Wr.T


def _global_mean_pool(f, batch):
    s = jax.ops.segment_sum(f, batch, num_segments=NUM_GRAPHS)
    c = jax.ops.segment_sum(jnp.ones(batch.shape, dtype=f.dtype), batch, num_segments=NUM_GRAPHS)
    return s / jnp.maximum(c, 1.0)[:, None]


def _graph_embedding(x, edge_index, batch, Wl1, bl1, Wr1, Wl2, bl2, Wr2):
    f = _sage_conv(x, edge_index, Wl1, bl1, Wr1)
    # dropout is identity in eval mode
    f = _sage_conv(f, edge_index, Wl2, bl2, Wr2)
    return _global_mean_pool(f, batch)


def reference(x0, edge_index0, batch0, x1, edge_index1, batch1,
              Wl1, bl1, Wr1, Wl2, bl2, Wr2, Wc1, bc1, Wc2, bc2):
    f0 = _graph_embedding(x0, edge_index0, batch0, Wl1, bl1, Wr1, Wl2, bl2, Wr2)
    f1 = _graph_embedding(x1, edge_index1, batch1, Wl1, bl1, Wr1, Wl2, bl2, Wr2)
    comb = jnp.concatenate([f0, f1], axis=1)
    h = jax.nn.sigmoid(comb @ Wc1.T + bc1)
    out = h @ Wc2.T + bc2
    prob = jax.nn.sigmoid(out)
    return jnp.squeeze(prob, axis=-1)

if __name__ == "__main__":
    import jax
    _d = setup_inputs()
    print(jax.jit(kernel)(*tuple(_d.values())))

</pallas_src>

<mosaic_0001>
#map = affine_map<(d0, d1) -> (0, 0)>
#map1 = affine_map<(d0, d1) -> (0, 0, 0)>
module attributes {stable_mosaic.version = 14 : i64} {
  func.func @body(%arg0: i32, %arg1: i32, %arg2: memref<10240x128xf32, #tpu.memory_space<hbm>>, %arg3: memref<10240x128xf32, #tpu.memory_space<hbm>>, %arg4: memref<16x158x128xi32, #tpu.memory_space<hbm>>, %arg5: memref<16x158x128xi32, #tpu.memory_space<hbm>>, %arg6: memref<16x158x128xi32, #tpu.memory_space<hbm>>, %arg7: memref<16x158x128xi32, #tpu.memory_space<hbm>>, %arg8: memref<16x5x128xi32, #tpu.memory_space<hbm>>, %arg9: memref<16x5x128xi32, #tpu.memory_space<hbm>>, %arg10: memref<128x128xf32, #tpu.memory_space<hbm>>, %arg11: memref<128x128xf32, #tpu.memory_space<hbm>>, %arg12: memref<10240x128xf32, #tpu.memory_space<hbm>>, %arg13: memref<10240x128xf32, #tpu.memory_space<hbm>>, %arg14: memref<32x128xf32, #tpu.memory_space<hbm>>, %arg15: memref<32x128xf32, #tpu.memory_space<hbm>>, %arg16: memref<32x128xf32, #tpu.memory_space<hbm>>, %arg17: memref<32x128xf32, #tpu.memory_space<hbm>>, %arg18: memref<32x128xf32, #tpu.memory_space<hbm>>, %arg19: memref<32x128xf32, #tpu.memory_space<hbm>>, %arg20: memref<32x128xf32, #tpu.memory_space<hbm>>, %arg21: memref<32x128xf32, #tpu.memory_space<hbm>>, %arg22: memref<32x128xf32, #tpu.memory_space<hbm>>, %arg23: memref<32x128xf32, #tpu.memory_space<hbm>>, %arg24: memref<2x2x128xi32, #tpu.memory_space<vmem>>, %arg25: memref<2x2x128xi32, #tpu.memory_space<vmem>>, %arg26: memref<128x128xf32, #tpu.memory_space<vmem>>, %arg27: memref<128x128xf32, #tpu.memory_space<vmem>>, %arg28: memref<80x128xf32, #tpu.memory_space<vmem>>, %arg29: memref<5x128xf32, #tpu.memory_space<vmem>>, %arg30: memref<5x128xi32, #tpu.memory_space<vmem>>, %arg31: memref<1x64xi32, #tpu.memory_space<vmem>>, %arg32: memref<1x16xi32, #tpu.memory_space<vmem>>, %arg33: memref<10240x128xf32, #tpu.memory_space<vmem_shared>>, %arg34: memref<80x128xf32, #tpu.memory_space<vmem_shared>>, %arg35: memref<32x128xf32, #tpu.memory_space<vmem_shared>>, %arg36: memref<32x128xf32, #tpu.memory_space<vmem_shared>>, %arg37: memref<32x128xf32, #tpu.memory_space<vmem_shared>>, %arg38: memref<32x128xf32, #tpu.memory_space<vmem_shared>>, %arg39: memref<32x128xf32, #tpu.memory_space<vmem_shared>>, %arg40: memref<!tpu.dma_semaphore, #tpu.memory_space<semaphore_mem>>, %arg41: memref<!tpu.dma_semaphore, #tpu.memory_space<semaphore_mem>>, %arg42: memref<!tpu.dma_semaphore, #tpu.memory_space<semaphore_mem>>, %arg43: memref<!tpu.dma_semaphore, #tpu.memory_space<semaphore_mem>>, %arg44: memref<!tpu.dma_semaphore, #tpu.memory_space<semaphore_mem>>) attributes {dimension_semantics = [#tpu.dimension_semantics<core_parallel>, #tpu.dimension_semantics<subcore_parallel>], iteration_bounds = array<i64: 2, 16>, scalar_prefetch = 0 : i64, scratch_operands = 21 : i64, tpu.core_type = #tpu.core_type<sc_vector_subcore>, window_params = [{transform_indices = #map}, {transform_indices = #map}, {transform_indices = #map1}, {transform_indices = #map1}, {transform_indices = #map1}, {transform_indices = #map1}, {transform_indices = #map1}, {transform_indices = #map1}, {transform_indices = #map}, {transform_indices = #map}, {transform_indices = #map}, {transform_indices = #map}, {transform_indices = #map}, {transform_indices = #map}, {transform_indices = #map}, {transform_indices = #map}, {transform_indices = #map}, {transform_indices = #map}, {transform_indices = #map}, {transform_indices = #map}, {transform_indices = #map}, {transform_indices = #map}]} {
    %mul3A = arith.constant 640 : i32
    %mul3A_0 = arith.muli %arg1, %mul3A : i32
    "tpu.region"() ({
      %run_scoped3A_120 = tpu.sem_alloc : memref<!tpu.dma_semaphore, #tpu.memory_space<semaphore_mem>>
      tpu.enqueue_dma source(%arg10 : memref<128x128xf32, #tpu.memory_space<hbm>>) target(%arg26 : memref<128x128xf32, #tpu.memory_space<vmem>>) target_semaphore(%run_scoped3A_120 : memref<!tpu.dma_semaphore, #tpu.memory_space<semaphore_mem>>)
      tpu.wait_dma2 semaphore(%run_scoped3A_120 : memref<!tpu.dma_semaphore, #tpu.memory_space<semaphore_mem>>) src(%arg10 : memref<128x128xf32, #tpu.memory_space<hbm>>) dst(%arg26 : memref<128x128xf32, #tpu.memory_space<vmem>>)
      tpu.yield
    }) : () -> ()
    %scan3A = arith.constant 0 : i32
    %scan3A_1 = arith.constant 0 : i32
    %scan3A_2 = arith.constant 5 : i32
    %scan3A_3 = arith.addi %scan3A_1, %scan3A_2 : i32
    %scan3A_4 = arith.constant 1 : i32
    scf.for %scan3A_120 = %scan3A_1 to %scan3A_3 step %scan3A_4  : i32 {
      %mul3A_121 = arith.constant 128 : i32
      %mul3A_122 = arith.muli %scan3A_120, %mul3A_121 : i32
      %add3A_123 = arith.addi %mul3A_0, %mul3A_122 : i32
      "tpu.region"() ({
        %run_scoped3A_124 = tpu.sem_alloc : memref<!tpu.dma_semaphore, #tpu.memory_space<semaphore_mem>>
        %dma_start3A = arith.constant 0 : i32
        %dma_start3A_125 = tpu.memref_slice %arg33[%add3A_123, %dma_start3A] : memref<10240x128xf32, #tpu.memory_space<vmem_shared>> -> memref<128x128xf32, #tpu.memory_space<vmem_shared>>
        %dma_start3A_126 = arith.constant 0 : i32
        %dma_start3A_127 = tpu.memref_slice %arg33[%add3A_123, %dma_start3A_126] : memref<10240x128xf32, #tpu.memory_space<vmem_shared>> -> memref<128x128xf32, #tpu.memory_space<vmem_shared>>
        tpu.enqueue_dma source(%arg26 : memref<128x128xf32, #tpu.memory_space<vmem>>) target(%dma_start3A_127 : memref<128x128xf32, #tpu.memory_space<vmem_shared>>) target_semaphore(%run_scoped3A_124 : memref<!tpu.dma_semaphore, #tpu.memory_space<semaphore_mem>>)
        %dma_wait3A = arith.constant 0 : i32
        %dma_wait3A_128 = tpu.memref_slice %arg33[%add3A_123, %dma_wait3A] : memref<10240x128xf32, #tpu.memory_space<vmem_shared>> -> memref<128x128xf32, #tpu.memory_space<vmem_shared>>
        %dma_wait3A_129 = arith.constant 0 : i32
        %dma_wait3A_130 = tpu.memref_slice %arg33[%add3A_123, %dma_wait3A_129] : memref<10240x128xf32, #tpu.memory_space<vmem_shared>> -> memref<128x128xf32, #tpu.memory_space<vmem_shared>>
        tpu.wait_dma2 semaphore(%run_scoped3A_124 : memref<!tpu.dma_semaphore, #tpu.memory_space<semaphore_mem>>) src(%arg26 : memref<128x128xf32, #tpu.memory_space<vmem>>) dst(%dma_wait3A_130 : memref<128x128xf32, #tpu.memory_space<vmem_shared>>)
        tpu.yield
      }) : () -> ()
    }
    %scan3A_5 = arith.constant 5 : i32
    "tpu.region"() ({
      %run_scoped3A_120 = tpu.sem_alloc : memref<!tpu.dma_semaphore, #tpu.memory_space<semaphore_mem>>
      %dma_start3A = arith.constant 0 : i32
      %dma_start3A_121 = arith.constant 0 : i32
      %dma_start3A_122 = tpu.memref_slice %arg10[%dma_start3A, %dma_start3A_121] : memref<128x128xf32, #tpu.memory_space<hbm>> -> memref<80x128xf32, #tpu.memory_space<hbm>>
      %dma_start3A_123 = arith.constant 0 : i32
      %dma_start3A_124 = arith.constant 0 : i32
      %dma_start3A_125 = tpu.memref_slice %arg10[%dma_start3A_123, %dma_start3A_124] : memref<128x128xf32, #tpu.memory_space<hbm>> -> memref<80x128xf32, #tpu.memory_space<hbm>>
      tpu.enqueue_dma source(%dma_start3A_125 : memref<80x128xf32, #tpu.memory_space<hbm>>) target(%arg28 : memref<80x128xf32, #tpu.memory_space<vmem>>) target_semaphore(%run_scoped3A_120 : memref<!tpu.dma_semaphore, #tpu.memory_space<semaphore_mem>>)
      %dma_wait3A = arith.constant 0 : i32
      %dma_wait3A_126 = arith.constant 0 : i32
      %dma_wait3A_127 = tpu.memref_slice %arg10[%dma_wait3A, %dma_wait3A_126] : memref<128x128xf32, #tpu.memory_space<hbm>> -> memref<80x128xf32, #tpu.memory_space<hbm>>
      %dma_wait3A_128 = arith.constant 0 : i32
      %dma_wait3A_129 = arith.constant 0 : i32
      %dma_wait3A_130 = tpu.memref_slice %arg10[%dma_wait3A_128, %dma_wait3A_129] : memref<128x128xf32, #tpu.memory_space<hbm>> -> memref<80x128xf32, #tpu.memory_space<hbm>>
      tpu.wait_dma2 semaphore(%run_scoped3A_120 : memref<!tpu.dma_semaphore, #tpu.memory_space<semaphore_mem>>) src(%dma_wait3A_130 : memref<80x128xf32, #tpu.memory_space<hbm>>) dst(%arg28 : memref<80x128xf32, #tpu.memory_space<vmem>>)
      tpu.yield
    }) : () -> ()
    "tpu.region"() ({
      %run_scoped3A_120 = tpu.sem_alloc : memref<!tpu.dma_semaphore, #tpu.memory_space<semaphore_mem>>
      %dma_start3A = arith.constant 0 : i32
      %dma_start3A_121 = arith.constant 0 : i32
      %dma_start3A_122 = tpu.memref_slice %arg10[%dma_start3A, %dma_start3A_121] : memref<128x128xf32, #tpu.memory_space<hbm>> -> memref<5x128xf32, #tpu.memory_space<hbm>>
      %dma_start3A_123 = arith.constant 0 : i32
      %dma_start3A_124 = arith.constant 0 : i32
      %dma_start3A_125 = tpu.memref_slice %arg10[%dma_start3A_123, %dma_start3A_124] : memref<128x128xf32, #tpu.memory_space<hbm>> -> memref<5x128xf32, #tpu.memory_space<hbm>>
      tpu.enqueue_dma source(%dma_start3A_125 : memref<5x128xf32, #tpu.memory_space<hbm>>) target(%arg29 : memref<5x128xf32, #tpu.memory_space<vmem>>) target_semaphore(%run_scoped3A_120 : memref<!tpu.dma_semaphore, #tpu.memory_space<semaphore_mem>>)
      %dma_wait3A = arith.constant 0 : i32
      %dma_wait3A_126 = arith.constant 0 : i32
      %dma_wait3A_127 = tpu.memref_slice %arg10[%dma_wait3A, %dma_wait3A_126] : memref<128x128xf32, #tpu.memory_space<hbm>> -> memref<5x128xf32, #tpu.memory_space<hbm>>
      %dma_wait3A_128 = arith.constant 0 : i32
      %dma_wait3A_129 = arith.constant 0 : i32
      %dma_wait3A_130 = tpu.memref_slice %arg10[%dma_wait3A_128, %dma_wait3A_129] : memref<128x128xf32, #tpu.memory_space<hbm>> -> memref<5x128xf32, #tpu.memory_space<hbm>>
      tpu.wait_dma2 semaphore(%run_scoped3A_120 : memref<!tpu.dma_semaphore, #tpu.memory_space<semaphore_mem>>) src(%dma_wait3A_130 : memref<5x128xf32, #tpu.memory_space<hbm>>) dst(%arg29 : memref<5x128xf32, #tpu.memory_space<vmem>>)
      tpu.yield
    }) : () -> ()
    %iota3A = tpu.iota {dimensions = array<i32: 0>} : vector<16xi32>
    %add3A = arith.constant 0 : i32
    %add3A_6 = vector.broadcast %add3A : i32 to vector<16xi32>
    %add3A_7 = arith.addi %iota3A, %add3A_6 : vector<16xi32>
    %swap3A = arith.constant 0 : i32
    %swap3A_8 = arith.index_cast %swap3A : i32 to index
    %swap3A_9 = arith.constant 0 : index
    %swap3A_10 = tpu.vector_load %arg31[%swap3A_8, %swap3A_9] {strides = array<i32>} : memref<1x64xi32, #tpu.memory_space<vmem>>, vector<16xi32>,
    tpu.vector_store %arg31[%swap3A_8, %swap3A_9], %add3A_7 {strides = array<i32>} : memref<1x64xi32, #tpu.memory_space<vmem>>, vector<16xi32>,
    %iota3A_11 = tpu.iota {dimensions = array<i32: 0>} : vector<16xi32>
    %add3A_12 = arith.constant 16 : i32
    %add3A_13 = vector.broadcast %add3A_12 : i32 to vector<16xi32>
    %add3A_14 = arith.addi %iota3A_11, %add3A_13 : vector<16xi32>
    %swap3A_15 = arith.constant 0 : i32
    %swap3A_16 = arith.index_cast %swap3A_15 : i32 to index
    %swap3A_17 = arith.constant 16 : index
    %swap3A_18 = tpu.vector_load %arg31[%swap3A_16, %swap3A_17] {strides = array<i32>} : memref<1x64xi32, #tpu.memory_space<vmem>>, vector<16xi32>,
    tpu.vector_store %arg31[%swap3A_16, %swap3A_17], %add3A_14 {strides = array<i32>} : memref<1x64xi32, #tpu.memory_space<vmem>>, vector<16xi32>,
    %iota3A_19 = tpu.iota {dimensions = array<i32: 0>} : vector<16xi32>
    %add3A_20 = arith.constant 32 : i32
    %add3A_21 = vector.broadcast %add3A_20 : i32 to vector<16xi32>
    %add3A_22 = arith.addi %iota3A_19, %add3A_21 : vector<16xi32>
    %swap3A_23 = arith.constant 0 : i32
    %swap3A_24 = arith.index_cast %swap3A_23 : i32 to index
    %swap3A_25 = arith.constant 32 : index
    %swap3A_26 = tpu.vector_load %arg31[%swap3A_24, %swap3A_25] {strides = array<i32>} : memref<1x64xi32, #tpu.memory_space<vmem>>, vector<16xi32>,
    tpu.vector_store %arg31[%swap3A_24, %swap3A_25], %add3A_22 {strides = array<i32>} : memref<1x64xi32, #tpu.memory_space<vmem>>, vector<16xi32>,
    %iota3A_27 = tpu.iota {dimensions = array<i32: 0>} : vector<16xi32>
    %add3A_28 = arith.constant 48 : i32
    %add3A_29 = vector.broadcast %add3A_28 : i32 to vector<16xi32>
    %add3A_30 = arith.addi %iota3A_27, %add3A_29 : vector<16xi32>
    %swap3A_31 = arith.constant 0 : i32
    %swap3A_32 = arith.index_cast %swap3A_31 : i32 to index
    %swap3A_33 = arith.constant 48 : index
    %swap3A_34 = tpu.vector_load %arg31[%swap3A_32, %swap3A_33] {strides = array<i32>} : memref<1x64xi32, #tpu.memory_space<vmem>>, vector<16xi32>,
    tpu.vector_store %arg31[%swap3A_32, %swap3A_33], %add3A_30 {strides = array<i32>} : memref<1x64xi32, #tpu.memory_space<vmem>>, vector<16xi32>,
    %iota3A_35 = tpu.iota {dimensions = array<i32: 0>} : vector<16xi32>
    %add3A_36 = arith.constant 64 : i32
    %add3A_37 = vector.broadcast %add3A_36 : i32 to vector<16xi32>
    %add3A_38 = arith.addi %iota3A_35, %add3A_37 : vector<16xi32>
    %swap3A_39 = arith.constant 0 : i32
    %swap3A_40 = arith.index_cast %swap3A_39 : i32 to index
    %swap3A_41 = arith.constant 0 : index
    %swap3A_42 = tpu.vector_load %arg32[%swap3A_40, %swap3A_41] {strides = array<i32>} : memref<1x16xi32, #tpu.memory_space<vmem>>, vector<16xi32>,
    tpu.vector_store %arg32[%swap3A_40, %swap3A_41], %add3A_38 {strides = array<i32>} : memref<1x16xi32, #tpu.memory_space<vmem>>, vector<16xi32>,
    %eq3A = arith.constant 0 : i32
    %eq3A_43 = arith.cmpi eq, %arg1, %eq3A : i32
    %convert_element_type3A = arith.extui %eq3A_43 : i1 to i32
    %cond3A = arith.constant 0 : i32
    %cond3A_44 = arith.cmpi ne, %convert_element_type3A, %cond3A : i32
    scf.if %cond3A_44 {
      "tpu.region"() ({
        %run_scoped3A_120 = tpu.sem_alloc : memref<!tpu.dma_semaphore, #tpu.memory_space<semaphore_mem>>
        %dma_start3A = arith.constant 0 : i32
        %dma_start3A_121 = arith.constant 0 : i32
        %dma_start3A_122 = tpu.memref_slice %arg26[%dma_start3A, %dma_start3A_121] : memref<128x128xf32, #tpu.memory_space<vmem>> -> memref<32x128xf32, #tpu.memory_space<vmem>>
        %dma_start3A_123 = arith.constant 0 : i32
        %dma_start3A_124 = arith.constant 0 : i32
        %dma_start3A_125 = tpu.memref_slice %arg26[%dma_start3A_123, %dma_start3A_124] : memref<128x128xf32, #tpu.memory_space<vmem>> -> memref<32x128xf32, #tpu.memory_space<vmem>>
        tpu.enqueue_dma source(%dma_start3A_125 : memref<32x128xf32, #tpu.memory_space<vmem>>) target(%arg35 : memref<32x128xf32, #tpu.memory_space<vmem_shared>>) target_semaphore(%run_scoped3A_120 : memref<!tpu.dma_semaphore, #tpu.memory_space<semaphore_mem>>)
        %dma_wait3A = arith.constant 0 : i32
        %dma_wait3A_126 = arith.constant 0 : i32
        %dma_wait3A_127 = tpu.memref_slice %arg26[%dma_wait3A, %dma_wait3A_126] : memref<128x128xf32, #tpu.memory_space<vmem>> -> memref<32x128xf32, #tpu.memory_space<vmem>>
        %dma_wait3A_128 = arith.constant 0 : i32
        %dma_wait3A_129 = arith.constant 0 : i32
        %dma_wait3A_130 = tpu.memref_slice %arg26[%dma_wait3A_128, %dma_wait3A_129] : memref<128x128xf32, #tpu.memory_space<vmem>> -> memref<32x128xf32, #tpu.memory_space<vmem>>
        tpu.wait_dma2 semaphore(%run_scoped3A_120 : memref<!tpu.dma_semaphore, #tpu.memory_space<semaphore_mem>>) src(%dma_wait3A_130 : memref<32x128xf32, #tpu.memory_space<vmem>>) dst(%arg35 : memref<32x128xf32, #tpu.memory_space<vmem_shared>>)
        tpu.yield
      }) : () -> ()
      "tpu.region"() ({
        %run_scoped3A_120 = tpu.sem_alloc : memref<!tpu.dma_semaphore, #tpu.memory_space<semaphore_mem>>
        %dma_start3A = arith.constant 0 : i32
        %dma_start3A_121 = arith.constant 0 : i32
        %dma_start3A_122 = tpu.memref_slice %arg26[%dma_start3A, %dma_start3A_121] : memref<128x128xf32, #tpu.memory_space<vmem>> -> memref<32x128xf32, #tpu.memory_space<vmem>>
        %dma_start3A_123 = arith.constant 0 : i32
        %dma_start3A_124 = arith.constant 0 : i32
        %dma_start3A_125 = tpu.memref_slice %arg26[%dma_start3A_123, %dma_start3A_124] : memref<128x128xf32, #tpu.memory_space<vmem>> -> memref<32x128xf32, #tpu.memory_space<vmem>>
        tpu.enqueue_dma source(%dma_start3A_125 : memref<32x128xf32, #tpu.memory_space<vmem>>) target(%arg36 : memref<32x128xf32, #tpu.memory_space<vmem_shared>>) target_semaphore(%run_scoped3A_120 : memref<!tpu.dma_semaphore, #tpu.memory_space<semaphore_mem>>)
        %dma_wait3A = arith.constant 0 : i32
        %dma_wait3A_126 = arith.constant 0 : i32
        %dma_wait3A_127 = tpu.memref_slice %arg26[%dma_wait3A, %dma_wait3A_126] : memref<128x128xf32, #tpu.memory_space<vmem>> -> memref<32x128xf32, #tpu.memory_space<vmem>>
        %dma_wait3A_128 = arith.constant 0 : i32
        %dma_wait3A_129 = arith.constant 0 : i32
        %dma_wait3A_130 = tpu.memref_slice %arg26[%dma_wait3A_128, %dma_wait3A_129] : memref<128x128xf32, #tpu.memory_space<vmem>> -> memref<32x128xf32, #tpu.memory_space<vmem>>
        tpu.wait_dma2 semaphore(%run_scoped3A_120 : memref<!tpu.dma_semaphore, #tpu.memory_space<semaphore_mem>>) src(%dma_wait3A_130 : memref<32x128xf32, #tpu.memory_space<vmem>>) dst(%arg36 : memref<32x128xf32, #tpu.memory_space<vmem_shared>>)
        tpu.yield
      }) : () -> ()
      "tpu.region"() ({
        %run_scoped3A_120 = tpu.sem_alloc : memref<!tpu.dma_semaphore, #tpu.memory_space<semaphore_mem>>
        %dma_start3A = arith.constant 0 : i32
        %dma_start3A_121 = arith.constant 0 : i32
        %dma_start3A_122 = tpu.memref_slice %arg26[%dma_start3A, %dma_start3A_121] : memref<128x128xf32, #tpu.memory_space<vmem>> -> memref<32x128xf32, #tpu.memory_space<vmem>>
        %dma_start3A_123 = arith.constant 0 : i32
        %dma_start3A_124 = arith.constant 0 : i32
        %dma_start3A_125 = tpu.memref_slice %arg26[%dma_start3A_123, %dma_start3A_124] : memref<128x128xf32, #tpu.memory_space<vmem>> -> memref<32x128xf32, #tpu.memory_space<vmem>>
        tpu.enqueue_dma source(%dma_start3A_125 : memref<32x128xf32, #tpu.memory_space<vmem>>) target(%arg37 : memref<32x128xf32, #tpu.memory_space<vmem_shared>>) target_semaphore(%run_scoped3A_120 : memref<!tpu.dma_semaphore, #tpu.memory_space<semaphore_mem>>)
        %dma_wait3A = arith.constant 0 : i32
        %dma_wait3A_126 = arith.constant 0 : i32
        %dma_wait3A_127 = tpu.memref_slice %arg26[%dma_wait3A, %dma_wait3A_126] : memref<128x128xf32, #tpu.memory_space<vmem>> -> memref<32x128xf32, #tpu.memory_space<vmem>>
        %dma_wait3A_128 = arith.constant 0 : i32
        %dma_wait3A_129 = arith.constant 0 : i32
        %dma_wait3A_130 = tpu.memref_slice %arg26[%dma_wait3A_128, %dma_wait3A_129] : memref<128x128xf32, #tpu.memory_space<vmem>> -> memref<32x128xf32, #tpu.memory_space<vmem>>
        tpu.wait_dma2 semaphore(%run_scoped3A_120 : memref<!tpu.dma_semaphore, #tpu.memory_space<semaphore_mem>>) src(%dma_wait3A_130 : memref<32x128xf32, #tpu.memory_space<vmem>>) dst(%arg37 : memref<32x128xf32, #tpu.memory_space<vmem_shared>>)
        tpu.yield
      }) : () -> ()
      "tpu.region"() ({
        %run_scoped3A_120 = tpu.sem_alloc : memref<!tpu.dma_semaphore, #tpu.memory_space<semaphore_mem>>
        %dma_start3A = arith.constant 0 : i32
        %dma_start3A_121 = arith.constant 0 : i32
        %dma_start3A_122 = tpu.memref_slice %arg26[%dma_start3A, %dma_start3A_121] : memref<128x128xf32, #tpu.memory_space<vmem>> -> memref<32x128xf32, #tpu.memory_space<vmem>>
        %dma_start3A_123 = arith.constant 0 : i32
        %dma_start3A_124 = arith.constant 0 : i32
        %dma_start3A_125 = tpu.memref_slice %arg26[%dma_start3A_123, %dma_start3A_124] : memref<128x128xf32, #tpu.memory_space<vmem>> -> memref<32x128xf32, #tpu.memory_space<vmem>>
        tpu.enqueue_dma source(%dma_start3A_125 : memref<32x128xf32, #tpu.memory_space<vmem>>) target(%arg38 : memref<32x128xf32, #tpu.memory_space<vmem_shared>>) target_semaphore(%run_scoped3A_120 : memref<!tpu.dma_semaphore, #tpu.memory_space<semaphore_mem>>)
        %dma_wait3A = arith.constant 0 : i32
        %dma_wait3A_126 = arith.constant 0 : i32
        %dma_wait3A_127 = tpu.memref_slice %arg26[%dma_wait3A, %dma_wait3A_126] : memref<128x128xf32, #tpu.memory_space<vmem>> -> memref<32x128xf32, #tpu.memory_space<vmem>>
        %dma_wait3A_128 = arith.constant 0 : i32
        %dma_wait3A_129 = arith.constant 0 : i32
        %dma_wait3A_130 = tpu.memref_slice %arg26[%dma_wait3A_128, %dma_wait3A_129] : memref<128x128xf32, #tpu.memory_space<vmem>> -> memref<32x128xf32, #tpu.memory_space<vmem>>
        tpu.wait_dma2 semaphore(%run_scoped3A_120 : memref<!tpu.dma_semaphore, #tpu.memory_space<semaphore_mem>>) src(%dma_wait3A_130 : memref<32x128xf32, #tpu.memory_space<vmem>>) dst(%arg38 : memref<32x128xf32, #tpu.memory_space<vmem_shared>>)
        tpu.yield
      }) : () -> ()
      "tpu.region"() ({
        %run_scoped3A_120 = tpu.sem_alloc : memref<!tpu.dma_semaphore, #tpu.memory_space<semaphore_mem>>
        %dma_start3A = arith.constant 0 : i32
        %dma_start3A_121 = arith.constant 0 : i32
        %dma_start3A_122 = tpu.memref_slice %arg26[%dma_start3A, %dma_start3A_121] : memref<128x128xf32, #tpu.memory_space<vmem>> -> memref<32x128xf32, #tpu.memory_space<vmem>>
        %dma_start3A_123 = arith.constant 0 : i32
        %dma_start3A_124 = arith.constant 0 : i32
        %dma_start3A_125 = tpu.memref_slice %arg26[%dma_start3A_123, %dma_start3A_124] : memref<128x128xf32, #tpu.memory_space<vmem>> -> memref<32x128xf32, #tpu.memory_space<vmem>>
        tpu.enqueue_dma source(%dma_start3A_125 : memref<32x128xf32, #tpu.memory_space<vmem>>) target(%arg39 : memref<32x128xf32, #tpu.memory_space<vmem_shared>>) target_semaphore(%run_scoped3A_120 : memref<!tpu.dma_semaphore, #tpu.memory_space<semaphore_mem>>)
        %dma_wait3A = arith.constant 0 : i32
        %dma_wait3A_126 = arith.constant 0 : i32
        %dma_wait3A_127 = tpu.memref_slice %arg26[%dma_wait3A, %dma_wait3A_126] : memref<128x128xf32, #tpu.memory_space<vmem>> -> memref<32x128xf32, #tpu.memory_space<vmem>>
        %dma_wait3A_128 = arith.constant 0 : i32
        %dma_wait3A_129 = arith.constant 0 : i32
        %dma_wait3A_130 = tpu.memref_slice %arg26[%dma_wait3A_128, %dma_wait3A_129] : memref<128x128xf32, #tpu.memory_space<vmem>> -> memref<32x128xf32, #tpu.memory_space<vmem>>
        tpu.wait_dma2 semaphore(%run_scoped3A_120 : memref<!tpu.dma_semaphore, #tpu.memory_space<semaphore_mem>>) src(%dma_wait3A_130 : memref<32x128xf32, #tpu.memory_space<vmem>>) dst(%arg39 : memref<32x128xf32, #tpu.memory_space<vmem_shared>>)
        tpu.yield
      }) : () -> ()
      "tpu.region"() ({
        %run_scoped3A_120 = tpu.sem_alloc : memref<!tpu.dma_semaphore, #tpu.memory_space<semaphore_mem>>
        %dma_start3A = arith.constant 0 : i32
        %dma_start3A_121 = arith.constant 0 : i32
        %dma_start3A_122 = tpu.memref_slice %arg26[%dma_start3A, %dma_start3A_121] : memref<128x128xf32, #tpu.memory_space<vmem>> -> memref<80x128xf32, #tpu.memory_space<vmem>>
        %dma_start3A_123 = arith.constant 0 : i32
        %dma_start3A_124 = arith.constant 0 : i32
        %dma_start3A_125 = tpu.memref_slice %arg26[%dma_start3A_123, %dma_start3A_124] : memref<128x128xf32, #tpu.memory_space<vmem>> -> memref<80x128xf32, #tpu.memory_space<vmem>>
        tpu.enqueue_dma source(%dma_start3A_125 : memref<80x128xf32, #tpu.memory_space<vmem>>) target(%arg34 : memref<80x128xf32, #tpu.memory_space<vmem_shared>>) target_semaphore(%run_scoped3A_120 : memref<!tpu.dma_semaphore, #tpu.memory_space<semaphore_mem>>)
        %dma_wait3A = arith.constant 0 : i32
        %dma_wait3A_126 = arith.constant 0 : i32
        %dma_wait3A_127 = tpu.memref_slice %arg26[%dma_wait3A, %dma_wait3A_126] : memref<128x128xf32, #tpu.memory_space<vmem>> -> memref<80x128xf32, #tpu.memory_space<vmem>>
        %dma_wait3A_128 = arith.constant 0 : i32
        %dma_wait3A_129 = arith.constant 0 : i32
        %dma_wait3A_130 = tpu.memref_slice %arg26[%dma_wait3A_128, %dma_wait3A_129] : memref<128x128xf32, #tpu.memory_space<vmem>> -> memref<80x128xf32, #tpu.memory_space<vmem>>
        tpu.wait_dma2 semaphore(%run_scoped3A_120 : memref<!tpu.dma_semaphore, #tpu.memory_space<semaphore_mem>>) src(%dma_wait3A_130 : memref<80x128xf32, #tpu.memory_space<vmem>>) dst(%arg34 : memref<80x128xf32, #tpu.memory_space<vmem_shared>>)
        tpu.yield
      }) : () -> ()
    } else {
    }
    %eq3A_45 = arith.constant 0 : i32
    %eq3A_46 = arith.cmpi eq, %arg0, %eq3A_45 : i32
    %convert_element_type3A_47 = arith.extui %eq3A_46 : i1 to i32
    %cond3A_48 = arith.constant 0 : i32
    %cond3A_49 = arith.cmpi ne, %convert_element_type3A_47, %cond3A_48 : i32
    scf.if %cond3A_49 {
      "tpu.region"() ({
        %run_scoped3A_120 = tpu.sem_alloc : memref<!tpu.dma_semaphore, #tpu.memory_space<semaphore_mem>>
        %dma_start3A = arith.constant 0 : i32
        %dma_start3A_121 = arith.constant 0 : i32
        %dma_start3A_122 = tpu.memref_slice %arg8[%arg1, %dma_start3A, %dma_start3A_121] : memref<16x5x128xi32, #tpu.memory_space<hbm>> -> memref<1x5x128xi32, #tpu.memory_space<hbm>>
        %dma_start3A_123 = tpu.memref_squeeze %dma_start3A_122 : memref<1x5x128xi32, #tpu.memory_space<hbm>> -> memref<5x128xi32, #tpu.memory_space<hbm>>
        %dma_start3A_124 = arith.constant 0 : i32
        %dma_start3A_125 = arith.constant 0 : i32
        %dma_start3A_126 = tpu.memref_slice %arg8[%arg1, %dma_start3A_124, %dma_start3A_125] : memref<16x5x128xi32, #tpu.memory_space<hbm>> -> memref<1x5x128xi32, #tpu.memory_space<hbm>>
        %dma_start3A_127 = tpu.memref_squeeze %dma_start3A_126 : memref<1x5x128xi32, #tpu.memory_space<hbm>> -> memref<5x128xi32, #tpu.memory_space<hbm>>
        tpu.enqueue_dma source(%dma_start3A_127 : memref<5x128xi32, #tpu.memory_space<hbm>>) target(%arg30 : memref<5x128xi32, #tpu.memory_space<vmem>>) target_semaphore(%run_scoped3A_120 : memref<!tpu.dma_semaphore, #tpu.memory_space<semaphore_mem>>)
        %dma_wait3A = arith.constant 0 : i32
        %dma_wait3A_128 = arith.constant 0 : i32
        %dma_wait3A_129 = tpu.memref_slice %arg8[%arg1, %dma_wait3A, %dma_wait3A_128] : memref<16x5x128xi32, #tpu.memory_space<hbm>> -> memref<1x5x128xi32, #tpu.memory_space<hbm>>
        %dma_wait3A_130 = tpu.memref_squeeze %dma_wait3A_129 : memref<1x5x128xi32, #tpu.memory_space<hbm>> -> memref<5x128xi32, #tpu.memory_space<hbm>>
        %dma_wait3A_131 = arith.constant 0 : i32
        %dma_wait3A_132 = arith.constant 0 : i32
        %dma_wait3A_133 = tpu.memref_slice %arg8[%arg1, %dma_wait3A_131, %dma_wait3A_132] : memref<16x5x128xi32, #tpu.memory_space<hbm>> -> memref<1x5x128xi32, #tpu.memory_space<hbm>>
        %dma_wait3A_134 = tpu.memref_squeeze %dma_wait3A_133 : memref<1x5x128xi32, #tpu.memory_space<hbm>> -> memref<5x128xi32, #tpu.memory_space<hbm>>
        tpu.wait_dma2 semaphore(%run_scoped3A_120 : memref<!tpu.dma_semaphore, #tpu.memory_space<semaphore_mem>>) src(%dma_wait3A_134 : memref<5x128xi32, #tpu.memory_space<hbm>>) dst(%arg30 : memref<5x128xi32, #tpu.memory_space<vmem>>)
        tpu.yield
      }) : () -> ()
    } else {
    }
    %eq3A_50 = arith.constant 1 : i32
    %eq3A_51 = arith.cmpi eq, %arg0, %eq3A_50 : i32
    %convert_element_type3A_52 = arith.extui %eq3A_51 : i1 to i32
    %cond3A_53 = arith.constant 0 : i32
    %cond3A_54 = arith.cmpi ne, %convert_element_type3A_52, %cond3A_53 : i32
    scf.if %cond3A_54 {
      "tpu.region"() ({
        %run_scoped3A_120 = tpu.sem_alloc : memref<!tpu.dma_semaphore, #tpu.memory_space<semaphore_mem>>
        %dma_start3A = arith.constant 0 : i32
        %dma_start3A_121 = arith.constant 0 : i32
        %dma_start3A_122 = tpu.memref_slice %arg9[%arg1, %dma_start3A, %dma_start3A_121] : memref<16x5x128xi32, #tpu.memory_space<hbm>> -> memref<1x5x128xi32, #tpu.memory_space<hbm>>
        %dma_start3A_123 = tpu.memref_squeeze %dma_start3A_122 : memref<1x5x128xi32, #tpu.memory_space<hbm>> -> memref<5x128xi32, #tpu.memory_space<hbm>>
        %dma_start3A_124 = arith.constant 0 : i32
        %dma_start3A_125 = arith.constant 0 : i32
        %dma_start3A_126 = tpu.memref_slice %arg9[%arg1, %dma_start3A_124, %dma_start3A_125] : memref<16x5x128xi32, #tpu.memory_space<hbm>> -> memref<1x5x128xi32, #tpu.memory_space<hbm>>
        %dma_start3A_127 = tpu.memref_squeeze %dma_start3A_126 : memref<1x5x128xi32, #tpu.memory_space<hbm>> -> memref<5x128xi32, #tpu.memory_space<hbm>>
        tpu.enqueue_dma source(%dma_start3A_127 : memref<5x128xi32, #tpu.memory_space<hbm>>) target(%arg30 : memref<5x128xi32, #tpu.memory_space<vmem>>) target_semaphore(%run_scoped3A_120 : memref<!tpu.dma_semaphore, #tpu.memory_space<semaphore_mem>>)
        %dma_wait3A = arith.constant 0 : i32
        %dma_wait3A_128 = arith.constant 0 : i32
        %dma_wait3A_129 = tpu.memref_slice %arg9[%arg1, %dma_wait3A, %dma_wait3A_128] : memref<16x5x128xi32, #tpu.memory_space<hbm>> -> memref<1x5x128xi32, #tpu.memory_space<hbm>>
        %dma_wait3A_130 = tpu.memref_squeeze %dma_wait3A_129 : memref<1x5x128xi32, #tpu.memory_space<hbm>> -> memref<5x128xi32, #tpu.memory_space<hbm>>
        %dma_wait3A_131 = arith.constant 0 : i32
        %dma_wait3A_132 = arith.constant 0 : i32
        %dma_wait3A_133 = tpu.memref_slice %arg9[%arg1, %dma_wait3A_131, %dma_wait3A_132] : memref<16x5x128xi32, #tpu.memory_space<hbm>> -> memref<1x5x128xi32, #tpu.memory_space<hbm>>
        %dma_wait3A_134 = tpu.memref_squeeze %dma_wait3A_133 : memref<1x5x128xi32, #tpu.memory_space<hbm>> -> memref<5x128xi32, #tpu.memory_space<hbm>>
        tpu.wait_dma2 semaphore(%run_scoped3A_120 : memref<!tpu.dma_semaphore, #tpu.memory_space<semaphore_mem>>) src(%dma_wait3A_134 : memref<5x128xi32, #tpu.memory_space<hbm>>) dst(%arg30 : memref<5x128xi32, #tpu.memory_space<vmem>>)
        tpu.yield
      }) : () -> ()
    } else {
    }
    %barrier3A = arith.constant 0 : index
    tpu.barrier barrier_id(%barrier3A)
    %broadcast_in_dim3A = arith.constant 1.000000e+00 : f32
    %broadcast_in_dim3A_55 = vector.broadcast %broadcast_in_dim3A : f32 to vector<16xf32>
    %eq3A_56 = arith.constant 0 : i32
    %eq3A_57 = arith.cmpi eq, %arg0, %eq3A_56 : i32
    %convert_element_type3A_58 = arith.extui %eq3A_57 : i1 to i32
    %cond3A_59 = arith.constant 0 : i32
    %cond3A_60 = arith.cmpi ne, %convert_element_type3A_58, %cond3A_59 : i32
    scf.if %cond3A_60 {
      %run_scoped3A_120 = arith.constant 0 : i32
      "tpu.region"() ({
        %run_scoped3A_150 = tpu.sem_alloc : memref<!tpu.dma_semaphore, #tpu.memory_space<semaphore_mem>>
        %dma_start3A_151 = arith.constant 0 : i32
        %dma_start3A_152 = arith.constant 0 : i32
        %dma_start3A_153 = tpu.memref_slice %arg24[%run_scoped3A_120, %dma_start3A_151, %dma_start3A_152] : memref<2x2x128xi32, #tpu.memory_space<vmem>> -> memref<1x2x128xi32, #tpu.memory_space<vmem>>
        %dma_start3A_154 = tpu.memref_squeeze %dma_start3A_153 : memref<1x2x128xi32, #tpu.memory_space<vmem>> -> memref<2x128xi32, #tpu.memory_space<vmem>>
        %dma_start3A_155 = arith.constant 0 : i32
        %dma_start3A_156 = arith.constant 0 : i32
        %dma_start3A_157 = tpu.memref_slice %arg4[%arg1, %dma_start3A_155, %dma_start3A_156] : memref<16x158x128xi32, #tpu.memory_space<hbm>> -> memref<1x2x128xi32, #tpu.memory_space<hbm>>
        %dma_start3A_158 = tpu.memref_squeeze %dma_start3A_157 : memref<1x2x128xi32, #tpu.memory_space<hbm>> -> memref<2x128xi32, #tpu.memory_space<hbm>>
        %dma_start3A_159 = arith.constant 0 : i32
        %dma_start3A_160 = arith.constant 0 : i32
        %dma_start3A_161 = tpu.memref_slice %arg24[%run_scoped3A_120, %dma_start3A_159, %dma_start3A_160] : memref<2x2x128xi32, #tpu.memory_space<vmem>> -> memref<1x2x128xi32, #tpu.memory_space<vmem>>
        %dma_start3A_162 = tpu.memref_squeeze %dma_start3A_161 : memref<1x2x128xi32, #tpu.memory_space<vmem>> -> memref<2x128xi32, #tpu.memory_space<vmem>>
        %dma_start3A_163 = arith.constant 0 : i32
        %dma_start3A_164 = arith.constant 0 : i32
        %dma_start3A_165 = tpu.memref_slice %arg4[%arg1, %dma_start3A_163, %dma_start3A_164] : memref<16x158x128xi32, #tpu.memory_space<hbm>> -> memref<1x2x128xi32, #tpu.memory_space<hbm>>
        %dma_start3A_166 = tpu.memref_squeeze %dma_start3A_165 : memref<1x2x128xi32, #tpu.memory_space<hbm>> -> memref<2x128xi32, #tpu.memory_space<hbm>>
        tpu.enqueue_dma source(%dma_start3A_166 : memref<2x128xi32, #tpu.memory_space<hbm>>) target(%dma_start3A_162 : memref<2x128xi32, #tpu.memory_space<vmem>>) target_semaphore(%run_scoped3A_150 : memref<!tpu.dma_semaphore, #tpu.memory_space<semaphore_mem>>)
        %dma_wait3A_167 = arith.constant 0 : i32
        %dma_wait3A_168 = arith.constant 0 : i32
        %dma_wait3A_169 = tpu.memref_slice %arg24[%run_scoped3A_120, %dma_wait3A_167, %dma_wait3A_168] : memref<2x2x128xi32, #tpu.memory_space<vmem>> -> memref<1x2x128xi32, #tpu.memory_space<vmem>>
        %dma_wait3A_170 = tpu.memref_squeeze %dma_wait3A_169 : memref<1x2x128xi32, #tpu.memory_space<vmem>> -> memref<2x128xi32, #tpu.memory_space<vmem>>
        %dma_wait3A_171 = arith.constant 0 : i32
        %dma_wait3A_172 = arith.constant 0 : i32
        %dma_wait3A_173 = tpu.memref_slice %arg4[%arg1, %dma_wait3A_171, %dma_wait3A_172] : memref<16x158x128xi32, #tpu.memory_space<hbm>> -> memref<1x2x128xi32, #tpu.memory_space<hbm>>
        %dma_wait3A_174 = tpu.memref_squeeze %dma_wait3A_173 : memref<1x2x128xi32, #tpu.memory_space<hbm>> -> memref<2x128xi32, #tpu.memory_space<hbm>>
        %dma_wait3A_175 = arith.constant 0 : i32
        %dma_wait3A_176 = arith.constant 0 : i32
        %dma_wait3A_177 = tpu.memref_slice %arg24[%run_scoped3A_120, %dma_wait3A_175, %dma_wait3A_176] : memref<2x2x128xi32, #tpu.memory_space<vmem>> -> memref<1x2x128xi32, #tpu.memory_space<vmem>>
        %dma_wait3A_178 = tpu.memref_squeeze %dma_wait3A_177 : memref<1x2x128xi32, #tpu.memory_space<vmem>> -> memref<2x128xi32, #tpu.memory_space<vmem>>
        %dma_wait3A_179 = arith.constant 0 : i32
        %dma_wait3A_180 = arith.constant 0 : i32
        %dma_wait3A_181 = tpu.memref_slice %arg4[%arg1, %dma_wait3A_179, %dma_wait3A_180] : memref<16x158x128xi32, #tpu.memory_space<hbm>> -> memref<1x2x128xi32, #tpu.memory_space<hbm>>
        %dma_wait3A_182 = tpu.memref_squeeze %dma_wait3A_181 : memref<1x2x128xi32, #tpu.memory_space<hbm>> -> memref<2x128xi32, #tpu.memory_space<hbm>>
        tpu.wait_dma2 semaphore(%run_scoped3A_150 : memref<!tpu.dma_semaphore, #tpu.memory_space<semaphore_mem>>) src(%dma_wait3A_182 : memref<2x128xi32, #tpu.memory_space<hbm>>) dst(%dma_wait3A_178 : memref<2x128xi32, #tpu.memory_space<vmem>>)
        tpu.yield
      }) : () -> ()
      %run_scoped3A_121 = arith.constant 0 : i32
      "tpu.region"() ({
        %run_scoped3A_150 = tpu.sem_alloc : memref<!tpu.dma_semaphore, #tpu.memory_space<semaphore_mem>>
        %dma_start3A_151 = arith.constant 0 : i32
        %dma_start3A_152 = arith.constant 0 : i32
        %dma_start3A_153 = tpu.memref_slice %arg25[%run_scoped3A_121, %dma_start3A_151, %dma_start3A_152] : memref<2x2x128xi32, #tpu.memory_space<vmem>> -> memref<1x2x128xi32, #tpu.memory_space<vmem>>
        %dma_start3A_154 = tpu.memref_squeeze %dma_start3A_153 : memref<1x2x128xi32, #tpu.memory_space<vmem>> -> memref<2x128xi32, #tpu.memory_space<vmem>>
        %dma_start3A_155 = arith.constant 0 : i32
        %dma_start3A_156 = arith.constant 0 : i32
        %dma_start3A_157 = tpu.memref_slice %arg5[%arg1, %dma_start3A_155, %dma_start3A_156] : memref<16x158x128xi32, #tpu.memory_space<hbm>> -> memref<1x2x128xi32, #tpu.memory_space<hbm>>
        %dma_start3A_158 = tpu.memref_squeeze %dma_start3A_157 : memref<1x2x128xi32, #tpu.memory_space<hbm>> -> memref<2x128xi32, #tpu.memory_space<hbm>>
        %dma_start3A_159 = arith.constant 0 : i32
        %dma_start3A_160 = arith.constant 0 : i32
        %dma_start3A_161 = tpu.memref_slice %arg25[%run_scoped3A_121, %dma_start3A_159, %dma_start3A_160] : memref<2x2x128xi32, #tpu.memory_space<vmem>> -> memref<1x2x128xi32, #tpu.memory_space<vmem>>
        %dma_start3A_162 = tpu.memref_squeeze %dma_start3A_161 : memref<1x2x128xi32, #tpu.memory_space<vmem>> -> memref<2x128xi32, #tpu.memory_space<vmem>>
        %dma_start3A_163 = arith.constant 0 : i32
        %dma_start3A_164 = arith.constant 0 : i32
        %dma_start3A_165 = tpu.memref_slice %arg5[%arg1, %dma_start3A_163, %dma_start3A_164] : memref<16x158x128xi32, #tpu.memory_space<hbm>> -> memref<1x2x128xi32, #tpu.memory_space<hbm>>
        %dma_start3A_166 = tpu.memref_squeeze %dma_start3A_165 : memref<1x2x128xi32, #tpu.memory_space<hbm>> -> memref<2x128xi32, #tpu.memory_space<hbm>>
        tpu.enqueue_dma source(%dma_start3A_166 : memref<2x128xi32, #tpu.memory_space<hbm>>) target(%dma_start3A_162 : memref<2x128xi32, #tpu.memory_space<vmem>>) target_semaphore(%run_scoped3A_150 : memref<!tpu.dma_semaphore, #tpu.memory_space<semaphore_mem>>)
        %dma_wait3A_167 = arith.constant 0 : i32
        %dma_wait3A_168 = arith.constant 0 : i32
        %dma_wait3A_169 = tpu.memref_slice %arg25[%run_scoped3A_121, %dma_wait3A_167, %dma_wait3A_168] : memref<2x2x128xi32, #tpu.memory_space<vmem>> -> memref<1x2x128xi32, #tpu.memory_space<vmem>>
        %dma_wait3A_170 = tpu.memref_squeeze %dma_wait3A_169 : memref<1x2x128xi32, #tpu.memory_space<vmem>> -> memref<2x128xi32, #tpu.memory_space<vmem>>
        %dma_wait3A_171 = arith.constant 0 : i32
        %dma_wait3A_172 = arith.constant 0 : i32
        %dma_wait3A_173 = tpu.memref_slice %arg5[%arg1, %dma_wait3A_171, %dma_wait3A_172] : memref<16x158x128xi32, #tpu.memory_space<hbm>> -> memref<1x2x128xi32, #tpu.memory_space<hbm>>
        %dma_wait3A_174 = tpu.memref_squeeze %dma_wait3A_173 : memref<1x2x128xi32, #tpu.memory_space<hbm>> -> memref<2x128xi32, #tpu.memory_space<hbm>>
        %dma_wait3A_175 = arith.constant 0 : i32
        %dma_wait3A_176 = arith.constant 0 : i32
        %dma_wait3A_177 = tpu.memref_slice %arg25[%run_scoped3A_121, %dma_wait3A_175, %dma_wait3A_176] : memref<2x2x128xi32, #tpu.memory_space<vmem>> -> memref<1x2x128xi32, #tpu.memory_space<vmem>>
        %dma_wait3A_178 = tpu.memref_squeeze %dma_wait3A_177 : memref<1x2x128xi32, #tpu.memory_space<vmem>> -> memref<2x128xi32, #tpu.memory_space<vmem>>
        %dma_wait3A_179 = arith.constant 0 : i32
        %dma_wait3A_180 = arith.constant 0 : i32
        %dma_wait3A_181 = tpu.memref_slice %arg5[%arg1, %dma_wait3A_179, %dma_wait3A_180] : memref<16x158x128xi32, #tpu.memory_space<hbm>> -> memref<1x2x128xi32, #tpu.memory_space<hbm>>
        %dma_wait3A_182 = tpu.memref_squeeze %dma_wait3A_181 : memref<1x2x128xi32, #tpu.memory_space<hbm>> -> memref<2x128xi32, #tpu.memory_space<hbm>>
        tpu.wait_dma2 semaphore(%run_scoped3A_150 : memref<!tpu.dma_semaphore, #tpu.memory_space<semaphore_mem>>) src(%dma_wait3A_182 : memref<2x128xi32, #tpu.memory_space<hbm>>) dst(%dma_wait3A_178 : memref<2x128xi32, #tpu.memory_space<vmem>>)
        tpu.yield
      }) : () -> ()
      %dma_start3A = arith.constant 0 : i32
      %dma_start3A_122 = arith.constant 0 : i32
      %dma_start3A_123 = arith.constant 0 : i32
      %dma_start3A_124 = tpu.memref_slice %arg24[%dma_start3A, %dma_start3A_122, %dma_start3A_123] : memref<2x2x128xi32, #tpu.memory_space<vmem>> -> memref<1x1x128xi32, #tpu.memory_space<vmem>>
      %dma_start3A_125 = tpu.memref_squeeze %dma_start3A_124 : memref<1x1x128xi32, #tpu.memory_space<vmem>> -> memref<128xi32, #tpu.memory_space<vmem>>
      %dma_start3A_126 = arith.constant 0 : i32
      %dma_start3A_127 = arith.constant 0 : i32
      %dma_start3A_128 = tpu.memref_slice %arg2[%dma_start3A_126, %dma_start3A_127] : memref<10240x128xf32, #tpu.memory_space<hbm>> -> memref<10240x128xf32, #tpu.memory_space<hbm>>
      tpu.enqueue_indirect_dma source(%dma_start3A_128 : memref<10240x128xf32, #tpu.memory_space<hbm>>) target(%arg26 : memref<128x128xf32, #tpu.memory_space<vmem>>) offsets(%dma_start3A_125 : memref<128xi32, #tpu.memory_space<vmem>>) semaphore(%arg40 : memref<!tpu.dma_semaphore, #tpu.memory_space<semaphore_mem>>)
      %scan3A_129 = arith.constant 0 : i32
      %scan3A_130 = arith.constant 0 : i32
      %scan3A_131 = arith.constant 79 : i32
      %scan3A_132 = arith.addi %scan3A_130, %scan3A_131 : i32
      %scan3A_133 = arith.constant 1 : i32
      scf.for %scan3A_150 = %scan3A_130 to %scan3A_132 step %scan3A_133  : i32 {
        %jit3A = arith.constant 2 : i32
        %eq3A_151 = arith.constant 0 : i32
        %eq3A_152 = arith.cmpi eq, %jit3A, %eq3A_151 : i32
        %jit3A_153 = arith.constant 1 : i32
        %select_n3A = arith.select %eq3A_152, %jit3A_153, %jit3A : i32
        %rem3A = arith.remsi %scan3A_150, %select_n3A : i32
        %ne3A = arith.constant 0 : i32
        %ne3A_154 = arith.cmpi ne, %rem3A, %ne3A : i32
        %lt3A = arith.constant 0 : i32
        %lt3A_155 = arith.cmpi slt, %rem3A, %lt3A : i32
        %lt3A_156 = arith.constant 0 : i32
        %lt3A_157 = arith.cmpi slt, %select_n3A, %lt3A_156 : i32
        %ne3A_158 = arith.xori %lt3A_155, %lt3A_157 : i1
        %and3A_159 = arith.andi %ne3A_158, %ne3A_154 : i1
        %add3A_160 = arith.addi %rem3A, %select_n3A : i32
        %select_n3A_161 = arith.select %and3A_159, %add3A_160, %rem3A : i32
        %sub3A = arith.constant 1 : i32
        %sub3A_162 = arith.subi %sub3A, %select_n3A_161 : i32
        %gt3A = arith.constant 0 : i32
        %gt3A_163 = arith.cmpi sgt, %scan3A_150, %gt3A : i32
        %convert_element_type3A_164 = arith.extui %gt3A_163 : i1 to i32
        %cond3A_165 = arith.constant 0 : i32
        %cond3A_166 = arith.cmpi ne, %convert_element_type3A_164, %cond3A_165 : i32
        scf.if %cond3A_166 {
          %dma_wait3A_390 = arith.constant 1 : i32
          %dma_wait3A_391 = arith.constant 0 : i32
          %dma_wait3A_392 = tpu.memref_slice %arg25[%select_n3A_161, %dma_wait3A_390, %dma_wait3A_391] : memref<2x2x128xi32, #tpu.memory_space<vmem>> -> memref<1x1x128xi32, #tpu.memory_space<vmem>>
          %dma_wait3A_393 = tpu.memref_squeeze %dma_wait3A_392 : memref<1x1x128xi32, #tpu.memory_space<vmem>> -> memref<128xi32, #tpu.memory_space<vmem>>
          %dma_wait3A_394 = arith.constant 0 : i32
          %dma_wait3A_395 = arith.constant 0 : i32
          %dma_wait3A_396 = tpu.memref_slice %arg33[%dma_wait3A_394, %dma_wait3A_395] : memref<10240x128xf32, #tpu.memory_space<vmem_shared>> -> memref<10240x128xf32, #tpu.memory_space<vmem_shared>>
          tpu.wait_indirect_dma semaphore(%arg44 : memref<!tpu.dma_semaphore, #tpu.memory_space<semaphore_mem>>) src(%arg27 : memref<128x128xf32, #tpu.memory_space<vmem>>) dst(%dma_wait3A_396 : memref<10240x128xf32, #tpu.memory_space<vmem_shared>>)
        } else {
        }
        %dma_start3A_167 = arith.constant 1 : i32
        %dma_start3A_168 = arith.constant 0 : i32
        %dma_start3A_169 = tpu.memref_slice %arg24[%select_n3A_161, %dma_start3A_167, %dma_start3A_168] : memref<2x2x128xi32, #tpu.memory_space<vmem>> -> memref<1x1x128xi32, #tpu.memory_space<vmem>>
        %dma_start3A_170 = tpu.memref_squeeze %dma_start3A_169 : memref<1x1x128xi32, #tpu.memory_space<vmem>> -> memref<128xi32, #tpu.memory_space<vmem>>
        %dma_start3A_171 = arith.constant 0 : i32
        %dma_start3A_172 = arith.constant 0 : i32
        %dma_start3A_173 = tpu.memref_slice %arg2[%dma_start3A_171, %dma_start3A_172] : memref<10240x128xf32, #tpu.memory_space<hbm>> -> memref<10240x128xf32, #tpu.memory_space<hbm>>
        tpu.enqueue_indirect_dma source(%dma_start3A_173 : memref<10240x128xf32, #tpu.memory_space<hbm>>) target(%arg27 : memref<128x128xf32, #tpu.memory_space<vmem>>) offsets(%dma_start3A_170 : memref<128xi32, #tpu.memory_space<vmem>>) semaphore(%arg41 : memref<!tpu.dma_semaphore, #tpu.memory_space<semaphore_mem>>)
        %add3A_174 = arith.constant 1 : i32
        %add3A_175 = arith.addi %scan3A_150, %add3A_174 : i32
        %lt3A_176 = arith.constant 79 : i32
        %lt3A_177 = arith.cmpi slt, %add3A_175, %lt3A_176 : i32
        %convert_element_type3A_178 = arith.extui %lt3A_177 : i1 to i32
        %cond3A_179 = arith.constant 0 : i32
        %cond3A_180 = arith.cmpi ne, %convert_element_type3A_178, %cond3A_179 : i32
        scf.if %cond3A_180 {
          %add3A_390 = arith.constant 1 : i32
          %add3A_391 = arith.addi %scan3A_150, %add3A_390 : i32
          %mul3A_392 = arith.constant 2 : i32
          %mul3A_393 = arith.muli %mul3A_392, %add3A_391 : i32
          %dma_start3A_394 = arith.constant 0 : i32
          %dma_start3A_395 = arith.constant 0 : i32
          %dma_start3A_396 = tpu.memref_slice %arg24[%sub3A_162, %dma_start3A_394, %dma_start3A_395] : memref<2x2x128xi32, #tpu.memory_space<vmem>> -> memref<1x2x128xi32, #tpu.memory_space<vmem>>
          %dma_start3A_397 = tpu.memref_squeeze %dma_start3A_396 : memref<1x2x128xi32, #tpu.memory_space<vmem>> -> memref<2x128xi32, #tpu.memory_space<vmem>>
          %dma_start3A_398 = arith.constant 0 : i32
          %dma_start3A_399 = tpu.memref_slice %arg4[%arg1, %mul3A_393, %dma_start3A_398] : memref<16x158x128xi32, #tpu.memory_space<hbm>> -> memref<1x2x128xi32, #tpu.memory_space<hbm>>
          %dma_start3A_400 = tpu.memref_squeeze %dma_start3A_399 : memref<1x2x128xi32, #tpu.memory_space<hbm>> -> memref<2x128xi32, #tpu.memory_space<hbm>>
          %dma_start3A_401 = arith.constant 0 : i32
          %dma_start3A_402 = arith.constant 0 : i32
          %dma_start3A_403 = tpu.memref_slice %arg24[%sub3A_162, %dma_start3A_401, %dma_start3A_402] : memref<2x2x128xi32, #tpu.memory_space<vmem>> -> memref<1x2x128xi32, #tpu.memory_space<vmem>>
          %dma_start3A_404 = tpu.memref_squeeze %dma_start3A_403 : memref<1x2x128xi32, #tpu.memory_space<vmem>> -> memref<2x128xi32, #tpu.memory_space<vmem>>
          %dma_start3A_405 = arith.constant 0 : i32
          %dma_start3A_406 = tpu.memref_slice %arg4[%arg1, %mul3A_393, %dma_start3A_405] : memref<16x158x128xi32, #tpu.memory_space<hbm>> -> memref<1x2x128xi32, #tpu.memory_space<hbm>>
          %dma_start3A_407 = tpu.memref_squeeze %dma_start3A_406 : memref<1x2x128xi32, #tpu.memory_space<hbm>> -> memref<2x128xi32, #tpu.memory_space<hbm>>
          tpu.enqueue_dma source(%dma_start3A_407 : memref<2x128xi32, #tpu.memory_space<hbm>>) target(%dma_start3A_404 : memref<2x128xi32, #tpu.memory_space<vmem>>) target_semaphore(%arg42 : memref<!tpu.dma_semaphore, #tpu.memory_space<semaphore_mem>>)
          %add3A_408 = arith.constant 1 : i32
          %add3A_409 = arith.addi %scan3A_150, %add3A_408 : i32
          %mul3A_410 = arith.constant 2 : i32
          %mul3A_411 = arith.muli %mul3A_410, %add3A_409 : i32
          %dma_start3A_412 = arith.constant 0 : i32
          %dma_start3A_413 = arith.constant 0 : i32
          %dma_start3A_414 = tpu.memref_slice %arg25[%sub3A_162, %dma_start3A_412, %dma_start3A_413] : memref<2x2x128xi32, #tpu.memory_space<vmem>> -> memref<1x2x128xi32, #tpu.memory_space<vmem>>
          %dma_start3A_415 = tpu.memref_squeeze %dma_start3A_414 : memref<1x2x128xi32, #tpu.memory_space<vmem>> -> memref<2x128xi32, #tpu.memory_space<vmem>>
          %dma_start3A_416 = arith.constant 0 : i32
          %dma_start3A_417 = tpu.memref_slice %arg5[%arg1, %mul3A_411, %dma_start3A_416] : memref<16x158x128xi32, #tpu.memory_space<hbm>> -> memref<1x2x128xi32, #tpu.memory_space<hbm>>
          %dma_start3A_418 = tpu.memref_squeeze %dma_start3A_417 : memref<1x2x128xi32, #tpu.memory_space<hbm>> -> memref<2x128xi32, #tpu.memory_space<hbm>>
          %dma_start3A_419 = arith.constant 0 : i32
          %dma_start3A_420 = arith.constant 0 : i32
          %dma_start3A_421 = tpu.memref_slice %arg25[%sub3A_162, %dma_start3A_419, %dma_start3A_420] : memref<2x2x128xi32, #tpu.memory_space<vmem>> -> memref<1x2x128xi32, #tpu.memory_space<vmem>>
          %dma_start3A_422 = tpu.memref_squeeze %dma_start3A_421 : memref<1x2x128xi32, #tpu.memory_space<vmem>> -> memref<2x128xi32, #tpu.memory_space<vmem>>
          %dma_start3A_423 = arith.constant 0 : i32
          %dma_start3A_424 = tpu.memref_slice %arg5[%arg1, %mul3A_411, %dma_start3A_423] : memref<16x158x128xi32, #tpu.memory_space<hbm>> -> memref<1x2x128xi32, #tpu.memory_space<hbm>>
          %dma_start3A_425 = tpu.memref_squeeze %dma_start3A_424 : memref<1x2x128xi32, #tpu.memory_space<hbm>> -> memref<2x128xi32, #tpu.memory_space<hbm>>
          tpu.enqueue_dma source(%dma_start3A_425 : memref<2x128xi32, #tpu.memory_space<hbm>>) target(%dma_start3A_422 : memref<2x128xi32, #tpu.memory_space<vmem>>) target_semaphore(%arg42 : memref<!tpu.dma_semaphore, #tpu.memory_space<semaphore_mem>>)
        } else {
        }
        %dma_wait3A_181 = arith.constant 0 : i32
        %dma_wait3A_182 = arith.constant 0 : i32
        %dma_wait3A_183 = tpu.memref_slice %arg24[%select_n3A_161, %dma_wait3A_181, %dma_wait3A_182] : memref<2x2x128xi32, #tpu.memory_space<vmem>> -> memref<1x1x128xi32, #tpu.memory_space<vmem>>
        %dma_wait3A_184 = tpu.memref_squeeze %dma_wait3A_183 : memref<1x1x128xi32, #tpu.memory_space<vmem>> -> memref<128xi32, #tpu.memory_space<vmem>>
        %dma_wait3A_185 = arith.constant 0 : i32
        %dma_wait3A_186 = arith.constant 0 : i32
        %dma_wait3A_187 = tpu.memref_slice %arg2[%dma_wait3A_185, %dma_wait3A_186] : memref<10240x128xf32, #tpu.memory_space<hbm>> -> memref<10240x128xf32, #tpu.memory_space<hbm>>
        tpu.wait_indirect_dma semaphore(%arg40 : memref<!tpu.dma_semaphore, #tpu.memory_space<semaphore_mem>>) src(%dma_wait3A_187 : memref<10240x128xf32, #tpu.memory_space<hbm>>) dst(%arg26 : memref<128x128xf32, #tpu.memory_space<vmem>>)
        %dma_start3A_188 = arith.constant 0 : i32
        %dma_start3A_189 = arith.constant 0 : i32
        %dma_start3A_190 = tpu.memref_slice %arg25[%select_n3A_161, %dma_start3A_188, %dma_start3A_189] : memref<2x2x128xi32, #tpu.memory_space<vmem>> -> memref<1x1x128xi32, #tpu.memory_space<vmem>>
        %dma_start3A_191 = tpu.memref_squeeze %dma_start3A_190 : memref<1x1x128xi32, #tpu.memory_space<vmem>> -> memref<128xi32, #tpu.memory_space<vmem>>
        %dma_start3A_192 = arith.constant 0 : i32
        %dma_start3A_193 = arith.constant 0 : i32
        %dma_start3A_194 = tpu.memref_slice %arg33[%dma_start3A_192, %dma_start3A_193] : memref<10240x128xf32, #tpu.memory_space<vmem_shared>> -> memref<10240x128xf32, #tpu.memory_space<vmem_shared>>
        tpu.enqueue_indirect_dma source(%arg26 : memref<128x128xf32, #tpu.memory_space<vmem>>) target(%dma_start3A_194 : memref<10240x128xf32, #tpu.memory_space<vmem_shared>>) offsets(%dma_start3A_191 : memref<128xi32, #tpu.memory_space<vmem>>) semaphore(%arg43 : memref<!tpu.dma_semaphore, #tpu.memory_space<semaphore_mem>>) {add = true}
        %get3A = arith.constant 0 : i32
        %get3A_195 = arith.index_cast %select_n3A_161 : i32 to index
        %get3A_196 = arith.index_cast %get3A : i32 to index
        %get3A_197 = arith.constant 0 : index
        %get3A_198 = tpu.vector_load %arg25[%get3A_195, %get3A_196, %get3A_197] {strides = array<i32>} : memref<2x2x128xi32, #tpu.memory_space<vmem>>, vector<16xi32>,
        %shift_right_logical3A = arith.constant 7 : i32
        %shift_right_logical3A_199 = vector.broadcast %shift_right_logical3A : i32 to vector<16xi32>
        %shift_right_logical3A_200 = arith.shrui %get3A_198, %shift_right_logical3A_199 : vector<16xi32>
        %and3A_201 = arith.constant 127 : i32
        %and3A_202 = vector.broadcast %and3A_201 : i32 to vector<16xi32>
        %and3A_203 = arith.andi %get3A_198, %and3A_202 : vector<16xi32>
        tpu.vector_store_idx %arg28[%shift_right_logical3A_200, %and3A_203], %broadcast_in_dim3A_55 {add = true} : memref<80x128xf32, #tpu.memory_space<vmem>>[vector<16xi32>, vector<16xi32>], vector<16xf32>,
        %get3A_204 = arith.constant 0 : i32
        %get3A_205 = arith.index_cast %select_n3A_161 : i32 to index
        %get3A_206 = arith.index_cast %get3A_204 : i32 to index
        %get3A_207 = arith.constant 16 : index
        %get3A_208 = tpu.vector_load %arg25[%get3A_205, %get3A_206, %get3A_207] {strides = array<i32>} : memref<2x2x128xi32, #tpu.memory_space<vmem>>, vector<16xi32>,
        %shift_right_logical3A_209 = arith.constant 7 : i32
        %shift_right_logical3A_210 = vector.broadcast %shift_right_logical3A_209 : i32 to vector<16xi32>
        %shift_right_logical3A_211 = arith.shrui %get3A_208, %shift_right_logical3A_210 : vector<16xi32>
        %and3A_212 = arith.constant 127 : i32
        %and3A_213 = vector.broadcast %and3A_212 : i32 to vector<16xi32>
        %and3A_214 = arith.andi %get3A_208, %and3A_213 : vector<16xi32>
        tpu.vector_store_idx %arg28[%shift_right_logical3A_211, %and3A_214], %broadcast_in_dim3A_55 {add = true} : memref<80x128xf32, #tpu.memory_space<vmem>>[vector<16xi32>, vector<16xi32>], vector<16xf32>,
        %get3A_215 = arith.constant 0 : i32
        %get3A_216 = arith.index_cast %select_n3A_161 : i32 to index
        %get3A_217 = arith.index_cast %get3A_215 : i32 to index
        %get3A_218 = arith.constant 32 : index
        %get3A_219 = tpu.vector_load %arg25[%get3A_216, %get3A_217, %get3A_218] {strides = array<i32>} : memref<2x2x128xi32, #tpu.memory_space<vmem>>, vector<16xi32>,
        %shift_right_logical3A_220 = arith.constant 7 : i32
        %shift_right_logical3A_221 = vector.broadcast %shift_right_logical3A_220 : i32 to vector<16xi32>
        %shift_right_logical3A_222 = arith.shrui %get3A_219, %shift_right_logical3A_221 : vector<16xi32>
        %and3A_223 = arith.constant 127 : i32
        %and3A_224 = vector.broadcast %and3A_223 : i32 to vector<16xi32>
        %and3A_225 = arith.andi %get3A_219, %and3A_224 : vector<16xi32>
        tpu.vector_store_idx %arg28[%shift_right_logical3A_222, %and3A_225], %broadcast_in_dim3A_55 {add = true} : memref<80x128xf32, #tpu.memory_space<vmem>>[vector<16xi32>, vector<16xi32>], vector<16xf32>,
        %get3A_226 = arith.constant 0 : i32
        %get3A_227 = arith.index_cast %select_n3A_161 : i32 to index
        %get3A_228 = arith.index_cast %get3A_226 : i32 to index
        %get3A_229 = arith.constant 48 : index
        %get3A_230 = tpu.vector_load %arg25[%get3A_227, %get3A_228, %get3A_229] {strides = array<i32>} : memref<2x2x128xi32, #tpu.memory_space<vmem>>, vector<16xi32>,
        %shift_right_logical3A_231 = arith.constant 7 : i32
        %shift_right_logical3A_232 = vector.broadcast %shift_right_logical3A_231 : i32 to vector<16xi32>
        %shift_right_logical3A_233 = arith.shrui %get3A_230, %shift_right_logical3A_232 : vector<16xi32>
        %and3A_234 = arith.constant 127 : i32
        %and3A_235 = vector.broadcast %and3A_234 : i32 to vector<16xi32>
        %and3A_236 = arith.andi %get3A_230, %and3A_235 : vector<16xi32>
        tpu.vector_store_idx %arg28[%shift_right_logical3A_233, %and3A_236], %broadcast_in_dim3A_55 {add = true} : memref<80x128xf32, #tpu.memory_space<vmem>>[vector<16xi32>, vector<16xi32>], vector<16xf32>,
        %get3A_237 = arith.constant 0 : i32
        %get3A_238 = arith.index_cast %select_n3A_161 : i32 to index
        %get3A_239 = arith.index_cast %get3A_237 : i32 to index
        %get3A_240 = arith.constant 64 : index
        %get3A_241 = tpu.vector_load %arg25[%get3A_238, %get3A_239, %get3A_240] {strides = array<i32>} : memref<2x2x128xi32, #tpu.memory_space<vmem>>, vector<16xi32>,
        %shift_right_logical3A_242 = arith.constant 7 : i32
        %shift_right_logical3A_243 = vector.broadcast %shift_right_logical3A_242 : i32 to vector<16xi32>
        %shift_right_logical3A_244 = arith.shrui %get3A_241, %shift_right_logical3A_243 : vector<16xi32>
        %and3A_245 = arith.constant 127 : i32
        %and3A_246 = vector.broadcast %and3A_245 : i32 to vector<16xi32>
        %and3A_247 = arith.andi %get3A_241, %and3A_246 : vector<16xi32>
        tpu.vector_store_idx %arg28[%shift_right_logical3A_244, %and3A_247], %broadcast_in_dim3A_55 {add = true} : memref<80x128xf32, #tpu.memory_space<vmem>>[vector<16xi32>, vector<16xi32>], vector<16xf32>,
        %get3A_248 = arith.constant 0 : i32
        %get3A_249 = arith.index_cast %select_n3A_161 : i32 to index
        %get3A_250 = arith.index_cast %get3A_248 : i32 to index
        %get3A_251 = arith.constant 80 : index
        %get3A_252 = tpu.vector_load %arg25[%get3A_249, %get3A_250, %get3A_251] {strides = array<i32>} : memref<2x2x128xi32, #tpu.memory_space<vmem>>, vector<16xi32>,
        %shift_right_logical3A_253 = arith.constant 7 : i32
        %shift_right_logical3A_254 = vector.broadcast %shift_right_logical3A_253 : i32 to vector<16xi32>
        %shift_right_logical3A_255 = arith.shrui %get3A_252, %shift_right_logical3A_254 : vector<16xi32>
        %and3A_256 = arith.constant 127 : i32
        %and3A_257 = vector.broadcast %and3A_256 : i32 to vector<16xi32>
        %and3A_258 = arith.andi %get3A_252, %and3A_257 : vector<16xi32>
        tpu.vector_store_idx %arg28[%shift_right_logical3A_255, %and3A_258], %broadcast_in_dim3A_55 {add = true} : memref<80x128xf32, #tpu.memory_space<vmem>>[vector<16xi32>, vector<16xi32>], vector<16xf32>,
        %get3A_259 = arith.constant 0 : i32
        %get3A_260 = arith.index_cast %select_n3A_161 : i32 to index
        %get3A_261 = arith.index_cast %get3A_259 : i32 to index
        %get3A_262 = arith.constant 96 : index
        %get3A_263 = tpu.vector_load %arg25[%get3A_260, %get3A_261, %get3A_262] {strides = array<i32>} : memref<2x2x128xi32, #tpu.memory_space<vmem>>, vector<16xi32>,
        %shift_right_logical3A_264 = arith.constant 7 : i32
        %shift_right_logical3A_265 = vector.broadcast %shift_right_logical3A_264 : i32 to vector<16xi32>
        %shift_right_logical3A_266 = arith.shrui %get3A_263, %shift_right_logical3A_265 : vector<16xi32>
        %and3A_267 = arith.constant 127 : i32
        %and3A_268 = vector.broadcast %and3A_267 : i32 to vector<16xi32>
        %and3A_269 = arith.andi %get3A_263, %and3A_268 : vector<16xi32>
        tpu.vector_store_idx %arg28[%shift_right_logical3A_266, %and3A_269], %broadcast_in_dim3A_55 {add = true} : memref<80x128xf32, #tpu.memory_space<vmem>>[vector<16xi32>, vector<16xi32>], vector<16xf32>,
        %get3A_270 = arith.constant 0 : i32
        %get3A_271 = arith.index_cast %select_n3A_161 : i32 to index
        %get3A_272 = arith.index_cast %get3A_270 : i32 to index
        %get3A_273 = arith.constant 112 : index
        %get3A_274 = tpu.vector_load %arg25[%get3A_271, %get3A_272, %get3A_273] {strides = array<i32>} : memref<2x2x128xi32, #tpu.memory_space<vmem>>, vector<16xi32>,
        %shift_right_logical3A_275 = arith.constant 7 : i32
        %shift_right_logical3A_276 = vector.broadcast %shift_right_logical3A_275 : i32 to vector<16xi32>
        %shift_right_logical3A_277 = arith.shrui %get3A_274, %shift_right_logical3A_276 : vector<16xi32>
        %and3A_278 = arith.constant 127 : i32
        %and3A_279 = vector.broadcast %and3A_278 : i32 to vector<16xi32>
        %and3A_280 = arith.andi %get3A_274, %and3A_279 : vector<16xi32>
        tpu.vector_store_idx %arg28[%shift_right_logical3A_277, %and3A_280], %broadcast_in_dim3A_55 {add = true} : memref<80x128xf32, #tpu.memory_space<vmem>>[vector<16xi32>, vector<16xi32>], vector<16xf32>,
        %add3A_281 = arith.constant 1 : i32
        %add3A_282 = arith.addi %scan3A_150, %add3A_281 : i32
        %lt3A_283 = arith.constant 79 : i32
        %lt3A_284 = arith.cmpi slt, %add3A_282, %lt3A_283 : i32
        %convert_element_type3A_285 = arith.extui %lt3A_284 : i1 to i32
        %cond3A_286 = arith.constant 0 : i32
        %cond3A_287 = arith.cmpi ne, %convert_element_type3A_285, %cond3A_286 : i32
        scf.if %cond3A_287 {
          %dma_wait3A_390 = arith.constant 0 : i32
          %dma_wait3A_391 = arith.constant 0 : i32
          %dma_wait3A_392 = tpu.memref_slice %arg24[%sub3A_162, %dma_wait3A_390, %dma_wait3A_391] : memref<2x2x128xi32, #tpu.memory_space<vmem>> -> memref<1x2x128xi32, #tpu.memory_space<vmem>>
          %dma_wait3A_393 = tpu.memref_squeeze %dma_wait3A_392 : memref<1x2x128xi32, #tpu.memory_space<vmem>> -> memref<2x128xi32, #tpu.memory_space<vmem>>
          %dma_wait3A_394 = arith.constant 0 : i32
          %dma_wait3A_395 = arith.constant 0 : i32
          %dma_wait3A_396 = tpu.memref_slice %arg4[%arg1, %dma_wait3A_394, %dma_wait3A_395] : memref<16x158x128xi32, #tpu.memory_space<hbm>> -> memref<1x2x128xi32, #tpu.memory_space<hbm>>
          %dma_wait3A_397 = tpu.memref_squeeze %dma_wait3A_396 : memref<1x2x128xi32, #tpu.memory_space<hbm>> -> memref<2x128xi32, #tpu.memory_space<hbm>>
          %dma_wait3A_398 = arith.constant 0 : i32
          %dma_wait3A_399 = arith.constant 0 : i32
          %dma_wait3A_400 = tpu.memref_slice %arg24[%sub3A_162, %dma_wait3A_398, %dma_wait3A_399] : memref<2x2x128xi32, #tpu.memory_space<vmem>> -> memref<1x2x128xi32, #tpu.memory_space<vmem>>
          %dma_wait3A_401 = tpu.memref_squeeze %dma_wait3A_400 : memref<1x2x128xi32, #tpu.memory_space<vmem>> -> memref<2x128xi32, #tpu.memory_space<vmem>>
          %dma_wait3A_402 = arith.constant 0 : i32
          %dma_wait3A_403 = arith.constant 0 : i32
          %dma_wait3A_404 = tpu.memref_slice %arg4[%arg1, %dma_wait3A_402, %dma_wait3A_403] : memref<16x158x128xi32, #tpu.memory_space<hbm>> -> memref<1x2x128xi32, #tpu.memory_space<hbm>>
          %dma_wait3A_405 = tpu.memref_squeeze %dma_wait3A_404 : memref<1x2x128xi32, #tpu.memory_space<hbm>> -> memref<2x128xi32, #tpu.memory_space<hbm>>
          tpu.wait_dma2 semaphore(%arg42 : memref<!tpu.dma_semaphore, #tpu.memory_space<semaphore_mem>>) src(%dma_wait3A_405 : memref<2x128xi32, #tpu.memory_space<hbm>>) dst(%dma_wait3A_401 : memref<2x128xi32, #tpu.memory_space<vmem>>)
          %dma_wait3A_406 = arith.constant 0 : i32
          %dma_wait3A_407 = arith.constant 0 : i32
          %dma_wait3A_408 = tpu.memref_slice %arg25[%sub3A_162, %dma_wait3A_406, %dma_wait3A_407] : memref<2x2x128xi32, #tpu.memory_space<vmem>> -> memref<1x2x128xi32, #tpu.memory_space<vmem>>
          %dma_wait3A_409 = tpu.memref_squeeze %dma_wait3A_408 : memref<1x2x128xi32, #tpu.memory_space<vmem>> -> memref<2x128xi32, #tpu.memory_space<vmem>>
          %dma_wait3A_410 = arith.constant 0 : i32
          %dma_wait3A_411 = arith.constant 0 : i32
          %dma_wait3A_412 = tpu.memref_slice %arg5[%arg1, %dma_wait3A_410, %dma_wait3A_411] : memref<16x158x128xi32, #tpu.memory_space<hbm>> -> memref<1x2x128xi32, #tpu.memory_space<hbm>>
          %dma_wait3A_413 = tpu.memref_squeeze %dma_wait3A_412 : memref<1x2x128xi32, #tpu.memory_space<hbm>> -> memref<2x128xi32, #tpu.memory_space<hbm>>
          %dma_wait3A_414 = arith.constant 0 : i32
          %dma_wait3A_415 = arith.constant 0 : i32
          %dma_wait3A_416 = tpu.memref_slice %arg25[%sub3A_162, %dma_wait3A_414, %dma_wait3A_415] : memref<2x2x128xi32, #tpu.memory_space<vmem>> -> memref<1x2x128xi32, #tpu.memory_space<vmem>>
          %dma_wait3A_417 = tpu.memref_squeeze %dma_wait3A_416 : memref<1x2x128xi32, #tpu.memory_space<vmem>> -> memref<2x128xi32, #tpu.memory_space<vmem>>
          %dma_wait3A_418 = arith.constant 0 : i32
          %dma_wait3A_419 = arith.constant 0 : i32
          %dma_wait3A_420 = tpu.memref_slice %arg5[%arg1, %dma_wait3A_418, %dma_wait3A_419] : memref<16x158x128xi32, #tpu.memory_space<hbm>> -> memref<1x2x128xi32, #tpu.memory_space<hbm>>
          %dma_wait3A_421 = tpu.memref_squeeze %dma_wait3A_420 : memref<1x2x128xi32, #tpu.memory_space<hbm>> -> memref<2x128xi32, #tpu.memory_space<hbm>>
          tpu.wait_dma2 semaphore(%arg42 : memref<!tpu.dma_semaphore, #tpu.memory_space<semaphore_mem>>) src(%dma_wait3A_421 : memref<2x128xi32, #tpu.memory_space<hbm>>) dst(%dma_wait3A_417 : memref<2x128xi32, #tpu.memory_space<vmem>>)
          %dma_wait3A_422 = arith.constant 0 : i32
          %dma_wait3A_423 = arith.constant 0 : i32
          %dma_wait3A_424 = tpu.memref_slice %arg25[%select_n3A_161, %dma_wait3A_422, %dma_wait3A_423] : memref<2x2x128xi32, #tpu.memory_space<vmem>> -> memref<1x1x128xi32, #tpu.memory_space<vmem>>
          %dma_wait3A_425 = tpu.memref_squeeze %dma_wait3A_424 : memref<1x1x128xi32, #tpu.memory_space<vmem>> -> memref<128xi32, #tpu.memory_space<vmem>>
          %dma_wait3A_426 = arith.constant 0 : i32
          %dma_wait3A_427 = arith.constant 0 : i32
          %dma_wait3A_428 = tpu.memref_slice %arg33[%dma_wait3A_426, %dma_wait3A_427] : memref<10240x128xf32, #tpu.memory_space<vmem_shared>> -> memref<10240x128xf32, #tpu.memory_space<vmem_shared>>
          tpu.wait_indirect_dma semaphore(%arg43 : memref<!tpu.dma_semaphore, #tpu.memory_space<semaphore_mem>>) src(%arg26 : memref<128x128xf32, #tpu.memory_space<vmem>>) dst(%dma_wait3A_428 : memref<10240x128xf32, #tpu.memory_space<vmem_shared>>)
          %dma_start3A_429 = arith.constant 0 : i32
          %dma_start3A_430 = arith.constant 0 : i32
          %dma_start3A_431 = tpu.memref_slice %arg24[%sub3A_162, %dma_start3A_429, %dma_start3A_430] : memref<2x2x128xi32, #tpu.memory_space<vmem>> -> memref<1x1x128xi32, #tpu.memory_space<vmem>>
          %dma_start3A_432 = tpu.memref_squeeze %dma_start3A_431 : memref<1x1x128xi32, #tpu.memory_space<vmem>> -> memref<128xi32, #tpu.memory_space<vmem>>
          %dma_start3A_433 = arith.constant 0 : i32
          %dma_start3A_434 = arith.constant 0 : i32
          %dma_start3A_435 = tpu.memref_slice %arg2[%dma_start3A_433, %dma_start3A_434] : memref<10240x128xf32, #tpu.memory_space<hbm>> -> memref<10240x128xf32, #tpu.memory_space<hbm>>
          tpu.enqueue_indirect_dma source(%dma_start3A_435 : memref<10240x128xf32, #tpu.memory_space<hbm>>) target(%arg26 : memref<128x128xf32, #tpu.memory_space<vmem>>) offsets(%dma_start3A_432 : memref<128xi32, #tpu.memory_space<vmem>>) semaphore(%arg40 : memref<!tpu.dma_semaphore, #tpu.memory_space<semaphore_mem>>)
        } else {
        }
        %dma_wait3A_288 = arith.constant 1 : i32
        %dma_wait3A_289 = arith.constant 0 : i32
        %dma_wait3A_290 = tpu.memref_slice %arg24[%select_n3A_161, %dma_wait3A_288, %dma_wait3A_289] : memref<2x2x128xi32, #tpu.memory_space<vmem>> -> memref<1x1x128xi32, #tpu.memory_space<vmem>>
        %dma_wait3A_291 = tpu.memref_squeeze %dma_wait3A_290 : memref<1x1x128xi32, #tpu.memory_space<vmem>> -> memref<128xi32, #tpu.memory_space<vmem>>
        %dma_wait3A_292 = arith.constant 0 : i32
        %dma_wait3A_293 = arith.constant 0 : i32
        %dma_wait3A_294 = tpu.memref_slice %arg2[%dma_wait3A_292, %dma_wait3A_293] : memref<10240x128xf32, #tpu.memory_space<hbm>> -> memref<10240x128xf32, #tpu.memory_space<hbm>>
        tpu.wait_indirect_dma semaphore(%arg41 : memref<!tpu.dma_semaphore, #tpu.memory_space<semaphore_mem>>) src(%dma_wait3A_294 : memref<10240x128xf32, #tpu.memory_space<hbm>>) dst(%arg27 : memref<128x128xf32, #tpu.memory_space<vmem>>)
        %dma_start3A_295 = arith.constant 1 : i32
        %dma_start3A_296 = arith.constant 0 : i32
        %dma_start3A_297 = tpu.memref_slice %arg25[%select_n3A_161, %dma_start3A_295, %dma_start3A_296] : memref<2x2x128xi32, #tpu.memory_space<vmem>> -> memref<1x1x128xi32, #tpu.memory_space<vmem>>
        %dma_start3A_298 = tpu.memref_squeeze %dma_start3A_297 : memref<1x1x128xi32, #tpu.memory_space<vmem>> -> memref<128xi32, #tpu.memory_space<vmem>>
        %dma_start3A_299 = arith.constant 0 : i32
        %dma_start3A_300 = arith.constant 0 : i32
        %dma_start3A_301 = tpu.memref_slice %arg33[%dma_start3A_299, %dma_start3A_300] : memref<10240x128xf32, #tpu.memory_space<vmem_shared>> -> memref<10240x128xf32, #tpu.memory_space<vmem_shared>>
        tpu.enqueue_indirect_dma source(%arg27 : memref<128x128xf32, #tpu.memory_space<vmem>>) target(%dma_start3A_301 : memref<10240x128xf32, #tpu.memory_space<vmem_shared>>) offsets(%dma_start3A_298 : memref<128xi32, #tpu.memory_space<vmem>>) semaphore(%arg44 : memref<!tpu.dma_semaphore, #tpu.memory_space<semaphore_mem>>) {add = true}
        %get3A_302 = arith.constant 1 : i32
        %get3A_303 = arith.index_cast %select_n3A_161 : i32 to index
        %get3A_304 = arith.index_cast %get3A_302 : i32 to index
        %get3A_305 = arith.constant 0 : index
        %get3A_306 = tpu.vector_load %arg25[%get3A_303, %get3A_304, %get3A_305] {strides = array<i32>} : memref<2x2x128xi32, #tpu.memory_space<vmem>>, vector<16xi32>,
        %shift_right_logical3A_307 = arith.constant 7 : i32
        %shift_right_logical3A_308 = vector.broadcast %shift_right_logical3A_307 : i32 to vector<16xi32>
        %shift_right_logical3A_309 = arith.shrui %get3A_306, %shift_right_logical3A_308 : vector<16xi32>
        %and3A_310 = arith.constant 127 : i32
        %and3A_311 = vector.broadcast %and3A_310 : i32 to vector<16xi32>
        %and3A_312 = arith.andi %get3A_306, %and3A_311 : vector<16xi32>
        tpu.vector_store_idx %arg28[%shift_right_logical3A_309, %and3A_312], %broadcast_in_dim3A_55 {add = true} : memref<80x128xf32, #tpu.memory_space<vmem>>[vector<16xi32>, vector<16xi32>], vector<16xf32>,
        %get3A_313 = arith.constant 1 : i32
        %get3A_314 = arith.index_cast %select_n3A_161 : i32 to index
        %get3A_315 = arith.index_cast %get3A_313 : i32 to index
        %get3A_316 = arith.constant 16 : index
        %get3A_317 = tpu.vector_load %arg25[%get3A_314, %get3A_315, %get3A_316] {strides = array<i32>} : memref<2x2x128xi32, #tpu.memory_space<vmem>>, vector<16xi32>,
        %shift_right_logical3A_318 = arith.constant 7 : i32
        %shift_right_logical3A_319 = vector.broadcast %shift_right_logical3A_318 : i32 to vector<16xi32>
        %shift_right_logical3A_320 = arith.shrui %get3A_317, %shift_right_logical3A_319 : vector<16xi32>
        %and3A_321 = arith.constant 127 : i32
        %and3A_322 = vector.broadcast %and3A_321 : i32 to vector<16xi32>
        %and3A_323 = arith.andi %get3A_317, %and3A_322 : vector<16xi32>
        tpu.vector_store_idx %arg28[%shift_right_logical3A_320, %and3A_323], %broadcast_in_dim3A_55 {add = true} : memref<80x128xf32, #tpu.memory_space<vmem>>[vector<16xi32>, vector<16xi32>], vector<16xf32>,
        %get3A_324 = arith.constant 1 : i32
        %get3A_325 = arith.index_cast %select_n3A_161 : i32 to index
        %get3A_326 = arith.index_cast %get3A_324 : i32 to index
        %get3A_327 = arith.constant 32 : index
        %get3A_328 = tpu.vector_load %arg25[%get3A_325, %get3A_326, %get3A_327] {strides = array<i32>} : memref<2x2x128xi32, #tpu.memory_space<vmem>>, vector<16xi32>,
        %shift_right_logical3A_329 = arith.constant 7 : i32
        %shift_right_logical3A_330 = vector.broadcast %shift_right_logical3A_329 : i32 to vector<16xi32>
        %shift_right_logical3A_331 = arith.shrui %get3A_328, %shift_right_logical3A_330 : vector<16xi32>
        %and3A_332 = arith.constant 127 : i32
        %and3A_333 = vector.broadcast %and3A_332 : i32 to vector<16xi32>
        %and3A_334 = arith.andi %get3A_328, %and3A_333 : vector<16xi32>
        tpu.vector_store_idx %arg28[%shift_right_logical3A_331, %and3A_334], %broadcast_in_dim3A_55 {add = true} : memref<80x128xf32, #tpu.memory_space<vmem>>[vector<16xi32>, vector<16xi32>], vector<16xf32>,
        %get3A_335 = arith.constant 1 : i32
        %get3A_336 = arith.index_cast %select_n3A_161 : i32 to index
        %get3A_337 = arith.index_cast %get3A_335 : i32 to index
        %get3A_338 = arith.constant 48 : index
        %get3A_339 = tpu.vector_load %arg25[%get3A_336, %get3A_337, %get3A_338] {strides = array<i32>} : memref<2x2x128xi32, #tpu.memory_space<vmem>>, vector<16xi32>,
        %shift_right_logical3A_340 = arith.constant 7 : i32
        %shift_right_logical3A_341 = vector.broadcast %shift_right_logical3A_340 : i32 to vector<16xi32>
        %shift_right_logical3A_342 = arith.shrui %get3A_339, %shift_right_logical3A_341 : vector<16xi32>
        %and3A_343 = arith.constant 127 : i32
        %and3A_344 = vector.broadcast %and3A_343 : i32 to vector<16xi32>
        %and3A_345 = arith.andi %get3A_339, %and3A_344 : vector<16xi32>
        tpu.vector_store_idx %arg28[%shift_right_logical3A_342, %and3A_345], %broadcast_in_dim3A_55 {add = true} : memref<80x128xf32, #tpu.memory_space<vmem>>[vector<16xi32>, vector<16xi32>], vector<16xf32>,
        %get3A_346 = arith.constant 1 : i32
        %get3A_347 = arith.index_cast %select_n3A_161 : i32 to index
        %get3A_348 = arith.index_cast %get3A_346 : i32 to index
        %get3A_349 = arith.constant 64 : index
        %get3A_350 = tpu.vector_load %arg25[%get3A_347, %get3A_348, %get3A_349] {strides = array<i32>} : memref<2x2x128xi32, #tpu.memory_space<vmem>>, vector<16xi32>,
        %shift_right_logical3A_351 = arith.constant 7 : i32
        %shift_right_logical3A_352 = vector.broadcast %shift_right_logical3A_351 : i32 to vector<16xi32>
        %shift_right_logical3A_353 = arith.shrui %get3A_350, %shift_right_logical3A_352 : vector<16xi32>
        %and3A_354 = arith.constant 127 : i32
        %and3A_355 = vector.broadcast %and3A_354 : i32 to vector<16xi32>
        %and3A_356 = arith.andi %get3A_350, %and3A_355 : vector<16xi32>
        tpu.vector_store_idx %arg28[%shift_right_logical3A_353, %and3A_356], %broadcast_in_dim3A_55 {add = true} : memref<80x128xf32, #tpu.memory_space<vmem>>[vector<16xi32>, vector<16xi32>], vector<16xf32>,
        %get3A_357 = arith.constant 1 : i32
        %get3A_358 = arith.index_cast %select_n3A_161 : i32 to index
        %get3A_359 = arith.index_cast %get3A_357 : i32 to index
        %get3A_360 = arith.constant 80 : index
        %get3A_361 = tpu.vector_load %arg25[%get3A_358, %get3A_359, %get3A_360] {strides = array<i32>} : memref<2x2x128xi32, #tpu.memory_space<vmem>>, vector<16xi32>,
        %shift_right_logical3A_362 = arith.constant 7 : i32
        %shift_right_logical3A_363 = vector.broadcast %shift_right_logical3A_362 : i32 to vector<16xi32>
        %shift_right_logical3A_364 = arith.shrui %get3A_361, %shift_right_logical3A_363 : vector<16xi32>
        %and3A_365 = arith.constant 127 : i32
        %and3A_366 = vector.broadcast %and3A_365 : i32 to vector<16xi32>
        %and3A_367 = arith.andi %get3A_361, %and3A_366 : vector<16xi32>
        tpu.vector_store_idx %arg28[%shift_right_logical3A_364, %and3A_367], %broadcast_in_dim3A_55 {add = true} : memref<80x128xf32, #tpu.memory_space<vmem>>[vector<16xi32>, vector<16xi32>], vector<16xf32>,
        %get3A_368 = arith.constant 1 : i32
        %get3A_369 = arith.index_cast %select_n3A_161 : i32 to index
        %get3A_370 = arith.index_cast %get3A_368 : i32 to index
        %get3A_371 = arith.constant 96 : index
        %get3A_372 = tpu.vector_load %arg25[%get3A_369, %get3A_370, %get3A_371] {strides = array<i32>} : memref<2x2x128xi32, #tpu.memory_space<vmem>>, vector<16xi32>,
        %shift_right_logical3A_373 = arith.constant 7 : i32
        %shift_right_logical3A_374 = vector.broadcast %shift_right_logical3A_373 : i32 to vector<16xi32>
        %shift_right_logical3A_375 = arith.shrui %get3A_372, %shift_right_logical3A_374 : vector<16xi32>
        %and3A_376 = arith.constant 127 : i32
        %and3A_377 = vector.broadcast %and3A_376 : i32 to vector<16xi32>
        %and3A_378 = arith.andi %get3A_372, %and3A_377 : vector<16xi32>
        tpu.vector_store_idx %arg28[%shift_right_logical3A_375, %and3A_378], %broadcast_in_dim3A_55 {add = true} : memref<80x128xf32, #tpu.memory_space<vmem>>[vector<16xi32>, vector<16xi32>], vector<16xf32>,
        %get3A_379 = arith.constant 1 : i32
        %get3A_380 = arith.index_cast %select_n3A_161 : i32 to index
        %get3A_381 = arith.index_cast %get3A_379 : i32 to index
        %get3A_382 = arith.constant 112 : index
        %get3A_383 = tpu.vector_load %arg25[%get3A_380, %get3A_381, %get3A_382] {strides = array<i32>} : memref<2x2x128xi32, #tpu.memory_space<vmem>>, vector<16xi32>,
        %shift_right_logical3A_384 = arith.constant 7 : i32
        %shift_right_logical3A_385 = vector.broadcast %shift_right_logical3A_384 : i32 to vector<16xi32>
        %shift_right_logical3A_386 = arith.shrui %get3A_383, %shift_right_logical3A_385 : vector<16xi32>
        %and3A_387 = arith.constant 127 : i32
        %and3A_388 = vector.broadcast %and3A_387 : i32 to vector<16xi32>
        %and3A_389 = arith.andi %get3A_383, %and3A_388 : vector<16xi32>
        tpu.vector_store_idx %arg28[%shift_right_logical3A_386, %and3A_389], %broadcast_in_dim3A_55 {add = true} : memref<80x128xf32, #tpu.memory_space<vmem>>[vector<16xi32>, vector<16xi32>], vector<16xf32>,
      }
      %scan3A_134 = arith.constant 79 : i32
      %dma_wait3A = arith.constant 0 : i32
      %dma_wait3A_135 = arith.constant 0 : i32
      %dma_wait3A_136 = arith.constant 0 : i32
      %dma_wait3A_137 = tpu.memref_slice %arg25[%dma_wait3A, %dma_wait3A_135, %dma_wait3A_136] : memref<2x2x128xi32, #tpu.memory_space<vmem>> -> memref<1x1x128xi32, #tpu.memory_space<vmem>>
      %dma_wait3A_138 = tpu.memref_squeeze %dma_wait3A_137 : memref<1x1x128xi32, #tpu.memory_space<vmem>> -> memref<128xi32, #tpu.memory_space<vmem>>
      %dma_wait3A_139 = arith.constant 0 : i32
      %dma_wait3A_140 = arith.constant 0 : i32
      %dma_wait3A_141 = tpu.memref_slice %arg33[%dma_wait3A_139, %dma_wait3A_140] : memref<10240x128xf32, #tpu.memory_space<vmem_shared>> -> memref<10240x128xf32, #tpu.memory_space<vmem_shared>>
      tpu.wait_indirect_dma semaphore(%arg43 : memref<!tpu.dma_semaphore, #tpu.memory_space<semaphore_mem>>) src(%arg26 : memref<128x128xf32, #tpu.memory_space<vmem>>) dst(%dma_wait3A_141 : memref<10240x128xf32, #tpu.memory_space<vmem_shared>>)
      %dma_wait3A_142 = arith.constant 0 : i32
      %dma_wait3A_143 = arith.constant 1 : i32
      %dma_wait3A_144 = arith.constant 0 : i32
      %dma_wait3A_145 = tpu.memref_slice %arg25[%dma_wait3A_142, %dma_wait3A_143, %dma_wait3A_144] : memref<2x2x128xi32, #tpu.memory_space<vmem>> -> memref<1x1x128xi32, #tpu.memory_space<vmem>>
      %dma_wait3A_146 = tpu.memref_squeeze %dma_wait3A_145 : memref<1x1x128xi32, #tpu.memory_space<vmem>> -> memref<128xi32, #tpu.memory_space<vmem>>
      %dma_wait3A_147 = arith.constant 0 : i32
      %dma_wait3A_148 = arith.constant 0 : i32
      %dma_wait3A_149 = tpu.memref_slice %arg33[%dma_wait3A_147, %dma_wait3A_148] : memref<10240x128xf32, #tpu.memory_space<vmem_shared>> -> memref<10240x128xf32, #tpu.memory_space<vmem_shared>>
      tpu.wait_indirect_dma semaphore(%arg44 : memref<!tpu.dma_semaphore, #tpu.memory_space<semaphore_mem>>) src(%arg27 : memref<128x128xf32, #tpu.memory_space<vmem>>) dst(%dma_wait3A_149 : memref<10240x128xf32, #tpu.memory_space<vmem_shared>>)
    } else {
    }
    %eq3A_61 = arith.constant 1 : i32
    %eq3A_62 = arith.cmpi eq, %arg0, %eq3A_61 : i32
    %convert_element_type3A_63 = arith.extui %eq3A_62 : i1 to i32
    %cond3A_64 = arith.constant 0 : i32
    %cond3A_65 = arith.cmpi ne, %convert_element_type3A_63, %cond3A_64 : i32
    scf.if %cond3A_65 {
      %run_scoped3A_120 = arith.constant 0 : i32
      "tpu.region"() ({
        %run_scoped3A_150 = tpu.sem_alloc : memref<!tpu.dma_semaphore, #tpu.memory_space<semaphore_mem>>
        %dma_start3A_151 = arith.constant 0 : i32
        %dma_start3A_152 = arith.constant 0 : i32
        %dma_start3A_153 = tpu.memref_slice %arg24[%run_scoped3A_120, %dma_start3A_151, %dma_start3A_152] : memref<2x2x128xi32, #tpu.memory_space<vmem>> -> memref<1x2x128xi32, #tpu.memory_space<vmem>>
        %dma_start3A_154 = tpu.memref_squeeze %dma_start3A_153 : memref<1x2x128xi32, #tpu.memory_space<vmem>> -> memref<2x128xi32, #tpu.memory_space<vmem>>
        %dma_start3A_155 = arith.constant 0 : i32
        %dma_start3A_156 = arith.constant 0 : i32
        %dma_start3A_157 = tpu.memref_slice %arg6[%arg1, %dma_start3A_155, %dma_start3A_156] : memref<16x158x128xi32, #tpu.memory_space<hbm>> -> memref<1x2x128xi32, #tpu.memory_space<hbm>>
        %dma_start3A_158 = tpu.memref_squeeze %dma_start3A_157 : memref<1x2x128xi32, #tpu.memory_space<hbm>> -> memref<2x128xi32, #tpu.memory_space<hbm>>
        %dma_start3A_159 = arith.constant 0 : i32
        %dma_start3A_160 = arith.constant 0 : i32
        %dma_start3A_161 = tpu.memref_slice %arg24[%run_scoped3A_120, %dma_start3A_159, %dma_start3A_160] : memref<2x2x128xi32, #tpu.memory_space<vmem>> -> memref<1x2x128xi32, #tpu.memory_space<vmem>>
        %dma_start3A_162 = tpu.memref_squeeze %dma_start3A_161 : memref<1x2x128xi32, #tpu.memory_space<vmem>> -> memref<2x128xi32, #tpu.memory_space<vmem>>
        %dma_start3A_163 = arith.constant 0 : i32
        %dma_start3A_164 = arith.constant 0 : i32
        %dma_start3A_165 = tpu.memref_slice %arg6[%arg1, %dma_start3A_163, %dma_start3A_164] : memref<16x158x128xi32, #tpu.memory_space<hbm>> -> memref<1x2x128xi32, #tpu.memory_space<hbm>>
        %dma_start3A_166 = tpu.memref_squeeze %dma_start3A_165 : memref<1x2x128xi32, #tpu.memory_space<hbm>> -> memref<2x128xi32, #tpu.memory_space<hbm>>
        tpu.enqueue_dma source(%dma_start3A_166 : memref<2x128xi32, #tpu.memory_space<hbm>>) target(%dma_start3A_162 : memref<2x128xi32, #tpu.memory_space<vmem>>) target_semaphore(%run_scoped3A_150 : memref<!tpu.dma_semaphore, #tpu.memory_space<semaphore_mem>>)
        %dma_wait3A_167 = arith.constant 0 : i32
        %dma_wait3A_168 = arith.constant 0 : i32
        %dma_wait3A_169 = tpu.memref_slice %arg24[%run_scoped3A_120, %dma_wait3A_167, %dma_wait3A_168] : memref<2x2x128xi32, #tpu.memory_space<vmem>> -> memref<1x2x128xi32, #tpu.memory_space<vmem>>
        %dma_wait3A_170 = tpu.memref_squeeze %dma_wait3A_169 : memref<1x2x128xi32, #tpu.memory_space<vmem>> -> memref<2x128xi32, #tpu.memory_space<vmem>>
        %dma_wait3A_171 = arith.constant 0 : i32
        %dma_wait3A_172 = arith.constant 0 : i32
        %dma_wait3A_173 = tpu.memref_slice %arg6[%arg1, %dma_wait3A_171, %dma_wait3A_172] : memref<16x158x128xi32, #tpu.memory_space<hbm>> -> memref<1x2x128xi32, #tpu.memory_space<hbm>>
        %dma_wait3A_174 = tpu.memref_squeeze %dma_wait3A_173 : memref<1x2x128xi32, #tpu.memory_space<hbm>> -> memref<2x128xi32, #tpu.memory_space<hbm>>
        %dma_wait3A_175 = arith.constant 0 : i32
        %dma_wait3A_176 = arith.constant 0 : i32
        %dma_wait3A_177 = tpu.memref_slice %arg24[%run_scoped3A_120, %dma_wait3A_175, %dma_wait3A_176] : memref<2x2x128xi32, #tpu.memory_space<vmem>> -> memref<1x2x128xi32, #tpu.memory_space<vmem>>
        %dma_wait3A_178 = tpu.memref_squeeze %dma_wait3A_177 : memref<1x2x128xi32, #tpu.memory_space<vmem>> -> memref<2x128xi32, #tpu.memory_space<vmem>>
        %dma_wait3A_179 = arith.constant 0 : i32
        %dma_wait3A_180 = arith.constant 0 : i32
        %dma_wait3A_181 = tpu.memref_slice %arg6[%arg1, %dma_wait3A_179, %dma_wait3A_180] : memref<16x158x128xi32, #tpu.memory_space<hbm>> -> memref<1x2x128xi32, #tpu.memory_space<hbm>>
        %dma_wait3A_182 = tpu.memref_squeeze %dma_wait3A_181 : memref<1x2x128xi32, #tpu.memory_space<hbm>> -> memref<2x128xi32, #tpu.memory_space<hbm>>
        tpu.wait_dma2 semaphore(%run_scoped3A_150 : memref<!tpu.dma_semaphore, #tpu.memory_space<semaphore_mem>>) src(%dma_wait3A_182 : memref<2x128xi32, #tpu.memory_space<hbm>>) dst(%dma_wait3A_178 : memref<2x128xi32, #tpu.memory_space<vmem>>)
        tpu.yield
      }) : () -> ()
      %run_scoped3A_121 = arith.constant 0 : i32
      "tpu.region"() ({
        %run_scoped3A_150 = tpu.sem_alloc : memref<!tpu.dma_semaphore, #tpu.memory_space<semaphore_mem>>
        %dma_start3A_151 = arith.constant 0 : i32
        %dma_start3A_152 = arith.constant 0 : i32
        %dma_start3A_153 = tpu.memref_slice %arg25[%run_scoped3A_121, %dma_start3A_151, %dma_start3A_152] : memref<2x2x128xi32, #tpu.memory_space<vmem>> -> memref<1x2x128xi32, #tpu.memory_space<vmem>>
        %dma_start3A_154 = tpu.memref_squeeze %dma_start3A_153 : memref<1x2x128xi32, #tpu.memory_space<vmem>> -> memref<2x128xi32, #tpu.memory_space<vmem>>
        %dma_start3A_155 = arith.constant 0 : i32
        %dma_start3A_156 = arith.constant 0 : i32
        %dma_start3A_157 = tpu.memref_slice %arg7[%arg1, %dma_start3A_155, %dma_start3A_156] : memref<16x158x128xi32, #tpu.memory_space<hbm>> -> memref<1x2x128xi32, #tpu.memory_space<hbm>>
        %dma_start3A_158 = tpu.memref_squeeze %dma_start3A_157 : memref<1x2x128xi32, #tpu.memory_space<hbm>> -> memref<2x128xi32, #tpu.memory_space<hbm>>
        %dma_start3A_159 = arith.constant 0 : i32
        %dma_start3A_160 = arith.constant 0 : i32
        %dma_start3A_161 = tpu.memref_slice %arg25[%run_scoped3A_121, %dma_start3A_159, %dma_start3A_160] : memref<2x2x128xi32, #tpu.memory_space<vmem>> -> memref<1x2x128xi32, #tpu.memory_space<vmem>>
        %dma_start3A_162 = tpu.memref_squeeze %dma_start3A_161 : memref<1x2x128xi32, #tpu.memory_space<vmem>> -> memref<2x128xi32, #tpu.memory_space<vmem>>
        %dma_start3A_163 = arith.constant 0 : i32
        %dma_start3A_164 = arith.constant 0 : i32
        %dma_start3A_165 = tpu.memref_slice %arg7[%arg1, %dma_start3A_163, %dma_start3A_164] : memref<16x158x128xi32, #tpu.memory_space<hbm>> -> memref<1x2x128xi32, #tpu.memory_space<hbm>>
        %dma_start3A_166 = tpu.memref_squeeze %dma_start3A_165 : memref<1x2x128xi32, #tpu.memory_space<hbm>> -> memref<2x128xi32, #tpu.memory_space<hbm>>
        tpu.enqueue_dma source(%dma_start3A_166 : memref<2x128xi32, #tpu.memory_space<hbm>>) target(%dma_start3A_162 : memref<2x128xi32, #tpu.memory_space<vmem>>) target_semaphore(%run_scoped3A_150 : memref<!tpu.dma_semaphore, #tpu.memory_space<semaphore_mem>>)
        %dma_wait3A_167 = arith.constant 0 : i32
        %dma_wait3A_168 = arith.constant 0 : i32
        %dma_wait3A_169 = tpu.memref_slice %arg25[%run_scoped3A_121, %dma_wait3A_167, %dma_wait3A_168] : memref<2x2x128xi32, #tpu.memory_space<vmem>> -> memref<1x2x128xi32, #tpu.memory_space<vmem>>
        %dma_wait3A_170 = tpu.memref_squeeze %dma_wait3A_169 : memref<1x2x128xi32, #tpu.memory_space<vmem>> -> memref<2x128xi32, #tpu.memory_space<vmem>>
        %dma_wait3A_171 = arith.constant 0 : i32
        %dma_wait3A_172 = arith.constant 0 : i32
        %dma_wait3A_173 = tpu.memref_slice %arg7[%arg1, %dma_wait3A_171, %dma_wait3A_172] : memref<16x158x128xi32, #tpu.memory_space<hbm>> -> memref<1x2x128xi32, #tpu.memory_space<hbm>>
        %dma_wait3A_174 = tpu.memref_squeeze %dma_wait3A_173 : memref<1x2x128xi32, #tpu.memory_space<hbm>> -> memref<2x128xi32, #tpu.memory_space<hbm>>
        %dma_wait3A_175 = arith.constant 0 : i32
        %dma_wait3A_176 = arith.constant 0 : i32
        %dma_wait3A_177 = tpu.memref_slice %arg25[%run_scoped3A_121, %dma_wait3A_175, %dma_wait3A_176] : memref<2x2x128xi32, #tpu.memory_space<vmem>> -> memref<1x2x128xi32, #tpu.memory_space<vmem>>
        %dma_wait3A_178 = tpu.memref_squeeze %dma_wait3A_177 : memref<1x2x128xi32, #tpu.memory_space<vmem>> -> memref<2x128xi32, #tpu.memory_space<vmem>>
        %dma_wait3A_179 = arith.constant 0 : i32
        %dma_wait3A_180 = arith.constant 0 : i32
        %dma_wait3A_181 = tpu.memref_slice %arg7[%arg1, %dma_wait3A_179, %dma_wait3A_180] : memref<16x158x128xi32, #tpu.memory_space<hbm>> -> memref<1x2x128xi32, #tpu.memory_space<hbm>>
        %dma_wait3A_182 = tpu.memref_squeeze %dma_wait3A_181 : memref<1x2x128xi32, #tpu.memory_space<hbm>> -> memref<2x128xi32, #tpu.memory_space<hbm>>
        tpu.wait_dma2 semaphore(%run_scoped3A_150 : memref<!tpu.dma_semaphore, #tpu.memory_space<semaphore_mem>>) src(%dma_wait3A_182 : memref<2x128xi32, #tpu.memory_space<hbm>>) dst(%dma_wait3A_178 : memref<2x128xi32, #tpu.memory_space<vmem>>)
        tpu.yield
      }) : () -> ()
      %dma_start3A = arith.constant 0 : i32
      %dma_start3A_122 = arith.constant 0 : i32
      %dma_start3A_123 = arith.constant 0 : i32
      %dma_start3A_124 = tpu.memref_slice %arg24[%dma_start3A, %dma_start3A_122, %dma_start3A_123] : memref<2x2x128xi32, #tpu.memory_space<vmem>> -> memref<1x1x128xi32, #tpu.memory_space<vmem>>
      %dma_start3A_125 = tpu.memref_squeeze %dma_start3A_124 : memref<1x1x128xi32, #tpu.memory_space<vmem>> -> memref<128xi32, #tpu.memory_space<vmem>>
      %dma_start3A_126 = arith.constant 0 : i32
      %dma_start3A_127 = arith.constant 0 : i32
      %dma_start3A_128 = tpu.memref_slice %arg3[%dma_start3A_126, %dma_start3A_127] : memref<10240x128xf32, #tpu.memory_space<hbm>> -> memref<10240x128xf32, #tpu.memory_space<hbm>>
      tpu.enqueue_indirect_dma source(%dma_start3A_128 : memref<10240x128xf32, #tpu.memory_space<hbm>>) target(%arg26 : memref<128x128xf32, #tpu.memory_space<vmem>>) offsets(%dma_start3A_125 : memref<128xi32, #tpu.memory_space<vmem>>) semaphore(%arg40 : memref<!tpu.dma_semaphore, #tpu.memory_space<semaphore_mem>>)
      %scan3A_129 = arith.constant 0 : i32
      %scan3A_130 = arith.constant 0 : i32
      %scan3A_131 = arith.constant 79 : i32
      %scan3A_132 = arith.addi %scan3A_130, %scan3A_131 : i32
      %scan3A_133 = arith.constant 1 : i32
      scf.for %scan3A_150 = %scan3A_130 to %scan3A_132 step %scan3A_133  : i32 {
        %jit3A = arith.constant 2 : i32
        %eq3A_151 = arith.constant 0 : i32
        %eq3A_152 = arith.cmpi eq, %jit3A, %eq3A_151 : i32
        %jit3A_153 = arith.constant 1 : i32
        %select_n3A = arith.select %eq3A_152, %jit3A_153, %jit3A : i32
        %rem3A = arith.remsi %scan3A_150, %select_n3A : i32
        %ne3A = arith.constant 0 : i32
        %ne3A_154 = arith.cmpi ne, %rem3A, %ne3A : i32
        %lt3A = arith.constant 0 : i32
        %lt3A_155 = arith.cmpi slt, %rem3A, %lt3A : i32
        %lt3A_156 = arith.constant 0 : i32
        %lt3A_157 = arith.cmpi slt, %select_n3A, %lt3A_156 : i32
        %ne3A_158 = arith.xori %lt3A_155, %lt3A_157 : i1
        %and3A_159 = arith.andi %ne3A_158, %ne3A_154 : i1
        %add3A_160 = arith.addi %rem3A, %select_n3A : i32
        %select_n3A_161 = arith.select %and3A_159, %add3A_160, %rem3A : i32
        %sub3A = arith.constant 1 : i32
        %sub3A_162 = arith.subi %sub3A, %select_n3A_161 : i32
        %gt3A = arith.constant 0 : i32
        %gt3A_163 = arith.cmpi sgt, %scan3A_150, %gt3A : i32
        %convert_element_type3A_164 = arith.extui %gt3A_163 : i1 to i32
        %cond3A_165 = arith.constant 0 : i32
        %cond3A_166 = arith.cmpi ne, %convert_element_type3A_164, %cond3A_165 : i32
        scf.if %cond3A_166 {
          %dma_wait3A_390 = arith.constant 1 : i32
          %dma_wait3A_391 = arith.constant 0 : i32
          %dma_wait3A_392 = tpu.memref_slice %arg25[%select_n3A_161, %dma_wait3A_390, %dma_wait3A_391] : memref<2x2x128xi32, #tpu.memory_space<vmem>> -> memref<1x1x128xi32, #tpu.memory_space<vmem>>
          %dma_wait3A_393 = tpu.memref_squeeze %dma_wait3A_392 : memref<1x1x128xi32, #tpu.memory_space<vmem>> -> memref<128xi32, #tpu.memory_space<vmem>>
          %dma_wait3A_394 = arith.constant 0 : i32
          %dma_wait3A_395 = arith.constant 0 : i32
          %dma_wait3A_396 = tpu.memref_slice %arg33[%dma_wait3A_394, %dma_wait3A_395] : memref<10240x128xf32, #tpu.memory_space<vmem_shared>> -> memref<10240x128xf32, #tpu.memory_space<vmem_shared>>
          tpu.wait_indirect_dma semaphore(%arg44 : memref<!tpu.dma_semaphore, #tpu.memory_space<semaphore_mem>>) src(%arg27 : memref<128x128xf32, #tpu.memory_space<vmem>>) dst(%dma_wait3A_396 : memref<10240x128xf32, #tpu.memory_space<vmem_shared>>)
        } else {
        }
        %dma_start3A_167 = arith.constant 1 : i32
        %dma_start3A_168 = arith.constant 0 : i32
        %dma_start3A_169 = tpu.memref_slice %arg24[%select_n3A_161, %dma_start3A_167, %dma_start3A_168] : memref<2x2x128xi32, #tpu.memory_space<vmem>> -> memref<1x1x128xi32, #tpu.memory_space<vmem>>
        %dma_start3A_170 = tpu.memref_squeeze %dma_start3A_169 : memref<1x1x128xi32, #tpu.memory_space<vmem>> -> memref<128xi32, #tpu.memory_space<vmem>>
        %dma_start3A_171 = arith.constant 0 : i32
        %dma_start3A_172 = arith.constant 0 : i32
        %dma_start3A_173 = tpu.memref_slice %arg3[%dma_start3A_171, %dma_start3A_172] : memref<10240x128xf32, #tpu.memory_space<hbm>> -> memref<10240x128xf32, #tpu.memory_space<hbm>>
        tpu.enqueue_indirect_dma source(%dma_start3A_173 : memref<10240x128xf32, #tpu.memory_space<hbm>>) target(%arg27 : memref<128x128xf32, #tpu.memory_space<vmem>>) offsets(%dma_start3A_170 : memref<128xi32, #tpu.memory_space<vmem>>) semaphore(%arg41 : memref<!tpu.dma_semaphore, #tpu.memory_space<semaphore_mem>>)
        %add3A_174 = arith.constant 1 : i32
        %add3A_175 = arith.addi %scan3A_150, %add3A_174 : i32
        %lt3A_176 = arith.constant 79 : i32
        %lt3A_177 = arith.cmpi slt, %add3A_175, %lt3A_176 : i32
        %convert_element_type3A_178 = arith.extui %lt3A_177 : i1 to i32
        %cond3A_179 = arith.constant 0 : i32
        %cond3A_180 = arith.cmpi ne, %convert_element_type3A_178, %cond3A_179 : i32
        scf.if %cond3A_180 {
          %add3A_390 = arith.constant 1 : i32
          %add3A_391 = arith.addi %scan3A_150, %add3A_390 : i32
          %mul3A_392 = arith.constant 2 : i32
          %mul3A_393 = arith.muli %mul3A_392, %add3A_391 : i32
          %dma_start3A_394 = arith.constant 0 : i32
          %dma_start3A_395 = arith.constant 0 : i32
          %dma_start3A_396 = tpu.memref_slice %arg24[%sub3A_162, %dma_start3A_394, %dma_start3A_395] : memref<2x2x128xi32, #tpu.memory_space<vmem>> -> memref<1x2x128xi32, #tpu.memory_space<vmem>>
          %dma_start3A_397 = tpu.memref_squeeze %dma_start3A_396 : memref<1x2x128xi32, #tpu.memory_space<vmem>> -> memref<2x128xi32, #tpu.memory_space<vmem>>
          %dma_start3A_398 = arith.constant 0 : i32
          %dma_start3A_399 = tpu.memref_slice %arg6[%arg1, %mul3A_393, %dma_start3A_398] : memref<16x158x128xi32, #tpu.memory_space<hbm>> -> memref<1x2x128xi32, #tpu.memory_space<hbm>>
          %dma_start3A_400 = tpu.memref_squeeze %dma_start3A_399 : memref<1x2x128xi32, #tpu.memory_space<hbm>> -> memref<2x128xi32, #tpu.memory_space<hbm>>
          %dma_start3A_401 = arith.constant 0 : i32
          %dma_start3A_402 = arith.constant 0 : i32
          %dma_start3A_403 = tpu.memref_slice %arg24[%sub3A_162, %dma_start3A_401, %dma_start3A_402] : memref<2x2x128xi32, #tpu.memory_space<vmem>> -> memref<1x2x128xi32, #tpu.memory_space<vmem>>
          %dma_start3A_404 = tpu.memref_squeeze %dma_start3A_403 : memref<1x2x128xi32, #tpu.memory_space<vmem>> -> memref<2x128xi32, #tpu.memory_space<vmem>>
          %dma_start3A_405 = arith.constant 0 : i32
          %dma_start3A_406 = tpu.memref_slice %arg6[%arg1, %mul3A_393, %dma_start3A_405] : memref<16x158x128xi32, #tpu.memory_space<hbm>> -> memref<1x2x128xi32, #tpu.memory_space<hbm>>
          %dma_start3A_407 = tpu.memref_squeeze %dma_start3A_406 : memref<1x2x128xi32, #tpu.memory_space<hbm>> -> memref<2x128xi32, #tpu.memory_space<hbm>>
          tpu.enqueue_dma source(%dma_start3A_407 : memref<2x128xi32, #tpu.memory_space<hbm>>) target(%dma_start3A_404 : memref<2x128xi32, #tpu.memory_space<vmem>>) target_semaphore(%arg42 : memref<!tpu.dma_semaphore, #tpu.memory_space<semaphore_mem>>)
          %add3A_408 = arith.constant 1 : i32
          %add3A_409 = arith.addi %scan3A_150, %add3A_408 : i32
          %mul3A_410 = arith.constant 2 : i32
          %mul3A_411 = arith.muli %mul3A_410, %add3A_409 : i32
          %dma_start3A_412 = arith.constant 0 : i32
          %dma_start3A_413 = arith.constant 0 : i32
          %dma_start3A_414 = tpu.memref_slice %arg25[%sub3A_162, %dma_start3A_412, %dma_start3A_413] : memref<2x2x128xi32, #tpu.memory_space<vmem>> -> memref<1x2x128xi32, #tpu.memory_space<vmem>>
          %dma_start3A_415 = tpu.memref_squeeze %dma_start3A_414 : memref<1x2x128xi32, #tpu.memory_space<vmem>> -> memref<2x128xi32, #tpu.memory_space<vmem>>
          %dma_start3A_416 = arith.constant 0 : i32
          %dma_start3A_417 = tpu.memref_slice %arg7[%arg1, %mul3A_411, %dma_start3A_416] : memref<16x158x128xi32, #tpu.memory_space<hbm>> -> memref<1x2x128xi32, #tpu.memory_space<hbm>>
          %dma_start3A_418 = tpu.memref_squeeze %dma_start3A_417 : memref<1x2x128xi32, #tpu.memory_space<hbm>> -> memref<2x128xi32, #tpu.memory_space<hbm>>
          %dma_start3A_419 = arith.constant 0 : i32
          %dma_start3A_420 = arith.constant 0 : i32
          %dma_start3A_421 = tpu.memref_slice %arg25[%sub3A_162, %dma_start3A_419, %dma_start3A_420] : memref<2x2x128xi32, #tpu.memory_space<vmem>> -> memref<1x2x128xi32, #tpu.memory_space<vmem>>
          %dma_start3A_422 = tpu.memref_squeeze %dma_start3A_421 : memref<1x2x128xi32, #tpu.memory_space<vmem>> -> memref<2x128xi32, #tpu.memory_space<vmem>>
          %dma_start3A_423 = arith.constant 0 : i32
          %dma_start3A_424 = tpu.memref_slice %arg7[%arg1, %mul3A_411, %dma_start3A_423] : memref<16x158x128xi32, #tpu.memory_space<hbm>> -> memref<1x2x128xi32, #tpu.memory_space<hbm>>
          %dma_start3A_425 = tpu.memref_squeeze %dma_start3A_424 : memref<1x2x128xi32, #tpu.memory_space<hbm>> -> memref<2x128xi32, #tpu.memory_space<hbm>>
          tpu.enqueue_dma source(%dma_start3A_425 : memref<2x128xi32, #tpu.memory_space<hbm>>) target(%dma_start3A_422 : memref<2x128xi32, #tpu.memory_space<vmem>>) target_semaphore(%arg42 : memref<!tpu.dma_semaphore, #tpu.memory_space<semaphore_mem>>)
        } else {
        }
        %dma_wait3A_181 = arith.constant 0 : i32
        %dma_wait3A_182 = arith.constant 0 : i32
        %dma_wait3A_183 = tpu.memref_slice %arg24[%select_n3A_161, %dma_wait3A_181, %dma_wait3A_182] : memref<2x2x128xi32, #tpu.memory_space<vmem>> -> memref<1x1x128xi32, #tpu.memory_space<vmem>>
        %dma_wait3A_184 = tpu.memref_squeeze %dma_wait3A_183 : memref<1x1x128xi32, #tpu.memory_space<vmem>> -> memref<128xi32, #tpu.memory_space<vmem>>
        %dma_wait3A_185 = arith.constant 0 : i32
        %dma_wait3A_186 = arith.constant 0 : i32
        %dma_wait3A_187 = tpu.memref_slice %arg3[%dma_wait3A_185, %dma_wait3A_186] : memref<10240x128xf32, #tpu.memory_space<hbm>> -> memref<10240x128xf32, #tpu.memory_space<hbm>>
        tpu.wait_indirect_dma semaphore(%arg40 : memref<!tpu.dma_semaphore, #tpu.memory_space<semaphore_mem>>) src(%dma_wait3A_187 : memref<10240x128xf32, #tpu.memory_space<hbm>>) dst(%arg26 : memref<128x128xf32, #tpu.memory_space<vmem>>)
        %dma_start3A_188 = arith.constant 0 : i32
        %dma_start3A_189 = arith.constant 0 : i32
        %dma_start3A_190 = tpu.memref_slice %arg25[%select_n3A_161, %dma_start3A_188, %dma_start3A_189] : memref<2x2x128xi32, #tpu.memory_space<vmem>> -> memref<1x1x128xi32, #tpu.memory_space<vmem>>
        %dma_start3A_191 = tpu.memref_squeeze %dma_start3A_190 : memref<1x1x128xi32, #tpu.memory_space<vmem>> -> memref<128xi32, #tpu.memory_space<vmem>>
        %dma_start3A_192 = arith.constant 0 : i32
        %dma_start3A_193 = arith.constant 0 : i32
        %dma_start3A_194 = tpu.memref_slice %arg33[%dma_start3A_192, %dma_start3A_193] : memref<10240x128xf32, #tpu.memory_space<vmem_shared>> -> memref<10240x128xf32, #tpu.memory_space<vmem_shared>>
        tpu.enqueue_indirect_dma source(%arg26 : memref<128x128xf32, #tpu.memory_space<vmem>>) target(%dma_start3A_194 : memref<10240x128xf32, #tpu.memory_space<vmem_shared>>) offsets(%dma_start3A_191 : memref<128xi32, #tpu.memory_space<vmem>>) semaphore(%arg43 : memref<!tpu.dma_semaphore, #tpu.memory_space<semaphore_mem>>) {add = true}
        %get3A = arith.constant 0 : i32
        %get3A_195 = arith.index_cast %select_n3A_161 : i32 to index
        %get3A_196 = arith.index_cast %get3A : i32 to index
        %get3A_197 = arith.constant 0 : index
        %get3A_198 = tpu.vector_load %arg25[%get3A_195, %get3A_196, %get3A_197] {strides = array<i32>} : memref<2x2x128xi32, #tpu.memory_space<vmem>>, vector<16xi32>,
        %shift_right_logical3A = arith.constant 7 : i32
        %shift_right_logical3A_199 = vector.broadcast %shift_right_logical3A : i32 to vector<16xi32>
        %shift_right_logical3A_200 = arith.shrui %get3A_198, %shift_right_logical3A_199 : vector<16xi32>
        %and3A_201 = arith.constant 127 : i32
        %and3A_202 = vector.broadcast %and3A_201 : i32 to vector<16xi32>
        %and3A_203 = arith.andi %get3A_198, %and3A_202 : vector<16xi32>
        tpu.vector_store_idx %arg28[%shift_right_logical3A_200, %and3A_203], %broadcast_in_dim3A_55 {add = true} : memref<80x128xf32, #tpu.memory_space<vmem>>[vector<16xi32>, vector<16xi32>], vector<16xf32>,
        %get3A_204 = arith.constant 0 : i32
        %get3A_205 = arith.index_cast %select_n3A_161 : i32 to index
        %get3A_206 = arith.index_cast %get3A_204 : i32 to index
        %get3A_207 = arith.constant 16 : index
        %get3A_208 = tpu.vector_load %arg25[%get3A_205, %get3A_206, %get3A_207] {strides = array<i32>} : memref<2x2x128xi32, #tpu.memory_space<vmem>>, vector<16xi32>,
        %shift_right_logical3A_209 = arith.constant 7 : i32
        %shift_right_logical3A_210 = vector.broadcast %shift_right_logical3A_209 : i32 to vector<16xi32>
        %shift_right_logical3A_211 = arith.shrui %get3A_208, %shift_right_logical3A_210 : vector<16xi32>
        %and3A_212 = arith.constant 127 : i32
        %and3A_213 = vector.broadcast %and3A_212 : i32 to vector<16xi32>
        %and3A_214 = arith.andi %get3A_208, %and3A_213 : vector<16xi32>
        tpu.vector_store_idx %arg28[%shift_right_logical3A_211, %and3A_214], %broadcast_in_dim3A_55 {add = true} : memref<80x128xf32, #tpu.memory_space<vmem>>[vector<16xi32>, vector<16xi32>], vector<16xf32>,
        %get3A_215 = arith.constant 0 : i32
        %get3A_216 = arith.index_cast %select_n3A_161 : i32 to index
        %get3A_217 = arith.index_cast %get3A_215 : i32 to index
        %get3A_218 = arith.constant 32 : index
        %get3A_219 = tpu.vector_load %arg25[%get3A_216, %get3A_217, %get3A_218] {strides = array<i32>} : memref<2x2x128xi32, #tpu.memory_space<vmem>>, vector<16xi32>,
        %shift_right_logical3A_220 = arith.constant 7 : i32
        %shift_right_logical3A_221 = vector.broadcast %shift_right_logical3A_220 : i32 to vector<16xi32>
        %shift_right_logical3A_222 = arith.shrui %get3A_219, %shift_right_logical3A_221 : vector<16xi32>
        %and3A_223 = arith.constant 127 : i32
        %and3A_224 = vector.broadcast %and3A_223 : i32 to vector<16xi32>
        %and3A_225 = arith.andi %get3A_219, %and3A_224 : vector<16xi32>
        tpu.vector_store_idx %arg28[%shift_right_logical3A_222, %and3A_225], %broadcast_in_dim3A_55 {add = true} : memref<80x128xf32, #tpu.memory_space<vmem>>[vector<16xi32>, vector<16xi32>], vector<16xf32>,
        %get3A_226 = arith.constant 0 : i32
        %get3A_227 = arith.index_cast %select_n3A_161 : i32 to index
        %get3A_228 = arith.index_cast %get3A_226 : i32 to index
        %get3A_229 = arith.constant 48 : index
        %get3A_230 = tpu.vector_load %arg25[%get3A_227, %get3A_228, %get3A_229] {strides = array<i32>} : memref<2x2x128xi32, #tpu.memory_space<vmem>>, vector<16xi32>,
        %shift_right_logical3A_231 = arith.constant 7 : i32
        %shift_right_logical3A_232 = vector.broadcast %shift_right_logical3A_231 : i32 to vector<16xi32>
        %shift_right_logical3A_233 = arith.shrui %get3A_230, %shift_right_logical3A_232 : vector<16xi32>
        %and3A_234 = arith.constant 127 : i32
        %and3A_235 = vector.broadcast %and3A_234 : i32 to vector<16xi32>
        %and3A_236 = arith.andi %get3A_230, %and3A_235 : vector<16xi32>
        tpu.vector_store_idx %arg28[%shift_right_logical3A_233, %and3A_236], %broadcast_in_dim3A_55 {add = true} : memref<80x128xf32, #tpu.memory_space<vmem>>[vector<16xi32>, vector<16xi32>], vector<16xf32>,
        %get3A_237 = arith.constant 0 : i32
        %get3A_238 = arith.index_cast %select_n3A_161 : i32 to index
        %get3A_239 = arith.index_cast %get3A_237 : i32 to index
        %get3A_240 = arith.constant 64 : index
        %get3A_241 = tpu.vector_load %arg25[%get3A_238, %get3A_239, %get3A_240] {strides = array<i32>} : memref<2x2x128xi32, #tpu.memory_space<vmem>>, vector<16xi32>,
        %shift_right_logical3A_242 = arith.constant 7 : i32
        %shift_right_logical3A_243 = vector.broadcast %shift_right_logical3A_242 : i32 to vector<16xi32>
        %shift_right_logical3A_244 = arith.shrui %get3A_241, %shift_right_logical3A_243 : vector<16xi32>
        %and3A_245 = arith.constant 127 : i32
        %and3A_246 = vector.broadcast %and3A_245 : i32 to vector<16xi32>
        %and3A_247 = arith.andi %get3A_241, %and3A_246 : vector<16xi32>
        tpu.vector_store_idx %arg28[%shift_right_logical3A_244, %and3A_247], %broadcast_in_dim3A_55 {add = true} : memref<80x128xf32, #tpu.memory_space<vmem>>[vector<16xi32>, vector<16xi32>], vector<16xf32>,
        %get3A_248 = arith.constant 0 : i32
        %get3A_249 = arith.index_cast %select_n3A_161 : i32 to index
        %get3A_250 = arith.index_cast %get3A_248 : i32 to index
        %get3A_251 = arith.constant 80 : index
        %get3A_252 = tpu.vector_load %arg25[%get3A_249, %get3A_250, %get3A_251] {strides = array<i32>} : memref<2x2x128xi32, #tpu.memory_space<vmem>>, vector<16xi32>,
        %shift_right_logical3A_253 = arith.constant 7 : i32
        %shift_right_logical3A_254 = vector.broadcast %shift_right_logical3A_253 : i32 to vector<16xi32>
        %shift_right_logical3A_255 = arith.shrui %get3A_252, %shift_right_logical3A_254 : vector<16xi32>
        %and3A_256 = arith.constant 127 : i32
        %and3A_257 = vector.broadcast %and3A_256 : i32 to vector<16xi32>
        %and3A_258 = arith.andi %get3A_252, %and3A_257 : vector<16xi32>
        tpu.vector_store_idx %arg28[%shift_right_logical3A_255, %and3A_258], %broadcast_in_dim3A_55 {add = true} : memref<80x128xf32, #tpu.memory_space<vmem>>[vector<16xi32>, vector<16xi32>], vector<16xf32>,
        %get3A_259 = arith.constant 0 : i32
        %get3A_260 = arith.index_cast %select_n3A_161 : i32 to index
        %get3A_261 = arith.index_cast %get3A_259 : i32 to index
        %get3A_262 = arith.constant 96 : index
        %get3A_263 = tpu.vector_load %arg25[%get3A_260, %get3A_261, %get3A_262] {strides = array<i32>} : memref<2x2x128xi32, #tpu.memory_space<vmem>>, vector<16xi32>,
        %shift_right_logical3A_264 = arith.constant 7 : i32
        %shift_right_logical3A_265 = vector.broadcast %shift_right_logical3A_264 : i32 to vector<16xi32>
        %shift_right_logical3A_266 = arith.shrui %get3A_263, %shift_right_logical3A_265 : vector<16xi32>
        %and3A_267 = arith.constant 127 : i32
        %and3A_268 = vector.broadcast %and3A_267 : i32 to vector<16xi32>
        %and3A_269 = arith.andi %get3A_263, %and3A_268 : vector<16xi32>
        tpu.vector_store_idx %arg28[%shift_right_logical3A_266, %and3A_269], %broadcast_in_dim3A_55 {add = true} : memref<80x128xf32, #tpu.memory_space<vmem>>[vector<16xi32>, vector<16xi32>], vector<16xf32>,
        %get3A_270 = arith.constant 0 : i32
        %get3A_271 = arith.index_cast %select_n3A_161 : i32 to index
        %get3A_272 = arith.index_cast %get3A_270 : i32 to index
        %get3A_273 = arith.constant 112 : index
        %get3A_274 = tpu.vector_load %arg25[%get3A_271, %get3A_272, %get3A_273] {strides = array<i32>} : memref<2x2x128xi32, #tpu.memory_space<vmem>>, vector<16xi32>,
        %shift_right_logical3A_275 = arith.constant 7 : i32
        %shift_right_logical3A_276 = vector.broadcast %shift_right_logical3A_275 : i32 to vector<16xi32>
        %shift_right_logical3A_277 = arith.shrui %get3A_274, %shift_right_logical3A_276 : vector<16xi32>
        %and3A_278 = arith.constant 127 : i32
        %and3A_279 = vector.broadcast %and3A_278 : i32 to vector<16xi32>
        %and3A_280 = arith.andi %get3A_274, %and3A_279 : vector<16xi32>
        tpu.vector_store_idx %arg28[%shift_right_logical3A_277, %and3A_280], %broadcast_in_dim3A_55 {add = true} : memref<80x128xf32, #tpu.memory_space<vmem>>[vector<16xi32>, vector<16xi32>], vector<16xf32>,
        %add3A_281 = arith.constant 1 : i32
        %add3A_282 = arith.addi %scan3A_150, %add3A_281 : i32
        %lt3A_283 = arith.constant 79 : i32
        %lt3A_284 = arith.cmpi slt, %add3A_282, %lt3A_283 : i32
        %convert_element_type3A_285 = arith.extui %lt3A_284 : i1 to i32
        %cond3A_286 = arith.constant 0 : i32
        %cond3A_287 = arith.cmpi ne, %convert_element_type3A_285, %cond3A_286 : i32
        scf.if %cond3A_287 {
          %dma_wait3A_390 = arith.constant 0 : i32
          %dma_wait3A_391 = arith.constant 0 : i32
          %dma_wait3A_392 = tpu.memref_slice %arg24[%sub3A_162, %dma_wait3A_390, %dma_wait3A_391] : memref<2x2x128xi32, #tpu.memory_space<vmem>> -> memref<1x2x128xi32, #tpu.memory_space<vmem>>
          %dma_wait3A_393 = tpu.memref_squeeze %dma_wait3A_392 : memref<1x2x128xi32, #tpu.memory_space<vmem>> -> memref<2x128xi32, #tpu.memory_space<vmem>>
          %dma_wait3A_394 = arith.constant 0 : i32
          %dma_wait3A_395 = arith.constant 0 : i32
          %dma_wait3A_396 = tpu.memref_slice %arg6[%arg1, %dma_wait3A_394, %dma_wait3A_395] : memref<16x158x128xi32, #tpu.memory_space<hbm>> -> memref<1x2x128xi32, #tpu.memory_space<hbm>>
          %dma_wait3A_397 = tpu.memref_squeeze %dma_wait3A_396 : memref<1x2x128xi32, #tpu.memory_space<hbm>> -> memref<2x128xi32, #tpu.memory_space<hbm>>
          %dma_wait3A_398 = arith.constant 0 : i32
          %dma_wait3A_399 = arith.constant 0 : i32
          %dma_wait3A_400 = tpu.memref_slice %arg24[%sub3A_162, %dma_wait3A_398, %dma_wait3A_399] : memref<2x2x128xi32, #tpu.memory_space<vmem>> -> memref<1x2x128xi32, #tpu.memory_space<vmem>>
          %dma_wait3A_401 = tpu.memref_squeeze %dma_wait3A_400 : memref<1x2x128xi32, #tpu.memory_space<vmem>> -> memref<2x128xi32, #tpu.memory_space<vmem>>
          %dma_wait3A_402 = arith.constant 0 : i32
          %dma_wait3A_403 = arith.constant 0 : i32
          %dma_wait3A_404 = tpu.memref_slice %arg6[%arg1, %dma_wait3A_402, %dma_wait3A_403] : memref<16x158x128xi32, #tpu.memory_space<hbm>> -> memref<1x2x128xi32, #tpu.memory_space<hbm>>
          %dma_wait3A_405 = tpu.memref_squeeze %dma_wait3A_404 : memref<1x2x128xi32, #tpu.memory_space<hbm>> -> memref<2x128xi32, #tpu.memory_space<hbm>>
          tpu.wait_dma2 semaphore(%arg42 : memref<!tpu.dma_semaphore, #tpu.memory_space<semaphore_mem>>) src(%dma_wait3A_405 : memref<2x128xi32, #tpu.memory_space<hbm>>) dst(%dma_wait3A_401 : memref<2x128xi32, #tpu.memory_space<vmem>>)
          %dma_wait3A_406 = arith.constant 0 : i32
          %dma_wait3A_407 = arith.constant 0 : i32
          %dma_wait3A_408 = tpu.memref_slice %arg25[%sub3A_162, %dma_wait3A_406, %dma_wait3A_407] : memref<2x2x128xi32, #tpu.memory_space<vmem>> -> memref<1x2x128xi32, #tpu.memory_space<vmem>>
          %dma_wait3A_409 = tpu.memref_squeeze %dma_wait3A_408 : memref<1x2x128xi32, #tpu.memory_space<vmem>> -> memref<2x128xi32, #tpu.memory_space<vmem>>
          %dma_wait3A_410 = arith.constant 0 : i32
          %dma_wait3A_411 = arith.constant 0 : i32
          %dma_wait3A_412 = tpu.memref_slice %arg7[%arg1, %dma_wait3A_410, %dma_wait3A_411] : memref<16x158x128xi32, #tpu.memory_space<hbm>> -> memref<1x2x128xi32, #tpu.memory_space<hbm>>
          %dma_wait3A_413 = tpu.memref_squeeze %dma_wait3A_412 : memref<1x2x128xi32, #tpu.memory_space<hbm>> -> memref<2x128xi32, #tpu.memory_space<hbm>>
          %dma_wait3A_414 = arith.constant 0 : i32
          %dma_wait3A_415 = arith.constant 0 : i32
          %dma_wait3A_416 = tpu.memref_slice %arg25[%sub3A_162, %dma_wait3A_414, %dma_wait3A_415] : memref<2x2x128xi32, #tpu.memory_space<vmem>> -> memref<1x2x128xi32, #tpu.memory_space<vmem>>
          %dma_wait3A_417 = tpu.memref_squeeze %dma_wait3A_416 : memref<1x2x128xi32, #tpu.memory_space<vmem>> -> memref<2x128xi32, #tpu.memory_space<vmem>>
          %dma_wait3A_418 = arith.constant 0 : i32
          %dma_wait3A_419 = arith.constant 0 : i32
          %dma_wait3A_420 = tpu.memref_slice %arg7[%arg1, %dma_wait3A_418, %dma_wait3A_419] : memref<16x158x128xi32, #tpu.memory_space<hbm>> -> memref<1x2x128xi32, #tpu.memory_space<hbm>>
          %dma_wait3A_421 = tpu.memref_squeeze %dma_wait3A_420 : memref<1x2x128xi32, #tpu.memory_space<hbm>> -> memref<2x128xi32, #tpu.memory_space<hbm>>
          tpu.wait_dma2 semaphore(%arg42 : memref<!tpu.dma_semaphore, #tpu.memory_space<semaphore_mem>>) src(%dma_wait3A_421 : memref<2x128xi32, #tpu.memory_space<hbm>>) dst(%dma_wait3A_417 : memref<2x128xi32, #tpu.memory_space<vmem>>)
          %dma_wait3A_422 = arith.constant 0 : i32
          %dma_wait3A_423 = arith.constant 0 : i32
          %dma_wait3A_424 = tpu.memref_slice %arg25[%select_n3A_161, %dma_wait3A_422, %dma_wait3A_423] : memref<2x2x128xi32, #tpu.memory_space<vmem>> -> memref<1x1x128xi32, #tpu.memory_space<vmem>>
          %dma_wait3A_425 = tpu.memref_squeeze %dma_wait3A_424 : memref<1x1x128xi32, #tpu.memory_space<vmem>> -> memref<128xi32, #tpu.memory_space<vmem>>
          %dma_wait3A_426 = arith.constant 0 : i32
          %dma_wait3A_427 = arith.constant 0 : i32
          %dma_wait3A_428 = tpu.memref_slice %arg33[%dma_wait3A_426, %dma_wait3A_427] : memref<10240x128xf32, #tpu.memory_space<vmem_shared>> -> memref<10240x128xf32, #tpu.memory_space<vmem_shared>>
          tpu.wait_indirect_dma semaphore(%arg43 : memref<!tpu.dma_semaphore, #tpu.memory_space<semaphore_mem>>) src(%arg26 : memref<128x128xf32, #tpu.memory_space<vmem>>) dst(%dma_wait3A_428 : memref<10240x128xf32, #tpu.memory_space<vmem_shared>>)
          %dma_start3A_429 = arith.constant 0 : i32
          %dma_start3A_430 = arith.constant 0 : i32
          %dma_start3A_431 = tpu.memref_slice %arg24[%sub3A_162, %dma_start3A_429, %dma_start3A_430] : memref<2x2x128xi32, #tpu.memory_space<vmem>> -> memref<1x1x128xi32, #tpu.memory_space<vmem>>
          %dma_start3A_432 = tpu.memref_squeeze %dma_start3A_431 : memref<1x1x128xi32, #tpu.memory_space<vmem>> -> memref<128xi32, #tpu.memory_space<vmem>>
          %dma_start3A_433 = arith.constant 0 : i32
          %dma_start3A_434 = arith.constant 0 : i32
          %dma_start3A_435 = tpu.memref_slice %arg3[%dma_start3A_433, %dma_start3A_434] : memref<10240x128xf32, #tpu.memory_space<hbm>> -> memref<10240x128xf32, #tpu.memory_space<hbm>>
          tpu.enqueue_indirect_dma source(%dma_start3A_435 : memref<10240x128xf32, #tpu.memory_space<hbm>>) target(%arg26 : memref<128x128xf32, #tpu.memory_space<vmem>>) offsets(%dma_start3A_432 : memref<128xi32, #tpu.memory_space<vmem>>) semaphore(%arg40 : memref<!tpu.dma_semaphore, #tpu.memory_space<semaphore_mem>>)
        } else {
        }
        %dma_wait3A_288 = arith.constant 1 : i32
        %dma_wait3A_289 = arith.constant 0 : i32
        %dma_wait3A_290 = tpu.memref_slice %arg24[%select_n3A_161, %dma_wait3A_288, %dma_wait3A_289] : memref<2x2x128xi32, #tpu.memory_space<vmem>> -> memref<1x1x128xi32, #tpu.memory_space<vmem>>
        %dma_wait3A_291 = tpu.memref_squeeze %dma_wait3A_290 : memref<1x1x128xi32, #tpu.memory_space<vmem>> -> memref<128xi32, #tpu.memory_space<vmem>>
        %dma_wait3A_292 = arith.constant 0 : i32
        %dma_wait3A_293 = arith.constant 0 : i32
        %dma_wait3A_294 = tpu.memref_slice %arg3[%dma_wait3A_292, %dma_wait3A_293] : memref<10240x128xf32, #tpu.memory_space<hbm>> -> memref<10240x128xf32, #tpu.memory_space<hbm>>
        tpu.wait_indirect_dma semaphore(%arg41 : memref<!tpu.dma_semaphore, #tpu.memory_space<semaphore_mem>>) src(%dma_wait3A_294 : memref<10240x128xf32, #tpu.memory_space<hbm>>) dst(%arg27 : memref<128x128xf32, #tpu.memory_space<vmem>>)
        %dma_start3A_295 = arith.constant 1 : i32
        %dma_start3A_296 = arith.constant 0 : i32
        %dma_start3A_297 = tpu.memref_slice %arg25[%select_n3A_161, %dma_start3A_295, %dma_start3A_296] : memref<2x2x128xi32, #tpu.memory_space<vmem>> -> memref<1x1x128xi32, #tpu.memory_space<vmem>>
        %dma_start3A_298 = tpu.memref_squeeze %dma_start3A_297 : memref<1x1x128xi32, #tpu.memory_space<vmem>> -> memref<128xi32, #tpu.memory_space<vmem>>
        %dma_start3A_299 = arith.constant 0 : i32
        %dma_start3A_300 = arith.constant 0 : i32
        %dma_start3A_301 = tpu.memref_slice %arg33[%dma_start3A_299, %dma_start3A_300] : memref<10240x128xf32, #tpu.memory_space<vmem_shared>> -> memref<10240x128xf32, #tpu.memory_space<vmem_shared>>
        tpu.enqueue_indirect_dma source(%arg27 : memref<128x128xf32, #tpu.memory_space<vmem>>) target(%dma_start3A_301 : memref<10240x128xf32, #tpu.memory_space<vmem_shared>>) offsets(%dma_start3A_298 : memref<128xi32, #tpu.memory_space<vmem>>) semaphore(%arg44 : memref<!tpu.dma_semaphore, #tpu.memory_space<semaphore_mem>>) {add = true}
        %get3A_302 = arith.constant 1 : i32
        %get3A_303 = arith.index_cast %select_n3A_161 : i32 to index
        %get3A_304 = arith.index_cast %get3A_302 : i32 to index
        %get3A_305 = arith.constant 0 : index
        %get3A_306 = tpu.vector_load %arg25[%get3A_303, %get3A_304, %get3A_305] {strides = array<i32>} : memref<2x2x128xi32, #tpu.memory_space<vmem>>, vector<16xi32>,
        %shift_right_logical3A_307 = arith.constant 7 : i32
        %shift_right_logical3A_308 = vector.broadcast %shift_right_logical3A_307 : i32 to vector<16xi32>
        %shift_right_logical3A_309 = arith.shrui %get3A_306, %shift_right_logical3A_308 : vector<16xi32>
        %and3A_310 = arith.constant 127 : i32
        %and3A_311 = vector.broadcast %and3A_310 : i32 to vector<16xi32>
        %and3A_312 = arith.andi %get3A_306, %and3A_311 : vector<16xi32>
        tpu.vector_store_idx %arg28[%shift_right_logical3A_309, %and3A_312], %broadcast_in_dim3A_55 {add = true} : memref<80x128xf32, #tpu.memory_space<vmem>>[vector<16xi32>, vector<16xi32>], vector<16xf32>,
        %get3A_313 = arith.constant 1 : i32
        %get3A_314 = arith.index_cast %select_n3A_161 : i32 to index
        %get3A_315 = arith.index_cast %get3A_313 : i32 to index
        %get3A_316 = arith.constant 16 : index
        %get3A_317 = tpu.vector_load %arg25[%get3A_314, %get3A_315, %get3A_316] {strides = array<i32>} : memref<2x2x128xi32, #tpu.memory_space<vmem>>, vector<16xi32>,
        %shift_right_logical3A_318 = arith.constant 7 : i32
        %shift_right_logical3A_319 = vector.broadcast %shift_right_logical3A_318 : i32 to vector<16xi32>
        %shift_right_logical3A_320 = arith.shrui %get3A_317, %shift_right_logical3A_319 : vector<16xi32>
        %and3A_321 = arith.constant 127 : i32
        %and3A_322 = vector.broadcast %and3A_321 : i32 to vector<16xi32>
        %and3A_323 = arith.andi %get3A_317, %and3A_322 : vector<16xi32>
        tpu.vector_store_idx %arg28[%shift_right_logical3A_320, %and3A_323], %broadcast_in_dim3A_55 {add = true} : memref<80x128xf32, #tpu.memory_space<vmem>>[vector<16xi32>, vector<16xi32>], vector<16xf32>,
        %get3A_324 = arith.constant 1 : i32
        %get3A_325 = arith.index_cast %select_n3A_161 : i32 to index
        %get3A_326 = arith.index_cast %get3A_324 : i32 to index
        %get3A_327 = arith.constant 32 : index
        %get3A_328 = tpu.vector_load %arg25[%get3A_325, %get3A_326, %get3A_327] {strides = array<i32>} : memref<2x2x128xi32, #tpu.memory_space<vmem>>, vector<16xi32>,
        %shift_right_logical3A_329 = arith.constant 7 : i32
        %shift_right_logical3A_330 = vector.broadcast %shift_right_logical3A_329 : i32 to vector<16xi32>
        %shift_right_logical3A_331 = arith.shrui %get3A_328, %shift_right_logical3A_330 : vector<16xi32>
        %and3A_332 = arith.constant 127 : i32
        %and3A_333 = vector.broadcast %and3A_332 : i32 to vector<16xi32>
        %and3A_334 = arith.andi %get3A_328, %and3A_333 : vector<16xi32>
        tpu.vector_store_idx %arg28[%shift_right_logical3A_331, %and3A_334], %broadcast_in_dim3A_55 {add = true} : memref<80x128xf32, #tpu.memory_space<vmem>>[vector<16xi32>, vector<16xi32>], vector<16xf32>,
        %get3A_335 = arith.constant 1 : i32
        %get3A_336 = arith.index_cast %select_n3A_161 : i32 to index
        %get3A_337 = arith.index_cast %get3A_335 : i32 to index
        %get3A_338 = arith.constant 48 : index
        %get3A_339 = tpu.vector_load %arg25[%get3A_336, %get3A_337, %get3A_338] {strides = array<i32>} : memref<2x2x128xi32, #tpu.memory_space<vmem>>, vector<16xi32>,
        %shift_right_logical3A_340 = arith.constant 7 : i32
        %shift_right_logical3A_341 = vector.broadcast %shift_right_logical3A_340 : i32 to vector<16xi32>
        %shift_right_logical3A_342 = arith.shrui %get3A_339, %shift_right_logical3A_341 : vector<16xi32>
        %and3A_343 = arith.constant 127 : i32
        %and3A_344 = vector.broadcast %and3A_343 : i32 to vector<16xi32>
        %and3A_345 = arith.andi %get3A_339, %and3A_344 : vector<16xi32>
        tpu.vector_store_idx %arg28[%shift_right_logical3A_342, %and3A_345], %broadcast_in_dim3A_55 {add = true} : memref<80x128xf32, #tpu.memory_space<vmem>>[vector<16xi32>, vector<16xi32>], vector<16xf32>,
        %get3A_346 = arith.constant 1 : i32
        %get3A_347 = arith.index_cast %select_n3A_161 : i32 to index
        %get3A_348 = arith.index_cast %get3A_346 : i32 to index
        %get3A_349 = arith.constant 64 : index
        %get3A_350 = tpu.vector_load %arg25[%get3A_347, %get3A_348, %get3A_349] {strides = array<i32>} : memref<2x2x128xi32, #tpu.memory_space<vmem>>, vector<16xi32>,
        %shift_right_logical3A_351 = arith.constant 7 : i32
        %shift_right_logical3A_352 = vector.broadcast %shift_right_logical3A_351 : i32 to vector<16xi32>
        %shift_right_logical3A_353 = arith.shrui %get3A_350, %shift_right_logical3A_352 : vector<16xi32>
        %and3A_354 = arith.constant 127 : i32
        %and3A_355 = vector.broadcast %and3A_354 : i32 to vector<16xi32>
        %and3A_356 = arith.andi %get3A_350, %and3A_355 : vector<16xi32>
        tpu.vector_store_idx %arg28[%shift_right_logical3A_353, %and3A_356], %broadcast_in_dim3A_55 {add = true} : memref<80x128xf32, #tpu.memory_space<vmem>>[vector<16xi32>, vector<16xi32>], vector<16xf32>,
        %get3A_357 = arith.constant 1 : i32
        %get3A_358 = arith.index_cast %select_n3A_161 : i32 to index
        %get3A_359 = arith.index_cast %get3A_357 : i32 to index
        %get3A_360 = arith.constant 80 : index
        %get3A_361 = tpu.vector_load %arg25[%get3A_358, %get3A_359, %get3A_360] {strides = array<i32>} : memref<2x2x128xi32, #tpu.memory_space<vmem>>, vector<16xi32>,
        %shift_right_logical3A_362 = arith.constant 7 : i32
        %shift_right_logical3A_363 = vector.broadcast %shift_right_logical3A_362 : i32 to vector<16xi32>
        %shift_right_logical3A_364 = arith.shrui %get3A_361, %shift_right_logical3A_363 : vector<16xi32>
        %and3A_365 = arith.constant 127 : i32
        %and3A_366 = vector.broadcast %and3A_365 : i32 to vector<16xi32>
        %and3A_367 = arith.andi %get3A_361, %and3A_366 : vector<16xi32>
        tpu.vector_store_idx %arg28[%shift_right_logical3A_364, %and3A_367], %broadcast_in_dim3A_55 {add = true} : memref<80x128xf32, #tpu.memory_space<vmem>>[vector<16xi32>, vector<16xi32>], vector<16xf32>,
        %get3A_368 = arith.constant 1 : i32
        %get3A_369 = arith.index_cast %select_n3A_161 : i32 to index
        %get3A_370 = arith.index_cast %get3A_368 : i32 to index
        %get3A_371 = arith.constant 96 : index
        %get3A_372 = tpu.vector_load %arg25[%get3A_369, %get3A_370, %get3A_371] {strides = array<i32>} : memref<2x2x128xi32, #tpu.memory_space<vmem>>, vector<16xi32>,
        %shift_right_logical3A_373 = arith.constant 7 : i32
        %shift_right_logical3A_374 = vector.broadcast %shift_right_logical3A_373 : i32 to vector<16xi32>
        %shift_right_logical3A_375 = arith.shrui %get3A_372, %shift_right_logical3A_374 : vector<16xi32>
        %and3A_376 = arith.constant 127 : i32
        %and3A_377 = vector.broadcast %and3A_376 : i32 to vector<16xi32>
        %and3A_378 = arith.andi %get3A_372, %and3A_377 : vector<16xi32>
        tpu.vector_store_idx %arg28[%shift_right_logical3A_375, %and3A_378], %broadcast_in_dim3A_55 {add = true} : memref<80x128xf32, #tpu.memory_space<vmem>>[vector<16xi32>, vector<16xi32>], vector<16xf32>,
        %get3A_379 = arith.constant 1 : i32
        %get3A_380 = arith.index_cast %select_n3A_161 : i32 to index
        %get3A_381 = arith.index_cast %get3A_379 : i32 to index
        %get3A_382 = arith.constant 112 : index
        %get3A_383 = tpu.vector_load %arg25[%get3A_380, %get3A_381, %get3A_382] {strides = array<i32>} : memref<2x2x128xi32, #tpu.memory_space<vmem>>, vector<16xi32>,
        %shift_right_logical3A_384 = arith.constant 7 : i32
        %shift_right_logical3A_385 = vector.broadcast %shift_right_logical3A_384 : i32 to vector<16xi32>
        %shift_right_logical3A_386 = arith.shrui %get3A_383, %shift_right_logical3A_385 : vector<16xi32>
        %and3A_387 = arith.constant 127 : i32
        %and3A_388 = vector.broadcast %and3A_387 : i32 to vector<16xi32>
        %and3A_389 = arith.andi %get3A_383, %and3A_388 : vector<16xi32>
        tpu.vector_store_idx %arg28[%shift_right_logical3A_386, %and3A_389], %broadcast_in_dim3A_55 {add = true} : memref<80x128xf32, #tpu.memory_space<vmem>>[vector<16xi32>, vector<16xi32>], vector<16xf32>,
      }
      %scan3A_134 = arith.constant 79 : i32
      %dma_wait3A = arith.constant 0 : i32
      %dma_wait3A_135 = arith.constant 0 : i32
      %dma_wait3A_136 = arith.constant 0 : i32
      %dma_wait3A_137 = tpu.memref_slice %arg25[%dma_wait3A, %dma_wait3A_135, %dma_wait3A_136] : memref<2x2x128xi32, #tpu.memory_space<vmem>> -> memref<1x1x128xi32, #tpu.memory_space<vmem>>
      %dma_wait3A_138 = tpu.memref_squeeze %dma_wait3A_137 : memref<1x1x128xi32, #tpu.memory_space<vmem>> -> memref<128xi32, #tpu.memory_space<vmem>>
      %dma_wait3A_139 = arith.constant 0 : i32
      %dma_wait3A_140 = arith.constant 0 : i32
      %dma_wait3A_141 = tpu.memref_slice %arg33[%dma_wait3A_139, %dma_wait3A_140] : memref<10240x128xf32, #tpu.memory_space<vmem_shared>> -> memref<10240x128xf32, #tpu.memory_space<vmem_shared>>
      tpu.wait_indirect_dma semaphore(%arg43 : memref<!tpu.dma_semaphore, #tpu.memory_space<semaphore_mem>>) src(%arg26 : memref<128x128xf32, #tpu.memory_space<vmem>>) dst(%dma_wait3A_141 : memref<10240x128xf32, #tpu.memory_space<vmem_shared>>)
      %dma_wait3A_142 = arith.constant 0 : i32
      %dma_wait3A_143 = arith.constant 1 : i32
      %dma_wait3A_144 = arith.constant 0 : i32
      %dma_wait3A_145 = tpu.memref_slice %arg25[%dma_wait3A_142, %dma_wait3A_143, %dma_wait3A_144] : memref<2x2x128xi32, #tpu.memory_space<vmem>> -> memref<1x1x128xi32, #tpu.memory_space<vmem>>
      %dma_wait3A_146 = tpu.memref_squeeze %dma_wait3A_145 : memref<1x1x128xi32, #tpu.memory_space<vmem>> -> memref<128xi32, #tpu.memory_space<vmem>>
      %dma_wait3A_147 = arith.constant 0 : i32
      %dma_wait3A_148 = arith.constant 0 : i32
      %dma_wait3A_149 = tpu.memref_slice %arg33[%dma_wait3A_147, %dma_wait3A_148] : memref<10240x128xf32, #tpu.memory_space<vmem_shared>> -> memref<10240x128xf32, #tpu.memory_space<vmem_shared>>
      tpu.wait_indirect_dma semaphore(%arg44 : memref<!tpu.dma_semaphore, #tpu.memory_space<semaphore_mem>>) src(%arg27 : memref<128x128xf32, #tpu.memory_space<vmem>>) dst(%dma_wait3A_149 : memref<10240x128xf32, #tpu.memory_space<vmem_shared>>)
    } else {
    }
    %run_scoped3A = arith.constant 0 : i32
    "tpu.region"() ({
      %run_scoped3A_120 = tpu.sem_alloc : memref<!tpu.dma_semaphore, #tpu.memory_space<semaphore_mem>>
      %dma_start3A = arith.constant 0 : i32
      %dma_start3A_121 = arith.constant 0 : i32
      %dma_start3A_122 = tpu.memref_slice %arg28[%dma_start3A, %dma_start3A_121] : memref<80x128xf32, #tpu.memory_space<vmem>> -> memref<64x128xf32, #tpu.memory_space<vmem>>
      %dma_start3A_123 = arith.constant 0 : i32
      %dma_start3A_124 = tpu.memref_slice %arg31[%run_scoped3A, %dma_start3A_123] : memref<1x64xi32, #tpu.memory_space<vmem>> -> memref<1x64xi32, #tpu.memory_space<vmem>>
      %dma_start3A_125 = tpu.memref_squeeze %dma_start3A_124 : memref<1x64xi32, #tpu.memory_space<vmem>> -> memref<64xi32, #tpu.memory_space<vmem>>
      %dma_start3A_126 = arith.constant 0 : i32
      %dma_start3A_127 = arith.constant 0 : i32
      %dma_start3A_128 = tpu.memref_slice %arg34[%dma_start3A_126, %dma_start3A_127] : memref<80x128xf32, #tpu.memory_space<vmem_shared>> -> memref<80x128xf32, #tpu.memory_space<vmem_shared>>
      tpu.enqueue_indirect_dma source(%dma_start3A_122 : memref<64x128xf32, #tpu.memory_space<vmem>>) target(%dma_start3A_128 : memref<80x128xf32, #tpu.memory_space<vmem_shared>>) offsets(%dma_start3A_125 : memref<64xi32, #tpu.memory_space<vmem>>) semaphore(%run_scoped3A_120 : memref<!tpu.dma_semaphore, #tpu.memory_space<semaphore_mem>>) {add = true}
      %dma_wait3A = arith.constant 0 : i32
      %dma_wait3A_129 = arith.constant 0 : i32
      %dma_wait3A_130 = tpu.memref_slice %arg28[%dma_wait3A, %dma_wait3A_129] : memref<80x128xf32, #tpu.memory_space<vmem>> -> memref<64x128xf32, #tpu.memory_space<vmem>>
      %dma_wait3A_131 = arith.constant 0 : i32
      %dma_wait3A_132 = tpu.memref_slice %arg31[%run_scoped3A, %dma_wait3A_131] : memref<1x64xi32, #tpu.memory_space<vmem>> -> memref<1x64xi32, #tpu.memory_space<vmem>>
      %dma_wait3A_133 = tpu.memref_squeeze %dma_wait3A_132 : memref<1x64xi32, #tpu.memory_space<vmem>> -> memref<64xi32, #tpu.memory_space<vmem>>
      %dma_wait3A_134 = arith.constant 0 : i32
      %dma_wait3A_135 = arith.constant 0 : i32
      %dma_wait3A_136 = tpu.memref_slice %arg34[%dma_wait3A_134, %dma_wait3A_135] : memref<80x128xf32, #tpu.memory_space<vmem_shared>> -> memref<80x128xf32, #tpu.memory_space<vmem_shared>>
      tpu.wait_indirect_dma semaphore(%run_scoped3A_120 : memref<!tpu.dma_semaphore, #tpu.memory_space<semaphore_mem>>) src(%dma_wait3A_130 : memref<64x128xf32, #tpu.memory_space<vmem>>) dst(%dma_wait3A_136 : memref<80x128xf32, #tpu.memory_space<vmem_shared>>)
      tpu.yield
    }) : () -> ()
    %run_scoped3A_66 = arith.constant 0 : i32
    "tpu.region"() ({
      %run_scoped3A_120 = tpu.sem_alloc : memref<!tpu.dma_semaphore, #tpu.memory_space<semaphore_mem>>
      %dma_start3A = arith.constant 64 : i32
      %dma_start3A_121 = arith.constant 0 : i32
      %dma_start3A_122 = tpu.memref_slice %arg28[%dma_start3A, %dma_start3A_121] : memref<80x128xf32, #tpu.memory_space<vmem>> -> memref<16x128xf32, #tpu.memory_space<vmem>>
      %dma_start3A_123 = arith.constant 0 : i32
      %dma_start3A_124 = tpu.memref_slice %arg32[%run_scoped3A_66, %dma_start3A_123] : memref<1x16xi32, #tpu.memory_space<vmem>> -> memref<1x16xi32, #tpu.memory_space<vmem>>
      %dma_start3A_125 = tpu.memref_squeeze %dma_start3A_124 : memref<1x16xi32, #tpu.memory_space<vmem>> -> memref<16xi32, #tpu.memory_space<vmem>>
      %dma_start3A_126 = arith.constant 0 : i32
      %dma_start3A_127 = arith.constant 0 : i32
      %dma_start3A_128 = tpu.memref_slice %arg34[%dma_start3A_126, %dma_start3A_127] : memref<80x128xf32, #tpu.memory_space<vmem_shared>> -> memref<80x128xf32, #tpu.memory_space<vmem_shared>>
      tpu.enqueue_indirect_dma source(%dma_start3A_122 : memref<16x128xf32, #tpu.memory_space<vmem>>) target(%dma_start3A_128 : memref<80x128xf32, #tpu.memory_space<vmem_shared>>) offsets(%dma_start3A_125 : memref<16xi32, #tpu.memory_space<vmem>>) semaphore(%run_scoped3A_120 : memref<!tpu.dma_semaphore, #tpu.memory_space<semaphore_mem>>) {add = true}
      %dma_wait3A = arith.constant 64 : i32
      %dma_wait3A_129 = arith.constant 0 : i32
      %dma_wait3A_130 = tpu.memref_slice %arg28[%dma_wait3A, %dma_wait3A_129] : memref<80x128xf32, #tpu.memory_space<vmem>> -> memref<16x128xf32, #tpu.memory_space<vmem>>
      %dma_wait3A_131 = arith.constant 0 : i32
      %dma_wait3A_132 = tpu.memref_slice %arg32[%run_scoped3A_66, %dma_wait3A_131] : memref<1x16xi32, #tpu.memory_space<vmem>> -> memref<1x16xi32, #tpu.memory_space<vmem>>
      %dma_wait3A_133 = tpu.memref_squeeze %dma_wait3A_132 : memref<1x16xi32, #tpu.memory_space<vmem>> -> memref<16xi32, #tpu.memory_space<vmem>>
      %dma_wait3A_134 = arith.constant 0 : i32
      %dma_wait3A_135 = arith.constant 0 : i32
      %dma_wait3A_136 = tpu.memref_slice %arg34[%dma_wait3A_134, %dma_wait3A_135] : memref<80x128xf32, #tpu.memory_space<vmem_shared>> -> memref<80x128xf32, #tpu.memory_space<vmem_shared>>
      tpu.wait_indirect_dma semaphore(%run_scoped3A_120 : memref<!tpu.dma_semaphore, #tpu.memory_space<semaphore_mem>>) src(%dma_wait3A_130 : memref<16x128xf32, #tpu.memory_space<vmem>>) dst(%dma_wait3A_136 : memref<80x128xf32, #tpu.memory_space<vmem_shared>>)
      tpu.yield
    }) : () -> ()
    %barrier3A_67 = arith.constant 0 : index
    tpu.barrier barrier_id(%barrier3A_67)
    %mul3A_68 = arith.constant 5 : i32
    %mul3A_69 = arith.muli %mul3A_68, %arg1 : i32
    "tpu.region"() ({
      %run_scoped3A_120 = tpu.sem_alloc : memref<!tpu.dma_semaphore, #tpu.memory_space<semaphore_mem>>
      %dma_start3A = arith.constant 0 : i32
      %dma_start3A_121 = tpu.memref_slice %arg34[%mul3A_69, %dma_start3A] : memref<80x128xf32, #tpu.memory_space<vmem_shared>> -> memref<5x128xf32, #tpu.memory_space<vmem_shared>>
      %dma_start3A_122 = arith.constant 0 : i32
      %dma_start3A_123 = tpu.memref_slice %arg34[%mul3A_69, %dma_start3A_122] : memref<80x128xf32, #tpu.memory_space<vmem_shared>> -> memref<5x128xf32, #tpu.memory_space<vmem_shared>>
      tpu.enqueue_dma source(%dma_start3A_123 : memref<5x128xf32, #tpu.memory_space<vmem_shared>>) target(%arg29 : memref<5x128xf32, #tpu.memory_space<vmem>>) target_semaphore(%run_scoped3A_120 : memref<!tpu.dma_semaphore, #tpu.memory_space<semaphore_mem>>)
      %dma_wait3A = arith.constant 0 : i32
      %dma_wait3A_124 = tpu.memref_slice %arg34[%mul3A_69, %dma_wait3A] : memref<80x128xf32, #tpu.memory_space<vmem_shared>> -> memref<5x128xf32, #tpu.memory_space<vmem_shared>>
      %dma_wait3A_125 = arith.constant 0 : i32
      %dma_wait3A_126 = tpu.memref_slice %arg34[%mul3A_69, %dma_wait3A_125] : memref<80x128xf32, #tpu.memory_space<vmem_shared>> -> memref<5x128xf32, #tpu.memory_space<vmem_shared>>
      tpu.wait_dma2 semaphore(%run_scoped3A_120 : memref<!tpu.dma_semaphore, #tpu.memory_space<semaphore_mem>>) src(%dma_wait3A_126 : memref<5x128xf32, #tpu.memory_space<vmem_shared>>) dst(%arg29 : memref<5x128xf32, #tpu.memory_space<vmem>>)
      tpu.yield
    }) : () -> ()
    %eq3A_70 = arith.constant 0 : i32
    %eq3A_71 = arith.cmpi eq, %arg0, %eq3A_70 : i32
    %convert_element_type3A_72 = arith.extui %eq3A_71 : i1 to i32
    %cond3A_73 = arith.constant 0 : i32
    %cond3A_74 = arith.cmpi ne, %convert_element_type3A_72, %cond3A_73 : i32
    scf.if %cond3A_74 {
      %scan3A_120 = arith.constant 0 : i32
      %scan3A_121 = arith.constant 0 : i32
      %scan3A_122 = arith.constant 5 : i32
      %scan3A_123 = arith.addi %scan3A_121, %scan3A_122 : i32
      %scan3A_124 = arith.constant 1 : i32
      scf.for %scan3A_126 = %scan3A_121 to %scan3A_123 step %scan3A_124  : i32 {
        %mul3A_127 = arith.constant 128 : i32
        %mul3A_128 = arith.muli %scan3A_126, %mul3A_127 : i32
        %add3A_129 = arith.addi %mul3A_0, %mul3A_128 : i32
        "tpu.region"() ({
          %run_scoped3A_144 = tpu.sem_alloc : memref<!tpu.dma_semaphore, #tpu.memory_space<semaphore_mem>>
          %dma_start3A = arith.constant 0 : i32
          %dma_start3A_145 = tpu.memref_slice %arg33[%add3A_129, %dma_start3A] : memref<10240x128xf32, #tpu.memory_space<vmem_shared>> -> memref<128x128xf32, #tpu.memory_space<vmem_shared>>
          %dma_start3A_146 = arith.constant 0 : i32
          %dma_start3A_147 = tpu.memref_slice %arg33[%add3A_129, %dma_start3A_146] : memref<10240x128xf32, #tpu.memory_space<vmem_shared>> -> memref<128x128xf32, #tpu.memory_space<vmem_shared>>
          tpu.enqueue_dma source(%dma_start3A_147 : memref<128x128xf32, #tpu.memory_space<vmem_shared>>) target(%arg26 : memref<128x128xf32, #tpu.memory_space<vmem>>) target_semaphore(%run_scoped3A_144 : memref<!tpu.dma_semaphore, #tpu.memory_space<semaphore_mem>>)
          %dma_wait3A = arith.constant 0 : i32
          %dma_wait3A_148 = tpu.memref_slice %arg33[%add3A_129, %dma_wait3A] : memref<10240x128xf32, #tpu.memory_space<vmem_shared>> -> memref<128x128xf32, #tpu.memory_space<vmem_shared>>
          %dma_wait3A_149 = arith.constant 0 : i32
          %dma_wait3A_150 = tpu.memref_slice %arg33[%add3A_129, %dma_wait3A_149] : memref<10240x128xf32, #tpu.memory_space<vmem_shared>> -> memref<128x128xf32, #tpu.memory_space<vmem_shared>>
          tpu.wait_dma2 semaphore(%run_scoped3A_144 : memref<!tpu.dma_semaphore, #tpu.memory_space<semaphore_mem>>) src(%dma_wait3A_150 : memref<128x128xf32, #tpu.memory_space<vmem_shared>>) dst(%arg26 : memref<128x128xf32, #tpu.memory_space<vmem>>)
          tpu.yield
        }) : () -> ()
        %mul3A_130 = arith.constant 128 : i32
        %mul3A_131 = arith.muli %scan3A_126, %mul3A_130 : i32
        %scan3A_132 = arith.constant 0 : i32
        %scan3A_133 = arith.constant 128 : i32
        %scan3A_134 = arith.addi %scan3A_132, %scan3A_133 : i32
        %scan3A_135 = arith.constant 1 : i32
        scf.for %scan3A_144 = %scan3A_132 to %scan3A_134 step %scan3A_135  : i32 {
          %add3A_145 = arith.addi %mul3A_131, %scan3A_144 : i32
          %broadcast_in_dim3A_146 = arith.constant 0 : i32
          %broadcast_in_dim3A_147 = vector.broadcast %broadcast_in_dim3A_146 : i32 to vector<16xi32>
          %add3A_148 = vector.broadcast %add3A_145 : i32 to vector<16xi32>
          %add3A_149 = arith.addi %broadcast_in_dim3A_147, %add3A_148 : vector<16xi32>
          %shift_right_logical3A = arith.constant 7 : i32
          %shift_right_logical3A_150 = vector.broadcast %shift_right_logical3A : i32 to vector<16xi32>
          %shift_right_logical3A_151 = arith.shrui %add3A_149, %shift_right_logical3A_150 : vector<16xi32>
          %and3A_152 = arith.constant 127 : i32
          %and3A_153 = vector.broadcast %and3A_152 : i32 to vector<16xi32>
          %and3A_154 = arith.andi %add3A_149, %and3A_153 : vector<16xi32>
          %gather3A = tpu.vector_load_idx %arg29[%shift_right_logical3A_151, %and3A_154] : memref<5x128xf32, #tpu.memory_space<vmem>>[vector<16xi32>, vector<16xi32>], vector<16xf32>,
          %max3A = arith.constant 1.000000e+00 : f32
          %max3A_155 = vector.broadcast %max3A : f32 to vector<16xf32>
          %max3A_156 = arith.maximumf %gather3A, %max3A_155 : vector<16xf32>
          %get3A = arith.index_cast %scan3A_144 : i32 to index
          %get3A_157 = arith.constant 0 : index
          %get3A_158 = tpu.vector_load %arg26[%get3A, %get3A_157] {strides = array<i32>} : memref<128x128xf32, #tpu.memory_space<vmem>>, vector<16xf32>,
          %div3A = arith.divf %get3A_158, %max3A_156 : vector<16xf32>
          %swap3A_159 = arith.index_cast %scan3A_144 : i32 to index
          %swap3A_160 = arith.constant 0 : index
          %swap3A_161 = tpu.vector_load %arg26[%swap3A_159, %swap3A_160] {strides = array<i32>} : memref<128x128xf32, #tpu.memory_space<vmem>>, vector<16xf32>,
          tpu.vector_store %arg26[%swap3A_159, %swap3A_160], %div3A {strides = array<i32>} : memref<128x128xf32, #tpu.memory_space<vmem>>, vector<16xf32>,
          %get3A_162 = arith.index_cast %scan3A_144 : i32 to index
          %get3A_163 = arith.constant 16 : index
          %get3A_164 = tpu.vector_load %arg26[%get3A_162, %get3A_163] {strides = array<i32>} : memref<128x128xf32, #tpu.memory_space<vmem>>, vector<16xf32>,
          %div3A_165 = arith.divf %get3A_164, %max3A_156 : vector<16xf32>
          %swap3A_166 = arith.index_cast %scan3A_144 : i32 to index
          %swap3A_167 = arith.constant 16 : index
          %swap3A_168 = tpu.vector_load %arg26[%swap3A_166, %swap3A_167] {strides = array<i32>} : memref<128x128xf32, #tpu.memory_space<vmem>>, vector<16xf32>,
          tpu.vector_store %arg26[%swap3A_166, %swap3A_167], %div3A_165 {strides = array<i32>} : memref<128x128xf32, #tpu.memory_space<vmem>>, vector<16xf32>,
          %get3A_169 = arith.index_cast %scan3A_144 : i32 to index
          %get3A_170 = arith.constant 32 : index
          %get3A_171 = tpu.vector_load %arg26[%get3A_169, %get3A_170] {strides = array<i32>} : memref<128x128xf32, #tpu.memory_space<vmem>>, vector<16xf32>,
          %div3A_172 = arith.divf %get3A_171, %max3A_156 : vector<16xf32>
          %swap3A_173 = arith.index_cast %scan3A_144 : i32 to index
          %swap3A_174 = arith.constant 32 : index
          %swap3A_175 = tpu.vector_load %arg26[%swap3A_173, %swap3A_174] {strides = array<i32>} : memref<128x128xf32, #tpu.memory_space<vmem>>, vector<16xf32>,
          tpu.vector_store %arg26[%swap3A_173, %swap3A_174], %div3A_172 {strides = array<i32>} : memref<128x128xf32, #tpu.memory_space<vmem>>, vector<16xf32>,
          %get3A_176 = arith.index_cast %scan3A_144 : i32 to index
          %get3A_177 = arith.constant 48 : index
          %get3A_178 = tpu.vector_load %arg26[%get3A_176, %get3A_177] {strides = array<i32>} : memref<128x128xf32, #tpu.memory_space<vmem>>, vector<16xf32>,
          %div3A_179 = arith.divf %get3A_178, %max3A_156 : vector<16xf32>
          %swap3A_180 = arith.index_cast %scan3A_144 : i32 to index
          %swap3A_181 = arith.constant 48 : index
          %swap3A_182 = tpu.vector_load %arg26[%swap3A_180, %swap3A_181] {strides = array<i32>} : memref<128x128xf32, #tpu.memory_space<vmem>>, vector<16xf32>,
          tpu.vector_store %arg26[%swap3A_180, %swap3A_181], %div3A_179 {strides = array<i32>} : memref<128x128xf32, #tpu.memory_space<vmem>>, vector<16xf32>,
          %get3A_183 = arith.index_cast %scan3A_144 : i32 to index
          %get3A_184 = arith.constant 64 : index
          %get3A_185 = tpu.vector_load %arg26[%get3A_183, %get3A_184] {strides = array<i32>} : memref<128x128xf32, #tpu.memory_space<vmem>>, vector<16xf32>,
          %div3A_186 = arith.divf %get3A_185, %max3A_156 : vector<16xf32>
          %swap3A_187 = arith.index_cast %scan3A_144 : i32 to index
          %swap3A_188 = arith.constant 64 : index
          %swap3A_189 = tpu.vector_load %arg26[%swap3A_187, %swap3A_188] {strides = array<i32>} : memref<128x128xf32, #tpu.memory_space<vmem>>, vector<16xf32>,
          tpu.vector_store %arg26[%swap3A_187, %swap3A_188], %div3A_186 {strides = array<i32>} : memref<128x128xf32, #tpu.memory_space<vmem>>, vector<16xf32>,
          %get3A_190 = arith.index_cast %scan3A_144 : i32 to index
          %get3A_191 = arith.constant 80 : index
          %get3A_192 = tpu.vector_load %arg26[%get3A_190, %get3A_191] {strides = array<i32>} : memref<128x128xf32, #tpu.memory_space<vmem>>, vector<16xf32>,
          %div3A_193 = arith.divf %get3A_192, %max3A_156 : vector<16xf32>
          %swap3A_194 = arith.index_cast %scan3A_144 : i32 to index
          %swap3A_195 = arith.constant 80 : index
          %swap3A_196 = tpu.vector_load %arg26[%swap3A_194, %swap3A_195] {strides = array<i32>} : memref<128x128xf32, #tpu.memory_space<vmem>>, vector<16xf32>,
          tpu.vector_store %arg26[%swap3A_194, %swap3A_195], %div3A_193 {strides = array<i32>} : memref<128x128xf32, #tpu.memory_space<vmem>>, vector<16xf32>,
          %get3A_197 = arith.index_cast %scan3A_144 : i32 to index
          %get3A_198 = arith.constant 96 : index
          %get3A_199 = tpu.vector_load %arg26[%get3A_197, %get3A_198] {strides = array<i32>} : memref<128x128xf32, #tpu.memory_space<vmem>>, vector<16xf32>,
          %div3A_200 = arith.divf %get3A_199, %max3A_156 : vector<16xf32>
          %swap3A_201 = arith.index_cast %scan3A_144 : i32 to index
          %swap3A_202 = arith.constant 96 : index
          %swap3A_203 = tpu.vector_load %arg26[%swap3A_201, %swap3A_202] {strides = array<i32>} : memref<128x128xf32, #tpu.memory_space<vmem>>, vector<16xf32>,
          tpu.vector_store %arg26[%swap3A_201, %swap3A_202], %div3A_200 {strides = array<i32>} : memref<128x128xf32, #tpu.memory_space<vmem>>, vector<16xf32>,
          %get3A_204 = arith.index_cast %scan3A_144 : i32 to index
          %get3A_205 = arith.constant 112 : index
          %get3A_206 = tpu.vector_load %arg26[%get3A_204, %get3A_205] {strides = array<i32>} : memref<128x128xf32, #tpu.memory_space<vmem>>, vector<16xf32>,
          %div3A_207 = arith.divf %get3A_206, %max3A_156 : vector<16xf32>
          %swap3A_208 = arith.index_cast %scan3A_144 : i32 to index
          %swap3A_209 = arith.constant 112 : index
          %swap3A_210 = tpu.vector_load %arg26[%swap3A_208, %swap3A_209] {strides = array<i32>} : memref<128x128xf32, #tpu.memory_space<vmem>>, vector<16xf32>,
          tpu.vector_store %arg26[%swap3A_208, %swap3A_209], %div3A_207 {strides = array<i32>} : memref<128x128xf32, #tpu.memory_space<vmem>>, vector<16xf32>,
        }
        %scan3A_136 = arith.constant 128 : i32
        %mul3A_137 = arith.constant 128 : i32
        %mul3A_138 = arith.muli %scan3A_126, %mul3A_137 : i32
        %scan3A_139 = arith.constant 0 : i32
        %scan3A_140 = arith.constant 128 : i32
        %scan3A_141 = arith.addi %scan3A_139, %scan3A_140 : i32
        %scan3A_142 = arith.constant 1 : i32
        scf.for %scan3A_144 = %scan3A_139 to %scan3A_141 step %scan3A_142  : i32 {
          %add3A_145 = arith.addi %mul3A_138, %scan3A_144 : i32
          %broadcast_in_dim3A_146 = arith.constant 0 : i32
          %broadcast_in_dim3A_147 = vector.broadcast %broadcast_in_dim3A_146 : i32 to vector<16xi32>
          %add3A_148 = vector.broadcast %add3A_145 : i32 to vector<16xi32>
          %add3A_149 = arith.addi %broadcast_in_dim3A_147, %add3A_148 : vector<16xi32>
          %shift_right_logical3A = arith.constant 7 : i32
          %shift_right_logical3A_150 = vector.broadcast %shift_right_logical3A : i32 to vector<16xi32>
          %shift_right_logical3A_151 = arith.shrui %add3A_149, %shift_right_logical3A_150 : vector<16xi32>
          %and3A_152 = arith.constant 127 : i32
          %and3A_153 = vector.broadcast %and3A_152 : i32 to vector<16xi32>
          %and3A_154 = arith.andi %add3A_149, %and3A_153 : vector<16xi32>
          %gather3A = tpu.vector_load_idx %arg29[%shift_right_logical3A_151, %and3A_154] : memref<5x128xf32, #tpu.memory_space<vmem>>[vector<16xi32>, vector<16xi32>], vector<16xf32>,
          %gt3A = arith.constant 0.000000e+00 : f32
          %gt3A_155 = vector.broadcast %gt3A : f32 to vector<16xf32>
          %gt3A_156 = arith.cmpf ogt, %gather3A, %gt3A_155 : vector<16xf32>
          %jit3A = arith.constant 1.000000e+00 : f32
          %jit3A_157 = arith.constant 0.000000e+00 : f32
          %broadcast_in_dim3A_158 = vector.broadcast %jit3A : f32 to vector<16xf32>
          %broadcast_in_dim3A_159 = vector.broadcast %jit3A_157 : f32 to vector<16xf32>
          %select_n3A = arith.select %gt3A_156, %broadcast_in_dim3A_158, %broadcast_in_dim3A_159 : vector<16xi1>, vector<16xf32>
          %swap3A_160 = arith.index_cast %scan3A_144 : i32 to index
          %swap3A_161 = arith.constant 0 : index
          %swap3A_162 = tpu.vector_load %arg27[%swap3A_160, %swap3A_161] {strides = array<i32>} : memref<128x128xf32, #tpu.memory_space<vmem>>, vector<16xf32>,
          tpu.vector_store %arg27[%swap3A_160, %swap3A_161], %select_n3A {strides = array<i32>} : memref<128x128xf32, #tpu.memory_space<vmem>>, vector<16xf32>,
          %swap3A_163 = arith.index_cast %scan3A_144 : i32 to index
          %swap3A_164 = arith.constant 16 : index
          %swap3A_165 = tpu.vector_load %arg27[%swap3A_163, %swap3A_164] {strides = array<i32>} : memref<128x128xf32, #tpu.memory_space<vmem>>, vector<16xf32>,
          tpu.vector_store %arg27[%swap3A_163, %swap3A_164], %select_n3A {strides = array<i32>} : memref<128x128xf32, #tpu.memory_space<vmem>>, vector<16xf32>,
          %swap3A_166 = arith.index_cast %scan3A_144 : i32 to index
          %swap3A_167 = arith.constant 32 : index
          %swap3A_168 = tpu.vector_load %arg27[%swap3A_166, %swap3A_167] {strides = array<i32>} : memref<128x128xf32, #tpu.memory_space<vmem>>, vector<16xf32>,
          tpu.vector_store %arg27[%swap3A_166, %swap3A_167], %select_n3A {strides = array<i32>} : memref<128x128xf32, #tpu.memory_space<vmem>>, vector<16xf32>,
          %swap3A_169 = arith.index_cast %scan3A_144 : i32 to index
          %swap3A_170 = arith.constant 48 : index
          %swap3A_171 = tpu.vector_load %arg27[%swap3A_169, %swap3A_170] {strides = array<i32>} : memref<128x128xf32, #tpu.memory_space<vmem>>, vector<16xf32>,
          tpu.vector_store %arg27[%swap3A_169, %swap3A_170], %select_n3A {strides = array<i32>} : memref<128x128xf32, #tpu.memory_space<vmem>>, vector<16xf32>,
          %swap3A_172 = arith.index_cast %scan3A_144 : i32 to index
          %swap3A_173 = arith.constant 64 : index
          %swap3A_174 = tpu.vector_load %arg27[%swap3A_172, %swap3A_173] {strides = array<i32>} : memref<128x128xf32, #tpu.memory_space<vmem>>, vector<16xf32>,
          tpu.vector_store %arg27[%swap3A_172, %swap3A_173], %select_n3A {strides = array<i32>} : memref<128x128xf32, #tpu.memory_space<vmem>>, vector<16xf32>,
          %swap3A_175 = arith.index_cast %scan3A_144 : i32 to index
          %swap3A_176 = arith.constant 80 : index
          %swap3A_177 = tpu.vector_load %arg27[%swap3A_175, %swap3A_176] {strides = array<i32>} : memref<128x128xf32, #tpu.memory_space<vmem>>, vector<16xf32>,
          tpu.vector_store %arg27[%swap3A_175, %swap3A_176], %select_n3A {strides = array<i32>} : memref<128x128xf32, #tpu.memory_space<vmem>>, vector<16xf32>,
          %swap3A_178 = arith.index_cast %scan3A_144 : i32 to index
          %swap3A_179 = arith.constant 96 : index
          %swap3A_180 = tpu.vector_load %arg27[%swap3A_178, %swap3A_179] {strides = array<i32>} : memref<128x128xf32, #tpu.memory_space<vmem>>, vector<16xf32>,
          tpu.vector_store %arg27[%swap3A_178, %swap3A_179], %select_n3A {strides = array<i32>} : memref<128x128xf32, #tpu.memory_space<vmem>>, vector<16xf32>,
          %swap3A_181 = arith.index_cast %scan3A_144 : i32 to index
          %swap3A_182 = arith.constant 112 : index
          %swap3A_183 = tpu.vector_load %arg27[%swap3A_181, %swap3A_182] {strides = array<i32>} : memref<128x128xf32, #tpu.memory_space<vmem>>, vector<16xf32>,
          tpu.vector_store %arg27[%swap3A_181, %swap3A_182], %select_n3A {strides = array<i32>} : memref<128x128xf32, #tpu.memory_space<vmem>>, vector<16xf32>,
        }
        %scan3A_143 = arith.constant 128 : i32
        "tpu.region"() ({
          %run_scoped3A_144 = tpu.sem_alloc : memref<!tpu.dma_semaphore, #tpu.memory_space<semaphore_mem>>
          %dma_start3A = arith.constant 0 : i32
          %dma_start3A_145 = tpu.memref_slice %arg12[%add3A_129, %dma_start3A] : memref<10240x128xf32, #tpu.memory_space<hbm>> -> memref<128x128xf32, #tpu.memory_space<hbm>>
          %dma_start3A_146 = arith.constant 0 : i32
          %dma_start3A_147 = tpu.memref_slice %arg12[%add3A_129, %dma_start3A_146] : memref<10240x128xf32, #tpu.memory_space<hbm>> -> memref<128x128xf32, #tpu.memory_space<hbm>>
          tpu.enqueue_dma source(%arg26 : memref<128x128xf32, #tpu.memory_space<vmem>>) target(%dma_start3A_147 : memref<128x128xf32, #tpu.memory_space<hbm>>) target_semaphore(%run_scoped3A_144 : memref<!tpu.dma_semaphore, #tpu.memory_space<semaphore_mem>>)
          %dma_wait3A = arith.constant 0 : i32
          %dma_wait3A_148 = tpu.memref_slice %arg12[%add3A_129, %dma_wait3A] : memref<10240x128xf32, #tpu.memory_space<hbm>> -> memref<128x128xf32, #tpu.memory_space<hbm>>
          %dma_wait3A_149 = arith.constant 0 : i32
          %dma_wait3A_150 = tpu.memref_slice %arg12[%add3A_129, %dma_wait3A_149] : memref<10240x128xf32, #tpu.memory_space<hbm>> -> memref<128x128xf32, #tpu.memory_space<hbm>>
          tpu.wait_dma2 semaphore(%run_scoped3A_144 : memref<!tpu.dma_semaphore, #tpu.memory_space<semaphore_mem>>) src(%arg26 : memref<128x128xf32, #tpu.memory_space<vmem>>) dst(%dma_wait3A_150 : memref<128x128xf32, #tpu.memory_space<hbm>>)
          tpu.yield
        }) : () -> ()
        "tpu.region"() ({
          %run_scoped3A_144 = tpu.sem_alloc : memref<!tpu.dma_semaphore, #tpu.memory_space<semaphore_mem>>
          %dma_start3A = arith.constant 0 : i32
          %dma_start3A_145 = tpu.memref_slice %arg30[%scan3A_126, %dma_start3A] : memref<5x128xi32, #tpu.memory_space<vmem>> -> memref<1x128xi32, #tpu.memory_space<vmem>>
          %dma_start3A_146 = tpu.memref_squeeze %dma_start3A_145 : memref<1x128xi32, #tpu.memory_space<vmem>> -> memref<128xi32, #tpu.memory_space<vmem>>
          %dma_start3A_147 = arith.constant 0 : i32
          %dma_start3A_148 = arith.constant 0 : i32
          %dma_start3A_149 = tpu.memref_slice %arg36[%dma_start3A_147, %dma_start3A_148] : memref<32x128xf32, #tpu.memory_space<vmem_shared>> -> memref<32x128xf32, #tpu.memory_space<vmem_shared>>
          tpu.enqueue_indirect_dma source(%arg26 : memref<128x128xf32, #tpu.memory_space<vmem>>) target(%dma_start3A_149 : memref<32x128xf32, #tpu.memory_space<vmem_shared>>) offsets(%dma_start3A_146 : memref<128xi32, #tpu.memory_space<vmem>>) semaphore(%run_scoped3A_144 : memref<!tpu.dma_semaphore, #tpu.memory_space<semaphore_mem>>) {add = true}
          %dma_wait3A = arith.constant 0 : i32
          %dma_wait3A_150 = tpu.memref_slice %arg30[%scan3A_126, %dma_wait3A] : memref<5x128xi32, #tpu.memory_space<vmem>> -> memref<1x128xi32, #tpu.memory_space<vmem>>
          %dma_wait3A_151 = tpu.memref_squeeze %dma_wait3A_150 : memref<1x128xi32, #tpu.memory_space<vmem>> -> memref<128xi32, #tpu.memory_space<vmem>>
          %dma_wait3A_152 = arith.constant 0 : i32
          %dma_wait3A_153 = arith.constant 0 : i32
          %dma_wait3A_154 = tpu.memref_slice %arg36[%dma_wait3A_152, %dma_wait3A_153] : memref<32x128xf32, #tpu.memory_space<vmem_shared>> -> memref<32x128xf32, #tpu.memory_space<vmem_shared>>
          tpu.wait_indirect_dma semaphore(%run_scoped3A_144 : memref<!tpu.dma_semaphore, #tpu.memory_space<semaphore_mem>>) src(%arg26 : memref<128x128xf32, #tpu.memory_space<vmem>>) dst(%dma_wait3A_154 : memref<32x128xf32, #tpu.memory_space<vmem_shared>>)
          tpu.yield
        }) : () -> ()
        "tpu.region"() ({
          %run_scoped3A_144 = tpu.sem_alloc : memref<!tpu.dma_semaphore, #tpu.memory_space<semaphore_mem>>
          %dma_start3A = arith.constant 0 : i32
          %dma_start3A_145 = tpu.memref_slice %arg30[%scan3A_126, %dma_start3A] : memref<5x128xi32, #tpu.memory_space<vmem>> -> memref<1x128xi32, #tpu.memory_space<vmem>>
          %dma_start3A_146 = tpu.memref_squeeze %dma_start3A_145 : memref<1x128xi32, #tpu.memory_space<vmem>> -> memref<128xi32, #tpu.memory_space<vmem>>
          %dma_start3A_147 = arith.constant 0 : i32
          %dma_start3A_148 = arith.constant 0 : i32
          %dma_start3A_149 = tpu.memref_slice %arg38[%dma_start3A_147, %dma_start3A_148] : memref<32x128xf32, #tpu.memory_space<vmem_shared>> -> memref<32x128xf32, #tpu.memory_space<vmem_shared>>
          tpu.enqueue_indirect_dma source(%arg27 : memref<128x128xf32, #tpu.memory_space<vmem>>) target(%dma_start3A_149 : memref<32x128xf32, #tpu.memory_space<vmem_shared>>) offsets(%dma_start3A_146 : memref<128xi32, #tpu.memory_space<vmem>>) semaphore(%run_scoped3A_144 : memref<!tpu.dma_semaphore, #tpu.memory_space<semaphore_mem>>) {add = true}
          %dma_wait3A = arith.constant 0 : i32
          %dma_wait3A_150 = tpu.memref_slice %arg30[%scan3A_126, %dma_wait3A] : memref<5x128xi32, #tpu.memory_space<vmem>> -> memref<1x128xi32, #tpu.memory_space<vmem>>
          %dma_wait3A_151 = tpu.memref_squeeze %dma_wait3A_150 : memref<1x128xi32, #tpu.memory_space<vmem>> -> memref<128xi32, #tpu.memory_space<vmem>>
          %dma_wait3A_152 = arith.constant 0 : i32
          %dma_wait3A_153 = arith.constant 0 : i32
          %dma_wait3A_154 = tpu.memref_slice %arg38[%dma_wait3A_152, %dma_wait3A_153] : memref<32x128xf32, #tpu.memory_space<vmem_shared>> -> memref<32x128xf32, #tpu.memory_space<vmem_shared>>
          tpu.wait_indirect_dma semaphore(%run_scoped3A_144 : memref<!tpu.dma_semaphore, #tpu.memory_space<semaphore_mem>>) src(%arg27 : memref<128x128xf32, #tpu.memory_space<vmem>>) dst(%dma_wait3A_154 : memref<32x128xf32, #tpu.memory_space<vmem_shared>>)
          tpu.yield
        }) : () -> ()
        "tpu.region"() ({
          %run_scoped3A_144 = tpu.sem_alloc : memref<!tpu.dma_semaphore, #tpu.memory_space<semaphore_mem>>
          %dma_start3A = arith.constant 0 : i32
          %dma_start3A_145 = tpu.memref_slice %arg2[%add3A_129, %dma_start3A] : memref<10240x128xf32, #tpu.memory_space<hbm>> -> memref<128x128xf32, #tpu.memory_space<hbm>>
          %dma_start3A_146 = arith.constant 0 : i32
          %dma_start3A_147 = tpu.memref_slice %arg2[%add3A_129, %dma_start3A_146] : memref<10240x128xf32, #tpu.memory_space<hbm>> -> memref<128x128xf32, #tpu.memory_space<hbm>>
          tpu.enqueue_dma source(%dma_start3A_147 : memref<128x128xf32, #tpu.memory_space<hbm>>) target(%arg26 : memref<128x128xf32, #tpu.memory_space<vmem>>) target_semaphore(%run_scoped3A_144 : memref<!tpu.dma_semaphore, #tpu.memory_space<semaphore_mem>>)
          %dma_wait3A = arith.constant 0 : i32
          %dma_wait3A_148 = tpu.memref_slice %arg2[%add3A_129, %dma_wait3A] : memref<10240x128xf32, #tpu.memory_space<hbm>> -> memref<128x128xf32, #tpu.memory_space<hbm>>
          %dma_wait3A_149 = arith.constant 0 : i32
          %dma_wait3A_150 = tpu.memref_slice %arg2[%add3A_129, %dma_wait3A_149] : memref<10240x128xf32, #tpu.memory_space<hbm>> -> memref<128x128xf32, #tpu.memory_space<hbm>>
          tpu.wait_dma2 semaphore(%run_scoped3A_144 : memref<!tpu.dma_semaphore, #tpu.memory_space<semaphore_mem>>) src(%dma_wait3A_150 : memref<128x128xf32, #tpu.memory_space<hbm>>) dst(%arg26 : memref<128x128xf32, #tpu.memory_space<vmem>>)
          tpu.yield
        }) : () -> ()
        "tpu.region"() ({
          %run_scoped3A_144 = tpu.sem_alloc : memref<!tpu.dma_semaphore, #tpu.memory_space<semaphore_mem>>
          %dma_start3A = arith.constant 0 : i32
          %dma_start3A_145 = tpu.memref_slice %arg30[%scan3A_126, %dma_start3A] : memref<5x128xi32, #tpu.memory_space<vmem>> -> memref<1x128xi32, #tpu.memory_space<vmem>>
          %dma_start3A_146 = tpu.memref_squeeze %dma_start3A_145 : memref<1x128xi32, #tpu.memory_space<vmem>> -> memref<128xi32, #tpu.memory_space<vmem>>
          %dma_start3A_147 = arith.constant 0 : i32
          %dma_start3A_148 = arith.constant 0 : i32
          %dma_start3A_149 = tpu.memref_slice %arg35[%dma_start3A_147, %dma_start3A_148] : memref<32x128xf32, #tpu.memory_space<vmem_shared>> -> memref<32x128xf32, #tpu.memory_space<vmem_shared>>
          tpu.enqueue_indirect_dma source(%arg26 : memref<128x128xf32, #tpu.memory_space<vmem>>) target(%dma_start3A_149 : memref<32x128xf32, #tpu.memory_space<vmem_shared>>) offsets(%dma_start3A_146 : memref<128xi32, #tpu.memory_space<vmem>>) semaphore(%run_scoped3A_144 : memref<!tpu.dma_semaphore, #tpu.memory_space<semaphore_mem>>) {add = true}
          %dma_wait3A = arith.constant 0 : i32
          %dma_wait3A_150 = tpu.memref_slice %arg30[%scan3A_126, %dma_wait3A] : memref<5x128xi32, #tpu.memory_space<vmem>> -> memref<1x128xi32, #tpu.memory_space<vmem>>
          %dma_wait3A_151 = tpu.memref_squeeze %dma_wait3A_150 : memref<1x128xi32, #tpu.memory_space<vmem>> -> memref<128xi32, #tpu.memory_space<vmem>>
          %dma_wait3A_152 = arith.constant 0 : i32
          %dma_wait3A_153 = arith.constant 0 : i32
          %dma_wait3A_154 = tpu.memref_slice %arg35[%dma_wait3A_152, %dma_wait3A_153] : memref<32x128xf32, #tpu.memory_space<vmem_shared>> -> memref<32x128xf32, #tpu.memory_space<vmem_shared>>
          tpu.wait_indirect_dma semaphore(%run_scoped3A_144 : memref<!tpu.dma_semaphore, #tpu.memory_space<semaphore_mem>>) src(%arg26 : memref<128x128xf32, #tpu.memory_space<vmem>>) dst(%dma_wait3A_154 : memref<32x128xf32, #tpu.memory_space<vmem_shared>>)
          tpu.yield
        }) : () -> ()
        "tpu.region"() ({
          %run_scoped3A_144 = tpu.sem_alloc : memref<!tpu.dma_semaphore, #tpu.memory_space<semaphore_mem>>
          tpu.enqueue_dma source(%arg11 : memref<128x128xf32, #tpu.memory_space<hbm>>) target(%arg26 : memref<128x128xf32, #tpu.memory_space<vmem>>) target_semaphore(%run_scoped3A_144 : memref<!tpu.dma_semaphore, #tpu.memory_space<semaphore_mem>>)
          tpu.wait_dma2 semaphore(%run_scoped3A_144 : memref<!tpu.dma_semaphore, #tpu.memory_space<semaphore_mem>>) src(%arg11 : memref<128x128xf32, #tpu.memory_space<hbm>>) dst(%arg26 : memref<128x128xf32, #tpu.memory_space<vmem>>)
          tpu.yield
        }) : () -> ()
        "tpu.region"() ({
          %run_scoped3A_144 = tpu.sem_alloc : memref<!tpu.dma_semaphore, #tpu.memory_space<semaphore_mem>>
          %dma_start3A = arith.constant 0 : i32
          %dma_start3A_145 = tpu.memref_slice %arg30[%scan3A_126, %dma_start3A] : memref<5x128xi32, #tpu.memory_space<vmem>> -> memref<1x128xi32, #tpu.memory_space<vmem>>
          %dma_start3A_146 = tpu.memref_squeeze %dma_start3A_145 : memref<1x128xi32, #tpu.memory_space<vmem>> -> memref<128xi32, #tpu.memory_space<vmem>>
          %dma_start3A_147 = arith.constant 0 : i32
          %dma_start3A_148 = arith.constant 0 : i32
          %dma_start3A_149 = tpu.memref_slice %arg39[%dma_start3A_147, %dma_start3A_148] : memref<32x128xf32, #tpu.memory_space<vmem_shared>> -> memref<32x128xf32, #tpu.memory_space<vmem_shared>>
          tpu.enqueue_indirect_dma source(%arg26 : memref<128x128xf32, #tpu.memory_space<vmem>>) target(%dma_start3A_149 : memref<32x128xf32, #tpu.memory_space<vmem_shared>>) offsets(%dma_start3A_146 : memref<128xi32, #tpu.memory_space<vmem>>) semaphore(%run_scoped3A_144 : memref<!tpu.dma_semaphore, #tpu.memory_space<semaphore_mem>>) {add = true}
          %dma_wait3A = arith.constant 0 : i32
          %dma_wait3A_150 = tpu.memref_slice %arg30[%scan3A_126, %dma_wait3A] : memref<5x128xi32, #tpu.memory_space<vmem>> -> memref<1x128xi32, #tpu.memory_space<vmem>>
          %dma_wait3A_151 = tpu.memref_squeeze %dma_wait3A_150 : memref<1x128xi32, #tpu.memory_space<vmem>> -> memref<128xi32, #tpu.memory_space<vmem>>
          %dma_wait3A_152 = arith.constant 0 : i32
          %dma_wait3A_153 = arith.constant 0 : i32
          %dma_wait3A_154 = tpu.memref_slice %arg39[%dma_wait3A_152, %dma_wait3A_153] : memref<32x128xf32, #tpu.memory_space<vmem_shared>> -> memref<32x128xf32, #tpu.memory_space<vmem_shared>>
          tpu.wait_indirect_dma semaphore(%run_scoped3A_144 : memref<!tpu.dma_semaphore, #tpu.memory_space<semaphore_mem>>) src(%arg26 : memref<128x128xf32, #tpu.memory_space<vmem>>) dst(%dma_wait3A_154 : memref<32x128xf32, #tpu.memory_space<vmem_shared>>)
          tpu.yield
        }) : () -> ()
      }
      %scan3A_125 = arith.constant 5 : i32
    } else {
    }
    %eq3A_75 = arith.constant 1 : i32
    %eq3A_76 = arith.cmpi eq, %arg0, %eq3A_75 : i32
    %convert_element_type3A_77 = arith.extui %eq3A_76 : i1 to i32
    %cond3A_78 = arith.constant 0 : i32
    %cond3A_79 = arith.cmpi ne, %convert_element_type3A_77, %cond3A_78 : i32
    scf.if %cond3A_79 {
      %scan3A_120 = arith.constant 0 : i32
      %scan3A_121 = arith.constant 0 : i32
      %scan3A_122 = arith.constant 5 : i32
      %scan3A_123 = arith.addi %scan3A_121, %scan3A_122 : i32
      %scan3A_124 = arith.constant 1 : i32
      scf.for %scan3A_126 = %scan3A_121 to %scan3A_123 step %scan3A_124  : i32 {
        %mul3A_127 = arith.constant 128 : i32
        %mul3A_128 = arith.muli %scan3A_126, %mul3A_127 : i32
        %add3A_129 = arith.addi %mul3A_0, %mul3A_128 : i32
        "tpu.region"() ({
          %run_scoped3A_144 = tpu.sem_alloc : memref<!tpu.dma_semaphore, #tpu.memory_space<semaphore_mem>>
          %dma_start3A = arith.constant 0 : i32
          %dma_start3A_145 = tpu.memref_slice %arg33[%add3A_129, %dma_start3A] : memref<10240x128xf32, #tpu.memory_space<vmem_shared>> -> memref<128x128xf32, #tpu.memory_space<vmem_shared>>
          %dma_start3A_146 = arith.constant 0 : i32
          %dma_start3A_147 = tpu.memref_slice %arg33[%add3A_129, %dma_start3A_146] : memref<10240x128xf32, #tpu.memory_space<vmem_shared>> -> memref<128x128xf32, #tpu.memory_space<vmem_shared>>
          tpu.enqueue_dma source(%dma_start3A_147 : memref<128x128xf32, #tpu.memory_space<vmem_shared>>) target(%arg26 : memref<128x128xf32, #tpu.memory_space<vmem>>) target_semaphore(%run_scoped3A_144 : memref<!tpu.dma_semaphore, #tpu.memory_space<semaphore_mem>>)
          %dma_wait3A = arith.constant 0 : i32
          %dma_wait3A_148 = tpu.memref_slice %arg33[%add3A_129, %dma_wait3A] : memref<10240x128xf32, #tpu.memory_space<vmem_shared>> -> memref<128x128xf32, #tpu.memory_space<vmem_shared>>
          %dma_wait3A_149 = arith.constant 0 : i32
          %dma_wait3A_150 = tpu.memref_slice %arg33[%add3A_129, %dma_wait3A_149] : memref<10240x128xf32, #tpu.memory_space<vmem_shared>> -> memref<128x128xf32, #tpu.memory_space<vmem_shared>>
          tpu.wait_dma2 semaphore(%run_scoped3A_144 : memref<!tpu.dma_semaphore, #tpu.memory_space<semaphore_mem>>) src(%dma_wait3A_150 : memref<128x128xf32, #tpu.memory_space<vmem_shared>>) dst(%arg26 : memref<128x128xf32, #tpu.memory_space<vmem>>)
          tpu.yield
        }) : () -> ()
        %mul3A_130 = arith.constant 128 : i32
        %mul3A_131 = arith.muli %scan3A_126, %mul3A_130 : i32
        %scan3A_132 = arith.constant 0 : i32
        %scan3A_133 = arith.constant 128 : i32
        %scan3A_134 = arith.addi %scan3A_132, %scan3A_133 : i32
        %scan3A_135 = arith.constant 1 : i32
        scf.for %scan3A_144 = %scan3A_132 to %scan3A_134 step %scan3A_135  : i32 {
          %add3A_145 = arith.addi %mul3A_131, %scan3A_144 : i32
          %broadcast_in_dim3A_146 = arith.constant 0 : i32
          %broadcast_in_dim3A_147 = vector.broadcast %broadcast_in_dim3A_146 : i32 to vector<16xi32>
          %add3A_148 = vector.broadcast %add3A_145 : i32 to vector<16xi32>
          %add3A_149 = arith.addi %broadcast_in_dim3A_147, %add3A_148 : vector<16xi32>
          %shift_right_logical3A = arith.constant 7 : i32
          %shift_right_logical3A_150 = vector.broadcast %shift_right_logical3A : i32 to vector<16xi32>
          %shift_right_logical3A_151 = arith.shrui %add3A_149, %shift_right_logical3A_150 : vector<16xi32>
          %and3A_152 = arith.constant 127 : i32
          %and3A_153 = vector.broadcast %and3A_152 : i32 to vector<16xi32>
          %and3A_154 = arith.andi %add3A_149, %and3A_153 : vector<16xi32>
          %gather3A = tpu.vector_load_idx %arg29[%shift_right_logical3A_151, %and3A_154] : memref<5x128xf32, #tpu.memory_space<vmem>>[vector<16xi32>, vector<16xi32>], vector<16xf32>,
          %max3A = arith.constant 1.000000e+00 : f32
          %max3A_155 = vector.broadcast %max3A : f32 to vector<16xf32>
          %max3A_156 = arith.maximumf %gather3A, %max3A_155 : vector<16xf32>
          %get3A = arith.index_cast %scan3A_144 : i32 to index
          %get3A_157 = arith.constant 0 : index
          %get3A_158 = tpu.vector_load %arg26[%get3A, %get3A_157] {strides = array<i32>} : memref<128x128xf32, #tpu.memory_space<vmem>>, vector<16xf32>,
          %div3A = arith.divf %get3A_158, %max3A_156 : vector<16xf32>
          %swap3A_159 = arith.index_cast %scan3A_144 : i32 to index
          %swap3A_160 = arith.constant 0 : index
          %swap3A_161 = tpu.vector_load %arg26[%swap3A_159, %swap3A_160] {strides = array<i32>} : memref<128x128xf32, #tpu.memory_space<vmem>>, vector<16xf32>,
          tpu.vector_store %arg26[%swap3A_159, %swap3A_160], %div3A {strides = array<i32>} : memref<128x128xf32, #tpu.memory_space<vmem>>, vector<16xf32>,
          %get3A_162 = arith.index_cast %scan3A_144 : i32 to index
          %get3A_163 = arith.constant 16 : index
          %get3A_164 = tpu.vector_load %arg26[%get3A_162, %get3A_163] {strides = array<i32>} : memref<128x128xf32, #tpu.memory_space<vmem>>, vector<16xf32>,
          %div3A_165 = arith.divf %get3A_164, %max3A_156 : vector<16xf32>
          %swap3A_166 = arith.index_cast %scan3A_144 : i32 to index
          %swap3A_167 = arith.constant 16 : index
          %swap3A_168 = tpu.vector_load %arg26[%swap3A_166, %swap3A_167] {strides = array<i32>} : memref<128x128xf32, #tpu.memory_space<vmem>>, vector<16xf32>,
          tpu.vector_store %arg26[%swap3A_166, %swap3A_167], %div3A_165 {strides = array<i32>} : memref<128x128xf32, #tpu.memory_space<vmem>>, vector<16xf32>,
          %get3A_169 = arith.index_cast %scan3A_144 : i32 to index
          %get3A_170 = arith.constant 32 : index
          %get3A_171 = tpu.vector_load %arg26[%get3A_169, %get3A_170] {strides = array<i32>} : memref<128x128xf32, #tpu.memory_space<vmem>>, vector<16xf32>,
          %div3A_172 = arith.divf %get3A_171, %max3A_156 : vector<16xf32>
          %swap3A_173 = arith.index_cast %scan3A_144 : i32 to index
          %swap3A_174 = arith.constant 32 : index
          %swap3A_175 = tpu.vector_load %arg26[%swap3A_173, %swap3A_174] {strides = array<i32>} : memref<128x128xf32, #tpu.memory_space<vmem>>, vector<16xf32>,
          tpu.vector_store %arg26[%swap3A_173, %swap3A_174], %div3A_172 {strides = array<i32>} : memref<128x128xf32, #tpu.memory_space<vmem>>, vector<16xf32>,
          %get3A_176 = arith.index_cast %scan3A_144 : i32 to index
          %get3A_177 = arith.constant 48 : index
          %get3A_178 = tpu.vector_load %arg26[%get3A_176, %get3A_177] {strides = array<i32>} : memref<128x128xf32, #tpu.memory_space<vmem>>, vector<16xf32>,
          %div3A_179 = arith.divf %get3A_178, %max3A_156 : vector<16xf32>
          %swap3A_180 = arith.index_cast %scan3A_144 : i32 to index
          %swap3A_181 = arith.constant 48 : index
          %swap3A_182 = tpu.vector_load %arg26[%swap3A_180, %swap3A_181] {strides = array<i32>} : memref<128x128xf32, #tpu.memory_space<vmem>>, vector<16xf32>,
          tpu.vector_store %arg26[%swap3A_180, %swap3A_181], %div3A_179 {strides = array<i32>} : memref<128x128xf32, #tpu.memory_space<vmem>>, vector<16xf32>,
          %get3A_183 = arith.index_cast %scan3A_144 : i32 to index
          %get3A_184 = arith.constant 64 : index
          %get3A_185 = tpu.vector_load %arg26[%get3A_183, %get3A_184] {strides = array<i32>} : memref<128x128xf32, #tpu.memory_space<vmem>>, vector<16xf32>,
          %div3A_186 = arith.divf %get3A_185, %max3A_156 : vector<16xf32>
          %swap3A_187 = arith.index_cast %scan3A_144 : i32 to index
          %swap3A_188 = arith.constant 64 : index
          %swap3A_189 = tpu.vector_load %arg26[%swap3A_187, %swap3A_188] {strides = array<i32>} : memref<128x128xf32, #tpu.memory_space<vmem>>, vector<16xf32>,
          tpu.vector_store %arg26[%swap3A_187, %swap3A_188], %div3A_186 {strides = array<i32>} : memref<128x128xf32, #tpu.memory_space<vmem>>, vector<16xf32>,
          %get3A_190 = arith.index_cast %scan3A_144 : i32 to index
          %get3A_191 = arith.constant 80 : index
          %get3A_192 = tpu.vector_load %arg26[%get3A_190, %get3A_191] {strides = array<i32>} : memref<128x128xf32, #tpu.memory_space<vmem>>, vector<16xf32>,
          %div3A_193 = arith.divf %get3A_192, %max3A_156 : vector<16xf32>
          %swap3A_194 = arith.index_cast %scan3A_144 : i32 to index
          %swap3A_195 = arith.constant 80 : index
          %swap3A_196 = tpu.vector_load %arg26[%swap3A_194, %swap3A_195] {strides = array<i32>} : memref<128x128xf32, #tpu.memory_space<vmem>>, vector<16xf32>,
          tpu.vector_store %arg26[%swap3A_194, %swap3A_195], %div3A_193 {strides = array<i32>} : memref<128x128xf32, #tpu.memory_space<vmem>>, vector<16xf32>,
          %get3A_197 = arith.index_cast %scan3A_144 : i32 to index
          %get3A_198 = arith.constant 96 : index
          %get3A_199 = tpu.vector_load %arg26[%get3A_197, %get3A_198] {strides = array<i32>} : memref<128x128xf32, #tpu.memory_space<vmem>>, vector<16xf32>,
          %div3A_200 = arith.divf %get3A_199, %max3A_156 : vector<16xf32>
          %swap3A_201 = arith.index_cast %scan3A_144 : i32 to index
          %swap3A_202 = arith.constant 96 : index
          %swap3A_203 = tpu.vector_load %arg26[%swap3A_201, %swap3A_202] {strides = array<i32>} : memref<128x128xf32, #tpu.memory_space<vmem>>, vector<16xf32>,
          tpu.vector_store %arg26[%swap3A_201, %swap3A_202], %div3A_200 {strides = array<i32>} : memref<128x128xf32, #tpu.memory_space<vmem>>, vector<16xf32>,
          %get3A_204 = arith.index_cast %scan3A_144 : i32 to index
          %get3A_205 = arith.constant 112 : index
          %get3A_206 = tpu.vector_load %arg26[%get3A_204, %get3A_205] {strides = array<i32>} : memref<128x128xf32, #tpu.memory_space<vmem>>, vector<16xf32>,
          %div3A_207 = arith.divf %get3A_206, %max3A_156 : vector<16xf32>
          %swap3A_208 = arith.index_cast %scan3A_144 : i32 to index
          %swap3A_209 = arith.constant 112 : index
          %swap3A_210 = tpu.vector_load %arg26[%swap3A_208, %swap3A_209] {strides = array<i32>} : memref<128x128xf32, #tpu.memory_space<vmem>>, vector<16xf32>,
          tpu.vector_store %arg26[%swap3A_208, %swap3A_209], %div3A_207 {strides = array<i32>} : memref<128x128xf32, #tpu.memory_space<vmem>>, vector<16xf32>,
        }
        %scan3A_136 = arith.constant 128 : i32
        %mul3A_137 = arith.constant 128 : i32
        %mul3A_138 = arith.muli %scan3A_126, %mul3A_137 : i32
        %scan3A_139 = arith.constant 0 : i32
        %scan3A_140 = arith.constant 128 : i32
        %scan3A_141 = arith.addi %scan3A_139, %scan3A_140 : i32
        %scan3A_142 = arith.constant 1 : i32
        scf.for %scan3A_144 = %scan3A_139 to %scan3A_141 step %scan3A_142  : i32 {
          %add3A_145 = arith.addi %mul3A_138, %scan3A_144 : i32
          %broadcast_in_dim3A_146 = arith.constant 0 : i32
          %broadcast_in_dim3A_147 = vector.broadcast %broadcast_in_dim3A_146 : i32 to vector<16xi32>
          %add3A_148 = vector.broadcast %add3A_145 : i32 to vector<16xi32>
          %add3A_149 = arith.addi %broadcast_in_dim3A_147, %add3A_148 : vector<16xi32>
          %shift_right_logical3A = arith.constant 7 : i32
          %shift_right_logical3A_150 = vector.broadcast %shift_right_logical3A : i32 to vector<16xi32>
          %shift_right_logical3A_151 = arith.shrui %add3A_149, %shift_right_logical3A_150 : vector<16xi32>
          %and3A_152 = arith.constant 127 : i32
          %and3A_153 = vector.broadcast %and3A_152 : i32 to vector<16xi32>
          %and3A_154 = arith.andi %add3A_149, %and3A_153 : vector<16xi32>
          %gather3A = tpu.vector_load_idx %arg29[%shift_right_logical3A_151, %and3A_154] : memref<5x128xf32, #tpu.memory_space<vmem>>[vector<16xi32>, vector<16xi32>], vector<16xf32>,
          %gt3A = arith.constant 0.000000e+00 : f32
          %gt3A_155 = vector.broadcast %gt3A : f32 to vector<16xf32>
          %gt3A_156 = arith.cmpf ogt, %gather3A, %gt3A_155 : vector<16xf32>
          %jit3A = arith.constant 1.000000e+00 : f32
          %jit3A_157 = arith.constant 0.000000e+00 : f32
          %broadcast_in_dim3A_158 = vector.broadcast %jit3A : f32 to vector<16xf32>
          %broadcast_in_dim3A_159 = vector.broadcast %jit3A_157 : f32 to vector<16xf32>
          %select_n3A = arith.select %gt3A_156, %broadcast_in_dim3A_158, %broadcast_in_dim3A_159 : vector<16xi1>, vector<16xf32>
          %swap3A_160 = arith.index_cast %scan3A_144 : i32 to index
          %swap3A_161 = arith.constant 0 : index
          %swap3A_162 = tpu.vector_load %arg27[%swap3A_160, %swap3A_161] {strides = array<i32>} : memref<128x128xf32, #tpu.memory_space<vmem>>, vector<16xf32>,
          tpu.vector_store %arg27[%swap3A_160, %swap3A_161], %select_n3A {strides = array<i32>} : memref<128x128xf32, #tpu.memory_space<vmem>>, vector<16xf32>,
          %swap3A_163 = arith.index_cast %scan3A_144 : i32 to index
          %swap3A_164 = arith.constant 16 : index
          %swap3A_165 = tpu.vector_load %arg27[%swap3A_163, %swap3A_164] {strides = array<i32>} : memref<128x128xf32, #tpu.memory_space<vmem>>, vector<16xf32>,
          tpu.vector_store %arg27[%swap3A_163, %swap3A_164], %select_n3A {strides = array<i32>} : memref<128x128xf32, #tpu.memory_space<vmem>>, vector<16xf32>,
          %swap3A_166 = arith.index_cast %scan3A_144 : i32 to index
          %swap3A_167 = arith.constant 32 : index
          %swap3A_168 = tpu.vector_load %arg27[%swap3A_166, %swap3A_167] {strides = array<i32>} : memref<128x128xf32, #tpu.memory_space<vmem>>, vector<16xf32>,
          tpu.vector_store %arg27[%swap3A_166, %swap3A_167], %select_n3A {strides = array<i32>} : memref<128x128xf32, #tpu.memory_space<vmem>>, vector<16xf32>,
          %swap3A_169 = arith.index_cast %scan3A_144 : i32 to index
          %swap3A_170 = arith.constant 48 : index
          %swap3A_171 = tpu.vector_load %arg27[%swap3A_169, %swap3A_170] {strides = array<i32>} : memref<128x128xf32, #tpu.memory_space<vmem>>, vector<16xf32>,
          tpu.vector_store %arg27[%swap3A_169, %swap3A_170], %select_n3A {strides = array<i32>} : memref<128x128xf32, #tpu.memory_space<vmem>>, vector<16xf32>,
          %swap3A_172 = arith.index_cast %scan3A_144 : i32 to index
          %swap3A_173 = arith.constant 64 : index
          %swap3A_174 = tpu.vector_load %arg27[%swap3A_172, %swap3A_173] {strides = array<i32>} : memref<128x128xf32, #tpu.memory_space<vmem>>, vector<16xf32>,
          tpu.vector_store %arg27[%swap3A_172, %swap3A_173], %select_n3A {strides = array<i32>} : memref<128x128xf32, #tpu.memory_space<vmem>>, vector<16xf32>,
          %swap3A_175 = arith.index_cast %scan3A_144 : i32 to index
          %swap3A_176 = arith.constant 80 : index
          %swap3A_177 = tpu.vector_load %arg27[%swap3A_175, %swap3A_176] {strides = array<i32>} : memref<128x128xf32, #tpu.memory_space<vmem>>, vector<16xf32>,
          tpu.vector_store %arg27[%swap3A_175, %swap3A_176], %select_n3A {strides = array<i32>} : memref<128x128xf32, #tpu.memory_space<vmem>>, vector<16xf32>,
          %swap3A_178 = arith.index_cast %scan3A_144 : i32 to index
          %swap3A_179 = arith.constant 96 : index
          %swap3A_180 = tpu.vector_load %arg27[%swap3A_178, %swap3A_179] {strides = array<i32>} : memref<128x128xf32, #tpu.memory_space<vmem>>, vector<16xf32>,
          tpu.vector_store %arg27[%swap3A_178, %swap3A_179], %select_n3A {strides = array<i32>} : memref<128x128xf32, #tpu.memory_space<vmem>>, vector<16xf32>,
          %swap3A_181 = arith.index_cast %scan3A_144 : i32 to index
          %swap3A_182 = arith.constant 112 : index
          %swap3A_183 = tpu.vector_load %arg27[%swap3A_181, %swap3A_182] {strides = array<i32>} : memref<128x128xf32, #tpu.memory_space<vmem>>, vector<16xf32>,
          tpu.vector_store %arg27[%swap3A_181, %swap3A_182], %select_n3A {strides = array<i32>} : memref<128x128xf32, #tpu.memory_space<vmem>>, vector<16xf32>,
        }
        %scan3A_143 = arith.constant 128 : i32
        "tpu.region"() ({
          %run_scoped3A_144 = tpu.sem_alloc : memref<!tpu.dma_semaphore, #tpu.memory_space<semaphore_mem>>
          %dma_start3A = arith.constant 0 : i32
          %dma_start3A_145 = tpu.memref_slice %arg13[%add3A_129, %dma_start3A] : memref<10240x128xf32, #tpu.memory_space<hbm>> -> memref<128x128xf32, #tpu.memory_space<hbm>>
          %dma_start3A_146 = arith.constant 0 : i32
          %dma_start3A_147 = tpu.memref_slice %arg13[%add3A_129, %dma_start3A_146] : memref<10240x128xf32, #tpu.memory_space<hbm>> -> memref<128x128xf32, #tpu.memory_space<hbm>>
          tpu.enqueue_dma source(%arg26 : memref<128x128xf32, #tpu.memory_space<vmem>>) target(%dma_start3A_147 : memref<128x128xf32, #tpu.memory_space<hbm>>) target_semaphore(%run_scoped3A_144 : memref<!tpu.dma_semaphore, #tpu.memory_space<semaphore_mem>>)
          %dma_wait3A = arith.constant 0 : i32
          %dma_wait3A_148 = tpu.memref_slice %arg13[%add3A_129, %dma_wait3A] : memref<10240x128xf32, #tpu.memory_space<hbm>> -> memref<128x128xf32, #tpu.memory_space<hbm>>
          %dma_wait3A_149 = arith.constant 0 : i32
          %dma_wait3A_150 = tpu.memref_slice %arg13[%add3A_129, %dma_wait3A_149] : memref<10240x128xf32, #tpu.memory_space<hbm>> -> memref<128x128xf32, #tpu.memory_space<hbm>>
          tpu.wait_dma2 semaphore(%run_scoped3A_144 : memref<!tpu.dma_semaphore, #tpu.memory_space<semaphore_mem>>) src(%arg26 : memref<128x128xf32, #tpu.memory_space<vmem>>) dst(%dma_wait3A_150 : memref<128x128xf32, #tpu.memory_space<hbm>>)
          tpu.yield
        }) : () -> ()
        "tpu.region"() ({
          %run_scoped3A_144 = tpu.sem_alloc : memref<!tpu.dma_semaphore, #tpu.memory_space<semaphore_mem>>
          %dma_start3A = arith.constant 0 : i32
          %dma_start3A_145 = tpu.memref_slice %arg30[%scan3A_126, %dma_start3A] : memref<5x128xi32, #tpu.memory_space<vmem>> -> memref<1x128xi32, #tpu.memory_space<vmem>>
          %dma_start3A_146 = tpu.memref_squeeze %dma_start3A_145 : memref<1x128xi32, #tpu.memory_space<vmem>> -> memref<128xi32, #tpu.memory_space<vmem>>
          %dma_start3A_147 = arith.constant 0 : i32
          %dma_start3A_148 = arith.constant 0 : i32
          %dma_start3A_149 = tpu.memref_slice %arg36[%dma_start3A_147, %dma_start3A_148] : memref<32x128xf32, #tpu.memory_space<vmem_shared>> -> memref<32x128xf32, #tpu.memory_space<vmem_shared>>
          tpu.enqueue_indirect_dma source(%arg26 : memref<128x128xf32, #tpu.memory_space<vmem>>) target(%dma_start3A_149 : memref<32x128xf32, #tpu.memory_space<vmem_shared>>) offsets(%dma_start3A_146 : memref<128xi32, #tpu.memory_space<vmem>>) semaphore(%run_scoped3A_144 : memref<!tpu.dma_semaphore, #tpu.memory_space<semaphore_mem>>) {add = true}
          %dma_wait3A = arith.constant 0 : i32
          %dma_wait3A_150 = tpu.memref_slice %arg30[%scan3A_126, %dma_wait3A] : memref<5x128xi32, #tpu.memory_space<vmem>> -> memref<1x128xi32, #tpu.memory_space<vmem>>
          %dma_wait3A_151 = tpu.memref_squeeze %dma_wait3A_150 : memref<1x128xi32, #tpu.memory_space<vmem>> -> memref<128xi32, #tpu.memory_space<vmem>>
          %dma_wait3A_152 = arith.constant 0 : i32
          %dma_wait3A_153 = arith.constant 0 : i32
          %dma_wait3A_154 = tpu.memref_slice %arg36[%dma_wait3A_152, %dma_wait3A_153] : memref<32x128xf32, #tpu.memory_space<vmem_shared>> -> memref<32x128xf32, #tpu.memory_space<vmem_shared>>
          tpu.wait_indirect_dma semaphore(%run_scoped3A_144 : memref<!tpu.dma_semaphore, #tpu.memory_space<semaphore_mem>>) src(%arg26 : memref<128x128xf32, #tpu.memory_space<vmem>>) dst(%dma_wait3A_154 : memref<32x128xf32, #tpu.memory_space<vmem_shared>>)
          tpu.yield
        }) : () -> ()
        "tpu.region"() ({
          %run_scoped3A_144 = tpu.sem_alloc : memref<!tpu.dma_semaphore, #tpu.memory_space<semaphore_mem>>
          %dma_start3A = arith.constant 0 : i32
          %dma_start3A_145 = tpu.memref_slice %arg30[%scan3A_126, %dma_start3A] : memref<5x128xi32, #tpu.memory_space<vmem>> -> memref<1x128xi32, #tpu.memory_space<vmem>>
          %dma_start3A_146 = tpu.memref_squeeze %dma_start3A_145 : memref<1x128xi32, #tpu.memory_space<vmem>> -> memref<128xi32, #tpu.memory_space<vmem>>
          %dma_start3A_147 = arith.constant 0 : i32
          %dma_start3A_148 = arith.constant 0 : i32
          %dma_start3A_149 = tpu.memref_slice %arg38[%dma_start3A_147, %dma_start3A_148] : memref<32x128xf32, #tpu.memory_space<vmem_shared>> -> memref<32x128xf32, #tpu.memory_space<vmem_shared>>
          tpu.enqueue_indirect_dma source(%arg27 : memref<128x128xf32, #tpu.memory_space<vmem>>) target(%dma_start3A_149 : memref<32x128xf32, #tpu.memory_space<vmem_shared>>) offsets(%dma_start3A_146 : memref<128xi32, #tpu.memory_space<vmem>>) semaphore(%run_scoped3A_144 : memref<!tpu.dma_semaphore, #tpu.memory_space<semaphore_mem>>) {add = true}
          %dma_wait3A = arith.constant 0 : i32
          %dma_wait3A_150 = tpu.memref_slice %arg30[%scan3A_126, %dma_wait3A] : memref<5x128xi32, #tpu.memory_space<vmem>> -> memref<1x128xi32, #tpu.memory_space<vmem>>
          %dma_wait3A_151 = tpu.memref_squeeze %dma_wait3A_150 : memref<1x128xi32, #tpu.memory_space<vmem>> -> memref<128xi32, #tpu.memory_space<vmem>>
          %dma_wait3A_152 = arith.constant 0 : i32
          %dma_wait3A_153 = arith.constant 0 : i32
          %dma_wait3A_154 = tpu.memref_slice %arg38[%dma_wait3A_152, %dma_wait3A_153] : memref<32x128xf32, #tpu.memory_space<vmem_shared>> -> memref<32x128xf32, #tpu.memory_space<vmem_shared>>
          tpu.wait_indirect_dma semaphore(%run_scoped3A_144 : memref<!tpu.dma_semaphore, #tpu.memory_space<semaphore_mem>>) src(%arg27 : memref<128x128xf32, #tpu.memory_space<vmem>>) dst(%dma_wait3A_154 : memref<32x128xf32, #tpu.memory_space<vmem_shared>>)
          tpu.yield
        }) : () -> ()
        "tpu.region"() ({
          %run_scoped3A_144 = tpu.sem_alloc : memref<!tpu.dma_semaphore, #tpu.memory_space<semaphore_mem>>
          %dma_start3A = arith.constant 0 : i32
          %dma_start3A_145 = tpu.memref_slice %arg3[%add3A_129, %dma_start3A] : memref<10240x128xf32, #tpu.memory_space<hbm>> -> memref<128x128xf32, #tpu.memory_space<hbm>>
          %dma_start3A_146 = arith.constant 0 : i32
          %dma_start3A_147 = tpu.memref_slice %arg3[%add3A_129, %dma_start3A_146] : memref<10240x128xf32, #tpu.memory_space<hbm>> -> memref<128x128xf32, #tpu.memory_space<hbm>>
          tpu.enqueue_dma source(%dma_start3A_147 : memref<128x128xf32, #tpu.memory_space<hbm>>) target(%arg26 : memref<128x128xf32, #tpu.memory_space<vmem>>) target_semaphore(%run_scoped3A_144 : memref<!tpu.dma_semaphore, #tpu.memory_space<semaphore_mem>>)
          %dma_wait3A = arith.constant 0 : i32
          %dma_wait3A_148 = tpu.memref_slice %arg3[%add3A_129, %dma_wait3A] : memref<10240x128xf32, #tpu.memory_space<hbm>> -> memref<128x128xf32, #tpu.memory_space<hbm>>
          %dma_wait3A_149 = arith.constant 0 : i32
          %dma_wait3A_150 = tpu.memref_slice %arg3[%add3A_129, %dma_wait3A_149] : memref<10240x128xf32, #tpu.memory_space<hbm>> -> memref<128x128xf32, #tpu.memory_space<hbm>>
          tpu.wait_dma2 semaphore(%run_scoped3A_144 : memref<!tpu.dma_semaphore, #tpu.memory_space<semaphore_mem>>) src(%dma_wait3A_150 : memref<128x128xf32, #tpu.memory_space<hbm>>) dst(%arg26 : memref<128x128xf32, #tpu.memory_space<vmem>>)
          tpu.yield
        }) : () -> ()
        "tpu.region"() ({
          %run_scoped3A_144 = tpu.sem_alloc : memref<!tpu.dma_semaphore, #tpu.memory_space<semaphore_mem>>
          %dma_start3A = arith.constant 0 : i32
          %dma_start3A_145 = tpu.memref_slice %arg30[%scan3A_126, %dma_start3A] : memref<5x128xi32, #tpu.memory_space<vmem>> -> memref<1x128xi32, #tpu.memory_space<vmem>>
          %dma_start3A_146 = tpu.memref_squeeze %dma_start3A_145 : memref<1x128xi32, #tpu.memory_space<vmem>> -> memref<128xi32, #tpu.memory_space<vmem>>
          %dma_start3A_147 = arith.constant 0 : i32
          %dma_start3A_148 = arith.constant 0 : i32
          %dma_start3A_149 = tpu.memref_slice %arg35[%dma_start3A_147, %dma_start3A_148] : memref<32x128xf32, #tpu.memory_space<vmem_shared>> -> memref<32x128xf32, #tpu.memory_space<vmem_shared>>
          tpu.enqueue_indirect_dma source(%arg26 : memref<128x128xf32, #tpu.memory_space<vmem>>) target(%dma_start3A_149 : memref<32x128xf32, #tpu.memory_space<vmem_shared>>) offsets(%dma_start3A_146 : memref<128xi32, #tpu.memory_space<vmem>>) semaphore(%run_scoped3A_144 : memref<!tpu.dma_semaphore, #tpu.memory_space<semaphore_mem>>) {add = true}
          %dma_wait3A = arith.constant 0 : i32
          %dma_wait3A_150 = tpu.memref_slice %arg30[%scan3A_126, %dma_wait3A] : memref<5x128xi32, #tpu.memory_space<vmem>> -> memref<1x128xi32, #tpu.memory_space<vmem>>
          %dma_wait3A_151 = tpu.memref_squeeze %dma_wait3A_150 : memref<1x128xi32, #tpu.memory_space<vmem>> -> memref<128xi32, #tpu.memory_space<vmem>>
          %dma_wait3A_152 = arith.constant 0 : i32
          %dma_wait3A_153 = arith.constant 0 : i32
          %dma_wait3A_154 = tpu.memref_slice %arg35[%dma_wait3A_152, %dma_wait3A_153] : memref<32x128xf32, #tpu.memory_space<vmem_shared>> -> memref<32x128xf32, #tpu.memory_space<vmem_shared>>
          tpu.wait_indirect_dma semaphore(%run_scoped3A_144 : memref<!tpu.dma_semaphore, #tpu.memory_space<semaphore_mem>>) src(%arg26 : memref<128x128xf32, #tpu.memory_space<vmem>>) dst(%dma_wait3A_154 : memref<32x128xf32, #tpu.memory_space<vmem_shared>>)
          tpu.yield
        }) : () -> ()
        "tpu.region"() ({
          %run_scoped3A_144 = tpu.sem_alloc : memref<!tpu.dma_semaphore, #tpu.memory_space<semaphore_mem>>
          tpu.enqueue_dma source(%arg11 : memref<128x128xf32, #tpu.memory_space<hbm>>) target(%arg26 : memref<128x128xf32, #tpu.memory_space<vmem>>) target_semaphore(%run_scoped3A_144 : memref<!tpu.dma_semaphore, #tpu.memory_space<semaphore_mem>>)
          tpu.wait_dma2 semaphore(%run_scoped3A_144 : memref<!tpu.dma_semaphore, #tpu.memory_space<semaphore_mem>>) src(%arg11 : memref<128x128xf32, #tpu.memory_space<hbm>>) dst(%arg26 : memref<128x128xf32, #tpu.memory_space<vmem>>)
          tpu.yield
        }) : () -> ()
        "tpu.region"() ({
          %run_scoped3A_144 = tpu.sem_alloc : memref<!tpu.dma_semaphore, #tpu.memory_space<semaphore_mem>>
          %dma_start3A = arith.constant 0 : i32
          %dma_start3A_145 = tpu.memref_slice %arg30[%scan3A_126, %dma_start3A] : memref<5x128xi32, #tpu.memory_space<vmem>> -> memref<1x128xi32, #tpu.memory_space<vmem>>
          %dma_start3A_146 = tpu.memref_squeeze %dma_start3A_145 : memref<1x128xi32, #tpu.memory_space<vmem>> -> memref<128xi32, #tpu.memory_space<vmem>>
          %dma_start3A_147 = arith.constant 0 : i32
          %dma_start3A_148 = arith.constant 0 : i32
          %dma_start3A_149 = tpu.memref_slice %arg39[%dma_start3A_147, %dma_start3A_148] : memref<32x128xf32, #tpu.memory_space<vmem_shared>> -> memref<32x128xf32, #tpu.memory_space<vmem_shared>>
          tpu.enqueue_indirect_dma source(%arg26 : memref<128x128xf32, #tpu.memory_space<vmem>>) target(%dma_start3A_149 : memref<32x128xf32, #tpu.memory_space<vmem_shared>>) offsets(%dma_start3A_146 : memref<128xi32, #tpu.memory_space<vmem>>) semaphore(%run_scoped3A_144 : memref<!tpu.dma_semaphore, #tpu.memory_space<semaphore_mem>>) {add = true}
          %dma_wait3A = arith.constant 0 : i32
          %dma_wait3A_150 = tpu.memref_slice %arg30[%scan3A_126, %dma_wait3A] : memref<5x128xi32, #tpu.memory_space<vmem>> -> memref<1x128xi32, #tpu.memory_space<vmem>>
          %dma_wait3A_151 = tpu.memref_squeeze %dma_wait3A_150 : memref<1x128xi32, #tpu.memory_space<vmem>> -> memref<128xi32, #tpu.memory_space<vmem>>
          %dma_wait3A_152 = arith.constant 0 : i32
          %dma_wait3A_153 = arith.constant 0 : i32
          %dma_wait3A_154 = tpu.memref_slice %arg39[%dma_wait3A_152, %dma_wait3A_153] : memref<32x128xf32, #tpu.memory_space<vmem_shared>> -> memref<32x128xf32, #tpu.memory_space<vmem_shared>>
          tpu.wait_indirect_dma semaphore(%run_scoped3A_144 : memref<!tpu.dma_semaphore, #tpu.memory_space<semaphore_mem>>) src(%arg26 : memref<128x128xf32, #tpu.memory_space<vmem>>) dst(%dma_wait3A_154 : memref<32x128xf32, #tpu.memory_space<vmem_shared>>)
          tpu.yield
        }) : () -> ()
      }
      %scan3A_125 = arith.constant 5 : i32
    } else {
    }
    "tpu.region"() ({
      %run_scoped3A_120 = tpu.sem_alloc : memref<!tpu.dma_semaphore, #tpu.memory_space<semaphore_mem>>
      tpu.enqueue_dma source(%arg10 : memref<128x128xf32, #tpu.memory_space<hbm>>) target(%arg26 : memref<128x128xf32, #tpu.memory_space<vmem>>) target_semaphore(%run_scoped3A_120 : memref<!tpu.dma_semaphore, #tpu.memory_space<semaphore_mem>>)
      tpu.wait_dma2 semaphore(%run_scoped3A_120 : memref<!tpu.dma_semaphore, #tpu.memory_space<semaphore_mem>>) src(%arg10 : memref<128x128xf32, #tpu.memory_space<hbm>>) dst(%arg26 : memref<128x128xf32, #tpu.memory_space<vmem>>)
      tpu.yield
    }) : () -> ()
    %scan3A_80 = arith.constant 0 : i32
    %scan3A_81 = arith.constant 0 : i32
    %scan3A_82 = arith.constant 5 : i32
    %scan3A_83 = arith.addi %scan3A_81, %scan3A_82 : i32
    %scan3A_84 = arith.constant 1 : i32
    scf.for %scan3A_120 = %scan3A_81 to %scan3A_83 step %scan3A_84  : i32 {
      %mul3A_121 = arith.constant 128 : i32
      %mul3A_122 = arith.muli %scan3A_120, %mul3A_121 : i32
      %add3A_123 = arith.addi %mul3A_0, %mul3A_122 : i32
      "tpu.region"() ({
        %run_scoped3A_124 = tpu.sem_alloc : memref<!tpu.dma_semaphore, #tpu.memory_space<semaphore_mem>>
        %dma_start3A = arith.constant 0 : i32
        %dma_start3A_125 = tpu.memref_slice %arg33[%add3A_123, %dma_start3A] : memref<10240x128xf32, #tpu.memory_space<vmem_shared>> -> memref<128x128xf32, #tpu.memory_space<vmem_shared>>
        %dma_start3A_126 = arith.constant 0 : i32
        %dma_start3A_127 = tpu.memref_slice %arg33[%add3A_123, %dma_start3A_126] : memref<10240x128xf32, #tpu.memory_space<vmem_shared>> -> memref<128x128xf32, #tpu.memory_space<vmem_shared>>
        tpu.enqueue_dma source(%arg26 : memref<128x128xf32, #tpu.memory_space<vmem>>) target(%dma_start3A_127 : memref<128x128xf32, #tpu.memory_space<vmem_shared>>) target_semaphore(%run_scoped3A_124 : memref<!tpu.dma_semaphore, #tpu.memory_space<semaphore_mem>>)
        %dma_wait3A = arith.constant 0 : i32
        %dma_wait3A_128 = tpu.memref_slice %arg33[%add3A_123, %dma_wait3A] : memref<10240x128xf32, #tpu.memory_space<vmem_shared>> -> memref<128x128xf32, #tpu.memory_space<vmem_shared>>
        %dma_wait3A_129 = arith.constant 0 : i32
        %dma_wait3A_130 = tpu.memref_slice %arg33[%add3A_123, %dma_wait3A_129] : memref<10240x128xf32, #tpu.memory_space<vmem_shared>> -> memref<128x128xf32, #tpu.memory_space<vmem_shared>>
        tpu.wait_dma2 semaphore(%run_scoped3A_124 : memref<!tpu.dma_semaphore, #tpu.memory_space<semaphore_mem>>) src(%arg26 : memref<128x128xf32, #tpu.memory_space<vmem>>) dst(%dma_wait3A_130 : memref<128x128xf32, #tpu.memory_space<vmem_shared>>)
        tpu.yield
      }) : () -> ()
    }
    %scan3A_85 = arith.constant 5 : i32
    %barrier3A_86 = arith.constant 0 : index
    tpu.barrier barrier_id(%barrier3A_86)
    %eq3A_87 = arith.constant 0 : i32
    %eq3A_88 = arith.cmpi eq, %arg0, %eq3A_87 : i32
    %convert_element_type3A_89 = arith.extui %eq3A_88 : i1 to i32
    %cond3A_90 = arith.constant 0 : i32
    %cond3A_91 = arith.cmpi ne, %convert_element_type3A_89, %cond3A_90 : i32
    scf.if %cond3A_91 {
      %run_scoped3A_120 = arith.constant 0 : i32
      "tpu.region"() ({
        %run_scoped3A_150 = tpu.sem_alloc : memref<!tpu.dma_semaphore, #tpu.memory_space<semaphore_mem>>
        %dma_start3A_151 = arith.constant 0 : i32
        %dma_start3A_152 = arith.constant 0 : i32
        %dma_start3A_153 = tpu.memref_slice %arg24[%run_scoped3A_120, %dma_start3A_151, %dma_start3A_152] : memref<2x2x128xi32, #tpu.memory_space<vmem>> -> memref<1x2x128xi32, #tpu.memory_space<vmem>>
        %dma_start3A_154 = tpu.memref_squeeze %dma_start3A_153 : memref<1x2x128xi32, #tpu.memory_space<vmem>> -> memref<2x128xi32, #tpu.memory_space<vmem>>
        %dma_start3A_155 = arith.constant 0 : i32
        %dma_start3A_156 = arith.constant 0 : i32
        %dma_start3A_157 = tpu.memref_slice %arg4[%arg1, %dma_start3A_155, %dma_start3A_156] : memref<16x158x128xi32, #tpu.memory_space<hbm>> -> memref<1x2x128xi32, #tpu.memory_space<hbm>>
        %dma_start3A_158 = tpu.memref_squeeze %dma_start3A_157 : memref<1x2x128xi32, #tpu.memory_space<hbm>> -> memref<2x128xi32, #tpu.memory_space<hbm>>
        %dma_start3A_159 = arith.constant 0 : i32
        %dma_start3A_160 = arith.constant 0 : i32
        %dma_start3A_161 = tpu.memref_slice %arg24[%run_scoped3A_120, %dma_start3A_159, %dma_start3A_160] : memref<2x2x128xi32, #tpu.memory_space<vmem>> -> memref<1x2x128xi32, #tpu.memory_space<vmem>>
        %dma_start3A_162 = tpu.memref_squeeze %dma_start3A_161 : memref<1x2x128xi32, #tpu.memory_space<vmem>> -> memref<2x128xi32, #tpu.memory_space<vmem>>
        %dma_start3A_163 = arith.constant 0 : i32
        %dma_start3A_164 = arith.constant 0 : i32
        %dma_start3A_165 = tpu.memref_slice %arg4[%arg1, %dma_start3A_163, %dma_start3A_164] : memref<16x158x128xi32, #tpu.memory_space<hbm>> -> memref<1x2x128xi32, #tpu.memory_space<hbm>>
        %dma_start3A_166 = tpu.memref_squeeze %dma_start3A_165 : memref<1x2x128xi32, #tpu.memory_space<hbm>> -> memref<2x128xi32, #tpu.memory_space<hbm>>
        tpu.enqueue_dma source(%dma_start3A_166 : memref<2x128xi32, #tpu.memory_space<hbm>>) target(%dma_start3A_162 : memref<2x128xi32, #tpu.memory_space<vmem>>) target_semaphore(%run_scoped3A_150 : memref<!tpu.dma_semaphore, #tpu.memory_space<semaphore_mem>>)
        %dma_wait3A_167 = arith.constant 0 : i32
        %dma_wait3A_168 = arith.constant 0 : i32
        %dma_wait3A_169 = tpu.memref_slice %arg24[%run_scoped3A_120, %dma_wait3A_167, %dma_wait3A_168] : memref<2x2x128xi32, #tpu.memory_space<vmem>> -> memref<1x2x128xi32, #tpu.memory_space<vmem>>
        %dma_wait3A_170 = tpu.memref_squeeze %dma_wait3A_169 : memref<1x2x128xi32, #tpu.memory_space<vmem>> -> memref<2x128xi32, #tpu.memory_space<vmem>>
        %dma_wait3A_171 = arith.constant 0 : i32
        %dma_wait3A_172 = arith.constant 0 : i32
        %dma_wait3A_173 = tpu.memref_slice %arg4[%arg1, %dma_wait3A_171, %dma_wait3A_172] : memref<16x158x128xi32, #tpu.memory_space<hbm>> -> memref<1x2x128xi32, #tpu.memory_space<hbm>>
        %dma_wait3A_174 = tpu.memref_squeeze %dma_wait3A_173 : memref<1x2x128xi32, #tpu.memory_space<hbm>> -> memref<2x128xi32, #tpu.memory_space<hbm>>
        %dma_wait3A_175 = arith.constant 0 : i32
        %dma_wait3A_176 = arith.constant 0 : i32
        %dma_wait3A_177 = tpu.memref_slice %arg24[%run_scoped3A_120, %dma_wait3A_175, %dma_wait3A_176] : memref<2x2x128xi32, #tpu.memory_space<vmem>> -> memref<1x2x128xi32, #tpu.memory_space<vmem>>
        %dma_wait3A_178 = tpu.memref_squeeze %dma_wait3A_177 : memref<1x2x128xi32, #tpu.memory_space<vmem>> -> memref<2x128xi32, #tpu.memory_space<vmem>>
        %dma_wait3A_179 = arith.constant 0 : i32
        %dma_wait3A_180 = arith.constant 0 : i32
        %dma_wait3A_181 = tpu.memref_slice %arg4[%arg1, %dma_wait3A_179, %dma_wait3A_180] : memref<16x158x128xi32, #tpu.memory_space<hbm>> -> memref<1x2x128xi32, #tpu.memory_space<hbm>>
        %dma_wait3A_182 = tpu.memref_squeeze %dma_wait3A_181 : memref<1x2x128xi32, #tpu.memory_space<hbm>> -> memref<2x128xi32, #tpu.memory_space<hbm>>
        tpu.wait_dma2 semaphore(%run_scoped3A_150 : memref<!tpu.dma_semaphore, #tpu.memory_space<semaphore_mem>>) src(%dma_wait3A_182 : memref<2x128xi32, #tpu.memory_space<hbm>>) dst(%dma_wait3A_178 : memref<2x128xi32, #tpu.memory_space<vmem>>)
        tpu.yield
      }) : () -> ()
      %run_scoped3A_121 = arith.constant 0 : i32
      "tpu.region"() ({
        %run_scoped3A_150 = tpu.sem_alloc : memref<!tpu.dma_semaphore, #tpu.memory_space<semaphore_mem>>
        %dma_start3A_151 = arith.constant 0 : i32
        %dma_start3A_152 = arith.constant 0 : i32
        %dma_start3A_153 = tpu.memref_slice %arg25[%run_scoped3A_121, %dma_start3A_151, %dma_start3A_152] : memref<2x2x128xi32, #tpu.memory_space<vmem>> -> memref<1x2x128xi32, #tpu.memory_space<vmem>>
        %dma_start3A_154 = tpu.memref_squeeze %dma_start3A_153 : memref<1x2x128xi32, #tpu.memory_space<vmem>> -> memref<2x128xi32, #tpu.memory_space<vmem>>
        %dma_start3A_155 = arith.constant 0 : i32
        %dma_start3A_156 = arith.constant 0 : i32
        %dma_start3A_157 = tpu.memref_slice %arg5[%arg1, %dma_start3A_155, %dma_start3A_156] : memref<16x158x128xi32, #tpu.memory_space<hbm>> -> memref<1x2x128xi32, #tpu.memory_space<hbm>>
        %dma_start3A_158 = tpu.memref_squeeze %dma_start3A_157 : memref<1x2x128xi32, #tpu.memory_space<hbm>> -> memref<2x128xi32, #tpu.memory_space<hbm>>
        %dma_start3A_159 = arith.constant 0 : i32
        %dma_start3A_160 = arith.constant 0 : i32
        %dma_start3A_161 = tpu.memref_slice %arg25[%run_scoped3A_121, %dma_start3A_159, %dma_start3A_160] : memref<2x2x128xi32, #tpu.memory_space<vmem>> -> memref<1x2x128xi32, #tpu.memory_space<vmem>>
        %dma_start3A_162 = tpu.memref_squeeze %dma_start3A_161 : memref<1x2x128xi32, #tpu.memory_space<vmem>> -> memref<2x128xi32, #tpu.memory_space<vmem>>
        %dma_start3A_163 = arith.constant 0 : i32
        %dma_start3A_164 = arith.constant 0 : i32
        %dma_start3A_165 = tpu.memref_slice %arg5[%arg1, %dma_start3A_163, %dma_start3A_164] : memref<16x158x128xi32, #tpu.memory_space<hbm>> -> memref<1x2x128xi32, #tpu.memory_space<hbm>>
        %dma_start3A_166 = tpu.memref_squeeze %dma_start3A_165 : memref<1x2x128xi32, #tpu.memory_space<hbm>> -> memref<2x128xi32, #tpu.memory_space<hbm>>
        tpu.enqueue_dma source(%dma_start3A_166 : memref<2x128xi32, #tpu.memory_space<hbm>>) target(%dma_start3A_162 : memref<2x128xi32, #tpu.memory_space<vmem>>) target_semaphore(%run_scoped3A_150 : memref<!tpu.dma_semaphore, #tpu.memory_space<semaphore_mem>>)
        %dma_wait3A_167 = arith.constant 0 : i32
        %dma_wait3A_168 = arith.constant 0 : i32
        %dma_wait3A_169 = tpu.memref_slice %arg25[%run_scoped3A_121, %dma_wait3A_167, %dma_wait3A_168] : memref<2x2x128xi32, #tpu.memory_space<vmem>> -> memref<1x2x128xi32, #tpu.memory_space<vmem>>
        %dma_wait3A_170 = tpu.memref_squeeze %dma_wait3A_169 : memref<1x2x128xi32, #tpu.memory_space<vmem>> -> memref<2x128xi32, #tpu.memory_space<vmem>>
        %dma_wait3A_171 = arith.constant 0 : i32
        %dma_wait3A_172 = arith.constant 0 : i32
        %dma_wait3A_173 = tpu.memref_slice %arg5[%arg1, %dma_wait3A_171, %dma_wait3A_172] : memref<16x158x128xi32, #tpu.memory_space<hbm>> -> memref<1x2x128xi32, #tpu.memory_space<hbm>>
        %dma_wait3A_174 = tpu.memref_squeeze %dma_wait3A_173 : memref<1x2x128xi32, #tpu.memory_space<hbm>> -> memref<2x128xi32, #tpu.memory_space<hbm>>
        %dma_wait3A_175 = arith.constant 0 : i32
        %dma_wait3A_176 = arith.constant 0 : i32
        %dma_wait3A_177 = tpu.memref_slice %arg25[%run_scoped3A_121, %dma_wait3A_175, %dma_wait3A_176] : memref<2x2x128xi32, #tpu.memory_space<vmem>> -> memref<1x2x128xi32, #tpu.memory_space<vmem>>
        %dma_wait3A_178 = tpu.memref_squeeze %dma_wait3A_177 : memref<1x2x128xi32, #tpu.memory_space<vmem>> -> memref<2x128xi32, #tpu.memory_space<vmem>>
        %dma_wait3A_179 = arith.constant 0 : i32
        %dma_wait3A_180 = arith.constant 0 : i32
        %dma_wait3A_181 = tpu.memref_slice %arg5[%arg1, %dma_wait3A_179, %dma_wait3A_180] : memref<16x158x128xi32, #tpu.memory_space<hbm>> -> memref<1x2x128xi32, #tpu.memory_space<hbm>>
        %dma_wait3A_182 = tpu.memref_squeeze %dma_wait3A_181 : memref<1x2x128xi32, #tpu.memory_space<hbm>> -> memref<2x128xi32, #tpu.memory_space<hbm>>
        tpu.wait_dma2 semaphore(%run_scoped3A_150 : memref<!tpu.dma_semaphore, #tpu.memory_space<semaphore_mem>>) src(%dma_wait3A_182 : memref<2x128xi32, #tpu.memory_space<hbm>>) dst(%dma_wait3A_178 : memref<2x128xi32, #tpu.memory_space<vmem>>)
        tpu.yield
      }) : () -> ()
      %dma_start3A = arith.constant 0 : i32
      %dma_start3A_122 = arith.constant 0 : i32
      %dma_start3A_123 = arith.constant 0 : i32
      %dma_start3A_124 = tpu.memref_slice %arg24[%dma_start3A, %dma_start3A_122, %dma_start3A_123] : memref<2x2x128xi32, #tpu.memory_space<vmem>> -> memref<1x1x128xi32, #tpu.memory_space<vmem>>
      %dma_start3A_125 = tpu.memref_squeeze %dma_start3A_124 : memref<1x1x128xi32, #tpu.memory_space<vmem>> -> memref<128xi32, #tpu.memory_space<vmem>>
      %dma_start3A_126 = arith.constant 0 : i32
      %dma_start3A_127 = arith.constant 0 : i32
      %dma_start3A_128 = tpu.memref_slice %arg12[%dma_start3A_126, %dma_start3A_127] : memref<10240x128xf32, #tpu.memory_space<hbm>> -> memref<10240x128xf32, #tpu.memory_space<hbm>>
      tpu.enqueue_indirect_dma source(%dma_start3A_128 : memref<10240x128xf32, #tpu.memory_space<hbm>>) target(%arg26 : memref<128x128xf32, #tpu.memory_space<vmem>>) offsets(%dma_start3A_125 : memref<128xi32, #tpu.memory_space<vmem>>) semaphore(%arg40 : memref<!tpu.dma_semaphore, #tpu.memory_space<semaphore_mem>>)
      %scan3A_129 = arith.constant 0 : i32
      %scan3A_130 = arith.constant 0 : i32
      %scan3A_131 = arith.constant 79 : i32
      %scan3A_132 = arith.addi %scan3A_130, %scan3A_131 : i32
      %scan3A_133 = arith.constant 1 : i32
      scf.for %scan3A_150 = %scan3A_130 to %scan3A_132 step %scan3A_133  : i32 {
        %jit3A = arith.constant 2 : i32
        %eq3A_151 = arith.constant 0 : i32
        %eq3A_152 = arith.cmpi eq, %jit3A, %eq3A_151 : i32
        %jit3A_153 = arith.constant 1 : i32
        %select_n3A = arith.select %eq3A_152, %jit3A_153, %jit3A : i32
        %rem3A = arith.remsi %scan3A_150, %select_n3A : i32
        %ne3A = arith.constant 0 : i32
        %ne3A_154 = arith.cmpi ne, %rem3A, %ne3A : i32
        %lt3A = arith.constant 0 : i32
        %lt3A_155 = arith.cmpi slt, %rem3A, %lt3A : i32
        %lt3A_156 = arith.constant 0 : i32
        %lt3A_157 = arith.cmpi slt, %select_n3A, %lt3A_156 : i32
        %ne3A_158 = arith.xori %lt3A_155, %lt3A_157 : i1
        %and3A_159 = arith.andi %ne3A_158, %ne3A_154 : i1
        %add3A_160 = arith.addi %rem3A, %select_n3A : i32
        %select_n3A_161 = arith.select %and3A_159, %add3A_160, %rem3A : i32
        %sub3A = arith.constant 1 : i32
        %sub3A_162 = arith.subi %sub3A, %select_n3A_161 : i32
        %gt3A = arith.constant 0 : i32
        %gt3A_163 = arith.cmpi sgt, %scan3A_150, %gt3A : i32
        %convert_element_type3A_164 = arith.extui %gt3A_163 : i1 to i32
        %cond3A_165 = arith.constant 0 : i32
        %cond3A_166 = arith.cmpi ne, %convert_element_type3A_164, %cond3A_165 : i32
        scf.if %cond3A_166 {
          %dma_wait3A_216 = arith.constant 1 : i32
          %dma_wait3A_217 = arith.constant 0 : i32
          %dma_wait3A_218 = tpu.memref_slice %arg25[%select_n3A_161, %dma_wait3A_216, %dma_wait3A_217] : memref<2x2x128xi32, #tpu.memory_space<vmem>> -> memref<1x1x128xi32, #tpu.memory_space<vmem>>
          %dma_wait3A_219 = tpu.memref_squeeze %dma_wait3A_218 : memref<1x1x128xi32, #tpu.memory_space<vmem>> -> memref<128xi32, #tpu.memory_space<vmem>>
          %dma_wait3A_220 = arith.constant 0 : i32
          %dma_wait3A_221 = arith.constant 0 : i32
          %dma_wait3A_222 = tpu.memref_slice %arg33[%dma_wait3A_220, %dma_wait3A_221] : memref<10240x128xf32, #tpu.memory_space<vmem_shared>> -> memref<10240x128xf32, #tpu.memory_space<vmem_shared>>
          tpu.wait_indirect_dma semaphore(%arg44 : memref<!tpu.dma_semaphore, #tpu.memory_space<semaphore_mem>>) src(%arg27 : memref<128x128xf32, #tpu.memory_space<vmem>>) dst(%dma_wait3A_222 : memref<10240x128xf32, #tpu.memory_space<vmem_shared>>)
        } else {
        }
        %dma_start3A_167 = arith.constant 1 : i32
        %dma_start3A_168 = arith.constant 0 : i32
        %dma_start3A_169 = tpu.memref_slice %arg24[%select_n3A_161, %dma_start3A_167, %dma_start3A_168] : memref<2x2x128xi32, #tpu.memory_space<vmem>> -> memref<1x1x128xi32, #tpu.memory_space<vmem>>
        %dma_start3A_170 = tpu.memref_squeeze %dma_start3A_169 : memref<1x1x128xi32, #tpu.memory_space<vmem>> -> memref<128xi32, #tpu.memory_space<vmem>>
        %dma_start3A_171 = arith.constant 0 : i32
        %dma_start3A_172 = arith.constant 0 : i32
        %dma_start3A_173 = tpu.memref_slice %arg12[%dma_start3A_171, %dma_start3A_172] : memref<10240x128xf32, #tpu.memory_space<hbm>> -> memref<10240x128xf32, #tpu.memory_space<hbm>>
        tpu.enqueue_indirect_dma source(%dma_start3A_173 : memref<10240x128xf32, #tpu.memory_space<hbm>>) target(%arg27 : memref<128x128xf32, #tpu.memory_space<vmem>>) offsets(%dma_start3A_170 : memref<128xi32, #tpu.memory_space<vmem>>) semaphore(%arg41 : memref<!tpu.dma_semaphore, #tpu.memory_space<semaphore_mem>>)
        %add3A_174 = arith.constant 1 : i32
        %add3A_175 = arith.addi %scan3A_150, %add3A_174 : i32
        %lt3A_176 = arith.constant 79 : i32
        %lt3A_177 = arith.cmpi slt, %add3A_175, %lt3A_176 : i32
        %convert_element_type3A_178 = arith.extui %lt3A_177 : i1 to i32
        %cond3A_179 = arith.constant 0 : i32
        %cond3A_180 = arith.cmpi ne, %convert_element_type3A_178, %cond3A_179 : i32
        scf.if %cond3A_180 {
          %add3A_216 = arith.constant 1 : i32
          %add3A_217 = arith.addi %scan3A_150, %add3A_216 : i32
          %mul3A_218 = arith.constant 2 : i32
          %mul3A_219 = arith.muli %mul3A_218, %add3A_217 : i32
          %dma_start3A_220 = arith.constant 0 : i32
          %dma_start3A_221 = arith.constant 0 : i32
          %dma_start3A_222 = tpu.memref_slice %arg24[%sub3A_162, %dma_start3A_220, %dma_start3A_221] : memref<2x2x128xi32, #tpu.memory_space<vmem>> -> memref<1x2x128xi32, #tpu.memory_space<vmem>>
          %dma_start3A_223 = tpu.memref_squeeze %dma_start3A_222 : memref<1x2x128xi32, #tpu.memory_space<vmem>> -> memref<2x128xi32, #tpu.memory_space<vmem>>
          %dma_start3A_224 = arith.constant 0 : i32
          %dma_start3A_225 = tpu.memref_slice %arg4[%arg1, %mul3A_219, %dma_start3A_224] : memref<16x158x128xi32, #tpu.memory_space<hbm>> -> memref<1x2x128xi32, #tpu.memory_space<hbm>>
          %dma_start3A_226 = tpu.memref_squeeze %dma_start3A_225 : memref<1x2x128xi32, #tpu.memory_space<hbm>> -> memref<2x128xi32, #tpu.memory_space<hbm>>
          %dma_start3A_227 = arith.constant 0 : i32
          %dma_start3A_228 = arith.constant 0 : i32
          %dma_start3A_229 = tpu.memref_slice %arg24[%sub3A_162, %dma_start3A_227, %dma_start3A_228] : memref<2x2x128xi32, #tpu.memory_space<vmem>> -> memref<1x2x128xi32, #tpu.memory_space<vmem>>
          %dma_start3A_230 = tpu.memref_squeeze %dma_start3A_229 : memref<1x2x128xi32, #tpu.memory_space<vmem>> -> memref<2x128xi32, #tpu.memory_space<vmem>>
          %dma_start3A_231 = arith.constant 0 : i32
          %dma_start3A_232 = tpu.memref_slice %arg4[%arg1, %mul3A_219, %dma_start3A_231] : memref<16x158x128xi32, #tpu.memory_space<hbm>> -> memref<1x2x128xi32, #tpu.memory_space<hbm>>
          %dma_start3A_233 = tpu.memref_squeeze %dma_start3A_232 : memref<1x2x128xi32, #tpu.memory_space<hbm>> -> memref<2x128xi32, #tpu.memory_space<hbm>>
          tpu.enqueue_dma source(%dma_start3A_233 : memref<2x128xi32, #tpu.memory_space<hbm>>) target(%dma_start3A_230 : memref<2x128xi32, #tpu.memory_space<vmem>>) target_semaphore(%arg42 : memref<!tpu.dma_semaphore, #tpu.memory_space<semaphore_mem>>)
          %add3A_234 = arith.constant 1 : i32
          %add3A_235 = arith.addi %scan3A_150, %add3A_234 : i32
          %mul3A_236 = arith.constant 2 : i32
          %mul3A_237 = arith.muli %mul3A_236, %add3A_235 : i32
          %dma_start3A_238 = arith.constant 0 : i32
          %dma_start3A_239 = arith.constant 0 : i32
          %dma_start3A_240 = tpu.memref_slice %arg25[%sub3A_162, %dma_start3A_238, %dma_start3A_239] : memref<2x2x128xi32, #tpu.memory_space<vmem>> -> memref<1x2x128xi32, #tpu.memory_space<vmem>>
          %dma_start3A_241 = tpu.memref_squeeze %dma_start3A_240 : memref<1x2x128xi32, #tpu.memory_space<vmem>> -> memref<2x128xi32, #tpu.memory_space<vmem>>
          %dma_start3A_242 = arith.constant 0 : i32
          %dma_start3A_243 = tpu.memref_slice %arg5[%arg1, %mul3A_237, %dma_start3A_242] : memref<16x158x128xi32, #tpu.memory_space<hbm>> -> memref<1x2x128xi32, #tpu.memory_space<hbm>>
          %dma_start3A_244 = tpu.memref_squeeze %dma_start3A_243 : memref<1x2x128xi32, #tpu.memory_space<hbm>> -> memref<2x128xi32, #tpu.memory_space<hbm>>
          %dma_start3A_245 = arith.constant 0 : i32
          %dma_start3A_246 = arith.constant 0 : i32
          %dma_start3A_247 = tpu.memref_slice %arg25[%sub3A_162, %dma_start3A_245, %dma_start3A_246] : memref<2x2x128xi32, #tpu.memory_space<vmem>> -> memref<1x2x128xi32, #tpu.memory_space<vmem>>
          %dma_start3A_248 = tpu.memref_squeeze %dma_start3A_247 : memref<1x2x128xi32, #tpu.memory_space<vmem>> -> memref<2x128xi32, #tpu.memory_space<vmem>>
          %dma_start3A_249 = arith.constant 0 : i32
          %dma_start3A_250 = tpu.memref_slice %arg5[%arg1, %mul3A_237, %dma_start3A_249] : memref<16x158x128xi32, #tpu.memory_space<hbm>> -> memref<1x2x128xi32, #tpu.memory_space<hbm>>
          %dma_start3A_251 = tpu.memref_squeeze %dma_start3A_250 : memref<1x2x128xi32, #tpu.memory_space<hbm>> -> memref<2x128xi32, #tpu.memory_space<hbm>>
          tpu.enqueue_dma source(%dma_start3A_251 : memref<2x128xi32, #tpu.memory_space<hbm>>) target(%dma_start3A_248 : memref<2x128xi32, #tpu.memory_space<vmem>>) target_semaphore(%arg42 : memref<!tpu.dma_semaphore, #tpu.memory_space<semaphore_mem>>)
        } else {
        }
        %dma_wait3A_181 = arith.constant 0 : i32
        %dma_wait3A_182 = arith.constant 0 : i32
        %dma_wait3A_183 = tpu.memref_slice %arg24[%select_n3A_161, %dma_wait3A_181, %dma_wait3A_182] : memref<2x2x128xi32, #tpu.memory_space<vmem>> -> memref<1x1x128xi32, #tpu.memory_space<vmem>>
        %dma_wait3A_184 = tpu.memref_squeeze %dma_wait3A_183 : memref<1x1x128xi32, #tpu.memory_space<vmem>> -> memref<128xi32, #tpu.memory_space<vmem>>
        %dma_wait3A_185 = arith.constant 0 : i32
        %dma_wait3A_186 = arith.constant 0 : i32
        %dma_wait3A_187 = tpu.memref_slice %arg12[%dma_wait3A_185, %dma_wait3A_186] : memref<10240x128xf32, #tpu.memory_space<hbm>> -> memref<10240x128xf32, #tpu.memory_space<hbm>>
        tpu.wait_indirect_dma semaphore(%arg40 : memref<!tpu.dma_semaphore, #tpu.memory_space<semaphore_mem>>) src(%dma_wait3A_187 : memref<10240x128xf32, #tpu.memory_space<hbm>>) dst(%arg26 : memref<128x128xf32, #tpu.memory_space<vmem>>)
        %dma_start3A_188 = arith.constant 0 : i32
        %dma_start3A_189 = arith.constant 0 : i32
        %dma_start3A_190 = tpu.memref_slice %arg25[%select_n3A_161, %dma_start3A_188, %dma_start3A_189] : memref<2x2x128xi32, #tpu.memory_space<vmem>> -> memref<1x1x128xi32, #tpu.memory_space<vmem>>
        %dma_start3A_191 = tpu.memref_squeeze %dma_start3A_190 : memref<1x1x128xi32, #tpu.memory_space<vmem>> -> memref<128xi32, #tpu.memory_space<vmem>>
        %dma_start3A_192 = arith.constant 0 : i32
        %dma_start3A_193 = arith.constant 0 : i32
        %dma_start3A_194 = tpu.memref_slice %arg33[%dma_start3A_192, %dma_start3A_193] : memref<10240x128xf32, #tpu.memory_space<vmem_shared>> -> memref<10240x128xf32, #tpu.memory_space<vmem_shared>>
        tpu.enqueue_indirect_dma source(%arg26 : memref<128x128xf32, #tpu.memory_space<vmem>>) target(%dma_start3A_194 : memref<10240x128xf32, #tpu.memory_space<vmem_shared>>) offsets(%dma_start3A_191 : memref<128xi32, #tpu.memory_space<vmem>>) semaphore(%arg43 : memref<!tpu.dma_semaphore, #tpu.memory_space<semaphore_mem>>) {add = true}
        %add3A_195 = arith.constant 1 : i32
        %add3A_196 = arith.addi %scan3A_150, %add3A_195 : i32
        %lt3A_197 = arith.constant 79 : i32
        %lt3A_198 = arith.cmpi slt, %add3A_196, %lt3A_197 : i32
        %convert_element_type3A_199 = arith.extui %lt3A_198 : i1 to i32
        %cond3A_200 = arith.constant 0 : i32
        %cond3A_201 = arith.cmpi ne, %convert_element_type3A_199, %cond3A_200 : i32
        scf.if %cond3A_201 {
          %dma_wait3A_216 = arith.constant 0 : i32
          %dma_wait3A_217 = arith.constant 0 : i32
          %dma_wait3A_218 = tpu.memref_slice %arg24[%sub3A_162, %dma_wait3A_216, %dma_wait3A_217] : memref<2x2x128xi32, #tpu.memory_space<vmem>> -> memref<1x2x128xi32, #tpu.memory_space<vmem>>
          %dma_wait3A_219 = tpu.memref_squeeze %dma_wait3A_218 : memref<1x2x128xi32, #tpu.memory_space<vmem>> -> memref<2x128xi32, #tpu.memory_space<vmem>>
          %dma_wait3A_220 = arith.constant 0 : i32
          %dma_wait3A_221 = arith.constant 0 : i32
          %dma_wait3A_222 = tpu.memref_slice %arg4[%arg1, %dma_wait3A_220, %dma_wait3A_221] : memref<16x158x128xi32, #tpu.memory_space<hbm>> -> memref<1x2x128xi32, #tpu.memory_space<hbm>>
          %dma_wait3A_223 = tpu.memref_squeeze %dma_wait3A_222 : memref<1x2x128xi32, #tpu.memory_space<hbm>> -> memref<2x128xi32, #tpu.memory_space<hbm>>
          %dma_wait3A_224 = arith.constant 0 : i32
          %dma_wait3A_225 = arith.constant 0 : i32
          %dma_wait3A_226 = tpu.memref_slice %arg24[%sub3A_162, %dma_wait3A_224, %dma_wait3A_225] : memref<2x2x128xi32, #tpu.memory_space<vmem>> -> memref<1x2x128xi32, #tpu.memory_space<vmem>>
          %dma_wait3A_227 = tpu.memref_squeeze %dma_wait3A_226 : memref<1x2x128xi32, #tpu.memory_space<vmem>> -> memref<2x128xi32, #tpu.memory_space<vmem>>
          %dma_wait3A_228 = arith.constant 0 : i32
          %dma_wait3A_229 = arith.constant 0 : i32
          %dma_wait3A_230 = tpu.memref_slice %arg4[%arg1, %dma_wait3A_228, %dma_wait3A_229] : memref<16x158x128xi32, #tpu.memory_space<hbm>> -> memref<1x2x128xi32, #tpu.memory_space<hbm>>
          %dma_wait3A_231 = tpu.memref_squeeze %dma_wait3A_230 : memref<1x2x128xi32, #tpu.memory_space<hbm>> -> memref<2x128xi32, #tpu.memory_space<hbm>>
          tpu.wait_dma2 semaphore(%arg42 : memref<!tpu.dma_semaphore, #tpu.memory_space<semaphore_mem>>) src(%dma_wait3A_231 : memref<2x128xi32, #tpu.memory_space<hbm>>) dst(%dma_wait3A_227 : memref<2x128xi32, #tpu.memory_space<vmem>>)
          %dma_wait3A_232 = arith.constant 0 : i32
          %dma_wait3A_233 = arith.constant 0 : i32
          %dma_wait3A_234 = tpu.memref_slice %arg25[%sub3A_162, %dma_wait3A_232, %dma_wait3A_233] : memref<2x2x128xi32, #tpu.memory_space<vmem>> -> memref<1x2x128xi32, #tpu.memory_space<vmem>>
          %dma_wait3A_235 = tpu.memref_squeeze %dma_wait3A_234 : memref<1x2x128xi32, #tpu.memory_space<vmem>> -> memref<2x128xi32, #tpu.memory_space<vmem>>
          %dma_wait3A_236 = arith.constant 0 : i32
          %dma_wait3A_237 = arith.constant 0 : i32
          %dma_wait3A_238 = tpu.memref_slice %arg5[%arg1, %dma_wait3A_236, %dma_wait3A_237] : memref<16x158x128xi32, #tpu.memory_space<hbm>> -> memref<1x2x128xi32, #tpu.memory_space<hbm>>
          %dma_wait3A_239 = tpu.memref_squeeze %dma_wait3A_238 : memref<1x2x128xi32, #tpu.memory_space<hbm>> -> memref<2x128xi32, #tpu.memory_space<hbm>>
          %dma_wait3A_240 = arith.constant 0 : i32
          %dma_wait3A_241 = arith.constant 0 : i32
          %dma_wait3A_242 = tpu.memref_slice %arg25[%sub3A_162, %dma_wait3A_240, %dma_wait3A_241] : memref<2x2x128xi32, #tpu.memory_space<vmem>> -> memref<1x2x128xi32, #tpu.memory_space<vmem>>
          %dma_wait3A_243 = tpu.memref_squeeze %dma_wait3A_242 : memref<1x2x128xi32, #tpu.memory_space<vmem>> -> memref<2x128xi32, #tpu.memory_space<vmem>>
          %dma_wait3A_244 = arith.constant 0 : i32
          %dma_wait3A_245 = arith.constant 0 : i32
          %dma_wait3A_246 = tpu.memref_slice %arg5[%arg1, %dma_wait3A_244, %dma_wait3A_245] : memref<16x158x128xi32, #tpu.memory_space<hbm>> -> memref<1x2x128xi32, #tpu.memory_space<hbm>>
          %dma_wait3A_247 = tpu.memref_squeeze %dma_wait3A_246 : memref<1x2x128xi32, #tpu.memory_space<hbm>> -> memref<2x128xi32, #tpu.memory_space<hbm>>
          tpu.wait_dma2 semaphore(%arg42 : memref<!tpu.dma_semaphore, #tpu.memory_space<semaphore_mem>>) src(%dma_wait3A_247 : memref<2x128xi32, #tpu.memory_space<hbm>>) dst(%dma_wait3A_243 : memref<2x128xi32, #tpu.memory_space<vmem>>)
          %dma_wait3A_248 = arith.constant 0 : i32
          %dma_wait3A_249 = arith.constant 0 : i32
          %dma_wait3A_250 = tpu.memref_slice %arg25[%select_n3A_161, %dma_wait3A_248, %dma_wait3A_249] : memref<2x2x128xi32, #tpu.memory_space<vmem>> -> memref<1x1x128xi32, #tpu.memory_space<vmem>>
          %dma_wait3A_251 = tpu.memref_squeeze %dma_wait3A_250 : memref<1x1x128xi32, #tpu.memory_space<vmem>> -> memref<128xi32, #tpu.memory_space<vmem>>
          %dma_wait3A_252 = arith.constant 0 : i32
          %dma_wait3A_253 = arith.constant 0 : i32
          %dma_wait3A_254 = tpu.memref_slice %arg33[%dma_wait3A_252, %dma_wait3A_253] : memref<10240x128xf32, #tpu.memory_space<vmem_shared>> -> memref<10240x128xf32, #tpu.memory_space<vmem_shared>>
          tpu.wait_indirect_dma semaphore(%arg43 : memref<!tpu.dma_semaphore, #tpu.memory_space<semaphore_mem>>) src(%arg26 : memref<128x128xf32, #tpu.memory_space<vmem>>) dst(%dma_wait3A_254 : memref<10240x128xf32, #tpu.memory_space<vmem_shared>>)
          %dma_start3A_255 = arith.constant 0 : i32
          %dma_start3A_256 = arith.constant 0 : i32
          %dma_start3A_257 = tpu.memref_slice %arg24[%sub3A_162, %dma_start3A_255, %dma_start3A_256] : memref<2x2x128xi32, #tpu.memory_space<vmem>> -> memref<1x1x128xi32, #tpu.memory_space<vmem>>
          %dma_start3A_258 = tpu.memref_squeeze %dma_start3A_257 : memref<1x1x128xi32, #tpu.memory_space<vmem>> -> memref<128xi32, #tpu.memory_space<vmem>>
          %dma_start3A_259 = arith.constant 0 : i32
          %dma_start3A_260 = arith.constant 0 : i32
          %dma_start3A_261 = tpu.memref_slice %arg12[%dma_start3A_259, %dma_start3A_260] : memref<10240x128xf32, #tpu.memory_space<hbm>> -> memref<10240x128xf32, #tpu.memory_space<hbm>>
          tpu.enqueue_indirect_dma source(%dma_start3A_261 : memref<10240x128xf32, #tpu.memory_space<hbm>>) target(%arg26 : memref<128x128xf32, #tpu.memory_space<vmem>>) offsets(%dma_start3A_258 : memref<128xi32, #tpu.memory_space<vmem>>) semaphore(%arg40 : memref<!tpu.dma_semaphore, #tpu.memory_space<semaphore_mem>>)
        } else {
        }
        %dma_wait3A_202 = arith.constant 1 : i32
        %dma_wait3A_203 = arith.constant 0 : i32
        %dma_wait3A_204 = tpu.memref_slice %arg24[%select_n3A_161, %dma_wait3A_202, %dma_wait3A_203] : memref<2x2x128xi32, #tpu.memory_space<vmem>> -> memref<1x1x128xi32, #tpu.memory_space<vmem>>
        %dma_wait3A_205 = tpu.memref_squeeze %dma_wait3A_204 : memref<1x1x128xi32, #tpu.memory_space<vmem>> -> memref<128xi32, #tpu.memory_space<vmem>>
        %dma_wait3A_206 = arith.constant 0 : i32
        %dma_wait3A_207 = arith.constant 0 : i32
        %dma_wait3A_208 = tpu.memref_slice %arg12[%dma_wait3A_206, %dma_wait3A_207] : memref<10240x128xf32, #tpu.memory_space<hbm>> -> memref<10240x128xf32, #tpu.memory_space<hbm>>
        tpu.wait_indirect_dma semaphore(%arg41 : memref<!tpu.dma_semaphore, #tpu.memory_space<semaphore_mem>>) src(%dma_wait3A_208 : memref<10240x128xf32, #tpu.memory_space<hbm>>) dst(%arg27 : memref<128x128xf32, #tpu.memory_space<vmem>>)
        %dma_start3A_209 = arith.constant 1 : i32
        %dma_start3A_210 = arith.constant 0 : i32
        %dma_start3A_211 = tpu.memref_slice %arg25[%select_n3A_161, %dma_start3A_209, %dma_start3A_210] : memref<2x2x128xi32, #tpu.memory_space<vmem>> -> memref<1x1x128xi32, #tpu.memory_space<vmem>>
        %dma_start3A_212 = tpu.memref_squeeze %dma_start3A_211 : memref<1x1x128xi32, #tpu.memory_space<vmem>> -> memref<128xi32, #tpu.memory_space<vmem>>
        %dma_start3A_213 = arith.constant 0 : i32
        %dma_start3A_214 = arith.constant 0 : i32
        %dma_start3A_215 = tpu.memref_slice %arg33[%dma_start3A_213, %dma_start3A_214] : memref<10240x128xf32, #tpu.memory_space<vmem_shared>> -> memref<10240x128xf32, #tpu.memory_space<vmem_shared>>
        tpu.enqueue_indirect_dma source(%arg27 : memref<128x128xf32, #tpu.memory_space<vmem>>) target(%dma_start3A_215 : memref<10240x128xf32, #tpu.memory_space<vmem_shared>>) offsets(%dma_start3A_212 : memref<128xi32, #tpu.memory_space<vmem>>) semaphore(%arg44 : memref<!tpu.dma_semaphore, #tpu.memory_space<semaphore_mem>>) {add = true}
      }
      %scan3A_134 = arith.constant 79 : i32
      %dma_wait3A = arith.constant 0 : i32
      %dma_wait3A_135 = arith.constant 0 : i32
      %dma_wait3A_136 = arith.constant 0 : i32
      %dma_wait3A_137 = tpu.memref_slice %arg25[%dma_wait3A, %dma_wait3A_135, %dma_wait3A_136] : memref<2x2x128xi32, #tpu.memory_space<vmem>> -> memref<1x1x128xi32, #tpu.memory_space<vmem>>
      %dma_wait3A_138 = tpu.memref_squeeze %dma_wait3A_137 : memref<1x1x128xi32, #tpu.memory_space<vmem>> -> memref<128xi32, #tpu.memory_space<vmem>>
      %dma_wait3A_139 = arith.constant 0 : i32
      %dma_wait3A_140 = arith.constant 0 : i32
      %dma_wait3A_141 = tpu.memref_slice %arg33[%dma_wait3A_139, %dma_wait3A_140] : memref<10240x128xf32, #tpu.memory_space<vmem_shared>> -> memref<10240x128xf32, #tpu.memory_space<vmem_shared>>
      tpu.wait_indirect_dma semaphore(%arg43 : memref<!tpu.dma_semaphore, #tpu.memory_space<semaphore_mem>>) src(%arg26 : memref<128x128xf32, #tpu.memory_space<vmem>>) dst(%dma_wait3A_141 : memref<10240x128xf32, #tpu.memory_space<vmem_shared>>)
      %dma_wait3A_142 = arith.constant 0 : i32
      %dma_wait3A_143 = arith.constant 1 : i32
      %dma_wait3A_144 = arith.constant 0 : i32
      %dma_wait3A_145 = tpu.memref_slice %arg25[%dma_wait3A_142, %dma_wait3A_143, %dma_wait3A_144] : memref<2x2x128xi32, #tpu.memory_space<vmem>> -> memref<1x1x128xi32, #tpu.memory_space<vmem>>
      %dma_wait3A_146 = tpu.memref_squeeze %dma_wait3A_145 : memref<1x1x128xi32, #tpu.memory_space<vmem>> -> memref<128xi32, #tpu.memory_space<vmem>>
      %dma_wait3A_147 = arith.constant 0 : i32
      %dma_wait3A_148 = arith.constant 0 : i32
      %dma_wait3A_149 = tpu.memref_slice %arg33[%dma_wait3A_147, %dma_wait3A_148] : memref<10240x128xf32, #tpu.memory_space<vmem_shared>> -> memref<10240x128xf32, #tpu.memory_space<vmem_shared>>
      tpu.wait_indirect_dma semaphore(%arg44 : memref<!tpu.dma_semaphore, #tpu.memory_space<semaphore_mem>>) src(%arg27 : memref<128x128xf32, #tpu.memory_space<vmem>>) dst(%dma_wait3A_149 : memref<10240x128xf32, #tpu.memory_space<vmem_shared>>)
    } else {
    }
    %eq3A_92 = arith.constant 1 : i32
    %eq3A_93 = arith.cmpi eq, %arg0, %eq3A_92 : i32
    %convert_element_type3A_94 = arith.extui %eq3A_93 : i1 to i32
    %cond3A_95 = arith.constant 0 : i32
    %cond3A_96 = arith.cmpi ne, %convert_element_type3A_94, %cond3A_95 : i32
    scf.if %cond3A_96 {
      %run_scoped3A_120 = arith.constant 0 : i32
      "tpu.region"() ({
        %run_scoped3A_150 = tpu.sem_alloc : memref<!tpu.dma_semaphore, #tpu.memory_space<semaphore_mem>>
        %dma_start3A_151 = arith.constant 0 : i32
        %dma_start3A_152 = arith.constant 0 : i32
        %dma_start3A_153 = tpu.memref_slice %arg24[%run_scoped3A_120, %dma_start3A_151, %dma_start3A_152] : memref<2x2x128xi32, #tpu.memory_space<vmem>> -> memref<1x2x128xi32, #tpu.memory_space<vmem>>
        %dma_start3A_154 = tpu.memref_squeeze %dma_start3A_153 : memref<1x2x128xi32, #tpu.memory_space<vmem>> -> memref<2x128xi32, #tpu.memory_space<vmem>>
        %dma_start3A_155 = arith.constant 0 : i32
        %dma_start3A_156 = arith.constant 0 : i32
        %dma_start3A_157 = tpu.memref_slice %arg6[%arg1, %dma_start3A_155, %dma_start3A_156] : memref<16x158x128xi32, #tpu.memory_space<hbm>> -> memref<1x2x128xi32, #tpu.memory_space<hbm>>
        %dma_start3A_158 = tpu.memref_squeeze %dma_start3A_157 : memref<1x2x128xi32, #tpu.memory_space<hbm>> -> memref<2x128xi32, #tpu.memory_space<hbm>>
        %dma_start3A_159 = arith.constant 0 : i32
        %dma_start3A_160 = arith.constant 0 : i32
        %dma_start3A_161 = tpu.memref_slice %arg24[%run_scoped3A_120, %dma_start3A_159, %dma_start3A_160] : memref<2x2x128xi32, #tpu.memory_space<vmem>> -> memref<1x2x128xi32, #tpu.memory_space<vmem>>
        %dma_start3A_162 = tpu.memref_squeeze %dma_start3A_161 : memref<1x2x128xi32, #tpu.memory_space<vmem>> -> memref<2x128xi32, #tpu.memory_space<vmem>>
        %dma_start3A_163 = arith.constant 0 : i32
        %dma_start3A_164 = arith.constant 0 : i32
        %dma_start3A_165 = tpu.memref_slice %arg6[%arg1, %dma_start3A_163, %dma_start3A_164] : memref<16x158x128xi32, #tpu.memory_space<hbm>> -> memref<1x2x128xi32, #tpu.memory_space<hbm>>
        %dma_start3A_166 = tpu.memref_squeeze %dma_start3A_165 : memref<1x2x128xi32, #tpu.memory_space<hbm>> -> memref<2x128xi32, #tpu.memory_space<hbm>>
        tpu.enqueue_dma source(%dma_start3A_166 : memref<2x128xi32, #tpu.memory_space<hbm>>) target(%dma_start3A_162 : memref<2x128xi32, #tpu.memory_space<vmem>>) target_semaphore(%run_scoped3A_150 : memref<!tpu.dma_semaphore, #tpu.memory_space<semaphore_mem>>)
        %dma_wait3A_167 = arith.constant 0 : i32
        %dma_wait3A_168 = arith.constant 0 : i32
        %dma_wait3A_169 = tpu.memref_slice %arg24[%run_scoped3A_120, %dma_wait3A_167, %dma_wait3A_168] : memref<2x2x128xi32, #tpu.memory_space<vmem>> -> memref<1x2x128xi32, #tpu.memory_space<vmem>>
        %dma_wait3A_170 = tpu.memref_squeeze %dma_wait3A_169 : memref<1x2x128xi32, #tpu.memory_space<vmem>> -> memref<2x128xi32, #tpu.memory_space<vmem>>
        %dma_wait3A_171 = arith.constant 0 : i32
        %dma_wait3A_172 = arith.constant 0 : i32
        %dma_wait3A_173 = tpu.memref_slice %arg6[%arg1, %dma_wait3A_171, %dma_wait3A_172] : memref<16x158x128xi32, #tpu.memory_space<hbm>> -> memref<1x2x128xi32, #tpu.memory_space<hbm>>
        %dma_wait3A_174 = tpu.memref_squeeze %dma_wait3A_173 : memref<1x2x128xi32, #tpu.memory_space<hbm>> -> memref<2x128xi32, #tpu.memory_space<hbm>>
        %dma_wait3A_175 = arith.constant 0 : i32
        %dma_wait3A_176 = arith.constant 0 : i32
        %dma_wait3A_177 = tpu.memref_slice %arg24[%run_scoped3A_120, %dma_wait3A_175, %dma_wait3A_176] : memref<2x2x128xi32, #tpu.memory_space<vmem>> -> memref<1x2x128xi32, #tpu.memory_space<vmem>>
        %dma_wait3A_178 = tpu.memref_squeeze %dma_wait3A_177 : memref<1x2x128xi32, #tpu.memory_space<vmem>> -> memref<2x128xi32, #tpu.memory_space<vmem>>
        %dma_wait3A_179 = arith.constant 0 : i32
        %dma_wait3A_180 = arith.constant 0 : i32
        %dma_wait3A_181 = tpu.memref_slice %arg6[%arg1, %dma_wait3A_179, %dma_wait3A_180] : memref<16x158x128xi32, #tpu.memory_space<hbm>> -> memref<1x2x128xi32, #tpu.memory_space<hbm>>
        %dma_wait3A_182 = tpu.memref_squeeze %dma_wait3A_181 : memref<1x2x128xi32, #tpu.memory_space<hbm>> -> memref<2x128xi32, #tpu.memory_space<hbm>>
        tpu.wait_dma2 semaphore(%run_scoped3A_150 : memref<!tpu.dma_semaphore, #tpu.memory_space<semaphore_mem>>) src(%dma_wait3A_182 : memref<2x128xi32, #tpu.memory_space<hbm>>) dst(%dma_wait3A_178 : memref<2x128xi32, #tpu.memory_space<vmem>>)
        tpu.yield
      }) : () -> ()
      %run_scoped3A_121 = arith.constant 0 : i32
      "tpu.region"() ({
        %run_scoped3A_150 = tpu.sem_alloc : memref<!tpu.dma_semaphore, #tpu.memory_space<semaphore_mem>>
        %dma_start3A_151 = arith.constant 0 : i32
        %dma_start3A_152 = arith.constant 0 : i32
        %dma_start3A_153 = tpu.memref_slice %arg25[%run_scoped3A_121, %dma_start3A_151, %dma_start3A_152] : memref<2x2x128xi32, #tpu.memory_space<vmem>> -> memref<1x2x128xi32, #tpu.memory_space<vmem>>
        %dma_start3A_154 = tpu.memref_squeeze %dma_start3A_153 : memref<1x2x128xi32, #tpu.memory_space<vmem>> -> memref<2x128xi32, #tpu.memory_space<vmem>>
        %dma_start3A_155 = arith.constant 0 : i32
        %dma_start3A_156 = arith.constant 0 : i32
        %dma_start3A_157 = tpu.memref_slice %arg7[%arg1, %dma_start3A_155, %dma_start3A_156] : memref<16x158x128xi32, #tpu.memory_space<hbm>> -> memref<1x2x128xi32, #tpu.memory_space<hbm>>
        %dma_start3A_158 = tpu.memref_squeeze %dma_start3A_157 : memref<1x2x128xi32, #tpu.memory_space<hbm>> -> memref<2x128xi32, #tpu.memory_space<hbm>>
        %dma_start3A_159 = arith.constant 0 : i32
        %dma_start3A_160 = arith.constant 0 : i32
        %dma_start3A_161 = tpu.memref_slice %arg25[%run_scoped3A_121, %dma_start3A_159, %dma_start3A_160] : memref<2x2x128xi32, #tpu.memory_space<vmem>> -> memref<1x2x128xi32, #tpu.memory_space<vmem>>
        %dma_start3A_162 = tpu.memref_squeeze %dma_start3A_161 : memref<1x2x128xi32, #tpu.memory_space<vmem>> -> memref<2x128xi32, #tpu.memory_space<vmem>>
        %dma_start3A_163 = arith.constant 0 : i32
        %dma_start3A_164 = arith.constant 0 : i32
        %dma_start3A_165 = tpu.memref_slice %arg7[%arg1, %dma_start3A_163, %dma_start3A_164] : memref<16x158x128xi32, #tpu.memory_space<hbm>> -> memref<1x2x128xi32, #tpu.memory_space<hbm>>
        %dma_start3A_166 = tpu.memref_squeeze %dma_start3A_165 : memref<1x2x128xi32, #tpu.memory_space<hbm>> -> memref<2x128xi32, #tpu.memory_space<hbm>>
        tpu.enqueue_dma source(%dma_start3A_166 : memref<2x128xi32, #tpu.memory_space<hbm>>) target(%dma_start3A_162 : memref<2x128xi32, #tpu.memory_space<vmem>>) target_semaphore(%run_scoped3A_150 : memref<!tpu.dma_semaphore, #tpu.memory_space<semaphore_mem>>)
        %dma_wait3A_167 = arith.constant 0 : i32
        %dma_wait3A_168 = arith.constant 0 : i32
        %dma_wait3A_169 = tpu.memref_slice %arg25[%run_scoped3A_121, %dma_wait3A_167, %dma_wait3A_168] : memref<2x2x128xi32, #tpu.memory_space<vmem>> -> memref<1x2x128xi32, #tpu.memory_space<vmem>>
        %dma_wait3A_170 = tpu.memref_squeeze %dma_wait3A_169 : memref<1x2x128xi32, #tpu.memory_space<vmem>> -> memref<2x128xi32, #tpu.memory_space<vmem>>
        %dma_wait3A_171 = arith.constant 0 : i32
        %dma_wait3A_172 = arith.constant 0 : i32
        %dma_wait3A_173 = tpu.memref_slice %arg7[%arg1, %dma_wait3A_171, %dma_wait3A_172] : memref<16x158x128xi32, #tpu.memory_space<hbm>> -> memref<1x2x128xi32, #tpu.memory_space<hbm>>
        %dma_wait3A_174 = tpu.memref_squeeze %dma_wait3A_173 : memref<1x2x128xi32, #tpu.memory_space<hbm>> -> memref<2x128xi32, #tpu.memory_space<hbm>>
        %dma_wait3A_175 = arith.constant 0 : i32
        %dma_wait3A_176 = arith.constant 0 : i32
        %dma_wait3A_177 = tpu.memref_slice %arg25[%run_scoped3A_121, %dma_wait3A_175, %dma_wait3A_176] : memref<2x2x128xi32, #tpu.memory_space<vmem>> -> memref<1x2x128xi32, #tpu.memory_space<vmem>>
        %dma_wait3A_178 = tpu.memref_squeeze %dma_wait3A_177 : memref<1x2x128xi32, #tpu.memory_space<vmem>> -> memref<2x128xi32, #tpu.memory_space<vmem>>
        %dma_wait3A_179 = arith.constant 0 : i32
        %dma_wait3A_180 = arith.constant 0 : i32
        %dma_wait3A_181 = tpu.memref_slice %arg7[%arg1, %dma_wait3A_179, %dma_wait3A_180] : memref<16x158x128xi32, #tpu.memory_space<hbm>> -> memref<1x2x128xi32, #tpu.memory_space<hbm>>
        %dma_wait3A_182 = tpu.memref_squeeze %dma_wait3A_181 : memref<1x2x128xi32, #tpu.memory_space<hbm>> -> memref<2x128xi32, #tpu.memory_space<hbm>>
        tpu.wait_dma2 semaphore(%run_scoped3A_150 : memref<!tpu.dma_semaphore, #tpu.memory_space<semaphore_mem>>) src(%dma_wait3A_182 : memref<2x128xi32, #tpu.memory_space<hbm>>) dst(%dma_wait3A_178 : memref<2x128xi32, #tpu.memory_space<vmem>>)
        tpu.yield
      }) : () -> ()
      %dma_start3A = arith.constant 0 : i32
      %dma_start3A_122 = arith.constant 0 : i32
      %dma_start3A_123 = arith.constant 0 : i32
      %dma_start3A_124 = tpu.memref_slice %arg24[%dma_start3A, %dma_start3A_122, %dma_start3A_123] : memref<2x2x128xi32, #tpu.memory_space<vmem>> -> memref<1x1x128xi32, #tpu.memory_space<vmem>>
      %dma_start3A_125 = tpu.memref_squeeze %dma_start3A_124 : memref<1x1x128xi32, #tpu.memory_space<vmem>> -> memref<128xi32, #tpu.memory_space<vmem>>
      %dma_start3A_126 = arith.constant 0 : i32
      %dma_start3A_127 = arith.constant 0 : i32
      %dma_start3A_128 = tpu.memref_slice %arg13[%dma_start3A_126, %dma_start3A_127] : memref<10240x128xf32, #tpu.memory_space<hbm>> -> memref<10240x128xf32, #tpu.memory_space<hbm>>
      tpu.enqueue_indirect_dma source(%dma_start3A_128 : memref<10240x128xf32, #tpu.memory_space<hbm>>) target(%arg26 : memref<128x128xf32, #tpu.memory_space<vmem>>) offsets(%dma_start3A_125 : memref<128xi32, #tpu.memory_space<vmem>>) semaphore(%arg40 : memref<!tpu.dma_semaphore, #tpu.memory_space<semaphore_mem>>)
      %scan3A_129 = arith.constant 0 : i32
      %scan3A_130 = arith.constant 0 : i32
      %scan3A_131 = arith.constant 79 : i32
      %scan3A_132 = arith.addi %scan3A_130, %scan3A_131 : i32
      %scan3A_133 = arith.constant 1 : i32
      scf.for %scan3A_150 = %scan3A_130 to %scan3A_132 step %scan3A_133  : i32 {
        %jit3A = arith.constant 2 : i32
        %eq3A_151 = arith.constant 0 : i32
        %eq3A_152 = arith.cmpi eq, %jit3A, %eq3A_151 : i32
        %jit3A_153 = arith.constant 1 : i32
        %select_n3A = arith.select %eq3A_152, %jit3A_153, %jit3A : i32
        %rem3A = arith.remsi %scan3A_150, %select_n3A : i32
        %ne3A = arith.constant 0 : i32
        %ne3A_154 = arith.cmpi ne, %rem3A, %ne3A : i32
        %lt3A = arith.constant 0 : i32
        %lt3A_155 = arith.cmpi slt, %rem3A, %lt3A : i32
        %lt3A_156 = arith.constant 0 : i32
        %lt3A_157 = arith.cmpi slt, %select_n3A, %lt3A_156 : i32
        %ne3A_158 = arith.xori %lt3A_155, %lt3A_157 : i1
        %and3A_159 = arith.andi %ne3A_158, %ne3A_154 : i1
        %add3A_160 = arith.addi %rem3A, %select_n3A : i32
        %select_n3A_161 = arith.select %and3A_159, %add3A_160, %rem3A : i32
        %sub3A = arith.constant 1 : i32
        %sub3A_162 = arith.subi %sub3A, %select_n3A_161 : i32
        %gt3A = arith.constant 0 : i32
        %gt3A_163 = arith.cmpi sgt, %scan3A_150, %gt3A : i32
        %convert_element_type3A_164 = arith.extui %gt3A_163 : i1 to i32
        %cond3A_165 = arith.constant 0 : i32
        %cond3A_166 = arith.cmpi ne, %convert_element_type3A_164, %cond3A_165 : i32
        scf.if %cond3A_166 {
          %dma_wait3A_216 = arith.constant 1 : i32
          %dma_wait3A_217 = arith.constant 0 : i32
          %dma_wait3A_218 = tpu.memref_slice %arg25[%select_n3A_161, %dma_wait3A_216, %dma_wait3A_217] : memref<2x2x128xi32, #tpu.memory_space<vmem>> -> memref<1x1x128xi32, #tpu.memory_space<vmem>>
          %dma_wait3A_219 = tpu.memref_squeeze %dma_wait3A_218 : memref<1x1x128xi32, #tpu.memory_space<vmem>> -> memref<128xi32, #tpu.memory_space<vmem>>
          %dma_wait3A_220 = arith.constant 0 : i32
          %dma_wait3A_221 = arith.constant 0 : i32
          %dma_wait3A_222 = tpu.memref_slice %arg33[%dma_wait3A_220, %dma_wait3A_221] : memref<10240x128xf32, #tpu.memory_space<vmem_shared>> -> memref<10240x128xf32, #tpu.memory_space<vmem_shared>>
          tpu.wait_indirect_dma semaphore(%arg44 : memref<!tpu.dma_semaphore, #tpu.memory_space<semaphore_mem>>) src(%arg27 : memref<128x128xf32, #tpu.memory_space<vmem>>) dst(%dma_wait3A_222 : memref<10240x128xf32, #tpu.memory_space<vmem_shared>>)
        } else {
        }
        %dma_start3A_167 = arith.constant 1 : i32
        %dma_start3A_168 = arith.constant 0 : i32
        %dma_start3A_169 = tpu.memref_slice %arg24[%select_n3A_161, %dma_start3A_167, %dma_start3A_168] : memref<2x2x128xi32, #tpu.memory_space<vmem>> -> memref<1x1x128xi32, #tpu.memory_space<vmem>>
        %dma_start3A_170 = tpu.memref_squeeze %dma_start3A_169 : memref<1x1x128xi32, #tpu.memory_space<vmem>> -> memref<128xi32, #tpu.memory_space<vmem>>
        %dma_start3A_171 = arith.constant 0 : i32
        %dma_start3A_172 = arith.constant 0 : i32
        %dma_start3A_173 = tpu.memref_slice %arg13[%dma_start3A_171, %dma_start3A_172] : memref<10240x128xf32, #tpu.memory_space<hbm>> -> memref<10240x128xf32, #tpu.memory_space<hbm>>
        tpu.enqueue_indirect_dma source(%dma_start3A_173 : memref<10240x128xf32, #tpu.memory_space<hbm>>) target(%arg27 : memref<128x128xf32, #tpu.memory_space<vmem>>) offsets(%dma_start3A_170 : memref<128xi32, #tpu.memory_space<vmem>>) semaphore(%arg41 : memref<!tpu.dma_semaphore, #tpu.memory_space<semaphore_mem>>)
        %add3A_174 = arith.constant 1 : i32
        %add3A_175 = arith.addi %scan3A_150, %add3A_174 : i32
        %lt3A_176 = arith.constant 79 : i32
        %lt3A_177 = arith.cmpi slt, %add3A_175, %lt3A_176 : i32
        %convert_element_type3A_178 = arith.extui %lt3A_177 : i1 to i32
        %cond3A_179 = arith.constant 0 : i32
        %cond3A_180 = arith.cmpi ne, %convert_element_type3A_178, %cond3A_179 : i32
        scf.if %cond3A_180 {
          %add3A_216 = arith.constant 1 : i32
          %add3A_217 = arith.addi %scan3A_150, %add3A_216 : i32
          %mul3A_218 = arith.constant 2 : i32
          %mul3A_219 = arith.muli %mul3A_218, %add3A_217 : i32
          %dma_start3A_220 = arith.constant 0 : i32
          %dma_start3A_221 = arith.constant 0 : i32
          %dma_start3A_222 = tpu.memref_slice %arg24[%sub3A_162, %dma_start3A_220, %dma_start3A_221] : memref<2x2x128xi32, #tpu.memory_space<vmem>> -> memref<1x2x128xi32, #tpu.memory_space<vmem>>
          %dma_start3A_223 = tpu.memref_squeeze %dma_start3A_222 : memref<1x2x128xi32, #tpu.memory_space<vmem>> -> memref<2x128xi32, #tpu.memory_space<vmem>>
          %dma_start3A_224 = arith.constant 0 : i32
          %dma_start3A_225 = tpu.memref_slice %arg6[%arg1, %mul3A_219, %dma_start3A_224] : memref<16x158x128xi32, #tpu.memory_space<hbm>> -> memref<1x2x128xi32, #tpu.memory_space<hbm>>
          %dma_start3A_226 = tpu.memref_squeeze %dma_start3A_225 : memref<1x2x128xi32, #tpu.memory_space<hbm>> -> memref<2x128xi32, #tpu.memory_space<hbm>>
          %dma_start3A_227 = arith.constant 0 : i32
          %dma_start3A_228 = arith.constant 0 : i32
          %dma_start3A_229 = tpu.memref_slice %arg24[%sub3A_162, %dma_start3A_227, %dma_start3A_228] : memref<2x2x128xi32, #tpu.memory_space<vmem>> -> memref<1x2x128xi32, #tpu.memory_space<vmem>>
          %dma_start3A_230 = tpu.memref_squeeze %dma_start3A_229 : memref<1x2x128xi32, #tpu.memory_space<vmem>> -> memref<2x128xi32, #tpu.memory_space<vmem>>
          %dma_start3A_231 = arith.constant 0 : i32
          %dma_start3A_232 = tpu.memref_slice %arg6[%arg1, %mul3A_219, %dma_start3A_231] : memref<16x158x128xi32, #tpu.memory_space<hbm>> -> memref<1x2x128xi32, #tpu.memory_space<hbm>>
          %dma_start3A_233 = tpu.memref_squeeze %dma_start3A_232 : memref<1x2x128xi32, #tpu.memory_space<hbm>> -> memref<2x128xi32, #tpu.memory_space<hbm>>
          tpu.enqueue_dma source(%dma_start3A_233 : memref<2x128xi32, #tpu.memory_space<hbm>>) target(%dma_start3A_230 : memref<2x128xi32, #tpu.memory_space<vmem>>) target_semaphore(%arg42 : memref<!tpu.dma_semaphore, #tpu.memory_space<semaphore_mem>>)
          %add3A_234 = arith.constant 1 : i32
          %add3A_235 = arith.addi %scan3A_150, %add3A_234 : i32
          %mul3A_236 = arith.constant 2 : i32
          %mul3A_237 = arith.muli %mul3A_236, %add3A_235 : i32
          %dma_start3A_238 = arith.constant 0 : i32
          %dma_start3A_239 = arith.constant 0 : i32
          %dma_start3A_240 = tpu.memref_slice %arg25[%sub3A_162, %dma_start3A_238, %dma_start3A_239] : memref<2x2x128xi32, #tpu.memory_space<vmem>> -> memref<1x2x128xi32, #tpu.memory_space<vmem>>
          %dma_start3A_241 = tpu.memref_squeeze %dma_start3A_240 : memref<1x2x128xi32, #tpu.memory_space<vmem>> -> memref<2x128xi32, #tpu.memory_space<vmem>>
          %dma_start3A_242 = arith.constant 0 : i32
          %dma_start3A_243 = tpu.memref_slice %arg7[%arg1, %mul3A_237, %dma_start3A_242] : memref<16x158x128xi32, #tpu.memory_space<hbm>> -> memref<1x2x128xi32, #tpu.memory_space<hbm>>
          %dma_start3A_244 = tpu.memref_squeeze %dma_start3A_243 : memref<1x2x128xi32, #tpu.memory_space<hbm>> -> memref<2x128xi32, #tpu.memory_space<hbm>>
          %dma_start3A_245 = arith.constant 0 : i32
          %dma_start3A_246 = arith.constant 0 : i32
          %dma_start3A_247 = tpu.memref_slice %arg25[%sub3A_162, %dma_start3A_245, %dma_start3A_246] : memref<2x2x128xi32, #tpu.memory_space<vmem>> -> memref<1x2x128xi32, #tpu.memory_space<vmem>>
          %dma_start3A_248 = tpu.memref_squeeze %dma_start3A_247 : memref<1x2x128xi32, #tpu.memory_space<vmem>> -> memref<2x128xi32, #tpu.memory_space<vmem>>
          %dma_start3A_249 = arith.constant 0 : i32
          %dma_start3A_250 = tpu.memref_slice %arg7[%arg1, %mul3A_237, %dma_start3A_249] : memref<16x158x128xi32, #tpu.memory_space<hbm>> -> memref<1x2x128xi32, #tpu.memory_space<hbm>>
          %dma_start3A_251 = tpu.memref_squeeze %dma_start3A_250 : memref<1x2x128xi32, #tpu.memory_space<hbm>> -> memref<2x128xi32, #tpu.memory_space<hbm>>
          tpu.enqueue_dma source(%dma_start3A_251 : memref<2x128xi32, #tpu.memory_space<hbm>>) target(%dma_start3A_248 : memref<2x128xi32, #tpu.memory_space<vmem>>) target_semaphore(%arg42 : memref<!tpu.dma_semaphore, #tpu.memory_space<semaphore_mem>>)
        } else {
        }
        %dma_wait3A_181 = arith.constant 0 : i32
        %dma_wait3A_182 = arith.constant 0 : i32
        %dma_wait3A_183 = tpu.memref_slice %arg24[%select_n3A_161, %dma_wait3A_181, %dma_wait3A_182] : memref<2x2x128xi32, #tpu.memory_space<vmem>> -> memref<1x1x128xi32, #tpu.memory_space<vmem>>
        %dma_wait3A_184 = tpu.memref_squeeze %dma_wait3A_183 : memref<1x1x128xi32, #tpu.memory_space<vmem>> -> memref<128xi32, #tpu.memory_space<vmem>>
        %dma_wait3A_185 = arith.constant 0 : i32
        %dma_wait3A_186 = arith.constant 0 : i32
        %dma_wait3A_187 = tpu.memref_slice %arg13[%dma_wait3A_185, %dma_wait3A_186] : memref<10240x128xf32, #tpu.memory_space<hbm>> -> memref<10240x128xf32, #tpu.memory_space<hbm>>
        tpu.wait_indirect_dma semaphore(%arg40 : memref<!tpu.dma_semaphore, #tpu.memory_space<semaphore_mem>>) src(%dma_wait3A_187 : memref<10240x128xf32, #tpu.memory_space<hbm>>) dst(%arg26 : memref<128x128xf32, #tpu.memory_space<vmem>>)
        %dma_start3A_188 = arith.constant 0 : i32
        %dma_start3A_189 = arith.constant 0 : i32
        %dma_start3A_190 = tpu.memref_slice %arg25[%select_n3A_161, %dma_start3A_188, %dma_start3A_189] : memref<2x2x128xi32, #tpu.memory_space<vmem>> -> memref<1x1x128xi32, #tpu.memory_space<vmem>>
        %dma_start3A_191 = tpu.memref_squeeze %dma_start3A_190 : memref<1x1x128xi32, #tpu.memory_space<vmem>> -> memref<128xi32, #tpu.memory_space<vmem>>
        %dma_start3A_192 = arith.constant 0 : i32
        %dma_start3A_193 = arith.constant 0 : i32
        %dma_start3A_194 = tpu.memref_slice %arg33[%dma_start3A_192, %dma_start3A_193] : memref<10240x128xf32, #tpu.memory_space<vmem_shared>> -> memref<10240x128xf32, #tpu.memory_space<vmem_shared>>
        tpu.enqueue_indirect_dma source(%arg26 : memref<128x128xf32, #tpu.memory_space<vmem>>) target(%dma_start3A_194 : memref<10240x128xf32, #tpu.memory_space<vmem_shared>>) offsets(%dma_start3A_191 : memref<128xi32, #tpu.memory_space<vmem>>) semaphore(%arg43 : memref<!tpu.dma_semaphore, #tpu.memory_space<semaphore_mem>>) {add = true}
        %add3A_195 = arith.constant 1 : i32
        %add3A_196 = arith.addi %scan3A_150, %add3A_195 : i32
        %lt3A_197 = arith.constant 79 : i32
        %lt3A_198 = arith.cmpi slt, %add3A_196, %lt3A_197 : i32
        %convert_element_type3A_199 = arith.extui %lt3A_198 : i1 to i32
        %cond3A_200 = arith.constant 0 : i32
        %cond3A_201 = arith.cmpi ne, %convert_element_type3A_199, %cond3A_200 : i32
        scf.if %cond3A_201 {
          %dma_wait3A_216 = arith.constant 0 : i32
          %dma_wait3A_217 = arith.constant 0 : i32
          %dma_wait3A_218 = tpu.memref_slice %arg24[%sub3A_162, %dma_wait3A_216, %dma_wait3A_217] : memref<2x2x128xi32, #tpu.memory_space<vmem>> -> memref<1x2x128xi32, #tpu.memory_space<vmem>>
          %dma_wait3A_219 = tpu.memref_squeeze %dma_wait3A_218 : memref<1x2x128xi32, #tpu.memory_space<vmem>> -> memref<2x128xi32, #tpu.memory_space<vmem>>
          %dma_wait3A_220 = arith.constant 0 : i32
          %dma_wait3A_221 = arith.constant 0 : i32
          %dma_wait3A_222 = tpu.memref_slice %arg6[%arg1, %dma_wait3A_220, %dma_wait3A_221] : memref<16x158x128xi32, #tpu.memory_space<hbm>> -> memref<1x2x128xi32, #tpu.memory_space<hbm>>
          %dma_wait3A_223 = tpu.memref_squeeze %dma_wait3A_222 : memref<1x2x128xi32, #tpu.memory_space<hbm>> -> memref<2x128xi32, #tpu.memory_space<hbm>>
          %dma_wait3A_224 = arith.constant 0 : i32
          %dma_wait3A_225 = arith.constant 0 : i32
          %dma_wait3A_226 = tpu.memref_slice %arg24[%sub3A_162, %dma_wait3A_224, %dma_wait3A_225] : memref<2x2x128xi32, #tpu.memory_space<vmem>> -> memref<1x2x128xi32, #tpu.memory_space<vmem>>
          %dma_wait3A_227 = tpu.memref_squeeze %dma_wait3A_226 : memref<1x2x128xi32, #tpu.memory_space<vmem>> -> memref<2x128xi32, #tpu.memory_space<vmem>>
          %dma_wait3A_228 = arith.constant 0 : i32
          %dma_wait3A_229 = arith.constant 0 : i32
          %dma_wait3A_230 = tpu.memref_slice %arg6[%arg1, %dma_wait3A_228, %dma_wait3A_229] : memref<16x158x128xi32, #tpu.memory_space<hbm>> -> memref<1x2x128xi32, #tpu.memory_space<hbm>>
          %dma_wait3A_231 = tpu.memref_squeeze %dma_wait3A_230 : memref<1x2x128xi32, #tpu.memory_space<hbm>> -> memref<2x128xi32, #tpu.memory_space<hbm>>
          tpu.wait_dma2 semaphore(%arg42 : memref<!tpu.dma_semaphore, #tpu.memory_space<semaphore_mem>>) src(%dma_wait3A_231 : memref<2x128xi32, #tpu.memory_space<hbm>>) dst(%dma_wait3A_227 : memref<2x128xi32, #tpu.memory_space<vmem>>)
          %dma_wait3A_232 = arith.constant 0 : i32
          %dma_wait3A_233 = arith.constant 0 : i32
          %dma_wait3A_234 = tpu.memref_slice %arg25[%sub3A_162, %dma_wait3A_232, %dma_wait3A_233] : memref<2x2x128xi32, #tpu.memory_space<vmem>> -> memref<1x2x128xi32, #tpu.memory_space<vmem>>
          %dma_wait3A_235 = tpu.memref_squeeze %dma_wait3A_234 : memref<1x2x128xi32, #tpu.memory_space<vmem>> -> memref<2x128xi32, #tpu.memory_space<vmem>>
          %dma_wait3A_236 = arith.constant 0 : i32
          %dma_wait3A_237 = arith.constant 0 : i32
          %dma_wait3A_238 = tpu.memref_slice %arg7[%arg1, %dma_wait3A_236, %dma_wait3A_237] : memref<16x158x128xi32, #tpu.memory_space<hbm>> -> memref<1x2x128xi32, #tpu.memory_space<hbm>>
          %dma_wait3A_239 = tpu.memref_squeeze %dma_wait3A_238 : memref<1x2x128xi32, #tpu.memory_space<hbm>> -> memref<2x128xi32, #tpu.memory_space<hbm>>
          %dma_wait3A_240 = arith.constant 0 : i32
          %dma_wait3A_241 = arith.constant 0 : i32
          %dma_wait3A_242 = tpu.memref_slice %arg25[%sub3A_162, %dma_wait3A_240, %dma_wait3A_241] : memref<2x2x128xi32, #tpu.memory_space<vmem>> -> memref<1x2x128xi32, #tpu.memory_space<vmem>>
          %dma_wait3A_243 = tpu.memref_squeeze %dma_wait3A_242 : memref<1x2x128xi32, #tpu.memory_space<vmem>> -> memref<2x128xi32, #tpu.memory_space<vmem>>
          %dma_wait3A_244 = arith.constant 0 : i32
          %dma_wait3A_245 = arith.constant 0 : i32
          %dma_wait3A_246 = tpu.memref_slice %arg7[%arg1, %dma_wait3A_244, %dma_wait3A_245] : memref<16x158x128xi32, #tpu.memory_space<hbm>> -> memref<1x2x128xi32, #tpu.memory_space<hbm>>
          %dma_wait3A_247 = tpu.memref_squeeze %dma_wait3A_246 : memref<1x2x128xi32, #tpu.memory_space<hbm>> -> memref<2x128xi32, #tpu.memory_space<hbm>>
          tpu.wait_dma2 semaphore(%arg42 : memref<!tpu.dma_semaphore, #tpu.memory_space<semaphore_mem>>) src(%dma_wait3A_247 : memref<2x128xi32, #tpu.memory_space<hbm>>) dst(%dma_wait3A_243 : memref<2x128xi32, #tpu.memory_space<vmem>>)
          %dma_wait3A_248 = arith.constant 0 : i32
          %dma_wait3A_249 = arith.constant 0 : i32
          %dma_wait3A_250 = tpu.memref_slice %arg25[%select_n3A_161, %dma_wait3A_248, %dma_wait3A_249] : memref<2x2x128xi32, #tpu.memory_space<vmem>> -> memref<1x1x128xi32, #tpu.memory_space<vmem>>
          %dma_wait3A_251 = tpu.memref_squeeze %dma_wait3A_250 : memref<1x1x128xi32, #tpu.memory_space<vmem>> -> memref<128xi32, #tpu.memory_space<vmem>>
          %dma_wait3A_252 = arith.constant 0 : i32
          %dma_wait3A_253 = arith.constant 0 : i32
          %dma_wait3A_254 = tpu.memref_slice %arg33[%dma_wait3A_252, %dma_wait3A_253] : memref<10240x128xf32, #tpu.memory_space<vmem_shared>> -> memref<10240x128xf32, #tpu.memory_space<vmem_shared>>
          tpu.wait_indirect_dma semaphore(%arg43 : memref<!tpu.dma_semaphore, #tpu.memory_space<semaphore_mem>>) src(%arg26 : memref<128x128xf32, #tpu.memory_space<vmem>>) dst(%dma_wait3A_254 : memref<10240x128xf32, #tpu.memory_space<vmem_shared>>)
          %dma_start3A_255 = arith.constant 0 : i32
          %dma_start3A_256 = arith.constant 0 : i32
          %dma_start3A_257 = tpu.memref_slice %arg24[%sub3A_162, %dma_start3A_255, %dma_start3A_256] : memref<2x2x128xi32, #tpu.memory_space<vmem>> -> memref<1x1x128xi32, #tpu.memory_space<vmem>>
          %dma_start3A_258 = tpu.memref_squeeze %dma_start3A_257 : memref<1x1x128xi32, #tpu.memory_space<vmem>> -> memref<128xi32, #tpu.memory_space<vmem>>
          %dma_start3A_259 = arith.constant 0 : i32
          %dma_start3A_260 = arith.constant 0 : i32
          %dma_start3A_261 = tpu.memref_slice %arg13[%dma_start3A_259, %dma_start3A_260] : memref<10240x128xf32, #tpu.memory_space<hbm>> -> memref<10240x128xf32, #tpu.memory_space<hbm>>
          tpu.enqueue_indirect_dma source(%dma_start3A_261 : memref<10240x128xf32, #tpu.memory_space<hbm>>) target(%arg26 : memref<128x128xf32, #tpu.memory_space<vmem>>) offsets(%dma_start3A_258 : memref<128xi32, #tpu.memory_space<vmem>>) semaphore(%arg40 : memref<!tpu.dma_semaphore, #tpu.memory_space<semaphore_mem>>)
        } else {
        }
        %dma_wait3A_202 = arith.constant 1 : i32
        %dma_wait3A_203 = arith.constant 0 : i32
        %dma_wait3A_204 = tpu.memref_slice %arg24[%select_n3A_161, %dma_wait3A_202, %dma_wait3A_203] : memref<2x2x128xi32, #tpu.memory_space<vmem>> -> memref<1x1x128xi32, #tpu.memory_space<vmem>>
        %dma_wait3A_205 = tpu.memref_squeeze %dma_wait3A_204 : memref<1x1x128xi32, #tpu.memory_space<vmem>> -> memref<128xi32, #tpu.memory_space<vmem>>
        %dma_wait3A_206 = arith.constant 0 : i32
        %dma_wait3A_207 = arith.constant 0 : i32
        %dma_wait3A_208 = tpu.memref_slice %arg13[%dma_wait3A_206, %dma_wait3A_207] : memref<10240x128xf32, #tpu.memory_space<hbm>> -> memref<10240x128xf32, #tpu.memory_space<hbm>>
        tpu.wait_indirect_dma semaphore(%arg41 : memref<!tpu.dma_semaphore, #tpu.memory_space<semaphore_mem>>) src(%dma_wait3A_208 : memref<10240x128xf32, #tpu.memory_space<hbm>>) dst(%arg27 : memref<128x128xf32, #tpu.memory_space<vmem>>)
        %dma_start3A_209 = arith.constant 1 : i32
        %dma_start3A_210 = arith.constant 0 : i32
        %dma_start3A_211 = tpu.memref_slice %arg25[%select_n3A_161, %dma_start3A_209, %dma_start3A_210] : memref<2x2x128xi32, #tpu.memory_space<vmem>> -> memref<1x1x128xi32, #tpu.memory_space<vmem>>
        %dma_start3A_212 = tpu.memref_squeeze %dma_start3A_211 : memref<1x1x128xi32, #tpu.memory_space<vmem>> -> memref<128xi32, #tpu.memory_space<vmem>>
        %dma_start3A_213 = arith.constant 0 : i32
        %dma_start3A_214 = arith.constant 0 : i32
        %dma_start3A_215 = tpu.memref_slice %arg33[%dma_start3A_213, %dma_start3A_214] : memref<10240x128xf32, #tpu.memory_space<vmem_shared>> -> memref<10240x128xf32, #tpu.memory_space<vmem_shared>>
        tpu.enqueue_indirect_dma source(%arg27 : memref<128x128xf32, #tpu.memory_space<vmem>>) target(%dma_start3A_215 : memref<10240x128xf32, #tpu.memory_space<vmem_shared>>) offsets(%dma_start3A_212 : memref<128xi32, #tpu.memory_space<vmem>>) semaphore(%arg44 : memref<!tpu.dma_semaphore, #tpu.memory_space<semaphore_mem>>) {add = true}
      }
      %scan3A_134 = arith.constant 79 : i32
      %dma_wait3A = arith.constant 0 : i32
      %dma_wait3A_135 = arith.constant 0 : i32
      %dma_wait3A_136 = arith.constant 0 : i32
      %dma_wait3A_137 = tpu.memref_slice %arg25[%dma_wait3A, %dma_wait3A_135, %dma_wait3A_136] : memref<2x2x128xi32, #tpu.memory_space<vmem>> -> memref<1x1x128xi32, #tpu.memory_space<vmem>>
      %dma_wait3A_138 = tpu.memref_squeeze %dma_wait3A_137 : memref<1x1x128xi32, #tpu.memory_space<vmem>> -> memref<128xi32, #tpu.memory_space<vmem>>
      %dma_wait3A_139 = arith.constant 0 : i32
      %dma_wait3A_140 = arith.constant 0 : i32
      %dma_wait3A_141 = tpu.memref_slice %arg33[%dma_wait3A_139, %dma_wait3A_140] : memref<10240x128xf32, #tpu.memory_space<vmem_shared>> -> memref<10240x128xf32, #tpu.memory_space<vmem_shared>>
      tpu.wait_indirect_dma semaphore(%arg43 : memref<!tpu.dma_semaphore, #tpu.memory_space<semaphore_mem>>) src(%arg26 : memref<128x128xf32, #tpu.memory_space<vmem>>) dst(%dma_wait3A_141 : memref<10240x128xf32, #tpu.memory_space<vmem_shared>>)
      %dma_wait3A_142 = arith.constant 0 : i32
      %dma_wait3A_143 = arith.constant 1 : i32
      %dma_wait3A_144 = arith.constant 0 : i32
      %dma_wait3A_145 = tpu.memref_slice %arg25[%dma_wait3A_142, %dma_wait3A_143, %dma_wait3A_144] : memref<2x2x128xi32, #tpu.memory_space<vmem>> -> memref<1x1x128xi32, #tpu.memory_space<vmem>>
      %dma_wait3A_146 = tpu.memref_squeeze %dma_wait3A_145 : memref<1x1x128xi32, #tpu.memory_space<vmem>> -> memref<128xi32, #tpu.memory_space<vmem>>
      %dma_wait3A_147 = arith.constant 0 : i32
      %dma_wait3A_148 = arith.constant 0 : i32
      %dma_wait3A_149 = tpu.memref_slice %arg33[%dma_wait3A_147, %dma_wait3A_148] : memref<10240x128xf32, #tpu.memory_space<vmem_shared>> -> memref<10240x128xf32, #tpu.memory_space<vmem_shared>>
      tpu.wait_indirect_dma semaphore(%arg44 : memref<!tpu.dma_semaphore, #tpu.memory_space<semaphore_mem>>) src(%arg27 : memref<128x128xf32, #tpu.memory_space<vmem>>) dst(%dma_wait3A_149 : memref<10240x128xf32, #tpu.memory_space<vmem_shared>>)
    } else {
    }
    %barrier3A_97 = arith.constant 0 : index
    tpu.barrier barrier_id(%barrier3A_97)
    %scan3A_98 = arith.constant 0 : i32
    %scan3A_99 = arith.constant 0 : i32
    %scan3A_100 = arith.constant 5 : i32
    %scan3A_101 = arith.addi %scan3A_99, %scan3A_100 : i32
    %scan3A_102 = arith.constant 1 : i32
    scf.for %scan3A_120 = %scan3A_99 to %scan3A_101 step %scan3A_102  : i32 {
      %mul3A_121 = arith.constant 128 : i32
      %mul3A_122 = arith.muli %scan3A_120, %mul3A_121 : i32
      %add3A_123 = arith.addi %mul3A_0, %mul3A_122 : i32
      "tpu.region"() ({
        %run_scoped3A_131 = tpu.sem_alloc : memref<!tpu.dma_semaphore, #tpu.memory_space<semaphore_mem>>
        %dma_start3A = arith.constant 0 : i32
        %dma_start3A_132 = tpu.memref_slice %arg33[%add3A_123, %dma_start3A] : memref<10240x128xf32, #tpu.memory_space<vmem_shared>> -> memref<128x128xf32, #tpu.memory_space<vmem_shared>>
        %dma_start3A_133 = arith.constant 0 : i32
        %dma_start3A_134 = tpu.memref_slice %arg33[%add3A_123, %dma_start3A_133] : memref<10240x128xf32, #tpu.memory_space<vmem_shared>> -> memref<128x128xf32, #tpu.memory_space<vmem_shared>>
        tpu.enqueue_dma source(%dma_start3A_134 : memref<128x128xf32, #tpu.memory_space<vmem_shared>>) target(%arg26 : memref<128x128xf32, #tpu.memory_space<vmem>>) target_semaphore(%run_scoped3A_131 : memref<!tpu.dma_semaphore, #tpu.memory_space<semaphore_mem>>)
        %dma_wait3A = arith.constant 0 : i32
        %dma_wait3A_135 = tpu.memref_slice %arg33[%add3A_123, %dma_wait3A] : memref<10240x128xf32, #tpu.memory_space<vmem_shared>> -> memref<128x128xf32, #tpu.memory_space<vmem_shared>>
        %dma_wait3A_136 = arith.constant 0 : i32
        %dma_wait3A_137 = tpu.memref_slice %arg33[%add3A_123, %dma_wait3A_136] : memref<10240x128xf32, #tpu.memory_space<vmem_shared>> -> memref<128x128xf32, #tpu.memory_space<vmem_shared>>
        tpu.wait_dma2 semaphore(%run_scoped3A_131 : memref<!tpu.dma_semaphore, #tpu.memory_space<semaphore_mem>>) src(%dma_wait3A_137 : memref<128x128xf32, #tpu.memory_space<vmem_shared>>) dst(%arg26 : memref<128x128xf32, #tpu.memory_space<vmem>>)
        tpu.yield
      }) : () -> ()
      %mul3A_124 = arith.constant 128 : i32
      %mul3A_125 = arith.muli %scan3A_120, %mul3A_124 : i32
      %scan3A_126 = arith.constant 0 : i32
      %scan3A_127 = arith.constant 128 : i32
      %scan3A_128 = arith.addi %scan3A_126, %scan3A_127 : i32
      %scan3A_129 = arith.constant 1 : i32
      scf.for %scan3A_131 = %scan3A_126 to %scan3A_128 step %scan3A_129  : i32 {
        %add3A_132 = arith.addi %mul3A_125, %scan3A_131 : i32
        %broadcast_in_dim3A_133 = arith.constant 0 : i32
        %broadcast_in_dim3A_134 = vector.broadcast %broadcast_in_dim3A_133 : i32 to vector<16xi32>
        %add3A_135 = vector.broadcast %add3A_132 : i32 to vector<16xi32>
        %add3A_136 = arith.addi %broadcast_in_dim3A_134, %add3A_135 : vector<16xi32>
        %shift_right_logical3A = arith.constant 7 : i32
        %shift_right_logical3A_137 = vector.broadcast %shift_right_logical3A : i32 to vector<16xi32>
        %shift_right_logical3A_138 = arith.shrui %add3A_136, %shift_right_logical3A_137 : vector<16xi32>
        %and3A_139 = arith.constant 127 : i32
        %and3A_140 = vector.broadcast %and3A_139 : i32 to vector<16xi32>
        %and3A_141 = arith.andi %add3A_136, %and3A_140 : vector<16xi32>
        %gather3A = tpu.vector_load_idx %arg29[%shift_right_logical3A_138, %and3A_141] : memref<5x128xf32, #tpu.memory_space<vmem>>[vector<16xi32>, vector<16xi32>], vector<16xf32>,
        %max3A = arith.constant 1.000000e+00 : f32
        %max3A_142 = vector.broadcast %max3A : f32 to vector<16xf32>
        %max3A_143 = arith.maximumf %gather3A, %max3A_142 : vector<16xf32>
        %get3A = arith.index_cast %scan3A_131 : i32 to index
        %get3A_144 = arith.constant 0 : index
        %get3A_145 = tpu.vector_load %arg26[%get3A, %get3A_144] {strides = array<i32>} : memref<128x128xf32, #tpu.memory_space<vmem>>, vector<16xf32>,
        %div3A = arith.divf %get3A_145, %max3A_143 : vector<16xf32>
        %swap3A_146 = arith.index_cast %scan3A_131 : i32 to index
        %swap3A_147 = arith.constant 0 : index
        %swap3A_148 = tpu.vector_load %arg26[%swap3A_146, %swap3A_147] {strides = array<i32>} : memref<128x128xf32, #tpu.memory_space<vmem>>, vector<16xf32>,
        tpu.vector_store %arg26[%swap3A_146, %swap3A_147], %div3A {strides = array<i32>} : memref<128x128xf32, #tpu.memory_space<vmem>>, vector<16xf32>,
        %get3A_149 = arith.index_cast %scan3A_131 : i32 to index
        %get3A_150 = arith.constant 16 : index
        %get3A_151 = tpu.vector_load %arg26[%get3A_149, %get3A_150] {strides = array<i32>} : memref<128x128xf32, #tpu.memory_space<vmem>>, vector<16xf32>,
        %div3A_152 = arith.divf %get3A_151, %max3A_143 : vector<16xf32>
        %swap3A_153 = arith.index_cast %scan3A_131 : i32 to index
        %swap3A_154 = arith.constant 16 : index
        %swap3A_155 = tpu.vector_load %arg26[%swap3A_153, %swap3A_154] {strides = array<i32>} : memref<128x128xf32, #tpu.memory_space<vmem>>, vector<16xf32>,
        tpu.vector_store %arg26[%swap3A_153, %swap3A_154], %div3A_152 {strides = array<i32>} : memref<128x128xf32, #tpu.memory_space<vmem>>, vector<16xf32>,
        %get3A_156 = arith.index_cast %scan3A_131 : i32 to index
        %get3A_157 = arith.constant 32 : index
        %get3A_158 = tpu.vector_load %arg26[%get3A_156, %get3A_157] {strides = array<i32>} : memref<128x128xf32, #tpu.memory_space<vmem>>, vector<16xf32>,
        %div3A_159 = arith.divf %get3A_158, %max3A_143 : vector<16xf32>
        %swap3A_160 = arith.index_cast %scan3A_131 : i32 to index
        %swap3A_161 = arith.constant 32 : index
        %swap3A_162 = tpu.vector_load %arg26[%swap3A_160, %swap3A_161] {strides = array<i32>} : memref<128x128xf32, #tpu.memory_space<vmem>>, vector<16xf32>,
        tpu.vector_store %arg26[%swap3A_160, %swap3A_161], %div3A_159 {strides = array<i32>} : memref<128x128xf32, #tpu.memory_space<vmem>>, vector<16xf32>,
        %get3A_163 = arith.index_cast %scan3A_131 : i32 to index
        %get3A_164 = arith.constant 48 : index
        %get3A_165 = tpu.vector_load %arg26[%get3A_163, %get3A_164] {strides = array<i32>} : memref<128x128xf32, #tpu.memory_space<vmem>>, vector<16xf32>,
        %div3A_166 = arith.divf %get3A_165, %max3A_143 : vector<16xf32>
        %swap3A_167 = arith.index_cast %scan3A_131 : i32 to index
        %swap3A_168 = arith.constant 48 : index
        %swap3A_169 = tpu.vector_load %arg26[%swap3A_167, %swap3A_168] {strides = array<i32>} : memref<128x128xf32, #tpu.memory_space<vmem>>, vector<16xf32>,
        tpu.vector_store %arg26[%swap3A_167, %swap3A_168], %div3A_166 {strides = array<i32>} : memref<128x128xf32, #tpu.memory_space<vmem>>, vector<16xf32>,
        %get3A_170 = arith.index_cast %scan3A_131 : i32 to index
        %get3A_171 = arith.constant 64 : index
        %get3A_172 = tpu.vector_load %arg26[%get3A_170, %get3A_171] {strides = array<i32>} : memref<128x128xf32, #tpu.memory_space<vmem>>, vector<16xf32>,
        %div3A_173 = arith.divf %get3A_172, %max3A_143 : vector<16xf32>
        %swap3A_174 = arith.index_cast %scan3A_131 : i32 to index
        %swap3A_175 = arith.constant 64 : index
        %swap3A_176 = tpu.vector_load %arg26[%swap3A_174, %swap3A_175] {strides = array<i32>} : memref<128x128xf32, #tpu.memory_space<vmem>>, vector<16xf32>,
        tpu.vector_store %arg26[%swap3A_174, %swap3A_175], %div3A_173 {strides = array<i32>} : memref<128x128xf32, #tpu.memory_space<vmem>>, vector<16xf32>,
        %get3A_177 = arith.index_cast %scan3A_131 : i32 to index
        %get3A_178 = arith.constant 80 : index
        %get3A_179 = tpu.vector_load %arg26[%get3A_177, %get3A_178] {strides = array<i32>} : memref<128x128xf32, #tpu.memory_space<vmem>>, vector<16xf32>,
        %div3A_180 = arith.divf %get3A_179, %max3A_143 : vector<16xf32>
        %swap3A_181 = arith.index_cast %scan3A_131 : i32 to index
        %swap3A_182 = arith.constant 80 : index
        %swap3A_183 = tpu.vector_load %arg26[%swap3A_181, %swap3A_182] {strides = array<i32>} : memref<128x128xf32, #tpu.memory_space<vmem>>, vector<16xf32>,
        tpu.vector_store %arg26[%swap3A_181, %swap3A_182], %div3A_180 {strides = array<i32>} : memref<128x128xf32, #tpu.memory_space<vmem>>, vector<16xf32>,
        %get3A_184 = arith.index_cast %scan3A_131 : i32 to index
        %get3A_185 = arith.constant 96 : index
        %get3A_186 = tpu.vector_load %arg26[%get3A_184, %get3A_185] {strides = array<i32>} : memref<128x128xf32, #tpu.memory_space<vmem>>, vector<16xf32>,
        %div3A_187 = arith.divf %get3A_186, %max3A_143 : vector<16xf32>
        %swap3A_188 = arith.index_cast %scan3A_131 : i32 to index
        %swap3A_189 = arith.constant 96 : index
        %swap3A_190 = tpu.vector_load %arg26[%swap3A_188, %swap3A_189] {strides = array<i32>} : memref<128x128xf32, #tpu.memory_space<vmem>>, vector<16xf32>,
        tpu.vector_store %arg26[%swap3A_188, %swap3A_189], %div3A_187 {strides = array<i32>} : memref<128x128xf32, #tpu.memory_space<vmem>>, vector<16xf32>,
        %get3A_191 = arith.index_cast %scan3A_131 : i32 to index
        %get3A_192 = arith.constant 112 : index
        %get3A_193 = tpu.vector_load %arg26[%get3A_191, %get3A_192] {strides = array<i32>} : memref<128x128xf32, #tpu.memory_space<vmem>>, vector<16xf32>,
        %div3A_194 = arith.divf %get3A_193, %max3A_143 : vector<16xf32>
        %swap3A_195 = arith.index_cast %scan3A_131 : i32 to index
        %swap3A_196 = arith.constant 112 : index
        %swap3A_197 = tpu.vector_load %arg26[%swap3A_195, %swap3A_196] {strides = array<i32>} : memref<128x128xf32, #tpu.memory_space<vmem>>, vector<16xf32>,
        tpu.vector_store %arg26[%swap3A_195, %swap3A_196], %div3A_194 {strides = array<i32>} : memref<128x128xf32, #tpu.memory_space<vmem>>, vector<16xf32>,
      }
      %scan3A_130 = arith.constant 128 : i32
      "tpu.region"() ({
        %run_scoped3A_131 = tpu.sem_alloc : memref<!tpu.dma_semaphore, #tpu.memory_space<semaphore_mem>>
        %dma_start3A = arith.constant 0 : i32
        %dma_start3A_132 = tpu.memref_slice %arg30[%scan3A_120, %dma_start3A] : memref<5x128xi32, #tpu.memory_space<vmem>> -> memref<1x128xi32, #tpu.memory_space<vmem>>
        %dma_start3A_133 = tpu.memref_squeeze %dma_start3A_132 : memref<1x128xi32, #tpu.memory_space<vmem>> -> memref<128xi32, #tpu.memory_space<vmem>>
        %dma_start3A_134 = arith.constant 0 : i32
        %dma_start3A_135 = arith.constant 0 : i32
        %dma_start3A_136 = tpu.memref_slice %arg37[%dma_start3A_134, %dma_start3A_135] : memref<32x128xf32, #tpu.memory_space<vmem_shared>> -> memref<32x128xf32, #tpu.memory_space<vmem_shared>>
        tpu.enqueue_indirect_dma source(%arg26 : memref<128x128xf32, #tpu.memory_space<vmem>>) target(%dma_start3A_136 : memref<32x128xf32, #tpu.memory_space<vmem_shared>>) offsets(%dma_start3A_133 : memref<128xi32, #tpu.memory_space<vmem>>) semaphore(%run_scoped3A_131 : memref<!tpu.dma_semaphore, #tpu.memory_space<semaphore_mem>>) {add = true}
        %dma_wait3A = arith.constant 0 : i32
        %dma_wait3A_137 = tpu.memref_slice %arg30[%scan3A_120, %dma_wait3A] : memref<5x128xi32, #tpu.memory_space<vmem>> -> memref<1x128xi32, #tpu.memory_space<vmem>>
        %dma_wait3A_138 = tpu.memref_squeeze %dma_wait3A_137 : memref<1x128xi32, #tpu.memory_space<vmem>> -> memref<128xi32, #tpu.memory_space<vmem>>
        %dma_wait3A_139 = arith.constant 0 : i32
        %dma_wait3A_140 = arith.constant 0 : i32
        %dma_wait3A_141 = tpu.memref_slice %arg37[%dma_wait3A_139, %dma_wait3A_140] : memref<32x128xf32, #tpu.memory_space<vmem_shared>> -> memref<32x128xf32, #tpu.memory_space<vmem_shared>>
        tpu.wait_indirect_dma semaphore(%run_scoped3A_131 : memref<!tpu.dma_semaphore, #tpu.memory_space<semaphore_mem>>) src(%arg26 : memref<128x128xf32, #tpu.memory_space<vmem>>) dst(%dma_wait3A_141 : memref<32x128xf32, #tpu.memory_space<vmem_shared>>)
        tpu.yield
      }) : () -> ()
    }
    %scan3A_103 = arith.constant 5 : i32
    %barrier3A_104 = arith.constant 0 : index
    tpu.barrier barrier_id(%barrier3A_104)
    %eq3A_105 = arith.constant 0 : i32
    %eq3A_106 = arith.cmpi eq, %arg1, %eq3A_105 : i32
    %eq3A_107 = arith.constant 0 : i32
    %eq3A_108 = arith.cmpi eq, %arg0, %eq3A_107 : i32
    %and3A = arith.andi %eq3A_106, %eq3A_108 : i1
    %convert_element_type3A_109 = arith.extui %and3A : i1 to i32
    %cond3A_110 = arith.constant 0 : i32
    %cond3A_111 = arith.cmpi ne, %convert_element_type3A_109, %cond3A_110 : i32
    scf.if %cond3A_111 {
      "tpu.region"() ({
        %run_scoped3A_120 = tpu.sem_alloc : memref<!tpu.dma_semaphore, #tpu.memory_space<semaphore_mem>>
        %dma_start3A = arith.constant 0 : i32
        %dma_start3A_121 = arith.constant 0 : i32
        %dma_start3A_122 = tpu.memref_slice %arg26[%dma_start3A, %dma_start3A_121] : memref<128x128xf32, #tpu.memory_space<vmem>> -> memref<32x128xf32, #tpu.memory_space<vmem>>
        %dma_start3A_123 = arith.constant 0 : i32
        %dma_start3A_124 = arith.constant 0 : i32
        %dma_start3A_125 = tpu.memref_slice %arg26[%dma_start3A_123, %dma_start3A_124] : memref<128x128xf32, #tpu.memory_space<vmem>> -> memref<32x128xf32, #tpu.memory_space<vmem>>
        tpu.enqueue_dma source(%arg35 : memref<32x128xf32, #tpu.memory_space<vmem_shared>>) target(%dma_start3A_125 : memref<32x128xf32, #tpu.memory_space<vmem>>) target_semaphore(%run_scoped3A_120 : memref<!tpu.dma_semaphore, #tpu.memory_space<semaphore_mem>>)
        %dma_wait3A = arith.constant 0 : i32
        %dma_wait3A_126 = arith.constant 0 : i32
        %dma_wait3A_127 = tpu.memref_slice %arg26[%dma_wait3A, %dma_wait3A_126] : memref<128x128xf32, #tpu.memory_space<vmem>> -> memref<32x128xf32, #tpu.memory_space<vmem>>
        %dma_wait3A_128 = arith.constant 0 : i32
        %dma_wait3A_129 = arith.constant 0 : i32
        %dma_wait3A_130 = tpu.memref_slice %arg26[%dma_wait3A_128, %dma_wait3A_129] : memref<128x128xf32, #tpu.memory_space<vmem>> -> memref<32x128xf32, #tpu.memory_space<vmem>>
        tpu.wait_dma2 semaphore(%run_scoped3A_120 : memref<!tpu.dma_semaphore, #tpu.memory_space<semaphore_mem>>) src(%arg35 : memref<32x128xf32, #tpu.memory_space<vmem_shared>>) dst(%dma_wait3A_130 : memref<32x128xf32, #tpu.memory_space<vmem>>)
        tpu.yield
      }) : () -> ()
      "tpu.region"() ({
        %run_scoped3A_120 = tpu.sem_alloc : memref<!tpu.dma_semaphore, #tpu.memory_space<semaphore_mem>>
        %dma_start3A = arith.constant 0 : i32
        %dma_start3A_121 = arith.constant 0 : i32
        %dma_start3A_122 = tpu.memref_slice %arg26[%dma_start3A, %dma_start3A_121] : memref<128x128xf32, #tpu.memory_space<vmem>> -> memref<32x128xf32, #tpu.memory_space<vmem>>
        %dma_start3A_123 = arith.constant 0 : i32
        %dma_start3A_124 = arith.constant 0 : i32
        %dma_start3A_125 = tpu.memref_slice %arg26[%dma_start3A_123, %dma_start3A_124] : memref<128x128xf32, #tpu.memory_space<vmem>> -> memref<32x128xf32, #tpu.memory_space<vmem>>
        tpu.enqueue_dma source(%dma_start3A_125 : memref<32x128xf32, #tpu.memory_space<vmem>>) target(%arg14 : memref<32x128xf32, #tpu.memory_space<hbm>>) target_semaphore(%run_scoped3A_120 : memref<!tpu.dma_semaphore, #tpu.memory_space<semaphore_mem>>)
        %dma_wait3A = arith.constant 0 : i32
        %dma_wait3A_126 = arith.constant 0 : i32
        %dma_wait3A_127 = tpu.memref_slice %arg26[%dma_wait3A, %dma_wait3A_126] : memref<128x128xf32, #tpu.memory_space<vmem>> -> memref<32x128xf32, #tpu.memory_space<vmem>>
        %dma_wait3A_128 = arith.constant 0 : i32
        %dma_wait3A_129 = arith.constant 0 : i32
        %dma_wait3A_130 = tpu.memref_slice %arg26[%dma_wait3A_128, %dma_wait3A_129] : memref<128x128xf32, #tpu.memory_space<vmem>> -> memref<32x128xf32, #tpu.memory_space<vmem>>
        tpu.wait_dma2 semaphore(%run_scoped3A_120 : memref<!tpu.dma_semaphore, #tpu.memory_space<semaphore_mem>>) src(%dma_wait3A_130 : memref<32x128xf32, #tpu.memory_space<vmem>>) dst(%arg14 : memref<32x128xf32, #tpu.memory_space<hbm>>)
        tpu.yield
      }) : () -> ()
      "tpu.region"() ({
        %run_scoped3A_120 = tpu.sem_alloc : memref<!tpu.dma_semaphore, #tpu.memory_space<semaphore_mem>>
        %dma_start3A = arith.constant 0 : i32
        %dma_start3A_121 = arith.constant 0 : i32
        %dma_start3A_122 = tpu.memref_slice %arg26[%dma_start3A, %dma_start3A_121] : memref<128x128xf32, #tpu.memory_space<vmem>> -> memref<32x128xf32, #tpu.memory_space<vmem>>
        %dma_start3A_123 = arith.constant 0 : i32
        %dma_start3A_124 = arith.constant 0 : i32
        %dma_start3A_125 = tpu.memref_slice %arg26[%dma_start3A_123, %dma_start3A_124] : memref<128x128xf32, #tpu.memory_space<vmem>> -> memref<32x128xf32, #tpu.memory_space<vmem>>
        tpu.enqueue_dma source(%arg36 : memref<32x128xf32, #tpu.memory_space<vmem_shared>>) target(%dma_start3A_125 : memref<32x128xf32, #tpu.memory_space<vmem>>) target_semaphore(%run_scoped3A_120 : memref<!tpu.dma_semaphore, #tpu.memory_space<semaphore_mem>>)
        %dma_wait3A = arith.constant 0 : i32
        %dma_wait3A_126 = arith.constant 0 : i32
        %dma_wait3A_127 = tpu.memref_slice %arg26[%dma_wait3A, %dma_wait3A_126] : memref<128x128xf32, #tpu.memory_space<vmem>> -> memref<32x128xf32, #tpu.memory_space<vmem>>
        %dma_wait3A_128 = arith.constant 0 : i32
        %dma_wait3A_129 = arith.constant 0 : i32
        %dma_wait3A_130 = tpu.memref_slice %arg26[%dma_wait3A_128, %dma_wait3A_129] : memref<128x128xf32, #tpu.memory_space<vmem>> -> memref<32x128xf32, #tpu.memory_space<vmem>>
        tpu.wait_dma2 semaphore(%run_scoped3A_120 : memref<!tpu.dma_semaphore, #tpu.memory_space<semaphore_mem>>) src(%arg36 : memref<32x128xf32, #tpu.memory_space<vmem_shared>>) dst(%dma_wait3A_130 : memref<32x128xf32, #tpu.memory_space<vmem>>)
        tpu.yield
      }) : () -> ()
      "tpu.region"() ({
        %run_scoped3A_120 = tpu.sem_alloc : memref<!tpu.dma_semaphore, #tpu.memory_space<semaphore_mem>>
        %dma_start3A = arith.constant 0 : i32
        %dma_start3A_121 = arith.constant 0 : i32
        %dma_start3A_122 = tpu.memref_slice %arg26[%dma_start3A, %dma_start3A_121] : memref<128x128xf32, #tpu.memory_space<vmem>> -> memref<32x128xf32, #tpu.memory_space<vmem>>
        %dma_start3A_123 = arith.constant 0 : i32
        %dma_start3A_124 = arith.constant 0 : i32
        %dma_start3A_125 = tpu.memref_slice %arg26[%dma_start3A_123, %dma_start3A_124] : memref<128x128xf32, #tpu.memory_space<vmem>> -> memref<32x128xf32, #tpu.memory_space<vmem>>
        tpu.enqueue_dma source(%dma_start3A_125 : memref<32x128xf32, #tpu.memory_space<vmem>>) target(%arg15 : memref<32x128xf32, #tpu.memory_space<hbm>>) target_semaphore(%run_scoped3A_120 : memref<!tpu.dma_semaphore, #tpu.memory_space<semaphore_mem>>)
        %dma_wait3A = arith.constant 0 : i32
        %dma_wait3A_126 = arith.constant 0 : i32
        %dma_wait3A_127 = tpu.memref_slice %arg26[%dma_wait3A, %dma_wait3A_126] : memref<128x128xf32, #tpu.memory_space<vmem>> -> memref<32x128xf32, #tpu.memory_space<vmem>>
        %dma_wait3A_128 = arith.constant 0 : i32
        %dma_wait3A_129 = arith.constant 0 : i32
        %dma_wait3A_130 = tpu.memref_slice %arg26[%dma_wait3A_128, %dma_wait3A_129] : memref<128x128xf32, #tpu.memory_space<vmem>> -> memref<32x128xf32, #tpu.memory_space<vmem>>
        tpu.wait_dma2 semaphore(%run_scoped3A_120 : memref<!tpu.dma_semaphore, #tpu.memory_space<semaphore_mem>>) src(%dma_wait3A_130 : memref<32x128xf32, #tpu.memory_space<vmem>>) dst(%arg15 : memref<32x128xf32, #tpu.memory_space<hbm>>)
        tpu.yield
      }) : () -> ()
      "tpu.region"() ({
        %run_scoped3A_120 = tpu.sem_alloc : memref<!tpu.dma_semaphore, #tpu.memory_space<semaphore_mem>>
        %dma_start3A = arith.constant 0 : i32
        %dma_start3A_121 = arith.constant 0 : i32
        %dma_start3A_122 = tpu.memref_slice %arg26[%dma_start3A, %dma_start3A_121] : memref<128x128xf32, #tpu.memory_space<vmem>> -> memref<32x128xf32, #tpu.memory_space<vmem>>
        %dma_start3A_123 = arith.constant 0 : i32
        %dma_start3A_124 = arith.constant 0 : i32
        %dma_start3A_125 = tpu.memref_slice %arg26[%dma_start3A_123, %dma_start3A_124] : memref<128x128xf32, #tpu.memory_space<vmem>> -> memref<32x128xf32, #tpu.memory_space<vmem>>
        tpu.enqueue_dma source(%arg37 : memref<32x128xf32, #tpu.memory_space<vmem_shared>>) target(%dma_start3A_125 : memref<32x128xf32, #tpu.memory_space<vmem>>) target_semaphore(%run_scoped3A_120 : memref<!tpu.dma_semaphore, #tpu.memory_space<semaphore_mem>>)
        %dma_wait3A = arith.constant 0 : i32
        %dma_wait3A_126 = arith.constant 0 : i32
        %dma_wait3A_127 = tpu.memref_slice %arg26[%dma_wait3A, %dma_wait3A_126] : memref<128x128xf32, #tpu.memory_space<vmem>> -> memref<32x128xf32, #tpu.memory_space<vmem>>
        %dma_wait3A_128 = arith.constant 0 : i32
        %dma_wait3A_129 = arith.constant 0 : i32
        %dma_wait3A_130 = tpu.memref_slice %arg26[%dma_wait3A_128, %dma_wait3A_129] : memref<128x128xf32, #tpu.memory_space<vmem>> -> memref<32x128xf32, #tpu.memory_space<vmem>>
        tpu.wait_dma2 semaphore(%run_scoped3A_120 : memref<!tpu.dma_semaphore, #tpu.memory_space<semaphore_mem>>) src(%arg37 : memref<32x128xf32, #tpu.memory_space<vmem_shared>>) dst(%dma_wait3A_130 : memref<32x128xf32, #tpu.memory_space<vmem>>)
        tpu.yield
      }) : () -> ()
      "tpu.region"() ({
        %run_scoped3A_120 = tpu.sem_alloc : memref<!tpu.dma_semaphore, #tpu.memory_space<semaphore_mem>>
        %dma_start3A = arith.constant 0 : i32
        %dma_start3A_121 = arith.constant 0 : i32
        %dma_start3A_122 = tpu.memref_slice %arg26[%dma_start3A, %dma_start3A_121] : memref<128x128xf32, #tpu.memory_space<vmem>> -> memref<32x128xf32, #tpu.memory_space<vmem>>
        %dma_start3A_123 = arith.constant 0 : i32
        %dma_start3A_124 = arith.constant 0 : i32
        %dma_start3A_125 = tpu.memref_slice %arg26[%dma_start3A_123, %dma_start3A_124] : memref<128x128xf32, #tpu.memory_space<vmem>> -> memref<32x128xf32, #tpu.memory_space<vmem>>
        tpu.enqueue_dma source(%dma_start3A_125 : memref<32x128xf32, #tpu.memory_space<vmem>>) target(%arg16 : memref<32x128xf32, #tpu.memory_space<hbm>>) target_semaphore(%run_scoped3A_120 : memref<!tpu.dma_semaphore, #tpu.memory_space<semaphore_mem>>)
        %dma_wait3A = arith.constant 0 : i32
        %dma_wait3A_126 = arith.constant 0 : i32
        %dma_wait3A_127 = tpu.memref_slice %arg26[%dma_wait3A, %dma_wait3A_126] : memref<128x128xf32, #tpu.memory_space<vmem>> -> memref<32x128xf32, #tpu.memory_space<vmem>>
        %dma_wait3A_128 = arith.constant 0 : i32
        %dma_wait3A_129 = arith.constant 0 : i32
        %dma_wait3A_130 = tpu.memref_slice %arg26[%dma_wait3A_128, %dma_wait3A_129] : memref<128x128xf32, #tpu.memory_space<vmem>> -> memref<32x128xf32, #tpu.memory_space<vmem>>
        tpu.wait_dma2 semaphore(%run_scoped3A_120 : memref<!tpu.dma_semaphore, #tpu.memory_space<semaphore_mem>>) src(%dma_wait3A_130 : memref<32x128xf32, #tpu.memory_space<vmem>>) dst(%arg16 : memref<32x128xf32, #tpu.memory_space<hbm>>)
        tpu.yield
      }) : () -> ()
      "tpu.region"() ({
        %run_scoped3A_120 = tpu.sem_alloc : memref<!tpu.dma_semaphore, #tpu.memory_space<semaphore_mem>>
        %dma_start3A = arith.constant 0 : i32
        %dma_start3A_121 = arith.constant 0 : i32
        %dma_start3A_122 = tpu.memref_slice %arg26[%dma_start3A, %dma_start3A_121] : memref<128x128xf32, #tpu.memory_space<vmem>> -> memref<32x128xf32, #tpu.memory_space<vmem>>
        %dma_start3A_123 = arith.constant 0 : i32
        %dma_start3A_124 = arith.constant 0 : i32
        %dma_start3A_125 = tpu.memref_slice %arg26[%dma_start3A_123, %dma_start3A_124] : memref<128x128xf32, #tpu.memory_space<vmem>> -> memref<32x128xf32, #tpu.memory_space<vmem>>
        tpu.enqueue_dma source(%arg38 : memref<32x128xf32, #tpu.memory_space<vmem_shared>>) target(%dma_start3A_125 : memref<32x128xf32, #tpu.memory_space<vmem>>) target_semaphore(%run_scoped3A_120 : memref<!tpu.dma_semaphore, #tpu.memory_space<semaphore_mem>>)
        %dma_wait3A = arith.constant 0 : i32
        %dma_wait3A_126 = arith.constant 0 : i32
        %dma_wait3A_127 = tpu.memref_slice %arg26[%dma_wait3A, %dma_wait3A_126] : memref<128x128xf32, #tpu.memory_space<vmem>> -> memref<32x128xf32, #tpu.memory_space<vmem>>
        %dma_wait3A_128 = arith.constant 0 : i32
        %dma_wait3A_129 = arith.constant 0 : i32
        %dma_wait3A_130 = tpu.memref_slice %arg26[%dma_wait3A_128, %dma_wait3A_129] : memref<128x128xf32, #tpu.memory_space<vmem>> -> memref<32x128xf32, #tpu.memory_space<vmem>>
        tpu.wait_dma2 semaphore(%run_scoped3A_120 : memref<!tpu.dma_semaphore, #tpu.memory_space<semaphore_mem>>) src(%arg38 : memref<32x128xf32, #tpu.memory_space<vmem_shared>>) dst(%dma_wait3A_130 : memref<32x128xf32, #tpu.memory_space<vmem>>)
        tpu.yield
      }) : () -> ()
      "tpu.region"() ({
        %run_scoped3A_120 = tpu.sem_alloc : memref<!tpu.dma_semaphore, #tpu.memory_space<semaphore_mem>>
        %dma_start3A = arith.constant 0 : i32
        %dma_start3A_121 = arith.constant 0 : i32
        %dma_start3A_122 = tpu.memref_slice %arg26[%dma_start3A, %dma_start3A_121] : memref<128x128xf32, #tpu.memory_space<vmem>> -> memref<32x128xf32, #tpu.memory_space<vmem>>
        %dma_start3A_123 = arith.constant 0 : i32
        %dma_start3A_124 = arith.constant 0 : i32
        %dma_start3A_125 = tpu.memref_slice %arg26[%dma_start3A_123, %dma_start3A_124] : memref<128x128xf32, #tpu.memory_space<vmem>> -> memref<32x128xf32, #tpu.memory_space<vmem>>
        tpu.enqueue_dma source(%dma_start3A_125 : memref<32x128xf32, #tpu.memory_space<vmem>>) target(%arg17 : memref<32x128xf32, #tpu.memory_space<hbm>>) target_semaphore(%run_scoped3A_120 : memref<!tpu.dma_semaphore, #tpu.memory_space<semaphore_mem>>)
        %dma_wait3A = arith.constant 0 : i32
        %dma_wait3A_126 = arith.constant 0 : i32
        %dma_wait3A_127 = tpu.memref_slice %arg26[%dma_wait3A, %dma_wait3A_126] : memref<128x128xf32, #tpu.memory_space<vmem>> -> memref<32x128xf32, #tpu.memory_space<vmem>>
        %dma_wait3A_128 = arith.constant 0 : i32
        %dma_wait3A_129 = arith.constant 0 : i32
        %dma_wait3A_130 = tpu.memref_slice %arg26[%dma_wait3A_128, %dma_wait3A_129] : memref<128x128xf32, #tpu.memory_space<vmem>> -> memref<32x128xf32, #tpu.memory_space<vmem>>
        tpu.wait_dma2 semaphore(%run_scoped3A_120 : memref<!tpu.dma_semaphore, #tpu.memory_space<semaphore_mem>>) src(%dma_wait3A_130 : memref<32x128xf32, #tpu.memory_space<vmem>>) dst(%arg17 : memref<32x128xf32, #tpu.memory_space<hbm>>)
        tpu.yield
      }) : () -> ()
      "tpu.region"() ({
        %run_scoped3A_120 = tpu.sem_alloc : memref<!tpu.dma_semaphore, #tpu.memory_space<semaphore_mem>>
        %dma_start3A = arith.constant 0 : i32
        %dma_start3A_121 = arith.constant 0 : i32
        %dma_start3A_122 = tpu.memref_slice %arg26[%dma_start3A, %dma_start3A_121] : memref<128x128xf32, #tpu.memory_space<vmem>> -> memref<32x128xf32, #tpu.memory_space<vmem>>
        %dma_start3A_123 = arith.constant 0 : i32
        %dma_start3A_124 = arith.constant 0 : i32
        %dma_start3A_125 = tpu.memref_slice %arg26[%dma_start3A_123, %dma_start3A_124] : memref<128x128xf32, #tpu.memory_space<vmem>> -> memref<32x128xf32, #tpu.memory_space<vmem>>
        tpu.enqueue_dma source(%arg39 : memref<32x128xf32, #tpu.memory_space<vmem_shared>>) target(%dma_start3A_125 : memref<32x128xf32, #tpu.memory_space<vmem>>) target_semaphore(%run_scoped3A_120 : memref<!tpu.dma_semaphore, #tpu.memory_space<semaphore_mem>>)
        %dma_wait3A = arith.constant 0 : i32
        %dma_wait3A_126 = arith.constant 0 : i32
        %dma_wait3A_127 = tpu.memref_slice %arg26[%dma_wait3A, %dma_wait3A_126] : memref<128x128xf32, #tpu.memory_space<vmem>> -> memref<32x128xf32, #tpu.memory_space<vmem>>
        %dma_wait3A_128 = arith.constant 0 : i32
        %dma_wait3A_129 = arith.constant 0 : i32
        %dma_wait3A_130 = tpu.memref_slice %arg26[%dma_wait3A_128, %dma_wait3A_129] : memref<128x128xf32, #tpu.memory_space<vmem>> -> memref<32x128xf32, #tpu.memory_space<vmem>>
        tpu.wait_dma2 semaphore(%run_scoped3A_120 : memref<!tpu.dma_semaphore, #tpu.memory_space<semaphore_mem>>) src(%arg39 : memref<32x128xf32, #tpu.memory_space<vmem_shared>>) dst(%dma_wait3A_130 : memref<32x128xf32, #tpu.memory_space<vmem>>)
        tpu.yield
      }) : () -> ()
      "tpu.region"() ({
        %run_scoped3A_120 = tpu.sem_alloc : memref<!tpu.dma_semaphore, #tpu.memory_space<semaphore_mem>>
        %dma_start3A = arith.constant 0 : i32
        %dma_start3A_121 = arith.constant 0 : i32
        %dma_start3A_122 = tpu.memref_slice %arg26[%dma_start3A, %dma_start3A_121] : memref<128x128xf32, #tpu.memory_space<vmem>> -> memref<32x128xf32, #tpu.memory_space<vmem>>
        %dma_start3A_123 = arith.constant 0 : i32
        %dma_start3A_124 = arith.constant 0 : i32
        %dma_start3A_125 = tpu.memref_slice %arg26[%dma_start3A_123, %dma_start3A_124] : memref<128x128xf32, #tpu.memory_space<vmem>> -> memref<32x128xf32, #tpu.memory_space<vmem>>
        tpu.enqueue_dma source(%dma_start3A_125 : memref<32x128xf32, #tpu.memory_space<vmem>>) target(%arg18 : memref<32x128xf32, #tpu.memory_space<hbm>>) target_semaphore(%run_scoped3A_120 : memref<!tpu.dma_semaphore, #tpu.memory_space<semaphore_mem>>)
        %dma_wait3A = arith.constant 0 : i32
        %dma_wait3A_126 = arith.constant 0 : i32
        %dma_wait3A_127 = tpu.memref_slice %arg26[%dma_wait3A, %dma_wait3A_126] : memref<128x128xf32, #tpu.memory_space<vmem>> -> memref<32x128xf32, #tpu.memory_space<vmem>>
        %dma_wait3A_128 = arith.constant 0 : i32
        %dma_wait3A_129 = arith.constant 0 : i32
        %dma_wait3A_130 = tpu.memref_slice %arg26[%dma_wait3A_128, %dma_wait3A_129] : memref<128x128xf32, #tpu.memory_space<vmem>> -> memref<32x128xf32, #tpu.memory_space<vmem>>
        tpu.wait_dma2 semaphore(%run_scoped3A_120 : memref<!tpu.dma_semaphore, #tpu.memory_space<semaphore_mem>>) src(%dma_wait3A_130 : memref<32x128xf32, #tpu.memory_space<vmem>>) dst(%arg18 : memref<32x128xf32, #tpu.memory_space<hbm>>)
        tpu.yield
      }) : () -> ()
    } else {
    }
    %eq3A_112 = arith.constant 0 : i32
    %eq3A_113 = arith.cmpi eq, %arg1, %eq3A_112 : i32
    %eq3A_114 = arith.constant 1 : i32
    %eq3A_115 = arith.cmpi eq, %arg0, %eq3A_114 : i32
    %and3A_116 = arith.andi %eq3A_113, %eq3A_115 : i1
    %convert_element_type3A_117 = arith.extui %and3A_116 : i1 to i32
    %cond3A_118 = arith.constant 0 : i32
    %cond3A_119 = arith.cmpi ne, %convert_element_type3A_117, %cond3A_118 : i32
    scf.if %cond3A_119 {
      "tpu.region"() ({
        %run_scoped3A_120 = tpu.sem_alloc : memref<!tpu.dma_semaphore, #tpu.memory_space<semaphore_mem>>
        %dma_start3A = arith.constant 0 : i32
        %dma_start3A_121 = arith.constant 0 : i32
        %dma_start3A_122 = tpu.memref_slice %arg26[%dma_start3A, %dma_start3A_121] : memref<128x128xf32, #tpu.memory_space<vmem>> -> memref<32x128xf32, #tpu.memory_space<vmem>>
        %dma_start3A_123 = arith.constant 0 : i32
        %dma_start3A_124 = arith.constant 0 : i32
        %dma_start3A_125 = tpu.memref_slice %arg26[%dma_start3A_123, %dma_start3A_124] : memref<128x128xf32, #tpu.memory_space<vmem>> -> memref<32x128xf32, #tpu.memory_space<vmem>>
        tpu.enqueue_dma source(%arg35 : memref<32x128xf32, #tpu.memory_space<vmem_shared>>) target(%dma_start3A_125 : memref<32x128xf32, #tpu.memory_space<vmem>>) target_semaphore(%run_scoped3A_120 : memref<!tpu.dma_semaphore, #tpu.memory_space<semaphore_mem>>)
        %dma_wait3A = arith.constant 0 : i32
        %dma_wait3A_126 = arith.constant 0 : i32
        %dma_wait3A_127 = tpu.memref_slice %arg26[%dma_wait3A, %dma_wait3A_126] : memref<128x128xf32, #tpu.memory_space<vmem>> -> memref<32x128xf32, #tpu.memory_space<vmem>>
        %dma_wait3A_128 = arith.constant 0 : i32
        %dma_wait3A_129 = arith.constant 0 : i32
        %dma_wait3A_130 = tpu.memref_slice %arg26[%dma_wait3A_128, %dma_wait3A_129] : memref<128x128xf32, #tpu.memory_space<vmem>> -> memref<32x128xf32, #tpu.memory_space<vmem>>
        tpu.wait_dma2 semaphore(%run_scoped3A_120 : memref<!tpu.dma_semaphore, #tpu.memory_space<semaphore_mem>>) src(%arg35 : memref<32x128xf32, #tpu.memory_space<vmem_shared>>) dst(%dma_wait3A_130 : memref<32x128xf32, #tpu.memory_space<vmem>>)
        tpu.yield
      }) : () -> ()
      "tpu.region"() ({
        %run_scoped3A_120 = tpu.sem_alloc : memref<!tpu.dma_semaphore, #tpu.memory_space<semaphore_mem>>
        %dma_start3A = arith.constant 0 : i32
        %dma_start3A_121 = arith.constant 0 : i32
        %dma_start3A_122 = tpu.memref_slice %arg26[%dma_start3A, %dma_start3A_121] : memref<128x128xf32, #tpu.memory_space<vmem>> -> memref<32x128xf32, #tpu.memory_space<vmem>>
        %dma_start3A_123 = arith.constant 0 : i32
        %dma_start3A_124 = arith.constant 0 : i32
        %dma_start3A_125 = tpu.memref_slice %arg26[%dma_start3A_123, %dma_start3A_124] : memref<128x128xf32, #tpu.memory_space<vmem>> -> memref<32x128xf32, #tpu.memory_space<vmem>>
        tpu.enqueue_dma source(%dma_start3A_125 : memref<32x128xf32, #tpu.memory_space<vmem>>) target(%arg19 : memref<32x128xf32, #tpu.memory_space<hbm>>) target_semaphore(%run_scoped3A_120 : memref<!tpu.dma_semaphore, #tpu.memory_space<semaphore_mem>>)
        %dma_wait3A = arith.constant 0 : i32
        %dma_wait3A_126 = arith.constant 0 : i32
        %dma_wait3A_127 = tpu.memref_slice %arg26[%dma_wait3A, %dma_wait3A_126] : memref<128x128xf32, #tpu.memory_space<vmem>> -> memref<32x128xf32, #tpu.memory_space<vmem>>
        %dma_wait3A_128 = arith.constant 0 : i32
        %dma_wait3A_129 = arith.constant 0 : i32
        %dma_wait3A_130 = tpu.memref_slice %arg26[%dma_wait3A_128, %dma_wait3A_129] : memref<128x128xf32, #tpu.memory_space<vmem>> -> memref<32x128xf32, #tpu.memory_space<vmem>>
        tpu.wait_dma2 semaphore(%run_scoped3A_120 : memref<!tpu.dma_semaphore, #tpu.memory_space<semaphore_mem>>) src(%dma_wait3A_130 : memref<32x128xf32, #tpu.memory_space<vmem>>) dst(%arg19 : memref<32x128xf32, #tpu.memory_space<hbm>>)
        tpu.yield
      }) : () -> ()
      "tpu.region"() ({
        %run_scoped3A_120 = tpu.sem_alloc : memref<!tpu.dma_semaphore, #tpu.memory_space<semaphore_mem>>
        %dma_start3A = arith.constant 0 : i32
        %dma_start3A_121 = arith.constant 0 : i32
        %dma_start3A_122 = tpu.memref_slice %arg26[%dma_start3A, %dma_start3A_121] : memref<128x128xf32, #tpu.memory_space<vmem>> -> memref<32x128xf32, #tpu.memory_space<vmem>>
        %dma_start3A_123 = arith.constant 0 : i32
        %dma_start3A_124 = arith.constant 0 : i32
        %dma_start3A_125 = tpu.memref_slice %arg26[%dma_start3A_123, %dma_start3A_124] : memref<128x128xf32, #tpu.memory_space<vmem>> -> memref<32x128xf32, #tpu.memory_space<vmem>>
        tpu.enqueue_dma source(%arg36 : memref<32x128xf32, #tpu.memory_space<vmem_shared>>) target(%dma_start3A_125 : memref<32x128xf32, #tpu.memory_space<vmem>>) target_semaphore(%run_scoped3A_120 : memref<!tpu.dma_semaphore, #tpu.memory_space<semaphore_mem>>)
        %dma_wait3A = arith.constant 0 : i32
        %dma_wait3A_126 = arith.constant 0 : i32
        %dma_wait3A_127 = tpu.memref_slice %arg26[%dma_wait3A, %dma_wait3A_126] : memref<128x128xf32, #tpu.memory_space<vmem>> -> memref<32x128xf32, #tpu.memory_space<vmem>>
        %dma_wait3A_128 = arith.constant 0 : i32
        %dma_wait3A_129 = arith.constant 0 : i32
        %dma_wait3A_130 = tpu.memref_slice %arg26[%dma_wait3A_128, %dma_wait3A_129] : memref<128x128xf32, #tpu.memory_space<vmem>> -> memref<32x128xf32, #tpu.memory_space<vmem>>
        tpu.wait_dma2 semaphore(%run_scoped3A_120 : memref<!tpu.dma_semaphore, #tpu.memory_space<semaphore_mem>>) src(%arg36 : memref<32x128xf32, #tpu.memory_space<vmem_shared>>) dst(%dma_wait3A_130 : memref<32x128xf32, #tpu.memory_space<vmem>>)
        tpu.yield
      }) : () -> ()
      "tpu.region"() ({
        %run_scoped3A_120 = tpu.sem_alloc : memref<!tpu.dma_semaphore, #tpu.memory_space<semaphore_mem>>
        %dma_start3A = arith.constant 0 : i32
        %dma_start3A_121 = arith.constant 0 : i32
        %dma_start3A_122 = tpu.memref_slice %arg26[%dma_start3A, %dma_start3A_121] : memref<128x128xf32, #tpu.memory_space<vmem>> -> memref<32x128xf32, #tpu.memory_space<vmem>>
        %dma_start3A_123 = arith.constant 0 : i32
        %dma_start3A_124 = arith.constant 0 : i32
        %dma_start3A_125 = tpu.memref_slice %arg26[%dma_start3A_123, %dma_start3A_124] : memref<128x128xf32, #tpu.memory_space<vmem>> -> memref<32x128xf32, #tpu.memory_space<vmem>>
        tpu.enqueue_dma source(%dma_start3A_125 : memref<32x128xf32, #tpu.memory_space<vmem>>) target(%arg20 : memref<32x128xf32, #tpu.memory_space<hbm>>) target_semaphore(%run_scoped3A_120 : memref<!tpu.dma_semaphore, #tpu.memory_space<semaphore_mem>>)
        %dma_wait3A = arith.constant 0 : i32
        %dma_wait3A_126 = arith.constant 0 : i32
        %dma_wait3A_127 = tpu.memref_slice %arg26[%dma_wait3A, %dma_wait3A_126] : memref<128x128xf32, #tpu.memory_space<vmem>> -> memref<32x128xf32, #tpu.memory_space<vmem>>
        %dma_wait3A_128 = arith.constant 0 : i32
        %dma_wait3A_129 = arith.constant 0 : i32
        %dma_wait3A_130 = tpu.memref_slice %arg26[%dma_wait3A_128, %dma_wait3A_129] : memref<128x128xf32, #tpu.memory_space<vmem>> -> memref<32x128xf32, #tpu.memory_space<vmem>>
        tpu.wait_dma2 semaphore(%run_scoped3A_120 : memref<!tpu.dma_semaphore, #tpu.memory_space<semaphore_mem>>) src(%dma_wait3A_130 : memref<32x128xf32, #tpu.memory_space<vmem>>) dst(%arg20 : memref<32x128xf32, #tpu.memory_space<hbm>>)
        tpu.yield
      }) : () -> ()
      "tpu.region"() ({
        %run_scoped3A_120 = tpu.sem_alloc : memref<!tpu.dma_semaphore, #tpu.memory_space<semaphore_mem>>
        %dma_start3A = arith.constant 0 : i32
        %dma_start3A_121 = arith.constant 0 : i32
        %dma_start3A_122 = tpu.memref_slice %arg26[%dma_start3A, %dma_start3A_121] : memref<128x128xf32, #tpu.memory_space<vmem>> -> memref<32x128xf32, #tpu.memory_space<vmem>>
        %dma_start3A_123 = arith.constant 0 : i32
        %dma_start3A_124 = arith.constant 0 : i32
        %dma_start3A_125 = tpu.memref_slice %arg26[%dma_start3A_123, %dma_start3A_124] : memref<128x128xf32, #tpu.memory_space<vmem>> -> memref<32x128xf32, #tpu.memory_space<vmem>>
        tpu.enqueue_dma source(%arg37 : memref<32x128xf32, #tpu.memory_space<vmem_shared>>) target(%dma_start3A_125 : memref<32x128xf32, #tpu.memory_space<vmem>>) target_semaphore(%run_scoped3A_120 : memref<!tpu.dma_semaphore, #tpu.memory_space<semaphore_mem>>)
        %dma_wait3A = arith.constant 0 : i32
        %dma_wait3A_126 = arith.constant 0 : i32
        %dma_wait3A_127 = tpu.memref_slice %arg26[%dma_wait3A, %dma_wait3A_126] : memref<128x128xf32, #tpu.memory_space<vmem>> -> memref<32x128xf32, #tpu.memory_space<vmem>>
        %dma_wait3A_128 = arith.constant 0 : i32
        %dma_wait3A_129 = arith.constant 0 : i32
        %dma_wait3A_130 = tpu.memref_slice %arg26[%dma_wait3A_128, %dma_wait3A_129] : memref<128x128xf32, #tpu.memory_space<vmem>> -> memref<32x128xf32, #tpu.memory_space<vmem>>
        tpu.wait_dma2 semaphore(%run_scoped3A_120 : memref<!tpu.dma_semaphore, #tpu.memory_space<semaphore_mem>>) src(%arg37 : memref<32x128xf32, #tpu.memory_space<vmem_shared>>) dst(%dma_wait3A_130 : memref<32x128xf32, #tpu.memory_space<vmem>>)
        tpu.yield
      }) : () -> ()
      "tpu.region"() ({
        %run_scoped3A_120 = tpu.sem_alloc : memref<!tpu.dma_semaphore, #tpu.memory_space<semaphore_mem>>
        %dma_start3A = arith.constant 0 : i32
        %dma_start3A_121 = arith.constant 0 : i32
        %dma_start3A_122 = tpu.memref_slice %arg26[%dma_start3A, %dma_start3A_121] : memref<128x128xf32, #tpu.memory_space<vmem>> -> memref<32x128xf32, #tpu.memory_space<vmem>>
        %dma_start3A_123 = arith.constant 0 : i32
        %dma_start3A_124 = arith.constant 0 : i32
        %dma_start3A_125 = tpu.memref_slice %arg26[%dma_start3A_123, %dma_start3A_124] : memref<128x128xf32, #tpu.memory_space<vmem>> -> memref<32x128xf32, #tpu.memory_space<vmem>>
        tpu.enqueue_dma source(%dma_start3A_125 : memref<32x128xf32, #tpu.memory_space<vmem>>) target(%arg21 : memref<32x128xf32, #tpu.memory_space<hbm>>) target_semaphore(%run_scoped3A_120 : memref<!tpu.dma_semaphore, #tpu.memory_space<semaphore_mem>>)
        %dma_wait3A = arith.constant 0 : i32
        %dma_wait3A_126 = arith.constant 0 : i32
        %dma_wait3A_127 = tpu.memref_slice %arg26[%dma_wait3A, %dma_wait3A_126] : memref<128x128xf32, #tpu.memory_space<vmem>> -> memref<32x128xf32, #tpu.memory_space<vmem>>
        %dma_wait3A_128 = arith.constant 0 : i32
        %dma_wait3A_129 = arith.constant 0 : i32
        %dma_wait3A_130 = tpu.memref_slice %arg26[%dma_wait3A_128, %dma_wait3A_129] : memref<128x128xf32, #tpu.memory_space<vmem>> -> memref<32x128xf32, #tpu.memory_space<vmem>>
        tpu.wait_dma2 semaphore(%run_scoped3A_120 : memref<!tpu.dma_semaphore, #tpu.memory_space<semaphore_mem>>) src(%dma_wait3A_130 : memref<32x128xf32, #tpu.memory_space<vmem>>) dst(%arg21 : memref<32x128xf32, #tpu.memory_space<hbm>>)
        tpu.yield
      }) : () -> ()
      "tpu.region"() ({
        %run_scoped3A_120 = tpu.sem_alloc : memref<!tpu.dma_semaphore, #tpu.memory_space<semaphore_mem>>
        %dma_start3A = arith.constant 0 : i32
        %dma_start3A_121 = arith.constant 0 : i32
        %dma_start3A_122 = tpu.memref_slice %arg26[%dma_start3A, %dma_start3A_121] : memref<128x128xf32, #tpu.memory_space<vmem>> -> memref<32x128xf32, #tpu.memory_space<vmem>>
        %dma_start3A_123 = arith.constant 0 : i32
        %dma_start3A_124 = arith.constant 0 : i32
        %dma_start3A_125 = tpu.memref_slice %arg26[%dma_start3A_123, %dma_start3A_124] : memref<128x128xf32, #tpu.memory_space<vmem>> -> memref<32x128xf32, #tpu.memory_space<vmem>>
        tpu.enqueue_dma source(%arg38 : memref<32x128xf32, #tpu.memory_space<vmem_shared>>) target(%dma_start3A_125 : memref<32x128xf32, #tpu.memory_space<vmem>>) target_semaphore(%run_scoped3A_120 : memref<!tpu.dma_semaphore, #tpu.memory_space<semaphore_mem>>)
        %dma_wait3A = arith.constant 0 : i32
        %dma_wait3A_126 = arith.constant 0 : i32
        %dma_wait3A_127 = tpu.memref_slice %arg26[%dma_wait3A, %dma_wait3A_126] : memref<128x128xf32, #tpu.memory_space<vmem>> -> memref<32x128xf32, #tpu.memory_space<vmem>>
        %dma_wait3A_128 = arith.constant 0 : i32
        %dma_wait3A_129 = arith.constant 0 : i32
        %dma_wait3A_130 = tpu.memref_slice %arg26[%dma_wait3A_128, %dma_wait3A_129] : memref<128x128xf32, #tpu.memory_space<vmem>> -> memref<32x128xf32, #tpu.memory_space<vmem>>
        tpu.wait_dma2 semaphore(%run_scoped3A_120 : memref<!tpu.dma_semaphore, #tpu.memory_space<semaphore_mem>>) src(%arg38 : memref<32x128xf32, #tpu.memory_space<vmem_shared>>) dst(%dma_wait3A_130 : memref<32x128xf32, #tpu.memory_space<vmem>>)
        tpu.yield
      }) : () -> ()
      "tpu.region"() ({
        %run_scoped3A_120 = tpu.sem_alloc : memref<!tpu.dma_semaphore, #tpu.memory_space<semaphore_mem>>
        %dma_start3A = arith.constant 0 : i32
        %dma_start3A_121 = arith.constant 0 : i32
        %dma_start3A_122 = tpu.memref_slice %arg26[%dma_start3A, %dma_start3A_121] : memref<128x128xf32, #tpu.memory_space<vmem>> -> memref<32x128xf32, #tpu.memory_space<vmem>>
        %dma_start3A_123 = arith.constant 0 : i32
        %dma_start3A_124 = arith.constant 0 : i32
        %dma_start3A_125 = tpu.memref_slice %arg26[%dma_start3A_123, %dma_start3A_124] : memref<128x128xf32, #tpu.memory_space<vmem>> -> memref<32x128xf32, #tpu.memory_space<vmem>>
        tpu.enqueue_dma source(%dma_start3A_125 : memref<32x128xf32, #tpu.memory_space<vmem>>) target(%arg22 : memref<32x128xf32, #tpu.memory_space<hbm>>) target_semaphore(%run_scoped3A_120 : memref<!tpu.dma_semaphore, #tpu.memory_space<semaphore_mem>>)
        %dma_wait3A = arith.constant 0 : i32
        %dma_wait3A_126 = arith.constant 0 : i32
        %dma_wait3A_127 = tpu.memref_slice %arg26[%dma_wait3A, %dma_wait3A_126] : memref<128x128xf32, #tpu.memory_space<vmem>> -> memref<32x128xf32, #tpu.memory_space<vmem>>
        %dma_wait3A_128 = arith.constant 0 : i32
        %dma_wait3A_129 = arith.constant 0 : i32
        %dma_wait3A_130 = tpu.memref_slice %arg26[%dma_wait3A_128, %dma_wait3A_129] : memref<128x128xf32, #tpu.memory_space<vmem>> -> memref<32x128xf32, #tpu.memory_space<vmem>>
        tpu.wait_dma2 semaphore(%run_scoped3A_120 : memref<!tpu.dma_semaphore, #tpu.memory_space<semaphore_mem>>) src(%dma_wait3A_130 : memref<32x128xf32, #tpu.memory_space<vmem>>) dst(%arg22 : memref<32x128xf32, #tpu.memory_space<hbm>>)
        tpu.yield
      }) : () -> ()
      "tpu.region"() ({
        %run_scoped3A_120 = tpu.sem_alloc : memref<!tpu.dma_semaphore, #tpu.memory_space<semaphore_mem>>
        %dma_start3A = arith.constant 0 : i32
        %dma_start3A_121 = arith.constant 0 : i32
        %dma_start3A_122 = tpu.memref_slice %arg26[%dma_start3A, %dma_start3A_121] : memref<128x128xf32, #tpu.memory_space<vmem>> -> memref<32x128xf32, #tpu.memory_space<vmem>>
        %dma_start3A_123 = arith.constant 0 : i32
        %dma_start3A_124 = arith.constant 0 : i32
        %dma_start3A_125 = tpu.memref_slice %arg26[%dma_start3A_123, %dma_start3A_124] : memref<128x128xf32, #tpu.memory_space<vmem>> -> memref<32x128xf32, #tpu.memory_space<vmem>>
        tpu.enqueue_dma source(%arg39 : memref<32x128xf32, #tpu.memory_space<vmem_shared>>) target(%dma_start3A_125 : memref<32x128xf32, #tpu.memory_space<vmem>>) target_semaphore(%run_scoped3A_120 : memref<!tpu.dma_semaphore, #tpu.memory_space<semaphore_mem>>)
        %dma_wait3A = arith.constant 0 : i32
        %dma_wait3A_126 = arith.constant 0 : i32
        %dma_wait3A_127 = tpu.memref_slice %arg26[%dma_wait3A, %dma_wait3A_126] : memref<128x128xf32, #tpu.memory_space<vmem>> -> memref<32x128xf32, #tpu.memory_space<vmem>>
        %dma_wait3A_128 = arith.constant 0 : i32
        %dma_wait3A_129 = arith.constant 0 : i32
        %dma_wait3A_130 = tpu.memref_slice %arg26[%dma_wait3A_128, %dma_wait3A_129] : memref<128x128xf32, #tpu.memory_space<vmem>> -> memref<32x128xf32, #tpu.memory_space<vmem>>
        tpu.wait_dma2 semaphore(%run_scoped3A_120 : memref<!tpu.dma_semaphore, #tpu.memory_space<semaphore_mem>>) src(%arg39 : memref<32x128xf32, #tpu.memory_space<vmem_shared>>) dst(%dma_wait3A_130 : memref<32x128xf32, #tpu.memory_space<vmem>>)
        tpu.yield
      }) : () -> ()
      "tpu.region"() ({
        %run_scoped3A_120 = tpu.sem_alloc : memref<!tpu.dma_semaphore, #tpu.memory_space<semaphore_mem>>
        %dma_start3A = arith.constant 0 : i32
        %dma_start3A_121 = arith.constant 0 : i32
        %dma_start3A_122 = tpu.memref_slice %arg26[%dma_start3A, %dma_start3A_121] : memref<128x128xf32, #tpu.memory_space<vmem>> -> memref<32x128xf32, #tpu.memory_space<vmem>>
        %dma_start3A_123 = arith.constant 0 : i32
        %dma_start3A_124 = arith.constant 0 : i32
        %dma_start3A_125 = tpu.memref_slice %arg26[%dma_start3A_123, %dma_start3A_124] : memref<128x128xf32, #tpu.memory_space<vmem>> -> memref<32x128xf32, #tpu.memory_space<vmem>>
        tpu.enqueue_dma source(%dma_start3A_125 : memref<32x128xf32, #tpu.memory_space<vmem>>) target(%arg23 : memref<32x128xf32, #tpu.memory_space<hbm>>) target_semaphore(%run_scoped3A_120 : memref<!tpu.dma_semaphore, #tpu.memory_space<semaphore_mem>>)
        %dma_wait3A = arith.constant 0 : i32
        %dma_wait3A_126 = arith.constant 0 : i32
        %dma_wait3A_127 = tpu.memref_slice %arg26[%dma_wait3A, %dma_wait3A_126] : memref<128x128xf32, #tpu.memory_space<vmem>> -> memref<32x128xf32, #tpu.memory_space<vmem>>
        %dma_wait3A_128 = arith.constant 0 : i32
        %dma_wait3A_129 = arith.constant 0 : i32
        %dma_wait3A_130 = tpu.memref_slice %arg26[%dma_wait3A_128, %dma_wait3A_129] : memref<128x128xf32, #tpu.memory_space<vmem>> -> memref<32x128xf32, #tpu.memory_space<vmem>>
        tpu.wait_dma2 semaphore(%run_scoped3A_120 : memref<!tpu.dma_semaphore, #tpu.memory_space<semaphore_mem>>) src(%dma_wait3A_130 : memref<32x128xf32, #tpu.memory_space<vmem>>) dst(%arg23 : memref<32x128xf32, #tpu.memory_space<hbm>>)
        tpu.yield
      }) : () -> ()
    } else {
    }
    return
  }
}

module attributes {stable_mosaic.version = 14 : i64} {
  func.func @body(%arg0: memref<32x128xf32, #tpu.memory_space<vmem>>, %arg1: memref<32x128xf32, #tpu.memory_space<vmem>>, %arg2: memref<32x128xf32, #tpu.memory_space<vmem>>, %arg3: memref<32x128xf32, #tpu.memory_space<vmem>>, %arg4: memref<32x128xf32, #tpu.memory_space<vmem>>, %arg5: memref<32x128xf32, #tpu.memory_space<vmem>>, %arg6: memref<32x128xf32, #tpu.memory_space<vmem>>, %arg7: memref<32x128xf32, #tpu.memory_space<vmem>>, %arg8: memref<32x128xf32, #tpu.memory_space<vmem>>, %arg9: memref<32x128xf32, #tpu.memory_space<vmem>>, %arg10: memref<256x128xf32, #tpu.memory_space<vmem>>, %arg11: memref<1x256xf32, #tpu.memory_space<vmem>>, %arg12: memref<256x128xf32, #tpu.memory_space<vmem>>, %arg13: memref<256x256xf32, #tpu.memory_space<vmem>>, %arg14: memref<1x256xf32, #tpu.memory_space<vmem>>, %arg15: memref<256x256xf32, #tpu.memory_space<vmem>>, %arg16: memref<256x512xf32, #tpu.memory_space<vmem>>, %arg17: memref<1x256xf32, #tpu.memory_space<vmem>>, %arg18: memref<1x256xf32, #tpu.memory_space<vmem>>, %arg19: memref<1x1xf32, #tpu.memory_space<vmem>>, %arg20: memref<16x1xf32, #tpu.memory_space<vmem>>) attributes {dimension_semantics = [], scalar_prefetch = 0 : i64, scratch_operands = 0 : i64, tpu.core_type = #tpu.core_type<tc>} {
    %get3A = arith.constant 0 : index
    %get3A_0 = arith.constant 0 : index
    %get3A_1 = vector.load %arg10[%get3A, %get3A_0] : memref<256x128xf32, #tpu.memory_space<vmem>>, vector<256x128xf32>
    %get3A_2 = arith.constant 0 : index
    %get3A_3 = arith.constant 0 : index
    %get3A_4 = vector.load %arg11[%get3A_2, %get3A_3] : memref<1x256xf32, #tpu.memory_space<vmem>>, vector<1x256xf32>
    %get3A_5 = arith.constant 0 : index
    %get3A_6 = arith.constant 0 : index
    %get3A_7 = vector.load %arg12[%get3A_5, %get3A_6] : memref<256x128xf32, #tpu.memory_space<vmem>>, vector<256x128xf32>
    %get3A_8 = arith.constant 0 : index
    %get3A_9 = arith.constant 0 : index
    %get3A_10 = vector.load %arg13[%get3A_8, %get3A_9] : memref<256x256xf32, #tpu.memory_space<vmem>>, vector<256x256xf32>
    %get3A_11 = arith.constant 0 : index
    %get3A_12 = arith.constant 0 : index
    %get3A_13 = vector.load %arg14[%get3A_11, %get3A_12] : memref<1x256xf32, #tpu.memory_space<vmem>>, vector<1x256xf32>
    %get3A_14 = arith.constant 0 : index
    %get3A_15 = arith.constant 0 : index
    %get3A_16 = vector.load %arg15[%get3A_14, %get3A_15] : memref<256x256xf32, #tpu.memory_space<vmem>>, vector<256x256xf32>
    %get3A_17 = arith.constant 0 : index
    %get3A_18 = arith.constant 0 : index
    %get3A_19 = vector.load %arg4[%get3A_17, %get3A_18] : memref<32x128xf32, #tpu.memory_space<vmem>>, vector<32x128xf32>
    %slice3A = vector.extract_strided_slice %get3A_19 {offsets = [0, 0], sizes = [16, 1], strides = [1, 1]} : vector<32x128xf32> to vector<16x1xf32>
    %max3A = arith.constant 1.000000e+00 : f32
    %max3A_20 = vector.broadcast %max3A : f32 to vector<16x1xf32>
    %max3A_21 = arith.maximumf %slice3A, %max3A_20 : vector<16x1xf32>
    %div3A = arith.constant 1.000000e+00 : f32
    %div3A_22 = vector.broadcast %div3A : f32 to vector<16x1xf32>
    %div3A_23 = arith.divf %div3A_22, %max3A_21 : vector<16x1xf32>
    %gt3A = arith.constant 0.000000e+00 : f32
    %gt3A_24 = vector.broadcast %gt3A : f32 to vector<16x1xf32>
    %gt3A_25 = arith.cmpf ogt, %slice3A, %gt3A_24 : vector<16x1xf32>
    %jit3A = arith.constant 1.000000e+00 : f32
    %jit3A_26 = arith.constant 0.000000e+00 : f32
    %broadcast_in_dim3A = vector.broadcast %jit3A : f32 to vector<16x1xf32>
    %broadcast_in_dim3A_27 = vector.broadcast %jit3A_26 : f32 to vector<16x1xf32>
    %select_n3A = arith.select %gt3A_25, %broadcast_in_dim3A, %broadcast_in_dim3A_27 : vector<16x1xi1>, vector<16x1xf32>
    %get3A_28 = arith.constant 0 : index
    %get3A_29 = arith.constant 0 : index
    %get3A_30 = vector.load %arg0[%get3A_28, %get3A_29] : memref<32x128xf32, #tpu.memory_space<vmem>>, vector<32x128xf32>
    %slice3A_31 = vector.extract_strided_slice %get3A_30 {offsets = [0, 0], sizes = [16, 128], strides = [1, 1]} : vector<32x128xf32> to vector<16x128xf32>
    %mul3A = vector.broadcast %div3A_23 : vector<16x1xf32> to vector<16x128xf32>
    %mul3A_32 = arith.mulf %slice3A_31, %mul3A : vector<16x128xf32>
    %get3A_33 = arith.constant 0 : index
    %get3A_34 = arith.constant 0 : index
    %get3A_35 = vector.load %arg1[%get3A_33, %get3A_34] : memref<32x128xf32, #tpu.memory_space<vmem>>, vector<32x128xf32>
    %slice3A_36 = vector.extract_strided_slice %get3A_35 {offsets = [0, 0], sizes = [16, 128], strides = [1, 1]} : vector<32x128xf32> to vector<16x128xf32>
    %mul3A_37 = vector.broadcast %div3A_23 : vector<16x1xf32> to vector<16x128xf32>
    %mul3A_38 = arith.mulf %slice3A_36, %mul3A_37 : vector<16x128xf32>
    %get3A_39 = arith.constant 0 : index
    %get3A_40 = arith.constant 0 : index
    %get3A_41 = vector.load %arg2[%get3A_39, %get3A_40] : memref<32x128xf32, #tpu.memory_space<vmem>>, vector<32x128xf32>
    %slice3A_42 = vector.extract_strided_slice %get3A_41 {offsets = [0, 0], sizes = [16, 128], strides = [1, 1]} : vector<32x128xf32> to vector<16x128xf32>
    %mul3A_43 = vector.broadcast %div3A_23 : vector<16x1xf32> to vector<16x128xf32>
    %mul3A_44 = arith.mulf %slice3A_42, %mul3A_43 : vector<16x128xf32>
    %get3A_45 = arith.constant 0 : index
    %get3A_46 = arith.constant 0 : index
    %get3A_47 = vector.load %arg3[%get3A_45, %get3A_46] : memref<32x128xf32, #tpu.memory_space<vmem>>, vector<32x128xf32>
    %slice3A_48 = vector.extract_strided_slice %get3A_47 {offsets = [0, 0], sizes = [16, 1], strides = [1, 1]} : vector<32x128xf32> to vector<16x1xf32>
    %mul3A_49 = arith.mulf %slice3A_48, %div3A_23 : vector<16x1xf32>
    %dot_general3A = arith.constant dense<0.000000e+00> : vector<16x256xf32>
    %dot_general3A_50 = tpu.matmul %mul3A_38, %get3A_1, %dot_general3A {dimension_numbers = #tpu.dot_dimension_numbers<[1], [1], [0], [0], [0, 0, 1, 0], [], []>, precision = #tpu.contract_precision<fp32>, transpose_lhs_hint = false} : vector<16x128xf32>, vector<256x128xf32>, vector<16x256xf32> -> vector<16x256xf32>
    %dot_general3A_51 = arith.constant dense<0.000000e+00> : vector<16x256xf32>
    %dot_general3A_52 = tpu.matmul %mul3A_32, %get3A_7, %dot_general3A_51 {dimension_numbers = #tpu.dot_dimension_numbers<[1], [1], [0], [0], [0, 0, 1, 0], [], []>, precision = #tpu.contract_precision<fp32>, transpose_lhs_hint = false} : vector<16x128xf32>, vector<256x128xf32>, vector<16x256xf32> -> vector<16x256xf32>
    %add3A = arith.addf %dot_general3A_50, %dot_general3A_52 : vector<16x256xf32>
    %mul3A_53 = vector.broadcast %select_n3A : vector<16x1xf32> to vector<16x256xf32>
    %mul3A_54 = vector.broadcast %get3A_4 : vector<1x256xf32> to vector<16x256xf32>
    %mul3A_55 = arith.mulf %mul3A_53, %mul3A_54 : vector<16x256xf32>
    %add3A_56 = arith.addf %add3A, %mul3A_55 : vector<16x256xf32>
    %dot_general3A_57 = arith.constant dense<0.000000e+00> : vector<16x256xf32>
    %dot_general3A_58 = tpu.matmul %mul3A_44, %get3A_1, %dot_general3A_57 {dimension_numbers = #tpu.dot_dimension_numbers<[1], [1], [0], [0], [0, 0, 1, 0], [], []>, precision = #tpu.contract_precision<fp32>, transpose_lhs_hint = false} : vector<16x128xf32>, vector<256x128xf32>, vector<16x256xf32> -> vector<16x256xf32>
    %dot_general3A_59 = arith.constant dense<0.000000e+00> : vector<16x256xf32>
    %dot_general3A_60 = tpu.matmul %mul3A_38, %get3A_7, %dot_general3A_59 {dimension_numbers = #tpu.dot_dimension_numbers<[1], [1], [0], [0], [0, 0, 1, 0], [], []>, precision = #tpu.contract_precision<fp32>, transpose_lhs_hint = false} : vector<16x128xf32>, vector<256x128xf32>, vector<16x256xf32> -> vector<16x256xf32>
    %add3A_61 = arith.addf %dot_general3A_58, %dot_general3A_60 : vector<16x256xf32>
    %mul3A_62 = vector.broadcast %mul3A_49 : vector<16x1xf32> to vector<16x256xf32>
    %mul3A_63 = vector.broadcast %get3A_4 : vector<1x256xf32> to vector<16x256xf32>
    %mul3A_64 = arith.mulf %mul3A_62, %mul3A_63 : vector<16x256xf32>
    %add3A_65 = arith.addf %add3A_61, %mul3A_64 : vector<16x256xf32>
    %dot_general3A_66 = arith.constant dense<0.000000e+00> : vector<16x256xf32>
    %dot_general3A_67 = tpu.matmul %add3A_65, %get3A_10, %dot_general3A_66 {dimension_numbers = #tpu.dot_dimension_numbers<[1], [1], [0], [0], [0, 0, 1, 0], [], []>, precision = #tpu.contract_precision<fp32>, transpose_lhs_hint = false} : vector<16x256xf32>, vector<256x256xf32>, vector<16x256xf32> -> vector<16x256xf32>
    %dot_general3A_68 = arith.constant dense<0.000000e+00> : vector<16x256xf32>
    %dot_general3A_69 = tpu.matmul %add3A_56, %get3A_16, %dot_general3A_68 {dimension_numbers = #tpu.dot_dimension_numbers<[1], [1], [0], [0], [0, 0, 1, 0], [], []>, precision = #tpu.contract_precision<fp32>, transpose_lhs_hint = false} : vector<16x256xf32>, vector<256x256xf32>, vector<16x256xf32> -> vector<16x256xf32>
    %add3A_70 = arith.addf %dot_general3A_67, %dot_general3A_69 : vector<16x256xf32>
    %mul3A_71 = vector.broadcast %select_n3A : vector<16x1xf32> to vector<16x256xf32>
    %mul3A_72 = vector.broadcast %get3A_13 : vector<1x256xf32> to vector<16x256xf32>
    %mul3A_73 = arith.mulf %mul3A_71, %mul3A_72 : vector<16x256xf32>
    %add3A_74 = arith.addf %add3A_70, %mul3A_73 : vector<16x256xf32>
    %get3A_75 = arith.constant 0 : index
    %get3A_76 = arith.constant 0 : index
    %get3A_77 = vector.load %arg9[%get3A_75, %get3A_76] : memref<32x128xf32, #tpu.memory_space<vmem>>, vector<32x128xf32>
    %slice3A_78 = vector.extract_strided_slice %get3A_77 {offsets = [0, 0], sizes = [16, 1], strides = [1, 1]} : vector<32x128xf32> to vector<16x1xf32>
    %max3A_79 = arith.constant 1.000000e+00 : f32
    %max3A_80 = vector.broadcast %max3A_79 : f32 to vector<16x1xf32>
    %max3A_81 = arith.maximumf %slice3A_78, %max3A_80 : vector<16x1xf32>
    %div3A_82 = arith.constant 1.000000e+00 : f32
    %div3A_83 = vector.broadcast %div3A_82 : f32 to vector<16x1xf32>
    %div3A_84 = arith.divf %div3A_83, %max3A_81 : vector<16x1xf32>
    %gt3A_85 = arith.constant 0.000000e+00 : f32
    %gt3A_86 = vector.broadcast %gt3A_85 : f32 to vector<16x1xf32>
    %gt3A_87 = arith.cmpf ogt, %slice3A_78, %gt3A_86 : vector<16x1xf32>
    %jit3A_88 = arith.constant 1.000000e+00 : f32
    %jit3A_89 = arith.constant 0.000000e+00 : f32
    %broadcast_in_dim3A_90 = vector.broadcast %jit3A_88 : f32 to vector<16x1xf32>
    %broadcast_in_dim3A_91 = vector.broadcast %jit3A_89 : f32 to vector<16x1xf32>
    %select_n3A_92 = arith.select %gt3A_87, %broadcast_in_dim3A_90, %broadcast_in_dim3A_91 : vector<16x1xi1>, vector<16x1xf32>
    %get3A_93 = arith.constant 0 : index
    %get3A_94 = arith.constant 0 : index
    %get3A_95 = vector.load %arg5[%get3A_93, %get3A_94] : memref<32x128xf32, #tpu.memory_space<vmem>>, vector<32x128xf32>
    %slice3A_96 = vector.extract_strided_slice %get3A_95 {offsets = [0, 0], sizes = [16, 128], strides = [1, 1]} : vector<32x128xf32> to vector<16x128xf32>
    %mul3A_97 = vector.broadcast %div3A_84 : vector<16x1xf32> to vector<16x128xf32>
    %mul3A_98 = arith.mulf %slice3A_96, %mul3A_97 : vector<16x128xf32>
    %get3A_99 = arith.constant 0 : index
    %get3A_100 = arith.constant 0 : index
    %get3A_101 = vector.load %arg6[%get3A_99, %get3A_100] : memref<32x128xf32, #tpu.memory_space<vmem>>, vector<32x128xf32>
    %slice3A_102 = vector.extract_strided_slice %get3A_101 {offsets = [0, 0], sizes = [16, 128], strides = [1, 1]} : vector<32x128xf32> to vector<16x128xf32>
    %mul3A_103 = vector.broadcast %div3A_84 : vector<16x1xf32> to vector<16x128xf32>
    %mul3A_104 = arith.mulf %slice3A_102, %mul3A_103 : vector<16x128xf32>
    %get3A_105 = arith.constant 0 : index
    %get3A_106 = arith.constant 0 : index
    %get3A_107 = vector.load %arg7[%get3A_105, %get3A_106] : memref<32x128xf32, #tpu.memory_space<vmem>>, vector<32x128xf32>
    %slice3A_108 = vector.extract_strided_slice %get3A_107 {offsets = [0, 0], sizes = [16, 128], strides = [1, 1]} : vector<32x128xf32> to vector<16x128xf32>
    %mul3A_109 = vector.broadcast %div3A_84 : vector<16x1xf32> to vector<16x128xf32>
    %mul3A_110 = arith.mulf %slice3A_108, %mul3A_109 : vector<16x128xf32>
    %get3A_111 = arith.constant 0 : index
    %get3A_112 = arith.constant 0 : index
    %get3A_113 = vector.load %arg8[%get3A_111, %get3A_112] : memref<32x128xf32, #tpu.memory_space<vmem>>, vector<32x128xf32>
    %slice3A_114 = vector.extract_strided_slice %get3A_113 {offsets = [0, 0], sizes = [16, 1], strides = [1, 1]} : vector<32x128xf32> to vector<16x1xf32>
    %mul3A_115 = arith.mulf %slice3A_114, %div3A_84 : vector<16x1xf32>
    %dot_general3A_116 = arith.constant dense<0.000000e+00> : vector<16x256xf32>
    %dot_general3A_117 = tpu.matmul %mul3A_104, %get3A_1, %dot_general3A_116 {dimension_numbers = #tpu.dot_dimension_numbers<[1], [1], [0], [0], [0, 0, 1, 0], [], []>, precision = #tpu.contract_precision<fp32>, transpose_lhs_hint = false} : vector<16x128xf32>, vector<256x128xf32>, vector<16x256xf32> -> vector<16x256xf32>
    %dot_general3A_118 = arith.constant dense<0.000000e+00> : vector<16x256xf32>
    %dot_general3A_119 = tpu.matmul %mul3A_98, %get3A_7, %dot_general3A_118 {dimension_numbers = #tpu.dot_dimension_numbers<[1], [1], [0], [0], [0, 0, 1, 0], [], []>, precision = #tpu.contract_precision<fp32>, transpose_lhs_hint = false} : vector<16x128xf32>, vector<256x128xf32>, vector<16x256xf32> -> vector<16x256xf32>
    %add3A_120 = arith.addf %dot_general3A_117, %dot_general3A_119 : vector<16x256xf32>
    %mul3A_121 = vector.broadcast %select_n3A_92 : vector<16x1xf32> to vector<16x256xf32>
    %mul3A_122 = vector.broadcast %get3A_4 : vector<1x256xf32> to vector<16x256xf32>
    %mul3A_123 = arith.mulf %mul3A_121, %mul3A_122 : vector<16x256xf32>
    %add3A_124 = arith.addf %add3A_120, %mul3A_123 : vector<16x256xf32>
    %dot_general3A_125 = arith.constant dense<0.000000e+00> : vector<16x256xf32>
    %dot_general3A_126 = tpu.matmul %mul3A_110, %get3A_1, %dot_general3A_125 {dimension_numbers = #tpu.dot_dimension_numbers<[1], [1], [0], [0], [0, 0, 1, 0], [], []>, precision = #tpu.contract_precision<fp32>, transpose_lhs_hint = false} : vector<16x128xf32>, vector<256x128xf32>, vector<16x256xf32> -> vector<16x256xf32>
    %dot_general3A_127 = arith.constant dense<0.000000e+00> : vector<16x256xf32>
    %dot_general3A_128 = tpu.matmul %mul3A_104, %get3A_7, %dot_general3A_127 {dimension_numbers = #tpu.dot_dimension_numbers<[1], [1], [0], [0], [0, 0, 1, 0], [], []>, precision = #tpu.contract_precision<fp32>, transpose_lhs_hint = false} : vector<16x128xf32>, vector<256x128xf32>, vector<16x256xf32> -> vector<16x256xf32>
    %add3A_129 = arith.addf %dot_general3A_126, %dot_general3A_128 : vector<16x256xf32>
    %mul3A_130 = vector.broadcast %mul3A_115 : vector<16x1xf32> to vector<16x256xf32>
    %mul3A_131 = vector.broadcast %get3A_4 : vector<1x256xf32> to vector<16x256xf32>
    %mul3A_132 = arith.mulf %mul3A_130, %mul3A_131 : vector<16x256xf32>
    %add3A_133 = arith.addf %add3A_129, %mul3A_132 : vector<16x256xf32>
    %dot_general3A_134 = arith.constant dense<0.000000e+00> : vector<16x256xf32>
    %dot_general3A_135 = tpu.matmul %add3A_133, %get3A_10, %dot_general3A_134 {dimension_numbers = #tpu.dot_dimension_numbers<[1], [1], [0], [0], [0, 0, 1, 0], [], []>, precision = #tpu.contract_precision<fp32>, transpose_lhs_hint = false} : vector<16x256xf32>, vector<256x256xf32>, vector<16x256xf32> -> vector<16x256xf32>
    %dot_general3A_136 = arith.constant dense<0.000000e+00> : vector<16x256xf32>
    %dot_general3A_137 = tpu.matmul %add3A_124, %get3A_16, %dot_general3A_136 {dimension_numbers = #tpu.dot_dimension_numbers<[1], [1], [0], [0], [0, 0, 1, 0], [], []>, precision = #tpu.contract_precision<fp32>, transpose_lhs_hint = false} : vector<16x256xf32>, vector<256x256xf32>, vector<16x256xf32> -> vector<16x256xf32>
    %add3A_138 = arith.addf %dot_general3A_135, %dot_general3A_137 : vector<16x256xf32>
    %mul3A_139 = vector.broadcast %select_n3A_92 : vector<16x1xf32> to vector<16x256xf32>
    %mul3A_140 = vector.broadcast %get3A_13 : vector<1x256xf32> to vector<16x256xf32>
    %mul3A_141 = arith.mulf %mul3A_139, %mul3A_140 : vector<16x256xf32>
    %add3A_142 = arith.addf %add3A_138, %mul3A_141 : vector<16x256xf32>
    %concatenate3A = tpu.concatenate %add3A_74, %add3A_142 in 1 : vector<16x256xf32>, vector<16x256xf32> -> vector<16x512xf32>
    %get3A_143 = arith.constant 0 : index
    %get3A_144 = arith.constant 0 : index
    %get3A_145 = vector.load %arg16[%get3A_143, %get3A_144] : memref<256x512xf32, #tpu.memory_space<vmem>>, vector<256x512xf32>
    %dot_general3A_146 = arith.constant dense<0.000000e+00> : vector<16x256xf32>
    %dot_general3A_147 = tpu.matmul %concatenate3A, %get3A_145, %dot_general3A_146 {dimension_numbers = #tpu.dot_dimension_numbers<[1], [1], [0], [0], [0, 0, 1, 0], [], []>, precision = #tpu.contract_precision<fp32>, transpose_lhs_hint = false} : vector<16x512xf32>, vector<256x512xf32>, vector<16x256xf32> -> vector<16x256xf32>
    %get3A_148 = arith.constant 0 : index
    %get3A_149 = arith.constant 0 : index
    %get3A_150 = vector.load %arg17[%get3A_148, %get3A_149] : memref<1x256xf32, #tpu.memory_space<vmem>>, vector<1x256xf32>
    %add3A_151 = vector.broadcast %get3A_150 : vector<1x256xf32> to vector<16x256xf32>
    %add3A_152 = arith.addf %dot_general3A_147, %add3A_151 : vector<16x256xf32>
    %neg3A = arith.constant 0.000000e+00 : f32
    %neg3A_153 = vector.broadcast %neg3A : f32 to vector<16x256xf32>
    %neg3A_154 = arith.subf %neg3A_153, %add3A_152 : vector<16x256xf32>
    %exp3A = math.exp %neg3A_154 : vector<16x256xf32>
    %add3A_155 = arith.constant 1.000000e+00 : f32
    %add3A_156 = vector.broadcast %add3A_155 : f32 to vector<16x256xf32>
    %add3A_157 = arith.addf %add3A_156, %exp3A : vector<16x256xf32>
    %div3A_158 = arith.constant 1.000000e+00 : f32
    %div3A_159 = vector.broadcast %div3A_158 : f32 to vector<16x256xf32>
    %div3A_160 = arith.divf %div3A_159, %add3A_157 : vector<16x256xf32>
    %get3A_161 = arith.constant 0 : index
    %get3A_162 = arith.constant 0 : index
    %get3A_163 = vector.load %arg18[%get3A_161, %get3A_162] : memref<1x256xf32, #tpu.memory_space<vmem>>, vector<1x256xf32>
    %mul3A_164 = vector.broadcast %get3A_163 : vector<1x256xf32> to vector<16x256xf32>
    %mul3A_165 = arith.mulf %div3A_160, %mul3A_164 : vector<16x256xf32>
    %reduce_sum3A = arith.constant dense<0.000000e+00> : vector<16xf32>
    %reduce_sum3A_166 = vector.multi_reduction <add>, %mul3A_165, %reduce_sum3A [1] : vector<16x256xf32> to vector<16xf32>
    %broadcast_in_dim3A_167 = vector.shape_cast %reduce_sum3A_166 : vector<16xf32> to vector<16x1xf32>
    %get3A_168 = arith.constant 0 : index
    %get3A_169 = arith.constant 0 : index
    %get3A_170 = vector.load %arg19[%get3A_168, %get3A_169] : memref<1x1xf32, #tpu.memory_space<vmem>>, vector<1x1xf32>
    %squeeze3A = vector.extract %get3A_170[0, 0] : f32 from vector<1x1xf32>
    %add3A_171 = vector.broadcast %squeeze3A : f32 to vector<16x1xf32>
    %add3A_172 = arith.addf %broadcast_in_dim3A_167, %add3A_171 : vector<16x1xf32>
    %neg3A_173 = arith.constant 0.000000e+00 : f32
    %neg3A_174 = vector.broadcast %neg3A_173 : f32 to vector<16x1xf32>
    %neg3A_175 = arith.subf %neg3A_174, %add3A_172 : vector<16x1xf32>
    %exp3A_176 = math.exp %neg3A_175 : vector<16x1xf32>
    %add3A_177 = arith.constant 1.000000e+00 : f32
    %add3A_178 = vector.broadcast %add3A_177 : f32 to vector<16x1xf32>
    %add3A_179 = arith.addf %add3A_178, %exp3A_176 : vector<16x1xf32>
    %div3A_180 = arith.constant 1.000000e+00 : f32
    %div3A_181 = vector.broadcast %div3A_180 : f32 to vector<16x1xf32>
    %div3A_182 = arith.divf %div3A_181, %add3A_179 : vector<16x1xf32>
    %swap3A = arith.constant 0 : index
    %swap3A_183 = arith.constant 0 : index
    %swap3A_184 = vector.load %arg20[%swap3A, %swap3A_183] : memref<16x1xf32, #tpu.memory_space<vmem>>, vector<16x1xf32>
    tpu.vector_store %arg20[%swap3A, %swap3A_183], %div3A_182 {strides = array<i32>} : memref<16x1xf32, #tpu.memory_space<vmem>>, vector<16x1xf32>,
    return
  }
}

</mosaic_0001>

<sc_bundles>
// kernel: kernel.4.cloned.1.call-start
scs
__scs_entry_jumppad:
0x0: {  	(pc) =	sbr.rel $0x88, $3  }
0x1: {  	(tag) =	ssettag $0x0;
	lr =	simm.s32 $0x1  }
0x2: {  	[smem:$0x3F91] =	sst lr;
	_ =	strace $0xD0000000  }
0x3: {  	_ = 	snop  }
0x4: {  	_ = 	snop  }
0x5: {  	_ = 	snop  }
0x6: {  	_ = 	snop  }
0x7: {  	_ = 	snop  }
__scs_overlays_trampoline_lowered:
0x8: {  	[smem:$0x3FA0] =	sst s0  }
0x9: {  	[smem:$0x3FA1] =	sst s1  }
0xa: {  	[smem:$0x3FA2] =	sst s2  }
0xb: {  	[smem:$0x3FA3] =	sst s3  }
0xc: {  	[smem:$0x3FA4] =	sst s4  }
0xd: {  	[smem:$0x3FA5] =	sst s5  }
0xe: {  	[smem:$0x3FA6] =	sst s6  }
0xf: {  	[smem:$0x3FA7] =	sst s7  }
0x10: {  	[smem:$0x3FA8] =	sst s8  }
0x11: {  	[smem:$0x3FA9] =	sst s9;
	s0 =	simm.s32 @!p0 $0x0  }
0x12: {  	s1 =	sld [smem:$0x3F8F];
	s0 =	simm.s32 @p0 $0x1  }
0x13: {  	[smem:$0x3FAA] =	sst s0;
	s0 =	simm.s32 @!p1 $0x0  }
0x14: {  	s2 =	sld [smem:$0x3F8E];
	s0 =	simm.s32 @p1 $0x1  }
0x15: {  	[smem:$0x3FAB] =	sst s0;
	s0 =	simm.s32 @!p2 $0x0  }
0x16: {  	s3 =	sld [smem:$0x3FDB];
	s0 =	simm.s32 @p2 $0x1  }
0x17: {  	s4 =	simm.s32 $0x1BF5;
	[smem:$0x3FAD] =	sst s0  }
0x18: {  	s0 =	sld [smem:$0x3F90];
	_ =	swait.ge [sflag:s4], $0x0  }
0x19: {  	s7 =	sld [smem:$0x3F91]  }
0x1a: {  	s8 =	sadd.s32 $0xFFFFE003, lr  }
0x1b: {  	s9 =	sadd.s32 $0xFFFFFEF7, lr;
	s5 =	simm.s32 $0xFFFFFFFF;
	p2 =	slt.u32 s8, $0xFFFFF086  }
0x1c: {  	p1 =	slt.u32 s9, $0xF7A;
	s5 =	simm.s32 @!p2 $0x0  }
0x1d: {  	s5 =	simm.s32 @p1 $0x1;
	p0 =	seq.s32 s7, s2  }
0x1e: {  	s7 =	smul.u32 @!p0 $0xF7A, s2;
	p2 =	seq.s32 @!p0 s5, $0x0  }
0x1f: {  	s9 =	smul.u32 $0xF7A, s1;
	s8 =	simm.s32 @!p0 $0x1BF5;
	p2 =	por !p2, p0  }
0x20: {  	[sflag:s8] =	ssyncset.s32 @!p0 $0xFFFFF086;
	s6 =	sadd.s32 @!p0 s3, s7;
	s7 =	simm.s32 @!p0 $0x108  }
0x21: {  	s3 =	sadd.s32 s3, s9;
	s6 =	sadd.s32 @!p0 $0x88, s6;
	s7 =	simm.s32 @p2 $0x1082  }
0x22: {  	[simem:s7], [sflag:s8] =	dma.local @!p0 [hbm:s6], $0xF7A  }
0x23: {  	s9 =	sor.u32 $0xD0000000, s2;
	s6 =	simm.s32 $0x108;
	_ =	swait.ge @!p0 [sflag:s8], $0x0  }
0x24: {  	s3 =	sadd.s32 $0x88, s3;
	s6 =	simm.s32 @!p1 $0x1082;
	[sflag:s4] =	ssyncset.s32 $0xFFFFF086  }
0x25: {  	[simem:s6], [sflag:s4] =	dma.local [hbm:s3], $0xF7A  }
0x26: {  	[smem:$0x3F91] =	sst s1;
	(tag) =	ssettag s2;
	_ =	strace s9  }
0x27: {  	s1 =	sld [smem:$0x3FA1]  }
0x28: {  	s2 =	sld [smem:$0x3FA2]  }
0x29: {  	s4 =	sld [smem:$0x3FA4]  }
0x2a: {  	p0 =	seq.s32 s5, $0x0;
	s5 =	sld [smem:$0x3FA5]  }
0x2b: {  	s6 =	sld [smem:$0x3FA6]  }
0x2c: {  	s7 =	sld [smem:$0x3FA7]  }
0x2d: {  	s3 =	simm.s32 $0x108;
	s8 =	sld [smem:$0x3FA8]  }
0x2e: {  	s3 =	simm.s32 @!p0 $0x1082;
	s9 =	sld [smem:$0x3FA9]  }
0x2f: {  	lr =	sadd.s32 s0, s3;
	s0 =	sld [smem:$0x3FA0]  }
0x30: {  	s3 =	sld [smem:$0x3FA3]  }
0x31: {  	[smem:$0x3FAC] =	sst s10  }
0x32: {  	s10 =	sld [smem:$0x3FAA];
	_ =	sdelay $0x3  }
0x33: {  	p0 =	seq.s32 s10, $0x1;
	s10 =	sld [smem:$0x3FAC];
	_ =	sdelay $0x3  }
0x34: {  	[smem:$0x3FAC] =	sst s10  }
0x35: {  	s10 =	sld [smem:$0x3FAB];
	_ =	sdelay $0x3  }
0x36: {  	p1 =	seq.s32 s10, $0x1;
	s10 =	sld [smem:$0x3FAC];
	_ =	sdelay $0x3  }
0x37: {  	[smem:$0x3FAC] =	sst s10  }
0x38: {  	s10 =	sld [smem:$0x3FAD]  }
0x39: {  	_ = 	snop;
	(pc) =	sbr.ind lr, $3  }
0x3a: {  	_ = 	snop  }
0x3b: {  	_ = 	snop  }
0x3c: {  	p2 =	seq.s32 s10, $0x1;
	s10 =	sld [smem:$0x3FAC]  }
0x3d: {  	_ =	shalt  }
0x3e: {  	_ =	shalt  }
0x3f: {  	_ =	shalt  }
0x40: {  	_ =	shalt  }
0x41: {  	_ =	shalt  }
0x42: {  	_ =	shalt  }
0x43: {  	_ =	shalt  }
0x44: {  	_ =	shalt  }
0x45: {  	_ =	shalt  }
0x46: {  	_ =	shalt  }
0x47: {  	_ =	shalt  }
0x48: {  	_ =	shalt  }
0x49: {  	_ =	shalt  }
0x4a: {  	_ =	shalt  }
0x4b: {  	_ =	shalt  }
0x4c: {  	_ =	shalt  }
0x4d: {  	_ =	shalt  }
0x4e: {  	_ =	shalt  }
0x4f: {  	_ =	shalt  }
0x50: {  	_ =	shalt  }
0x51: {  	_ =	shalt  }
0x52: {  	_ =	shalt  }
0x53: {  	_ =	shalt  }
0x54: {  	_ =	shalt  }
0x55: {  	_ =	shalt  }
0x56: {  	_ =	shalt  }
0x57: {  	_ =	shalt  }
0x58: {  	_ =	shalt  }
0x59: {  	_ =	shalt  }
0x5a: {  	_ =	shalt  }
0x5b: {  	_ =	shalt  }
0x5c: {  	_ =	shalt  }
0x5d: {  	_ =	shalt  }
0x5e: {  	_ =	shalt  }
0x5f: {  	_ =	shalt  }
0x60: {  	_ =	shalt  }
0x61: {  	_ =	shalt  }
0x62: {  	_ =	shalt  }
0x63: {  	_ =	shalt  }
0x64: {  	_ =	shalt  }
0x65: {  	_ =	shalt  }
0x66: {  	_ =	shalt  }
0x67: {  	_ =	shalt  }
0x68: {  	_ =	shalt  }
0x69: {  	_ =	shalt  }
0x6a: {  	_ =	shalt  }
0x6b: {  	_ =	shalt  }
0x6c: {  	_ =	shalt  }
0x6d: {  	_ =	shalt  }
0x6e: {  	_ =	shalt  }
0x6f: {  	_ =	shalt  }
0x70: {  	_ =	shalt  }
0x71: {  	_ =	shalt  }
0x72: {  	_ =	shalt  }
0x73: {  	_ =	shalt  }
0x74: {  	_ =	shalt  }
0x75: {  	_ =	shalt  }
0x76: {  	_ =	shalt  }
0x77: {  	_ =	shalt  }
0x78: {  	_ =	shalt  }
0x79: {  	_ =	shalt  }
0x7a: {  	_ =	shalt  }
0x7b: {  	_ =	shalt  }
0x7c: {  	_ =	shalt  }
0x7d: {  	_ =	shalt  }
0x7e: {  	_ =	shalt  }
0x7f: {  	_ =	shalt  }
0x80: {  	_ =	shalt  }
0x81: {  	_ =	shalt  }
0x82: {  	_ =	shalt  }
0x83: {  	_ =	shalt  }
0x84: {  	_ =	shalt  }
0x85: {  	_ =	shalt  }
0x86: {  	_ =	shalt  }
0x87: {  	_ =	shalt  }
.Lfunc_end0:
.L_simem_size_0:
called_computation_lowered:
.L_overlay_start_0:
0x88: {  	s2 =	sld [smem:$0x3FD9]  }
0x89: {  	s3 =	sld [smem:$0x3FFE];
	_ =	sdelay $0x1  }
0x8a: {  	s1 =	srdreg.scid  }
0x8b: {  	s0 =	sand.u32 $0x1, s1  }
0x8c: {  	s16 =	sshll.u32 s0, $0xA;
	s2 =	sadd.s32 s3, s2  }
0x8d: {  	s2 =	sadd.s32 s2, s16  }
0x8e: {  	[smem:$0x3FB8] =	sst s2  }
0x8f: {  	_ = 	snop  }
0x90: {  	(tm) =	ssettm $0x1  }
0x91: {  	s17 =	sld [smem:$0x3FFB];
	_ =	sdelay $0x3  }
0x92: {  	_ =	strace s17  }
0x93: {  	s2 =	sld [smem:$0x3FFC];
	_ =	sdelay $0x3  }
0x94: {  	_ =	strace s2  }
0x95: {  	s2 =	sld [smem:$0x3FFD];
	_ =	sdelay $0x3  }
0x96: {  	_ =	strace s2  }
0x97: {  	_ =	strace $0x8FFFFFFF  }
0x98: {  	s18 =	sld [smem:$0x3FDB];
	_ =	sdelay $0x1  }
0x99: {  	s19 =	simm.s32 $_scs_section_size  }
0x9a: {  	s4 =	simm.s32 $_size__tile_overlayer_lowered;
	s5 =	simm.s32 $_tile_overlayer_lowered  }
0x9b: {  	s22 =	simm.s32 $0x1BFF;
	s21 =	sshll.u32 s5, $0x1;
	s2 =	sadd.s32 s19, s18  }
0x9c: {  	s6 =	simm.s32 $0x0;
	s20 =	sshll.u32 s4, $0x1;
	s4 =	sadd.s32 s21, s2  }
0x9d: {  	[timem:s6], [sflag:s22] =	dma.local [hbm:s4], s20  }
0x9e: {  	_ =	swait.ge [sflag:s22], s20  }
0x9f: {  	s3 =	ssub.s32 $0x0, s20;
	[sflag:s22] =	ssyncset.done $0x0  }
0xa0: {  	[sflag:s22] =	ssyncadd.s32 s3;
	_ =	sdelay $0x1  }
0xa1: {  	s23 =	simm.s32 $0x1B8B  }
0xa2: {  	_ =	swait.ge [sflag:s23], $0x1  }
0xa3: {  	[sflag:s23] =	ssyncset.done $0x0  }
0xa4: {  	s25 =	simm.s32 $0x1B8E;
	s24 =	sld [smem:$0x3FFE];
	[sflag:s23] =	ssyncadd.s32 $0xFFFFFFFF  }
0xa5: {  	s26 =	simm.s32 $execute0_lowered;
	[smem:$0x3FD2] =	sst s25  }
0xa6: {  	s4 =	sshll.u32 s26, $0x1;
	_ =	strace $0x80000046;
	[dreg:$0x1] =	wrdreg $0xFFFFFFFF  }
0xa7: {  	s28 =	simm.s32 $_size_execute0_lowered;
	s2 =	sadd.s32 s2, s4;
	[dreg:$0x0] =	wrdreg $0x0  }
0xa8: {  	s4 =	sshll.u32 s28, $0x1;
	[dreg:$0x2] =	wrdreg s2  }
0xa9: {  	[dreg:$0x3] =	wrdreg s4  }
0xaa: {  	[dreg:$0x4] =	wrdreg $0xC0  }
0xab: {  	_ =	task [dreg:s6], $0x5FFFF  }
0xac: {  	[dreg:$0x1] =	wrdreg $0xFFFFFFFF  }
0xad: {  	[dreg:$0x0] =	wrdreg $0x60  }
0xae: {  	[dreg:$0x2] =	wrdreg s24  }
0xaf: {  	[dreg:$0x3] =	wrdreg $0xB5000  }
0xb0: {  	[dreg:$0x4] =	wrdreg $0x1F5000  }
0xb1: {  	[dreg:$0x5] =	wrdreg $0x1F7800  }
0xb2: {  	[dreg:$0x6] =	wrdreg $0x1F8800  }
0xb3: {  	[dreg:$0x7] =	wrdreg $0x1F9800  }
0xb4: {  	[dreg:$0x8] =	wrdreg $0x1FA800  }
0xb5: {  	[dreg:$0x9] =	wrdreg $0x1FB800  }
0xb6: {  	[dreg:$0xa] =	wrdreg $0x9  }
0xb7: {  	_ =	task.clear_ibuf [dreg:s6], $0xBFFFF;
	_ =	strace $0x90000046  }
0xb8: {  	s29 =	simm.s32 $0x9;
	_ =	strace $0x80000048  }
0xb9: {  	_ =	swait.ge [sflag:s29], $0x1  }
0xba: {  	[sflag:s29] =	ssyncadd.s32 $0xFFFFFFFF  }
0xbb: {  	_ =	strace $0x90000048  }
0xbc: {  	_ =	sfence  }
0xbd: {  	s30 =	sld [smem:$0x0];
	_ =	sdelay $0x2  }
0xbe: {  	s31 =	sshll.u32 s1, $0xD;
	s1 =	sshrl.u32 s1, $0x2  }
0xbf: {  	s3 =	sand.u32 $0x4000, s31;
	s1 =	sadd.s32 s1, s30  }
0xc0: {  	s0 =	sor.u32 s3, s0;
	s1 =	sshll.u32 s1, $0x11  }
0xc1: {  	s0 =	sor.u32 s1, s0  }
0xc2: {  	s0 =	sadd.s32 $0x8F2B, s0  }
0xc3: {  	[sflag:s0] =	ssyncadd.remote.s32 $0x1  }
0xc4: {  	_ =	sfence.sel $0xFFFF  }
0xc5: {  	[dreg:$0x0] =	wrdreg $0xFFFFFFFF;
	(pc) =	sbr.abs _section_cstart, $3  }
0xc6: {  	[dreg:$0x1] =	wrdreg $0xFFFFFFFF  }
0xc7: {  	_ =	task.clear_ibuf [dreg:s6], $0x2FFFF;
	_ =	strace $0x9FFFFFFF  }
0xc8: {  	(tm) =	ssettm $0x7FFFFFFF  }
0xc9: {  	_ =	shalt  }
tec
execute0_lowered:
.L_overlay_start_1:
0x0: {  	(tag) =	ssettag $0x1  }
0x1: {  	s1 =	rddreg [dreg:$0x0]  }
0x2: {  	s0 =	rddreg [dreg:$0x1]  }
0x3: {  	s15 =	rddreg [dreg:$0x2]  }
0x4: {  	s16 =	rddreg [dreg:$0x3]  }
0x5: {  	s31 =	rddreg [dreg:$0x4]  }
0x6: {  	s19 =	rddreg [dreg:$0x5]  }
0x7: {  	s20 =	rddreg [dreg:$0x6]  }
0x8: {  	s21 =	rddreg [dreg:$0x7]  }
0x9: {  	s8 =	simm.s32 $0x0;
	s2 =	stileid.u32;
	s3 =	srdreg.scid  }
0xa: {  	[smem:$0x7FF] =	sst s8;
	s9 =	sadd.s32 $0x2AC00, s1;
	s10 =	sadd.s32 $0x52C00, s1  }
0xb: {  	s11 =	sadd.s32 $0x2C00, s1;
	s12 =	sadd.s32 $0xCC00, s1;
	s13 =	sadd.s32 $0x16C00, s1  }
0xc: {  	s14 =	sadd.s32 $0x20C00, s1;
	s4 =	sshll.u32 s2, $0x7;
	s3 =	sand.u32 $0x1, s3  }
0xd: {  	s5 =	sadd.s32 $0x7C400, s1;
	s6 =	sadd.s32 $0x7BC00, s1;
	s17 =	sadd.s32 $0x7CC00, s1  }
0xe: {  	s18 =	sadd.s32 $0xA4C00, s1;
	_ =	strace $0x80000047;
	[dreg:$0x9] =	wrdreg s5  }
0xf: {  	s22 =	smul.u32 $0x50000, s2;
	s23 =	sadd.s32 $0xCCC00, s1;
	[dreg:$0xa] =	wrdreg s6  }
0x10: {  	s24 =	sadd.s32 $0xCCE00, s1;
	s25 =	sadd.s32 $0xCD000, s1;
	[dreg:$0xb] =	wrdreg s23  }
0x11: {  	s29 =	smul.u32 $0x280, s2;
	p4 =	seq.s32 s2, $0x0;
	[dreg:$0xc] =	wrdreg s24  }
0x12: {  	s26 =	ssub.s32 $0x2, s3;
	[dreg:$0xd] =	wrdreg s25;
	s23 =	sadd.s32 $0xCD800, s1  }
0x13: {  	p0 =	seq.s32 s3, $0x1;
	s24 =	sadd.s32 $0xCDA00, s1;
	[dreg:$0x11] =	wrdreg s23  }
0x14: {  	s25 =	sadd.s32 $0xCDC00, s1;
	s7 =	sshrl.u32 s26, $0x1;
	[dreg:$0x12] =	wrdreg s24  }
0x15: {  	p1 =	sne.s32 s3, $0x0;
	[dreg:$0x13] =	wrdreg s25;
	s5 =	ssub.s32 s26, s7  }
0x16: {  	s7 =	sor.u32 s3, s2;
	s3 =	sshrl.u32 s22, $0x2;
	s26 =	sadd.s32 $0xCD200, s1  }
0x17: {  	s22 =	sadd.s32 $0xCD600, s1;
	p2 =	sne.s32 s7, $0x0;
	[dreg:$0xe] =	wrdreg s26  }
0x18: {  	s7 =	smov.u32 s19;
	s19 =	sadd.s32 $0xCD400, s1;
	[dreg:$0x10] =	wrdreg s22  }
0x19: {  	s4 =	sadd.s32 s4, s1;
	s1 =	sadd.s32 $0xCDE00, s1;
	[dreg:$0xf] =	wrdreg s19  }
0x1a: {  	p3 =	sne.s32 s2, $0x0;
	s3 =	sadd.s32 s3, s0;
	[dreg:$0x14] =	wrdreg s1  }
0x1b: {  	s26 =	smul.u32 $0xA00, s2;
	s19 =	sadd.s32 $0x7AC00, s4;
	[dreg:$0x15] =	wrdreg s3  }
0x1c: {  	s2 =	smul.u32 $0x5000, s2;
	s4 =	sadd.s32 $0x7B400, s4;
	[dreg:$0x16] =	wrdreg s19  }
0x1d: {  	[dreg:$0x17] =	wrdreg s4;
	s1 =	sshrl.u32 s26, $0x2;
	s19 =	smax.u32 s5, $0x1  }
0x1e: {  	s22 =	sshrl.u32 s2, $0x3;
	s1 =	sadd.s32 s1, s15;
	[dreg:$0x1d] =	wrdreg s19  }
0x1f: {  	s28 =	simm.s32 $0x2;
	s23 =	sadd.s32 s11, s22;
	[dreg:$0x18] =	wrdreg s1  }
0x20: {  	s30 =	simm.s32 $0x4;
	s24 =	sadd.s32 s12, s22;
	[dreg:$0x19] =	wrdreg s23  }
0x21: {  	s6 =	smov.u32 s20;
	s25 =	sadd.s32 s13, s22;
	[dreg:$0x1a] =	wrdreg s24  }
0x22: {  	p4 =	por !p4, !p0;
	s26 =	sadd.s32 s14, s22;
	[dreg:$0x1b] =	wrdreg s25  }
0x23: {  	p4 =	por !p4, !p4;
	[dreg:$0x1c] =	wrdreg s26;
	s23 =	sadd.s32 $0x4000, s3  }
0x24: {  	s5 =	simm.s32 $0x0;
	s24 =	sadd.s32 $0x8000, s3;
	[smem:$0x7FA] =	sst s23  }
0x25: {  	s15 =	smov.u32 s21;
	s25 =	sadd.s32 $0xC000, s3;
	[smem:$0x7FB] =	sst s24  }
0x26: {  	s1 =	sor.u32 $0x20, s22;
	s26 =	sadd.s32 $0x10000, s3;
	[smem:$0x7FC] =	sst s25  }
0x27: {  	s19 =	simm.s32 $0x5;
	s20 =	sadd.s32 s11, s1;
	[smem:$0x7FD] =	sst s26  }
0x28: {  	s21 =	sadd.s32 s12, s1;
	s22 =	sadd.s32 s13, s1;
	[dreg:$0x1e] =	wrdreg s20  }
0x29: {  	s1 =	sadd.s32 s14, s1;
	s23 =	simm.s32 $0x8400;
	[dreg:$0x1f] =	wrdreg s21  }
0x2a: {  	v0 =	vlaneseq.u32;
	s24 =	simm.s32 $0xAC00;
	s25 =	simm.s32 $0x80;
	[smem:$0x7F8] =	sst s22  }
0x2b: {  	v5 =	vimm.f32 $1.000000000e+00;
	v6 =	vimm.f32 $0.0e+00;
	v1 =	vor.u32 $0x10, v0;
	s26 =	simm.s32 $0x4400;
	[smem:$0x7F9] =	sst s1;
	s21 =	simm.s32 $0x400  }
0x2c: {  	v2 =	vor.u32 $0x20, v0;
	v3 =	vor.u32 $0x30, v0;
	v4 =	vor.u32 $0x40, v0;
	s22 =	simm.s32 $0x6;
	s1 =	simm.s32 $0x1;
	s20 =	simm.s32 $0x3  }
.LBB2_1:
0x2d: {  	[smem:$0x7F7] =	sst s5  }
0x2e: {  	s3 =	rddreg [dreg:$0x9]  }
0x2f: {  	[tilespmem:s21], [sflag:$0x6] =	stream.linear.gather [hbm4b:s3+s8], $0x4000, $0x38;
	[tilespmem:$0x1FC80] =	vst v63  }
0x30: {  	_ =	swait.ge [sflag:s22], $0x4000  }
0x31: {  	[sflag:s22] =	ssyncset.done $0x0  }
0x32: {  	s4 =	rddreg [dreg:$0x15];
	[sflag:s22] =	ssyncadd.s32 $0xFFFFC000  }
0x33: {  	[spmem:s4] =	stream.linear.scatter [tilespmem:s21], [sflag:$0x6], $0x4000, $0x38;
	[tilespmem:$0x1FC80] =	vst v63  }
0x34: {  	_ =	swait.ge [sflag:s22], $0x4000  }
0x35: {  	s5 =	sld [smem:$0x7FA]  }
0x36: {  	[sflag:s22] =	ssyncset.done $0x0  }
0x37: {  	[sflag:s22] =	ssyncadd.s32 $0xFFFFC000  }
0x38: {  	[spmem:s5] =	stream.linear.scatter [tilespmem:s21], [sflag:$0x6], $0x4000, $0x38;
	[tilespmem:$0x1FC80] =	vst v63  }
0x39: {  	_ =	swait.ge [sflag:s22], $0x4000  }
0x3a: {  	s5 =	sld [smem:$0x7FB]  }
0x3b: {  	[sflag:s22] =	ssyncset.done $0x0  }
0x3c: {  	[sflag:s22] =	ssyncadd.s32 $0xFFFFC000  }
0x3d: {  	[spmem:s5] =	stream.linear.scatter [tilespmem:s21], [sflag:$0x6], $0x4000, $0x38;
	[tilespmem:$0x1FC80] =	vst v63  }
0x3e: {  	_ =	swait.ge [sflag:s22], $0x4000  }
0x3f: {  	s5 =	sld [smem:$0x7FC]  }
0x40: {  	[sflag:s22] =	ssyncset.done $0x0  }
0x41: {  	[sflag:s22] =	ssyncadd.s32 $0xFFFFC000  }
0x42: {  	[spmem:s5] =	stream.linear.scatter [tilespmem:s21], [sflag:$0x6], $0x4000, $0x38;
	[tilespmem:$0x1FC80] =	vst v63  }
0x43: {  	_ =	swait.ge [sflag:s22], $0x4000  }
0x44: {  	s5 =	sld [smem:$0x7FD]  }
0x45: {  	[sflag:s22] =	ssyncset.done $0x0  }
0x46: {  	[sflag:s22] =	ssyncadd.s32 $0xFFFFC000  }
0x47: {  	[spmem:s5] =	stream.linear.scatter [tilespmem:s21], [sflag:$0x6], $0x4000, $0x38;
	[tilespmem:$0x1FC80] =	vst v63  }
0x48: {  	_ =	swait.ge [sflag:s22], $0x4000  }
0x49: {  	[sflag:s22] =	ssyncset.done $0x0  }
0x4a: {  	[sflag:s22] =	ssyncadd.s32 $0xFFFFC000  }
0x4b: {  	[tilespmem:s23], [sflag:$0x6] =	stream.linear.gather [hbm4b:s3+s8], $0x2800, $0x38;
	[tilespmem:$0x1FC80] =	vst v63  }
0x4c: {  	_ =	swait.ge [sflag:s22], $0x2800  }
0x4d: {  	[sflag:s22] =	ssyncset.done $0x0  }
0x4e: {  	[sflag:s22] =	ssyncadd.s32 $0xFFFFD800  }
0x4f: {  	[tilespmem:s24], [sflag:$0x6] =	stream.linear.gather [hbm4b:s3+s8], $0x280, $0x38;
	[tilespmem:$0x1FC80] =	vst v63  }
0x50: {  	_ =	swait.ge [sflag:s22], $0x280  }
0x51: {  	[sflag:s22] =	ssyncset.done $0x0  }
0x52: {  	[sflag:s22] =	ssyncadd.s32 $0xFFFFFD80  }
0x53: {  	[tilespmem:$0xB400] =	vst v0  }
0x54: {  	[tilespmem:$0xB410] =	vst v1  }
0x55: {  	[tilespmem:$0xB420] =	vst v2  }
0x56: {  	[tilespmem:$0xB430] =	vst v3  }
0x57: {  	s4 =	simm.s32 @!p3 $0x6;
	s3 =	simm.s32 @!p3 $0x400;
	[tilespmem:$0xB480] =	vst v4  }
0x58: {  	[spmem:s16] =	stream.linear.scatter @!p3 [tilespmem:s3], [sflag:$0x6], $0x1000, $0x38;
	[tilespmem:$0x1FC80] =	vst v63  }
0x59: {  	_ =	swait.ge @!p3 [sflag:s4], $0x1000  }
0x5a: {  	[sflag:s4] =	ssyncset.done @!p3 $0x0  }
0x5b: {  	[sflag:s4] =	ssyncadd.s32 @!p3 $0xFFFFF000  }
0x5c: {  	[spmem:s31] =	stream.linear.scatter @!p3 [tilespmem:s3], [sflag:$0x6], $0x1000, $0x38;
	[tilespmem:$0x1FC80] =	vst v63  }
0x5d: {  	_ =	swait.ge @!p3 [sflag:s4], $0x1000  }
0x5e: {  	[sflag:s4] =	ssyncset.done @!p3 $0x0  }
0x5f: {  	[sflag:s4] =	ssyncadd.s32 @!p3 $0xFFFFF000  }
0x60: {  	[spmem:s7] =	stream.linear.scatter @!p3 [tilespmem:s3], [sflag:$0x6], $0x1000, $0x38;
	[tilespmem:$0x1FC80] =	vst v63  }
0x61: {  	_ =	swait.ge @!p3 [sflag:s4], $0x1000  }
0x62: {  	[sflag:s4] =	ssyncset.done @!p3 $0x0  }
0x63: {  	[sflag:s4] =	ssyncadd.s32 @!p3 $0xFFFFF000  }
0x64: {  	[spmem:s6] =	stream.linear.scatter @!p3 [tilespmem:s3], [sflag:$0x6], $0x1000, $0x38;
	[tilespmem:$0x1FC80] =	vst v63  }
0x65: {  	_ =	swait.ge @!p3 [sflag:s4], $0x1000  }
0x66: {  	[sflag:s4] =	ssyncset.done @!p3 $0x0  }
0x67: {  	[sflag:s4] =	ssyncadd.s32 @!p3 $0xFFFFF000  }
0x68: {  	[spmem:s15] =	stream.linear.scatter @!p3 [tilespmem:s3], [sflag:$0x6], $0x1000, $0x38;
	[tilespmem:$0x1FC80] =	vst v63  }
0x69: {  	_ =	swait.ge @!p3 [sflag:s4], $0x1000  }
0x6a: {  	[sflag:s4] =	ssyncset.done @!p3 $0x0  }
0x6b: {  	[sflag:s4] =	ssyncadd.s32 @!p3 $0xFFFFF000  }
0x6c: {  	s5 =	rddreg [dreg:$0x2]  }
0x6d: {  	[spmem:s5] =	stream.linear.scatter @!p3 [tilespmem:s3], [sflag:$0x6], $0x2800, $0x38;
	[tilespmem:$0x1FC80] =	vst v63  }
0x6e: {  	_ =	swait.ge @!p3 [sflag:s4], $0x2800  }
0x6f: {  	s3 =	simm.s32 @!p1 $0x0;
	[sflag:s4] =	ssyncset.done @!p3 $0x0  }
0x70: {  	s5 =	rddreg [dreg:$0x16];
	[sflag:s4] =	ssyncadd.s32 @!p3 $0xFFFFD800;
	s4 =	simm.s32 @!p1 $0xB000  }
0x71: {  	[tilespmem:s4], [sflag:$0x6] =	stream.linear.gather @!p1 [hbm4b:s5+s3], $0x280, $0x38;
	[tilespmem:$0x1FC80] =	vst v63  }
0x72: {  	s3 =	simm.s32 @!p1 $0x6  }
0x73: {  	_ =	swait.ge @!p1 [sflag:s3], $0x280  }
0x74: {  	s4 =	simm.s32 @p0 $0xB000;
	[sflag:s3] =	ssyncset.done @!p1 $0x0  }
0x75: {  	s5 =	rddreg [dreg:$0x17];
	[sflag:s3] =	ssyncadd.s32 @!p1 $0xFFFFFD80;
	s3 =	simm.s32 @p0 $0x0  }
0x76: {  	[tilespmem:s4], [sflag:$0x6] =	stream.linear.gather @p0 [hbm4b:s5+s3], $0x280, $0x38;
	[tilespmem:$0x1FC80] =	vst v63  }
0x77: {  	s3 =	simm.s32 @p0 $0x6  }
.Ltmp0:
0x78: {  	_ =	swait.ge @p0 [sflag:s3], $0x280;
	(pc) =	sbr.rel @p1 .LBB2_5-.Ltmp0, $3  }
0x79: {  	[sflag:s3] =	ssyncset.done @p0 $0x0  }
0x7a: {  	[sflag:s3] =	ssyncadd.s32 @p0 $0xFFFFFD80  }
0x7b: {  	[bflag:$0x0] =	sbarrier.arrive $0xFFFF;
	_ =	sdelay $0x1  }
0x7c: {  	s3 =	simm.s32 $0x0;
	s4 =	rddreg [dreg:$0x19]  }
0x7d: {  	[tilespmem:s3], [sflag:$0x6] =	stream.linear.gather [hbm4b:s4+s3], $0x100, $0x38;
	[tilespmem:$0x1FC80] =	vst v63  }
0x7e: {  	_ =	swait.ge [sflag:s22], $0x100  }
0x7f: {  	[sflag:s22] =	ssyncset.done $0x0  }
0x80: {  	s5 =	simm.s32 $0x200;
	s31 =	rddreg [dreg:$0x1a];
	[sflag:s22] =	ssyncadd.s32 $0xFFFFFF00  }
0x81: {  	[tilespmem:s5], [sflag:$0x6] =	stream.linear.gather [hbm4b:s31+s3], $0x100, $0x38;
	[tilespmem:$0x1FC80] =	vst v63  }
0x82: {  	_ =	swait.ge [sflag:s22], $0x100  }
0x83: {  	[sflag:s22] =	ssyncset.done $0x0  }
0x84: {  	s4 =	simm.s32 $0x100;
	[sflag:s22] =	ssyncadd.s32 $0xFFFFFF00  }
0x85: {  	[tilespmem:s21], [sflag:$0x1] =	stream.indirect.gather [hbm4b:s9+s25], $0x80, s3, s25, $0xb8;
	[tilespmem:$0x1FC80] =	vst v63  }
.LBB2_3:
0x86: {  	p5 =	seq.s32 s3, $0x0  }
0x87: {  	s6 =	simm.s32 @!p5 $0x5  }
0x88: {  	s7 =	sand.u32 $0x1, s3;
	_ =	swait.ge @!p5 [sflag:s6], $0x4000  }
0x89: {  	s5 =	sshll.u32 s7, $0x8;
	[sflag:s6] =	ssyncset.done @!p5 $0x0  }
0x8a: {  	[sflag:s6] =	ssyncadd.s32 @!p5 $0xFFFFC000;
	s6 =	sor.u32 $0x80, s5;
	p5 =	seq.s32 s3, $0x4E  }
0x8b: {  	[tilespmem:s26], [sflag:$0x2] =	stream.indirect.gather [hbm4b:s9+s25], $0x80, s6, s25, $0xb8;
	[tilespmem:$0x1FC80] =	vst v63  }
0x8c: {  	s15 =	sand.u32 @!p5 $0xFC00, s4  }
0x8d: {  	s31 =	sand.u32 @!p5 $0x300, s4;
	s15 =	sadd.s32 @!p5 s2, s15  }
0x8e: {  	s15 =	sor.u32 @!p5 s31, s15  }
0x8f: {  	s7 =	sxor.u32 $0x1, s7;
	s15 =	sshrl.u32 @!p5 s15, $0x3  }
0x90: {  	s7 =	sshll.u32 @!p5 s7, $0x8;
	s16 =	simm.s32 @!p5 $0x0;
	s31 =	sadd.s32 @!p5 s11, s15  }
0x91: {  	[tilespmem:s7], [sflag:$0x3] =	stream.linear.gather @!p5 [hbm4b:s31+s16], $0x100, $0x38;
	[tilespmem:$0x1FC80] =	vst v63  }
0x92: {  	s15 =	sadd.s32 @!p5 s12, s15;
	s31 =	sor.u32 @!p5 $0x200, s7  }
0x93: {  	[tilespmem:s31], [sflag:$0x3] =	stream.linear.gather @!p5 [hbm4b:s15+s16], $0x100, $0x38;
	[tilespmem:$0x1FC80] =	vst v63  }
0x94: {  	_ =	swait.ge [sflag:s1], $0x4000  }
0x95: {  	[sflag:s1] =	ssyncset.done $0x0  }
0x96: {  	s16 =	sor.u32 $0x200, s5;
	[sflag:s1] =	ssyncadd.s32 $0xFFFFC000  }
0x97: {  	[spmem:s0] =	stream.indirect.scatter.add.f32 [tilespmem:s21], [sflag:$0x4], $0x80, s16, s25, $0xb8;
	[tilespmem:$0x1FC80] =	vst v63  }
0x98: {  	v7 =	vld [tilespmem:s5+$0x200];
	_ =	sdelay $0x7  }
0x99: {  	[tilespmem:v7+s23+$0x0] =	vst.idx.add.f32.msk $0xffff, v5  }
0x9a: {  	v7 =	vld [tilespmem:s5+$0x210];
	_ =	sdelay $0x7  }
0x9b: {  	[tilespmem:v7+s23+$0x0] =	vst.idx.add.f32.msk $0xffff, v5  }
0x9c: {  	v7 =	vld [tilespmem:s5+$0x220];
	_ =	sdelay $0x7  }
0x9d: {  	[tilespmem:v7+s23+$0x0] =	vst.idx.add.f32.msk $0xffff, v5  }
0x9e: {  	v7 =	vld [tilespmem:s5+$0x230];
	_ =	sdelay $0x7  }
0x9f: {  	[tilespmem:v7+s23+$0x0] =	vst.idx.add.f32.msk $0xffff, v5  }
0xa0: {  	v7 =	vld [tilespmem:s5+$0x240];
	_ =	sdelay $0x7  }
0xa1: {  	[tilespmem:v7+s23+$0x0] =	vst.idx.add.f32.msk $0xffff, v5  }
0xa2: {  	v7 =	vld [tilespmem:s5+$0x250];
	_ =	sdelay $0x7  }
0xa3: {  	[tilespmem:v7+s23+$0x0] =	vst.idx.add.f32.msk $0xffff, v5  }
0xa4: {  	v7 =	vld [tilespmem:s5+$0x260];
	_ =	sdelay $0x7  }
0xa5: {  	[tilespmem:v7+s23+$0x0] =	vst.idx.add.f32.msk $0xffff, v5  }
0xa6: {  	v7 =	vld [tilespmem:s5+$0x270];
	_ =	sdelay $0x7  }
0xa7: {  	s15 =	simm.s32 @!p5 $0x3;
	[tilespmem:v7+s23+$0x0] =	vst.idx.add.f32.msk $0xffff, v5  }
0xa8: {  	_ =	swait.ge @!p5 [sflag:s15], $0x100  }
0xa9: {  	[sflag:s15] =	ssyncset.done @!p5 $0x0  }
0xaa: {  	[sflag:s15] =	ssyncadd.s32 @!p5 $0xFFFFFF00  }
0xab: {  	_ =	swait.ge @!p5 [sflag:s15], $0x100  }
0xac: {  	[sflag:s15] =	ssyncset.done @!p5 $0x0  }
0xad: {  	[sflag:s15] =	ssyncadd.s32 @!p5 $0xFFFFFF00;
	s15 =	simm.s32 @!p5 $0x4  }
0xae: {  	_ =	swait.ge @!p5 [sflag:s15], $0x4000  }
0xaf: {  	[sflag:s15] =	ssyncset.done @!p5 $0x0  }
0xb0: {  	s16 =	simm.s32 @!p5 $0x400;
	[sflag:s15] =	ssyncadd.s32 @!p5 $0xFFFFC000;
	s15 =	simm.s32 @!p5 $0x80  }
0xb1: {  	[tilespmem:s16], [sflag:$0x1] =	stream.indirect.gather @!p5 [hbm4b:s9+s15], $0x80, s7, s15, $0xb8;
	[tilespmem:$0x1FC80] =	vst v63  }
0xb2: {  	_ =	swait.ge [sflag:s28], $0x4000  }
0xb3: {  	[sflag:s28] =	ssyncset.done $0x0  }
0xb4: {  	s31 =	sor.u32 $0x200, s6;
	[sflag:s28] =	ssyncadd.s32 $0xFFFFC000  }
0xb5: {  	[spmem:s0] =	stream.indirect.scatter.add.f32 [tilespmem:s26], [sflag:$0x5], $0x80, s31, s25, $0xb8;
	[tilespmem:$0x1FC80] =	vst v63  }
0xb6: {  	v7 =	vld [tilespmem:s6+$0x200];
	_ =	sdelay $0x7  }
0xb7: {  	[tilespmem:v7+s23+$0x0] =	vst.idx.add.f32.msk $0xffff, v5  }
0xb8: {  	v7 =	vld [tilespmem:s5+$0x290];
	_ =	sdelay $0x7  }
0xb9: {  	[tilespmem:v7+s23+$0x0] =	vst.idx.add.f32.msk $0xffff, v5  }
0xba: {  	v7 =	vld [tilespmem:s5+$0x2A0];
	_ =	sdelay $0x7  }
0xbb: {  	[tilespmem:v7+s23+$0x0] =	vst.idx.add.f32.msk $0xffff, v5  }
0xbc: {  	v7 =	vld [tilespmem:s5+$0x2B0];
	_ =	sdelay $0x7  }
0xbd: {  	[tilespmem:v7+s23+$0x0] =	vst.idx.add.f32.msk $0xffff, v5  }
0xbe: {  	v7 =	vld [tilespmem:s5+$0x2C0];
	_ =	sdelay $0x7  }
0xbf: {  	[tilespmem:v7+s23+$0x0] =	vst.idx.add.f32.msk $0xffff, v5  }
0xc0: {  	v7 =	vld [tilespmem:s5+$0x2D0];
	_ =	sdelay $0x7  }
0xc1: {  	[tilespmem:v7+s23+$0x0] =	vst.idx.add.f32.msk $0xffff, v5  }
0xc2: {  	v7 =	vld [tilespmem:s5+$0x2E0];
	_ =	sdelay $0x7  }
0xc3: {  	[tilespmem:v7+s23+$0x0] =	vst.idx.add.f32.msk $0xffff, v5  }
0xc4: {  	v7 =	vld [tilespmem:s5+$0x2F0];
	_ =	sdelay $0x1  }
0xc5: {  	s3 =	sadd.s32 $0x1, s3  }
0xc6: {  	p5 =	sne.s32 s3, $0x4F  }
.Ltmp1:
0xc7: {  	_ = 	snop;
	(pc) =	sbr.rel @p5 .LBB2_3-.Ltmp1, $2  }
0xc8: {  	_ =	sdelay $0x2  }
0xc9: {  	s4 =	sadd.s32 $0x100, s4;
	[tilespmem:v7+s23+$0x0] =	vst.idx.add.f32.msk $0xffff, v5  }
0xca: {  	_ =	swait.ge [sflag:s30], $0x4000  }
0xcb: {  	[sflag:s30] =	ssyncset.done $0x0  }
0xcc: {  	[sflag:s30] =	ssyncadd.s32 $0xFFFFC000  }
0xcd: {  	_ =	swait.ge [sflag:s19], $0x4000  }
0xce: {  	[sflag:s19] =	ssyncset.done $0x0  }
0xcf: {  	[sflag:s19] =	ssyncadd.s32 $0xFFFFC000  }
0xd0: {  	s16 =	rddreg [dreg:$0x3]  }
.LBB2_5:
.Ltmp2:
0xd1: {  	(pc) =	sbr.rel @!p0 .LBB2_9-.Ltmp2, $1  }
0xd2: {  	_ =	sdelay $0x3  }
0xd3: {  	s3 =	simm.s32 $0x0;
	s4 =	rddreg [dreg:$0x1b]  }
0xd4: {  	[tilespmem:s3], [sflag:$0x6] =	stream.linear.gather [hbm4b:s4+s3], $0x100, $0x38;
	[tilespmem:$0x1FC80] =	vst v63  }
0xd5: {  	_ =	swait.ge [sflag:s22], $0x100  }
0xd6: {  	[sflag:s22] =	ssyncset.done $0x0  }
0xd7: {  	s5 =	simm.s32 $0x200;
	s31 =	rddreg [dreg:$0x1c];
	[sflag:s22] =	ssyncadd.s32 $0xFFFFFF00  }
0xd8: {  	[tilespmem:s5], [sflag:$0x6] =	stream.linear.gather [hbm4b:s31+s3], $0x100, $0x38;
	[tilespmem:$0x1FC80] =	vst v63  }
0xd9: {  	_ =	swait.ge [sflag:s22], $0x100  }
0xda: {  	[sflag:s22] =	ssyncset.done $0x0  }
0xdb: {  	s4 =	simm.s32 $0x100;
	[sflag:s22] =	ssyncadd.s32 $0xFFFFFF00  }
0xdc: {  	[tilespmem:s21], [sflag:$0x1] =	stream.indirect.gather [hbm4b:s10+s25], $0x80, s3, s25, $0xb8;
	[tilespmem:$0x1FC80] =	vst v63  }
.LBB2_7:
0xdd: {  	p5 =	seq.s32 s3, $0x0  }
0xde: {  	s6 =	simm.s32 @!p5 $0x5  }
0xdf: {  	s7 =	sand.u32 $0x1, s3;
	_ =	swait.ge @!p5 [sflag:s6], $0x4000  }
0xe0: {  	s5 =	sshll.u32 s7, $0x8;
	[sflag:s6] =	ssyncset.done @!p5 $0x0  }
0xe1: {  	[sflag:s6] =	ssyncadd.s32 @!p5 $0xFFFFC000;
	s6 =	sor.u32 $0x80, s5;
	p5 =	seq.s32 s3, $0x4E  }
0xe2: {  	[tilespmem:s26], [sflag:$0x2] =	stream.indirect.gather [hbm4b:s10+s25], $0x80, s6, s25, $0xb8;
	[tilespmem:$0x1FC80] =	vst v63  }
0xe3: {  	s15 =	sand.u32 @!p5 $0xFC00, s4  }
0xe4: {  	s16 =	sand.u32 @!p5 $0x300, s4;
	s15 =	sadd.s32 @!p5 s2, s15  }
0xe5: {  	s15 =	sor.u32 @!p5 s16, s15  }
0xe6: {  	s7 =	sxor.u32 $0x1, s7;
	s15 =	sshrl.u32 @!p5 s15, $0x3  }
0xe7: {  	s7 =	sshll.u32 @!p5 s7, $0x8;
	s31 =	simm.s32 @!p5 $0x0;
	s16 =	sadd.s32 @!p5 s13, s15  }
0xe8: {  	[tilespmem:s7], [sflag:$0x3] =	stream.linear.gather @!p5 [hbm4b:s16+s31], $0x100, $0x38;
	[tilespmem:$0x1FC80] =	vst v63  }
0xe9: {  	s15 =	sadd.s32 @!p5 s14, s15;
	s16 =	sor.u32 @!p5 $0x200, s7  }
0xea: {  	[tilespmem:s16], [sflag:$0x3] =	stream.linear.gather @!p5 [hbm4b:s15+s31], $0x100, $0x38;
	[tilespmem:$0x1FC80] =	vst v63  }
0xeb: {  	_ =	swait.ge [sflag:s1], $0x4000  }
0xec: {  	[sflag:s1] =	ssyncset.done $0x0  }
0xed: {  	s16 =	sor.u32 $0x200, s5;
	[sflag:s1] =	ssyncadd.s32 $0xFFFFC000  }
0xee: {  	[spmem:s0] =	stream.indirect.scatter.add.f32 [tilespmem:s21], [sflag:$0x4], $0x80, s16, s25, $0xb8;
	[tilespmem:$0x1FC80] =	vst v63  }
0xef: {  	v7 =	vld [tilespmem:s5+$0x200];
	_ =	sdelay $0x7  }
0xf0: {  	[tilespmem:v7+s23+$0x0] =	vst.idx.add.f32.msk $0xffff, v5  }
0xf1: {  	v7 =	vld [tilespmem:s5+$0x210];
	_ =	sdelay $0x7  }
0xf2: {  	[tilespmem:v7+s23+$0x0] =	vst.idx.add.f32.msk $0xffff, v5  }
0xf3: {  	v7 =	vld [tilespmem:s5+$0x220];
	_ =	sdelay $0x7  }
0xf4: {  	[tilespmem:v7+s23+$0x0] =	vst.idx.add.f32.msk $0xffff, v5  }
0xf5: {  	v7 =	vld [tilespmem:s5+$0x230];
	_ =	sdelay $0x7  }
0xf6: {  	[tilespmem:v7+s23+$0x0] =	vst.idx.add.f32.msk $0xffff, v5  }
0xf7: {  	v7 =	vld [tilespmem:s5+$0x240];
	_ =	sdelay $0x7  }
0xf8: {  	[tilespmem:v7+s23+$0x0] =	vst.idx.add.f32.msk $0xffff, v5  }
0xf9: {  	v7 =	vld [tilespmem:s5+$0x250];
	_ =	sdelay $0x7  }
0xfa: {  	[tilespmem:v7+s23+$0x0] =	vst.idx.add.f32.msk $0xffff, v5  }
0xfb: {  	v7 =	vld [tilespmem:s5+$0x260];
	_ =	sdelay $0x7  }
0xfc: {  	[tilespmem:v7+s23+$0x0] =	vst.idx.add.f32.msk $0xffff, v5  }
0xfd: {  	v7 =	vld [tilespmem:s5+$0x270];
	_ =	sdelay $0x7  }
0xfe: {  	s15 =	simm.s32 @!p5 $0x3;
	[tilespmem:v7+s23+$0x0] =	vst.idx.add.f32.msk $0xffff, v5  }
0xff: {  	_ =	swait.ge @!p5 [sflag:s15], $0x100  }
0x100: {  	[sflag:s15] =	ssyncset.done @!p5 $0x0  }
0x101: {  	[sflag:s15] =	ssyncadd.s32 @!p5 $0xFFFFFF00  }
0x102: {  	_ =	swait.ge @!p5 [sflag:s15], $0x100  }
0x103: {  	[sflag:s15] =	ssyncset.done @!p5 $0x0  }
0x104: {  	[sflag:s15] =	ssyncadd.s32 @!p5 $0xFFFFFF00;
	s15 =	simm.s32 @!p5 $0x4  }
0x105: {  	_ =	swait.ge @!p5 [sflag:s15], $0x4000  }
0x106: {  	[sflag:s15] =	ssyncset.done @!p5 $0x0  }
0x107: {  	s16 =	simm.s32 @!p5 $0x400;
	[sflag:s15] =	ssyncadd.s32 @!p5 $0xFFFFC000;
	s15 =	simm.s32 @!p5 $0x80  }
0x108: {  	[tilespmem:s16], [sflag:$0x1] =	stream.indirect.gather @!p5 [hbm4b:s10+s15], $0x80, s7, s15, $0xb8;
	[tilespmem:$0x1FC80] =	vst v63  }
0x109: {  	_ =	swait.ge [sflag:s28], $0x4000  }
0x10a: {  	[sflag:s28] =	ssyncset.done $0x0  }
0x10b: {  	s31 =	sor.u32 $0x200, s6;
	[sflag:s28] =	ssyncadd.s32 $0xFFFFC000  }
0x10c: {  	[spmem:s0] =	stream.indirect.scatter.add.f32 [tilespmem:s26], [sflag:$0x5], $0x80, s31, s25, $0xb8;
	[tilespmem:$0x1FC80] =	vst v63  }
0x10d: {  	v7 =	vld [tilespmem:s6+$0x200];
	_ =	sdelay $0x7  }
0x10e: {  	[tilespmem:v7+s23+$0x0] =	vst.idx.add.f32.msk $0xffff, v5  }
0x10f: {  	v7 =	vld [tilespmem:s5+$0x290];
	_ =	sdelay $0x7  }
0x110: {  	[tilespmem:v7+s23+$0x0] =	vst.idx.add.f32.msk $0xffff, v5  }
0x111: {  	v7 =	vld [tilespmem:s5+$0x2A0];
	_ =	sdelay $0x7  }
0x112: {  	[tilespmem:v7+s23+$0x0] =	vst.idx.add.f32.msk $0xffff, v5  }
0x113: {  	v7 =	vld [tilespmem:s5+$0x2B0];
	_ =	sdelay $0x7  }
0x114: {  	[tilespmem:v7+s23+$0x0] =	vst.idx.add.f32.msk $0xffff, v5  }
0x115: {  	v7 =	vld [tilespmem:s5+$0x2C0];
	_ =	sdelay $0x7  }
0x116: {  	[tilespmem:v7+s23+$0x0] =	vst.idx.add.f32.msk $0xffff, v5  }
0x117: {  	v7 =	vld [tilespmem:s5+$0x2D0];
	_ =	sdelay $0x7  }
0x118: {  	[tilespmem:v7+s23+$0x0] =	vst.idx.add.f32.msk $0xffff, v5  }
0x119: {  	v7 =	vld [tilespmem:s5+$0x2E0];
	_ =	sdelay $0x7  }
0x11a: {  	[tilespmem:v7+s23+$0x0] =	vst.idx.add.f32.msk $0xffff, v5  }
0x11b: {  	v7 =	vld [tilespmem:s5+$0x2F0];
	_ =	sdelay $0x1  }
0x11c: {  	s3 =	sadd.s32 $0x1, s3  }
0x11d: {  	p5 =	sne.s32 s3, $0x4F  }
.Ltmp3:
0x11e: {  	_ = 	snop;
	(pc) =	sbr.rel @p5 .LBB2_7-.Ltmp3, $2  }
0x11f: {  	_ =	sdelay $0x2  }
0x120: {  	s4 =	sadd.s32 $0x100, s4;
	[tilespmem:v7+s23+$0x0] =	vst.idx.add.f32.msk $0xffff, v5  }
0x121: {  	_ =	swait.ge [sflag:s30], $0x4000  }
0x122: {  	[sflag:s30] =	ssyncset.done $0x0  }
0x123: {  	[sflag:s30] =	ssyncadd.s32 $0xFFFFC000  }
0x124: {  	_ =	swait.ge [sflag:s19], $0x4000  }
0x125: {  	[sflag:s19] =	ssyncset.done $0x0  }
0x126: {  	[sflag:s19] =	ssyncadd.s32 $0xFFFFC000  }
0x127: {  	s16 =	rddreg [dreg:$0x3]  }
.LBB2_9:
0x128: {  	s3 =	rddreg [dreg:$0x2];
	s4 =	simm.s32 $0x40;
	s5 =	simm.s32 $0xB400  }
0x129: {  	[spmem:s3] =	stream.indirect.scatter.add.f32 [tilespmem:s23], [sflag:$0x6], $0x80, s5, s4, $0xb8;
	[tilespmem:$0x1FC80] =	vst v63  }
0x12a: {  	_ =	swait.ge [sflag:s22], $0x2000  }
0x12b: {  	s7 =	simm.s32 $0xB480;
	[sflag:s22] =	ssyncset.done $0x0  }
0x12c: {  	s6 =	simm.s32 $0xA400;
	s5 =	simm.s32 $0x10;
	[sflag:s22] =	ssyncadd.s32 $0xFFFFE000  }
0x12d: {  	[spmem:s3] =	stream.indirect.scatter.add.f32 [tilespmem:s6], [sflag:$0x6], $0x80, s7, s5, $0xb8;
	[tilespmem:$0x1FC80] =	vst v63  }
0x12e: {  	_ =	swait.ge [sflag:s22], $0x800  }
0x12f: {  	[sflag:s22] =	ssyncset.done $0x0  }
0x130: {  	[sflag:s22] =	ssyncadd.s32 $0xFFFFF800  }
0x131: {  	[bflag:$0x0] =	sbarrier.arrive $0xFFFF  }
.Ltmp4:
0x132: {  	s15 =	rddreg [dreg:$0x18];
	(pc) =	sbr.rel @p1 .LBB2_15-.Ltmp4, $4  }
0x133: {  	[tilespmem:s24], [sflag:$0x6] =	stream.linear.gather [spmem:s15], $0x280, $0x38;
	[tilespmem:$0x1FC80] =	vst v63  }
0x134: {  	_ =	swait.ge [sflag:s22], $0x280  }
0x135: {  	[sflag:s22] =	ssyncset.done $0x0  }
0x136: {  	s31 =	simm.s32 $0x0;
	s15 =	simm.s32 $0x0;
	[sflag:s22] =	ssyncadd.s32 $0xFFFFFD80  }
.LBB2_10:
0x137: {  	s3 =	sshll.u32 s31, $0x7  }
0x138: {  	s4 =	sadd.s32 s29, s3  }
0x139: {  	s5 =	sshll.u32 s4, $0x7  }
0x13a: {  	s6 =	sadd.s32 $0x0, s15;
	s5 =	sand.u32 $0x3FFFFF80, s5  }
0x13b: {  	v7 =	vmov s6;
	s5 =	sadd.s32 s5, s0  }
0x13c: {  	[tilespmem:s21], [sflag:$0x6] =	stream.linear.gather [spmem:s5], $0x4000, $0x38;
	[tilespmem:$0x1FC80] =	vst v63  }
0x13d: {  	_ =	swait.ge [sflag:s22], $0x4000  }
0x13e: {  	[sflag:s22] =	ssyncset.done $0x0  }
0x13f: {  	[sflag:s22] =	ssyncadd.s32 $0xFFFFC000  }
0x140: {  	v7 =	vld.idx.msk [tilespmem:v7+s24+$0x0], $0xffff;
	_ =	sdelay $0x4  }
0x141: {  	v7 =	vmax.f32 v7, $1.000000000e+00  }
0x142: {  	(erf) = vrcp.f32 v7  }
0x143: {  	s5 =	simm.s32 $0x440  }
0x144: {  	v10 =	vld [tilespmem:s5+$0x30]  }
0x145: {  	v8 =	vld [tilespmem:s5+$0x10]  }
0x146: {  	v9 =	vld [tilespmem:s5+$0xFFFFFFC0]  }
0x147: {  	v11 =	vld [tilespmem:s5+$0xFFFFFFD0]  }
0x148: {  	v12 =	vld [tilespmem:s5+$0xFFFFFFE0]  }
0x149: {  	v7 =	vld [tilespmem:s5+$0xFFFFFFF0]  }
0x14a: {  	v13 =	vld [tilespmem:s5+$0x0]  }
0x14b: {  	v14 =	vld [tilespmem:s5+$0x20];
	v15 =	vpop (erf)  }
0x14c: {  	v9 =	vmul.f32 v15, v9  }
0x14d: {  	v11 =	vmul.f32 v11, v15  }
0x14e: {  	v12 =	vmul.f32 v12, v15;
	v7 =	vmul.f32 v7, v15;
	[tilespmem:s5+$0xFFFFFFC0] =	vst v9  }
0x14f: {  	v8 =	vmul.f32 v8, v15;
	v10 =	vmul.f32 v10, v15;
	[tilespmem:s5+$0xFFFFFFD0] =	vst v11  }
0x150: {  	s7 =	sadd.s32 $0x1, s15;
	s6 =	simm.s32 $0x2;
	v9 =	vmul.f32 v13, v15;
	v11 =	vmul.f32 v14, v15;
	[tilespmem:s5+$0xFFFFFFE0] =	vst v12  }
.LBB2_11:
0x151: {  	p5 =	sne.s32 s6, $0x7F;
	v12 =	vmov s7;
	[tilespmem:s5+$0xFFFFFFF0] =	vst v7  }
0x152: {  	[tilespmem:s5+$0x0] =	vst v9  }
0x153: {  	[tilespmem:s5+$0x10] =	vst v8  }
0x154: {  	[tilespmem:s5+$0x20] =	vst v11  }
0x155: {  	[tilespmem:s5+$0x30] =	vst v10  }
0x156: {  	v7 =	vld.idx.msk [tilespmem:v12+s24+$0x0], $0xffff;
	_ =	sdelay $0x5  }
0x157: {  	v7 =	vmax.f32 v7, $1.000000000e+00  }
0x158: {  	s5 =	sadd.s32 $0x80, s5;
	(erf) = vrcp.f32 v7  }
0x159: {  	v7 =	vld [tilespmem:s5+$0xFFFFFFF0]  }
0x15a: {  	v10 =	vld [tilespmem:s5+$0x30]  }
0x15b: {  	v8 =	vld [tilespmem:s5+$0x10]  }
0x15c: {  	v9 =	vld [tilespmem:s5+$0xFFFFFFD0]  }
0x15d: {  	v11 =	vld [tilespmem:s5+$0xFFFFFFC0]  }
0x15e: {  	v12 =	vld [tilespmem:s5+$0xFFFFFFE0]  }
0x15f: {  	v13 =	vld [tilespmem:s5+$0x0]  }
0x160: {  	v14 =	vld [tilespmem:s5+$0x20]  }
0x161: {  	v15 =	vpop (erf)  }
.Ltmp5:
0x162: {  	v11 =	vmul.f32 v15, v11;
	v16 =	vmul.f32 v9, v15;
	(pc) =	sbr.rel @p5 .LBB2_11-.Ltmp5, $4  }
0x163: {  	v7 =	vmul.f32 v7, v15;
	v12 =	vmul.f32 v12, v15  }
0x164: {  	v8 =	vmul.f32 v8, v15;
	[tilespmem:s5+$0xFFFFFFC0] =	vst v11;
	v9 =	vmul.f32 v13, v15  }
0x165: {  	v10 =	vmul.f32 v10, v15;
	[tilespmem:s5+$0xFFFFFFD0] =	vst v16;
	v11 =	vmul.f32 v14, v15  }
0x166: {  	s7 =	sadd.s32 s6, s15;
	s6 =	sadd.s32 $0x1, s6;
	[tilespmem:s5+$0xFFFFFFE0] =	vst v12  }
0x167: {  	v12 =	vmov s7;
	[tilespmem:s5+$0xFFFFFFF0] =	vst v7  }
0x168: {  	[tilespmem:s5+$0x0] =	vst v9  }
0x169: {  	[tilespmem:s5+$0x10] =	vst v8  }
0x16a: {  	[tilespmem:s5+$0x20] =	vst v11  }
0x16b: {  	[tilespmem:s5+$0x30] =	vst v10  }
0x16c: {  	v7 =	vld.idx.msk [tilespmem:v12+s24+$0x0], $0xffff;
	_ =	sdelay $0x4  }
0x16d: {  	v7 =	vmax.f32 v7, $1.000000000e+00  }
0x16e: {  	(erf) = vrcp.f32 v7;
	_ =	sdelay $0x3  }
0x16f: {  	s7 =	sadd.s32 $0x80, s5  }
0x170: {  	v7 =	vld [tilespmem:s7+$0xFFFFFFC0]  }
0x171: {  	v8 =	vld [tilespmem:s7+$0xFFFFFFD0]  }
0x172: {  	v9 =	vld [tilespmem:s7+$0xFFFFFFE0]  }
0x173: {  	v60 =	vld [tilespmem:s7+$0xFFFFFFF0]  }
0x174: {  	v13 =	vld [tilespmem:s7+$0x10];
	v61 =	vpop (erf)  }
0x175: {  	v11 =	vld [tilespmem:s7+$0x0];
	v7 =	vmul.f32 v61, v7  }
0x176: {  	v14 =	vld [tilespmem:s7+$0x20];
	v8 =	vmul.f32 v8, v61  }
0x177: {  	v15 =	vld [tilespmem:s7+$0x30];
	v9 =	vmul.f32 v9, v61;
	[tilespmem:s7+$0xFFFFFFC0] =	vst v7  }
0x178: {  	v7 =	vmul.f32 v60, v61;
	[tilespmem:s7+$0xFFFFFFD0] =	vst v8  }
0x179: {  	s6 =	sadd.s32 $0x0, s15;
	v62 =	vmul.f32 v13, v61;
	[tilespmem:s7+$0xFFFFFFE0] =	vst v9  }
0x17a: {  	v8 =	vmul.f32 v11, v61;
	[tilespmem:s7+$0xFFFFFFF0] =	vst v7;
	v7 =	vmov s6  }
0x17b: {  	v63 =	vmul.f32 v14, v61;
	[tilespmem:s7+$0x10] =	vst v62  }
0x17c: {  	[tilespmem:s7+$0x0] =	vst v8;
	v8 =	vmul.f32 v15, v61  }
0x17d: {  	[tilespmem:s7+$0x20] =	vst v63  }
0x17e: {  	[tilespmem:s7+$0x30] =	vst v8  }
0x17f: {  	v7 =	vld.idx.msk [tilespmem:v7+s24+$0x0], $0xffff;
	_ =	sdelay $0x4  }
0x180: {  	vm0 =	vgt.f32 v7, $0.0e+00  }
0x181: {  	s5 =	simm.s32 $0x4440;
	v7 =	vsel vm0, $0x3F800000, v6  }
0x182: {  	[tilespmem:s5+$0xFFFFFFC0] =	vst v7  }
0x183: {  	[tilespmem:s5+$0xFFFFFFD0] =	vst v7  }
0x184: {  	s6 =	simm.s32 $0x2;
	s7 =	sadd.s32 $0x1, s15;
	[tilespmem:s5+$0xFFFFFFE0] =	vst v7  }
.LBB2_13:
0x185: {  	p5 =	sne.s32 s6, $0x7F;
	v8 =	vmov s7;
	[tilespmem:s5+$0xFFFFFFF0] =	vst v7  }
0x186: {  	[tilespmem:s5+$0x0] =	vst v7  }
0x187: {  	[tilespmem:s5+$0x10] =	vst v7  }
0x188: {  	[tilespmem:s5+$0x20] =	vst v7  }
0x189: {  	[tilespmem:s5+$0x30] =	vst v7  }
0x18a: {  	v7 =	vld.idx.msk [tilespmem:v8+s24+$0x0], $0xffff;
	_ =	sdelay $0x5  }
.Ltmp6:
0x18b: {  	vm0 =	vgt.f32 v7, $0.0e+00;
	(pc) =	sbr.rel @p5 .LBB2_13-.Ltmp6, $4  }
0x18c: {  	s5 =	sadd.s32 $0x80, s5;
	v7 =	vsel vm0, $0x3F800000, v6  }
0x18d: {  	[tilespmem:s5+$0xFFFFFFC0] =	vst v7  }
0x18e: {  	[tilespmem:s5+$0xFFFFFFD0] =	vst v7  }
0x18f: {  	s7 =	sadd.s32 s6, s15;
	s6 =	sadd.s32 $0x1, s6;
	[tilespmem:s5+$0xFFFFFFE0] =	vst v7  }
0x190: {  	v8 =	vmov s7;
	[tilespmem:s5+$0xFFFFFFF0] =	vst v7  }
0x191: {  	[tilespmem:s5+$0x0] =	vst v7  }
0x192: {  	[tilespmem:s5+$0x10] =	vst v7  }
0x193: {  	[tilespmem:s5+$0x20] =	vst v7  }
0x194: {  	[tilespmem:s5+$0x30] =	vst v7  }
0x195: {  	v7 =	vld.idx.msk [tilespmem:v8+s24+$0x0], $0xffff;
	_ =	sdelay $0x4  }
0x196: {  	vm0 =	vgt.f32 v7, $0.0e+00  }
0x197: {  	s6 =	sadd.s32 $0x80, s5;
	v7 =	vsel vm0, $0x3F800000, v6  }
0x198: {  	[tilespmem:s6+$0xFFFFFFC0] =	vst v7  }
0x199: {  	[tilespmem:s6+$0xFFFFFFD0] =	vst v7  }
0x19a: {  	[tilespmem:s6+$0xFFFFFFE0] =	vst v7  }
0x19b: {  	[tilespmem:s6+$0xFFFFFFF0] =	vst v7  }
0x19c: {  	[tilespmem:s6+$0x0] =	vst v7  }
0x19d: {  	[tilespmem:s6+$0x10] =	vst v7  }
0x19e: {  	s4 =	sshll.u32 s4, $0x4;
	[tilespmem:s6+$0x20] =	vst v7  }
0x19f: {  	s7 =	sadd.s32 s17, s4;
	[tilespmem:s6+$0x30] =	vst v7  }
0x1a0: {  	[hbm4b:s7+s8] =	stream.linear.scatter [tilespmem:s21], [sflag:$0x6], $0x4000, $0x38;
	[tilespmem:$0x1FC80] =	vst v63  }
0x1a1: {  	_ =	swait.ge [sflag:s22], $0x4000  }
0x1a2: {  	[sflag:s22] =	ssyncset.done $0x0  }
0x1a3: {  	[sflag:s22] =	ssyncadd.s32 $0xFFFFC000  }
0x1a4: {  	s3 =	sadd.s32 $0xB000, s3;
	s6 =	rddreg [dreg:$0x4]  }
0x1a5: {  	[spmem:s6] =	stream.indirect.scatter.add.f32 [tilespmem:s21], [sflag:$0x6], $0x80, s3, s25, $0xb8;
	[tilespmem:$0x1FC80] =	vst v63  }
0x1a6: {  	_ =	swait.ge [sflag:s22], $0x4000  }
0x1a7: {  	[sflag:s22] =	ssyncset.done $0x0  }
0x1a8: {  	[sflag:s22] =	ssyncadd.s32 $0xFFFFC000  }
0x1a9: {  	s7 =	rddreg [dreg:$0x6]  }
0x1aa: {  	[spmem:s7] =	stream.indirect.scatter.add.f32 [tilespmem:s26], [sflag:$0x6], $0x80, s3, s25, $0xb8;
	[tilespmem:$0x1FC80] =	vst v63  }
0x1ab: {  	_ =	swait.ge [sflag:s22], $0x4000  }
0x1ac: {  	[sflag:s22] =	ssyncset.done $0x0  }
0x1ad: {  	s4 =	sadd.s32 s9, s4;
	[sflag:s22] =	ssyncadd.s32 $0xFFFFC000  }
0x1ae: {  	[tilespmem:s21], [sflag:$0x6] =	stream.linear.gather [hbm4b:s4+s8], $0x4000, $0x38;
	[tilespmem:$0x1FC80] =	vst v63  }
0x1af: {  	_ =	swait.ge [sflag:s22], $0x4000  }
0x1b0: {  	[sflag:s22] =	ssyncset.done $0x0  }
0x1b1: {  	[sflag:s22] =	ssyncadd.s32 $0xFFFFC000  }
0x1b2: {  	[spmem:s16] =	stream.indirect.scatter.add.f32 [tilespmem:s21], [sflag:$0x6], $0x80, s3, s25, $0xb8;
	[tilespmem:$0x1FC80] =	vst v63  }
0x1b3: {  	_ =	swait.ge [sflag:s22], $0x4000  }
0x1b4: {  	[sflag:s22] =	ssyncset.done $0x0  }
0x1b5: {  	s6 =	rddreg [dreg:$0xa];
	[sflag:s22] =	ssyncadd.s32 $0xFFFFC000  }
0x1b6: {  	[tilespmem:s21], [sflag:$0x6] =	stream.linear.gather [hbm4b:s6+s8], $0x4000, $0x38;
	[tilespmem:$0x1FC80] =	vst v63  }
0x1b7: {  	_ =	swait.ge [sflag:s22], $0x4000  }
0x1b8: {  	s31 =	sadd.s32 $0x1, s31;
	[sflag:s22] =	ssyncset.done $0x0  }
0x1b9: {  	p5 =	sne.s32 s31, $0x5;
	[sflag:s22] =	ssyncadd.s32 $0xFFFFC000  }
.Ltmp7:
0x1ba: {  	s7 =	rddreg [dreg:$0x7];
	(pc) =	sbr.rel @p5 .LBB2_10-.Ltmp7, $4  }
0x1bb: {  	[spmem:s7] =	stream.indirect.scatter.add.f32 [tilespmem:s21], [sflag:$0x6], $0x80, s3, s25, $0xb8;
	[tilespmem:$0x1FC80] =	vst v63  }
0x1bc: {  	_ =	swait.ge [sflag:s22], $0x4000  }
0x1bd: {  	[sflag:s22] =	ssyncset.done $0x0  }
0x1be: {  	s15 =	sadd.s32 $0x80, s15;
	[sflag:s22] =	ssyncadd.s32 $0xFFFFC000  }
.LBB2_15:
.Ltmp8:
0x1bf: {  	(pc) =	sbr.rel @!p0 .LBB2_21-.Ltmp8, $2  }
0x1c0: {  	_ =	sdelay $0x2  }
0x1c1: {  	s15 =	simm.s32 $0x0;
	s31 =	simm.s32 $0x0  }
.LBB2_16:
0x1c2: {  	s3 =	sshll.u32 s31, $0x7  }
0x1c3: {  	s4 =	sadd.s32 s29, s3  }
0x1c4: {  	s5 =	sshll.u32 s4, $0x7  }
0x1c5: {  	s6 =	sadd.s32 $0x0, s15;
	s5 =	sand.u32 $0x3FFFFF80, s5  }
0x1c6: {  	v7 =	vmov s6;
	s5 =	sadd.s32 s5, s0  }
0x1c7: {  	[tilespmem:s21], [sflag:$0x6] =	stream.linear.gather [spmem:s5], $0x4000, $0x38;
	[tilespmem:$0x1FC80] =	vst v63  }
0x1c8: {  	_ =	swait.ge [sflag:s22], $0x4000  }
0x1c9: {  	[sflag:s22] =	ssyncset.done $0x0  }
0x1ca: {  	[sflag:s22] =	ssyncadd.s32 $0xFFFFC000  }
0x1cb: {  	v7 =	vld.idx.msk [tilespmem:v7+s24+$0x0], $0xffff;
	_ =	sdelay $0x4  }
0x1cc: {  	v7 =	vmax.f32 v7, $1.000000000e+00  }
0x1cd: {  	(erf) = vrcp.f32 v7  }
0x1ce: {  	s5 =	simm.s32 $0x440  }
0x1cf: {  	v10 =	vld [tilespmem:s5+$0x30]  }
0x1d0: {  	v8 =	vld [tilespmem:s5+$0x10]  }
0x1d1: {  	v9 =	vld [tilespmem:s5+$0xFFFFFFC0]  }
0x1d2: {  	v11 =	vld [tilespmem:s5+$0xFFFFFFD0]  }
0x1d3: {  	v12 =	vld [tilespmem:s5+$0xFFFFFFE0]  }
0x1d4: {  	v7 =	vld [tilespmem:s5+$0xFFFFFFF0]  }
0x1d5: {  	v13 =	vld [tilespmem:s5+$0x0]  }
0x1d6: {  	v14 =	vld [tilespmem:s5+$0x20];
	v15 =	vpop (erf)  }
0x1d7: {  	v9 =	vmul.f32 v15, v9  }
0x1d8: {  	v11 =	vmul.f32 v11, v15  }
0x1d9: {  	v12 =	vmul.f32 v12, v15;
	v7 =	vmul.f32 v7, v15;
	[tilespmem:s5+$0xFFFFFFC0] =	vst v9  }
0x1da: {  	v8 =	vmul.f32 v8, v15;
	v10 =	vmul.f32 v10, v15;
	[tilespmem:s5+$0xFFFFFFD0] =	vst v11  }
0x1db: {  	s7 =	sadd.s32 $0x1, s15;
	s6 =	simm.s32 $0x2;
	v9 =	vmul.f32 v13, v15;
	v11 =	vmul.f32 v14, v15;
	[tilespmem:s5+$0xFFFFFFE0] =	vst v12  }
.LBB2_17:
0x1dc: {  	p5 =	sne.s32 s6, $0x7F;
	v12 =	vmov s7;
	[tilespmem:s5+$0xFFFFFFF0] =	vst v7  }
0x1dd: {  	[tilespmem:s5+$0x0] =	vst v9  }
0x1de: {  	[tilespmem:s5+$0x10] =	vst v8  }
0x1df: {  	[tilespmem:s5+$0x20] =	vst v11  }
0x1e0: {  	[tilespmem:s5+$0x30] =	vst v10  }
0x1e1: {  	v7 =	vld.idx.msk [tilespmem:v12+s24+$0x0], $0xffff;
	_ =	sdelay $0x5  }
0x1e2: {  	v7 =	vmax.f32 v7, $1.000000000e+00  }
0x1e3: {  	s5 =	sadd.s32 $0x80, s5;
	(erf) = vrcp.f32 v7  }
0x1e4: {  	v7 =	vld [tilespmem:s5+$0xFFFFFFF0]  }
0x1e5: {  	v10 =	vld [tilespmem:s5+$0x30]  }
0x1e6: {  	v8 =	vld [tilespmem:s5+$0x10]  }
0x1e7: {  	v9 =	vld [tilespmem:s5+$0xFFFFFFD0]  }
0x1e8: {  	v11 =	vld [tilespmem:s5+$0xFFFFFFC0]  }
0x1e9: {  	v12 =	vld [tilespmem:s5+$0xFFFFFFE0]  }
0x1ea: {  	v13 =	vld [tilespmem:s5+$0x0]  }
0x1eb: {  	v14 =	vld [tilespmem:s5+$0x20]  }
0x1ec: {  	v15 =	vpop (erf)  }
.Ltmp9:
0x1ed: {  	v11 =	vmul.f32 v15, v11;
	v16 =	vmul.f32 v9, v15;
	(pc) =	sbr.rel @p5 .LBB2_17-.Ltmp9, $4  }
0x1ee: {  	v7 =	vmul.f32 v7, v15;
	v12 =	vmul.f32 v12, v15  }
0x1ef: {  	v8 =	vmul.f32 v8, v15;
	[tilespmem:s5+$0xFFFFFFC0] =	vst v11;
	v9 =	vmul.f32 v13, v15  }
0x1f0: {  	v10 =	vmul.f32 v10, v15;
	[tilespmem:s5+$0xFFFFFFD0] =	vst v16;
	v11 =	vmul.f32 v14, v15  }
0x1f1: {  	s7 =	sadd.s32 s6, s15;
	s6 =	sadd.s32 $0x1, s6;
	[tilespmem:s5+$0xFFFFFFE0] =	vst v12  }
0x1f2: {  	v12 =	vmov s7;
	[tilespmem:s5+$0xFFFFFFF0] =	vst v7  }
0x1f3: {  	[tilespmem:s5+$0x0] =	vst v9  }
0x1f4: {  	[tilespmem:s5+$0x10] =	vst v8  }
0x1f5: {  	[tilespmem:s5+$0x20] =	vst v11  }
0x1f6: {  	[tilespmem:s5+$0x30] =	vst v10  }
0x1f7: {  	v7 =	vld.idx.msk [tilespmem:v12+s24+$0x0], $0xffff;
	_ =	sdelay $0x4  }
0x1f8: {  	v7 =	vmax.f32 v7, $1.000000000e+00  }
0x1f9: {  	(erf) = vrcp.f32 v7;
	_ =	sdelay $0x3  }
0x1fa: {  	s7 =	sadd.s32 $0x80, s5  }
0x1fb: {  	v7 =	vld [tilespmem:s7+$0xFFFFFFC0]  }
0x1fc: {  	v8 =	vld [tilespmem:s7+$0xFFFFFFD0]  }
0x1fd: {  	v9 =	vld [tilespmem:s7+$0xFFFFFFE0]  }
0x1fe: {  	v60 =	vld [tilespmem:s7+$0xFFFFFFF0]  }
0x1ff: {  	v13 =	vld [tilespmem:s7+$0x10];
	v61 =	vpop (erf)  }
0x200: {  	v11 =	vld [tilespmem:s7+$0x0];
	v7 =	vmul.f32 v61, v7  }
0x201: {  	v14 =	vld [tilespmem:s7+$0x20];
	v8 =	vmul.f32 v8, v61  }
0x202: {  	v15 =	vld [tilespmem:s7+$0x30];
	v9 =	vmul.f32 v9, v61;
	[tilespmem:s7+$0xFFFFFFC0] =	vst v7  }
0x203: {  	v7 =	vmul.f32 v60, v61;
	[tilespmem:s7+$0xFFFFFFD0] =	vst v8  }
0x204: {  	s6 =	sadd.s32 $0x0, s15;
	v62 =	vmul.f32 v13, v61;
	[tilespmem:s7+$0xFFFFFFE0] =	vst v9  }
0x205: {  	v8 =	vmul.f32 v11, v61;
	[tilespmem:s7+$0xFFFFFFF0] =	vst v7;
	v7 =	vmov s6  }
0x206: {  	v63 =	vmul.f32 v14, v61;
	[tilespmem:s7+$0x10] =	vst v62  }
0x207: {  	[tilespmem:s7+$0x0] =	vst v8;
	v8 =	vmul.f32 v15, v61  }
0x208: {  	[tilespmem:s7+$0x20] =	vst v63  }
0x209: {  	[tilespmem:s7+$0x30] =	vst v8  }
0x20a: {  	v7 =	vld.idx.msk [tilespmem:v7+s24+$0x0], $0xffff;
	_ =	sdelay $0x4  }
0x20b: {  	vm0 =	vgt.f32 v7, $0.0e+00  }
0x20c: {  	s5 =	simm.s32 $0x4440;
	v7 =	vsel vm0, $0x3F800000, v6  }
0x20d: {  	[tilespmem:s5+$0xFFFFFFC0] =	vst v7  }
0x20e: {  	[tilespmem:s5+$0xFFFFFFD0] =	vst v7  }
0x20f: {  	s6 =	simm.s32 $0x2;
	s7 =	sadd.s32 $0x1, s15;
	[tilespmem:s5+$0xFFFFFFE0] =	vst v7  }
.LBB2_19:
0x210: {  	p5 =	sne.s32 s6, $0x7F;
	v8 =	vmov s7;
	[tilespmem:s5+$0xFFFFFFF0] =	vst v7  }
0x211: {  	[tilespmem:s5+$0x0] =	vst v7  }
0x212: {  	[tilespmem:s5+$0x10] =	vst v7  }
0x213: {  	[tilespmem:s5+$0x20] =	vst v7  }
0x214: {  	[tilespmem:s5+$0x30] =	vst v7  }
0x215: {  	v7 =	vld.idx.msk [tilespmem:v8+s24+$0x0], $0xffff;
	_ =	sdelay $0x5  }
.Ltmp10:
0x216: {  	vm0 =	vgt.f32 v7, $0.0e+00;
	(pc) =	sbr.rel @p5 .LBB2_19-.Ltmp10, $4  }
0x217: {  	s5 =	sadd.s32 $0x80, s5;
	v7 =	vsel vm0, $0x3F800000, v6  }
0x218: {  	[tilespmem:s5+$0xFFFFFFC0] =	vst v7  }
0x219: {  	[tilespmem:s5+$0xFFFFFFD0] =	vst v7  }
0x21a: {  	s7 =	sadd.s32 s6, s15;
	s6 =	sadd.s32 $0x1, s6;
	[tilespmem:s5+$0xFFFFFFE0] =	vst v7  }
0x21b: {  	v8 =	vmov s7;
	[tilespmem:s5+$0xFFFFFFF0] =	vst v7  }
0x21c: {  	[tilespmem:s5+$0x0] =	vst v7  }
0x21d: {  	[tilespmem:s5+$0x10] =	vst v7  }
0x21e: {  	[tilespmem:s5+$0x20] =	vst v7  }
0x21f: {  	[tilespmem:s5+$0x30] =	vst v7  }
0x220: {  	v7 =	vld.idx.msk [tilespmem:v8+s24+$0x0], $0xffff;
	_ =	sdelay $0x4  }
0x221: {  	vm0 =	vgt.f32 v7, $0.0e+00  }
0x222: {  	s6 =	sadd.s32 $0x80, s5;
	v7 =	vsel vm0, $0x3F800000, v6  }
0x223: {  	[tilespmem:s6+$0xFFFFFFC0] =	vst v7  }
0x224: {  	[tilespmem:s6+$0xFFFFFFD0] =	vst v7  }
0x225: {  	[tilespmem:s6+$0xFFFFFFE0] =	vst v7  }
0x226: {  	[tilespmem:s6+$0xFFFFFFF0] =	vst v7  }
0x227: {  	[tilespmem:s6+$0x0] =	vst v7  }
0x228: {  	[tilespmem:s6+$0x10] =	vst v7  }
0x229: {  	s4 =	sshll.u32 s4, $0x4;
	[tilespmem:s6+$0x20] =	vst v7  }
0x22a: {  	s7 =	sadd.s32 s18, s4;
	[tilespmem:s6+$0x30] =	vst v7  }
0x22b: {  	[hbm4b:s7+s8] =	stream.linear.scatter [tilespmem:s21], [sflag:$0x6], $0x4000, $0x38;
	[tilespmem:$0x1FC80] =	vst v63  }
0x22c: {  	_ =	swait.ge [sflag:s22], $0x4000  }
0x22d: {  	[sflag:s22] =	ssyncset.done $0x0  }
0x22e: {  	[sflag:s22] =	ssyncadd.s32 $0xFFFFC000  }
0x22f: {  	s3 =	sadd.s32 $0xB000, s3;
	s6 =	rddreg [dreg:$0x4]  }
0x230: {  	[spmem:s6] =	stream.indirect.scatter.add.f32 [tilespmem:s21], [sflag:$0x6], $0x80, s3, s25, $0xb8;
	[tilespmem:$0x1FC80] =	vst v63  }
0x231: {  	_ =	swait.ge [sflag:s22], $0x4000  }
0x232: {  	[sflag:s22] =	ssyncset.done $0x0  }
0x233: {  	[sflag:s22] =	ssyncadd.s32 $0xFFFFC000  }
0x234: {  	s7 =	rddreg [dreg:$0x6]  }
0x235: {  	[spmem:s7] =	stream.indirect.scatter.add.f32 [tilespmem:s26], [sflag:$0x6], $0x80, s3, s25, $0xb8;
	[tilespmem:$0x1FC80] =	vst v63  }
0x236: {  	_ =	swait.ge [sflag:s22], $0x4000  }
0x237: {  	[sflag:s22] =	ssyncset.done $0x0  }
0x238: {  	s4 =	sadd.s32 s10, s4;
	[sflag:s22] =	ssyncadd.s32 $0xFFFFC000  }
0x239: {  	[tilespmem:s21], [sflag:$0x6] =	stream.linear.gather [hbm4b:s4+s8], $0x4000, $0x38;
	[tilespmem:$0x1FC80] =	vst v63  }
0x23a: {  	_ =	swait.ge [sflag:s22], $0x4000  }
0x23b: {  	[sflag:s22] =	ssyncset.done $0x0  }
0x23c: {  	[sflag:s22] =	ssyncadd.s32 $0xFFFFC000  }
0x23d: {  	[spmem:s16] =	stream.indirect.scatter.add.f32 [tilespmem:s21], [sflag:$0x6], $0x80, s3, s25, $0xb8;
	[tilespmem:$0x1FC80] =	vst v63  }
0x23e: {  	_ =	swait.ge [sflag:s22], $0x4000  }
0x23f: {  	[sflag:s22] =	ssyncset.done $0x0  }
0x240: {  	s6 =	rddreg [dreg:$0xa];
	[sflag:s22] =	ssyncadd.s32 $0xFFFFC000  }
0x241: {  	[tilespmem:s21], [sflag:$0x6] =	stream.linear.gather [hbm4b:s6+s8], $0x4000, $0x38;
	[tilespmem:$0x1FC80] =	vst v63  }
0x242: {  	_ =	swait.ge [sflag:s22], $0x4000  }
0x243: {  	s31 =	sadd.s32 $0x1, s31;
	[sflag:s22] =	ssyncset.done $0x0  }
0x244: {  	p5 =	sne.s32 s31, $0x5;
	[sflag:s22] =	ssyncadd.s32 $0xFFFFC000  }
.Ltmp11:
0x245: {  	s7 =	rddreg [dreg:$0x7];
	(pc) =	sbr.rel @p5 .LBB2_16-.Ltmp11, $4  }
0x246: {  	[spmem:s7] =	stream.indirect.scatter.add.f32 [tilespmem:s21], [sflag:$0x6], $0x80, s3, s25, $0xb8;
	[tilespmem:$0x1FC80] =	vst v63  }
0x247: {  	_ =	swait.ge [sflag:s22], $0x4000  }
0x248: {  	[sflag:s22] =	ssyncset.done $0x0  }
0x249: {  	s15 =	sadd.s32 $0x80, s15;
	[sflag:s22] =	ssyncadd.s32 $0xFFFFC000  }
.LBB2_21:
0x24a: {  	s3 =	rddreg [dreg:$0x9]  }
0x24b: {  	[tilespmem:s21], [sflag:$0x6] =	stream.linear.gather [hbm4b:s3+s8], $0x4000, $0x38;
	[tilespmem:$0x1FC80] =	vst v63  }
0x24c: {  	_ =	swait.ge [sflag:s22], $0x4000  }
0x24d: {  	[sflag:s22] =	ssyncset.done $0x0  }
0x24e: {  	s5 =	rddreg [dreg:$0x15];
	[sflag:s22] =	ssyncadd.s32 $0xFFFFC000  }
0x24f: {  	[spmem:s5] =	stream.linear.scatter [tilespmem:s21], [sflag:$0x6], $0x4000, $0x38;
	[tilespmem:$0x1FC80] =	vst v63  }
0x250: {  	_ =	swait.ge [sflag:s22], $0x4000  }
0x251: {  	s6 =	sld [smem:$0x7FA]  }
0x252: {  	[sflag:s22] =	ssyncset.done $0x0  }
0x253: {  	[sflag:s22] =	ssyncadd.s32 $0xFFFFC000  }
0x254: {  	[spmem:s6] =	stream.linear.scatter [tilespmem:s21], [sflag:$0x6], $0x4000, $0x38;
	[tilespmem:$0x1FC80] =	vst v63  }
0x255: {  	_ =	swait.ge [sflag:s22], $0x4000  }
0x256: {  	s7 =	sld [smem:$0x7FB]  }
0x257: {  	[sflag:s22] =	ssyncset.done $0x0  }
0x258: {  	[sflag:s22] =	ssyncadd.s32 $0xFFFFC000  }
0x259: {  	[spmem:s7] =	stream.linear.scatter [tilespmem:s21], [sflag:$0x6], $0x4000, $0x38;
	[tilespmem:$0x1FC80] =	vst v63  }
0x25a: {  	_ =	swait.ge [sflag:s22], $0x4000  }
0x25b: {  	s15 =	sld [smem:$0x7FC]  }
0x25c: {  	[sflag:s22] =	ssyncset.done $0x0  }
0x25d: {  	[sflag:s22] =	ssyncadd.s32 $0xFFFFC000  }
0x25e: {  	[spmem:s15] =	stream.linear.scatter [tilespmem:s21], [sflag:$0x6], $0x4000, $0x38;
	[tilespmem:$0x1FC80] =	vst v63  }
0x25f: {  	_ =	swait.ge [sflag:s22], $0x4000  }
0x260: {  	s31 =	sld [smem:$0x7FD]  }
0x261: {  	[sflag:s22] =	ssyncset.done $0x0  }
0x262: {  	[sflag:s22] =	ssyncadd.s32 $0xFFFFC000  }
0x263: {  	[spmem:s31] =	stream.linear.scatter [tilespmem:s21], [sflag:$0x6], $0x4000, $0x38;
	[tilespmem:$0x1FC80] =	vst v63  }
.Ltmp12:
0x264: {  	_ =	swait.ge [sflag:s22], $0x4000;
	(pc) =	sbr.rel @p1 .LBB2_25-.Ltmp12, $3  }
0x265: {  	[sflag:s22] =	ssyncset.done $0x0  }
0x266: {  	[sflag:s22] =	ssyncadd.s32 $0xFFFFC000  }
0x267: {  	[bflag:$0x0] =	sbarrier.arrive $0xFFFF;
	_ =	sdelay $0x1  }
0x268: {  	s3 =	rddreg [dreg:$0x19]  }
0x269: {  	[tilespmem:s8], [sflag:$0x6] =	stream.linear.gather [hbm4b:s3+s8], $0x100, $0x38;
	[tilespmem:$0x1FC80] =	vst v63  }
0x26a: {  	_ =	swait.ge [sflag:s22], $0x100  }
0x26b: {  	[sflag:s22] =	ssyncset.done $0x0  }
0x26c: {  	s3 =	simm.s32 $0x200;
	s4 =	rddreg [dreg:$0x1a];
	[sflag:s22] =	ssyncadd.s32 $0xFFFFFF00  }
0x26d: {  	[tilespmem:s3], [sflag:$0x6] =	stream.linear.gather [hbm4b:s4+s8], $0x100, $0x38;
	[tilespmem:$0x1FC80] =	vst v63  }
0x26e: {  	_ =	swait.ge [sflag:s22], $0x100  }
0x26f: {  	[sflag:s22] =	ssyncset.done $0x0  }
0x270: {  	[sflag:s22] =	ssyncadd.s32 $0xFFFFFF00  }
0x271: {  	[tilespmem:s21], [sflag:$0x1] =	stream.indirect.gather [hbm4b:s17+s25], $0x80, s8, s25, $0xb8;
	[tilespmem:$0x1FC80] =	vst v63  }
0x272: {  	_ = 	snop  }
0x273: {  	[tilespmem:s26], [sflag:$0x2] =	stream.indirect.gather [hbm4b:s17+s25], $0x80, s25, s25, $0xb8;
	[tilespmem:$0x1FC80] =	vst v63  }
0x274: {  	s5 =	simm.s32 $0x100;
	s6 =	rddreg [dreg:$0x1e]  }
0x275: {  	[tilespmem:s5], [sflag:$0x3] =	stream.linear.gather [hbm4b:s6+s8], $0x100, $0x38;
	[tilespmem:$0x1FC80] =	vst v63  }
0x276: {  	s15 =	simm.s32 $0x1;
	s7 =	rddreg [dreg:$0x1f];
	s6 =	simm.s32 $0x300  }
0x277: {  	[tilespmem:s6], [sflag:$0x3] =	stream.linear.gather [hbm4b:s7+s8], $0x100, $0x38;
	[tilespmem:$0x1FC80] =	vst v63  }
0x278: {  	_ =	swait.ge [sflag:s15], $0x4000  }
0x279: {  	[sflag:s15] =	ssyncset.done $0x0  }
0x27a: {  	[sflag:s15] =	ssyncadd.s32 $0xFFFFC000  }
0x27b: {  	[spmem:s0] =	stream.indirect.scatter.add.f32 [tilespmem:s21], [sflag:$0x4], $0x80, s3, s25, $0xb8;
	[tilespmem:$0x1FC80] =	vst v63  }
0x27c: {  	_ =	swait.ge [sflag:s20], $0x100  }
0x27d: {  	[sflag:s20] =	ssyncset.done $0x0  }
0x27e: {  	[sflag:s20] =	ssyncadd.s32 $0xFFFFFF00  }
0x27f: {  	_ =	swait.ge [sflag:s20], $0x100  }
0x280: {  	[sflag:s20] =	ssyncset.done $0x0  }
0x281: {  	[sflag:s20] =	ssyncadd.s32 $0xFFFFFF00  }
0x282: {  	_ =	swait.ge [sflag:s30], $0x4000  }
0x283: {  	[sflag:s30] =	ssyncset.done $0x0  }
0x284: {  	[sflag:s30] =	ssyncadd.s32 $0xFFFFC000  }
0x285: {  	[tilespmem:s21], [sflag:$0x1] =	stream.indirect.gather [hbm4b:s17+s25], $0x80, s5, s25, $0xb8;
	[tilespmem:$0x1FC80] =	vst v63  }
0x286: {  	_ =	swait.ge [sflag:s28], $0x4000  }
0x287: {  	s16 =	simm.s32 $0x280;
	s4 =	sand.u32 $0x1, s15;
	[sflag:s28] =	ssyncset.done $0x0  }
0x288: {  	s31 =	sand.u32 $0xFC00, s3;
	s6 =	sshll.u32 s4, $0x8;
	[sflag:s28] =	ssyncadd.s32 $0xFFFFC000  }
0x289: {  	[spmem:s0] =	stream.indirect.scatter.add.f32 [tilespmem:s26], [sflag:$0x5], $0x80, s16, s25, $0xb8;
	[tilespmem:$0x1FC80] =	vst v63  }
0x28a: {  	s3 =	sand.u32 $0x300, s3;
	s5 =	sadd.s32 s2, s31;
	_ =	swait.ge [sflag:s19], $0x4000  }
0x28b: {  	s4 =	sxor.u32 $0x1, s4;
	s3 =	sor.u32 s3, s5;
	[sflag:s19] =	ssyncset.done $0x0  }
0x28c: {  	s7 =	sor.u32 $0x80, s6;
	s3 =	sshrl.u32 s3, $0x3;
	[sflag:s19] =	ssyncadd.s32 $0xFFFFC000  }
0x28d: {  	[tilespmem:s26], [sflag:$0x2] =	stream.indirect.gather [hbm4b:s17+s25], $0x80, s7, s25, $0xb8;
	[tilespmem:$0x1FC80] =	vst v63  }
0x28e: {  	s4 =	sshll.u32 s4, $0x8;
	s15 =	sadd.s32 s11, s3  }
0x28f: {  	[tilespmem:s4], [sflag:$0x3] =	stream.linear.gather [hbm4b:s15+s8], $0x100, $0x38;
	[tilespmem:$0x1FC80] =	vst v63  }
0x290: {  	s3 =	sadd.s32 s12, s3;
	s16 =	sor.u32 $0x200, s4  }
0x291: {  	[tilespmem:s16], [sflag:$0x3] =	stream.linear.gather [hbm4b:s3+s8], $0x100, $0x38;
	[tilespmem:$0x1FC80] =	vst v63  }
0x292: {  	_ =	swait.ge [sflag:s1], $0x4000  }
0x293: {  	[sflag:s1] =	ssyncset.done $0x0  }
0x294: {  	s31 =	sor.u32 $0x200, s6;
	[sflag:s1] =	ssyncadd.s32 $0xFFFFC000  }
0x295: {  	[spmem:s0] =	stream.indirect.scatter.add.f32 [tilespmem:s21], [sflag:$0x4], $0x80, s31, s25, $0xb8;
	[tilespmem:$0x1FC80] =	vst v63  }
0x296: {  	_ =	swait.ge [sflag:s20], $0x100  }
0x297: {  	[sflag:s20] =	ssyncset.done $0x0  }
0x298: {  	[sflag:s20] =	ssyncadd.s32 $0xFFFFFF00  }
0x299: {  	_ =	swait.ge [sflag:s20], $0x100  }
0x29a: {  	[sflag:s20] =	ssyncset.done $0x0  }
0x29b: {  	[sflag:s20] =	ssyncadd.s32 $0xFFFFFF00  }
0x29c: {  	s6 =	sor.u32 $0x280, s6;
	_ =	swait.ge [sflag:s30], $0x4000  }
0x29d: {  	s5 =	simm.s32 $0x2;
	s3 =	simm.s32 $0x300;
	[sflag:s30] =	ssyncset.done $0x0  }
.LBB2_23:
0x29e: {  	s7 =	sand.u32 $0x1, s5  }
0x29f: {  	s15 =	sand.u32 $0xFC00, s3;
	[sflag:s30] =	ssyncadd.s32 $0xFFFFC000;
	s16 =	smov.u32 s5  }
0x2a0: {  	[tilespmem:s21], [sflag:$0x1] =	stream.indirect.gather [hbm4b:s17+s25], $0x80, s4, s25, $0xb8;
	[tilespmem:$0x1FC80] =	vst v63  }
0x2a1: {  	s16 =	sshll.u32 s7, $0x8;
	s4 =	sadd.s32 s2, s15;
	_ =	swait.ge [sflag:s28], $0x4000  }
0x2a2: {  	s31 =	sand.u32 $0x300, s3;
	s15 =	sor.u32 $0x80, s16;
	[sflag:s28] =	ssyncset.done $0x0  }
0x2a3: {  	s7 =	sxor.u32 $0x1, s7;
	s4 =	sor.u32 s31, s4;
	[sflag:s28] =	ssyncadd.s32 $0xFFFFC000  }
0x2a4: {  	[spmem:s0] =	stream.indirect.scatter.add.f32 [tilespmem:s26], [sflag:$0x5], $0x80, s6, s25, $0xb8;
	[tilespmem:$0x1FC80] =	vst v63  }
0x2a5: {  	s31 =	sadd.s32 $0x1, s5;
	s6 =	sshrl.u32 s4, $0x3;
	_ =	swait.ge [sflag:s19], $0x4000  }
0x2a6: {  	p5 =	sne.s32 s5, $0x4D;
	[sflag:s19] =	ssyncset.done $0x0  }
0x2a7: {  	[sflag:s19] =	ssyncadd.s32 $0xFFFFC000  }
0x2a8: {  	[tilespmem:s26], [sflag:$0x2] =	stream.indirect.gather [hbm4b:s17+s25], $0x80, s15, s25, $0xb8;
	[tilespmem:$0x1FC80] =	vst v63  }
0x2a9: {  	s4 =	sshll.u32 s7, $0x8;
	s5 =	sadd.s32 s11, s6  }
0x2aa: {  	[tilespmem:s4], [sflag:$0x3] =	stream.linear.gather [hbm4b:s5+s8], $0x100, $0x38;
	[tilespmem:$0x1FC80] =	vst v63  }
0x2ab: {  	s6 =	sadd.s32 s12, s6;
	s5 =	sor.u32 $0x200, s4  }
0x2ac: {  	[tilespmem:s5], [sflag:$0x3] =	stream.linear.gather [hbm4b:s6+s8], $0x100, $0x38;
	[tilespmem:$0x1FC80] =	vst v63  }
0x2ad: {  	_ =	swait.ge [sflag:s1], $0x4000  }
0x2ae: {  	[sflag:s1] =	ssyncset.done $0x0  }
0x2af: {  	s5 =	sor.u32 $0x200, s16;
	[sflag:s1] =	ssyncadd.s32 $0xFFFFC000  }
0x2b0: {  	[spmem:s0] =	stream.indirect.scatter.add.f32 [tilespmem:s21], [sflag:$0x4], $0x80, s5, s25, $0xb8;
	[tilespmem:$0x1FC80] =	vst v63  }
0x2b1: {  	_ =	swait.ge [sflag:s20], $0x100  }
0x2b2: {  	[sflag:s20] =	ssyncset.done $0x0  }
0x2b3: {  	[sflag:s20] =	ssyncadd.s32 $0xFFFFFF00  }
.Ltmp13:
0x2b4: {  	_ =	swait.ge [sflag:s20], $0x100;
	(pc) =	sbr.rel @p5 .LBB2_23-.Ltmp13, $4  }
0x2b5: {  	[sflag:s20] =	ssyncset.done $0x0  }
0x2b6: {  	[sflag:s20] =	ssyncadd.s32 $0xFFFFFF00  }
0x2b7: {  	s3 =	sadd.s32 $0x100, s3;
	_ =	swait.ge [sflag:s30], $0x4000  }
0x2b8: {  	s6 =	sor.u32 $0x280, s16;
	s5 =	smov.u32 s31;
	[sflag:s30] =	ssyncset.done $0x0  }
0x2b9: {  	[sflag:s30] =	ssyncadd.s32 $0xFFFFC000  }
0x2ba: {  	[tilespmem:s21], [sflag:$0x1] =	stream.indirect.gather [hbm4b:s17+s25], $0x80, s4, s25, $0xb8;
	[tilespmem:$0x1FC80] =	vst v63  }
0x2bb: {  	_ =	swait.ge [sflag:s28], $0x4000  }
0x2bc: {  	[sflag:s28] =	ssyncset.done $0x0  }
0x2bd: {  	[sflag:s28] =	ssyncadd.s32 $0xFFFFC000  }
0x2be: {  	[spmem:s0] =	stream.indirect.scatter.add.f32 [tilespmem:s26], [sflag:$0x5], $0x80, s6, s25, $0xb8;
	[tilespmem:$0x1FC80] =	vst v63  }
0x2bf: {  	_ =	swait.ge [sflag:s19], $0x4000  }
0x2c0: {  	[sflag:s19] =	ssyncset.done $0x0  }
0x2c1: {  	[sflag:s19] =	ssyncadd.s32 $0xFFFFC000  }
0x2c2: {  	[tilespmem:s26], [sflag:$0x2] =	stream.indirect.gather [hbm4b:s17+s25], $0x80, s25, s25, $0xb8;
	[tilespmem:$0x1FC80] =	vst v63  }
0x2c3: {  	_ =	swait.ge [sflag:s1], $0x4000  }
0x2c4: {  	[sflag:s1] =	ssyncset.done $0x0  }
0x2c5: {  	s3 =	simm.s32 $0x200;
	[sflag:s1] =	ssyncadd.s32 $0xFFFFC000  }
0x2c6: {  	[spmem:s0] =	stream.indirect.scatter.add.f32 [tilespmem:s21], [sflag:$0x4], $0x80, s3, s25, $0xb8;
	[tilespmem:$0x1FC80] =	vst v63  }
0x2c7: {  	_ =	swait.ge [sflag:s28], $0x4000  }
0x2c8: {  	[sflag:s28] =	ssyncset.done $0x0  }
0x2c9: {  	s31 =	simm.s32 $0x280;
	[sflag:s28] =	ssyncadd.s32 $0xFFFFC000  }
0x2ca: {  	[spmem:s0] =	stream.indirect.scatter.add.f32 [tilespmem:s26], [sflag:$0x5], $0x80, s31, s25, $0xb8;
	[tilespmem:$0x1FC80] =	vst v63  }
0x2cb: {  	_ =	swait.ge [sflag:s30], $0x4000  }
0x2cc: {  	[sflag:s30] =	ssyncset.done $0x0  }
0x2cd: {  	[sflag:s30] =	ssyncadd.s32 $0xFFFFC000  }
0x2ce: {  	_ =	swait.ge [sflag:s19], $0x4000  }
0x2cf: {  	[sflag:s19] =	ssyncset.done $0x0  }
0x2d0: {  	[sflag:s19] =	ssyncadd.s32 $0xFFFFC000  }
0x2d1: {  	s16 =	rddreg [dreg:$0x3]  }
.LBB2_25:
.Ltmp14:
0x2d2: {  	(pc) =	sbr.rel @!p0 .LBB2_29-.Ltmp14, $1  }
0x2d3: {  	_ =	sdelay $0x3  }
0x2d4: {  	s3 =	rddreg [dreg:$0x1b]  }
0x2d5: {  	[tilespmem:s8], [sflag:$0x6] =	stream.linear.gather [hbm4b:s3+s8], $0x100, $0x38;
	[tilespmem:$0x1FC80] =	vst v63  }
0x2d6: {  	_ =	swait.ge [sflag:s22], $0x100  }
0x2d7: {  	[sflag:s22] =	ssyncset.done $0x0  }
0x2d8: {  	s3 =	simm.s32 $0x200;
	s4 =	rddreg [dreg:$0x1c];
	[sflag:s22] =	ssyncadd.s32 $0xFFFFFF00  }
0x2d9: {  	[tilespmem:s3], [sflag:$0x6] =	stream.linear.gather [hbm4b:s4+s8], $0x100, $0x38;
	[tilespmem:$0x1FC80] =	vst v63  }
0x2da: {  	_ =	swait.ge [sflag:s22], $0x100  }
0x2db: {  	[sflag:s22] =	ssyncset.done $0x0  }
0x2dc: {  	[sflag:s22] =	ssyncadd.s32 $0xFFFFFF00  }
0x2dd: {  	[tilespmem:s21], [sflag:$0x1] =	stream.indirect.gather [hbm4b:s18+s25], $0x80, s8, s25, $0xb8;
	[tilespmem:$0x1FC80] =	vst v63  }
0x2de: {  	s6 =	sld [smem:$0x7F8]  }
0x2df: {  	[tilespmem:s26], [sflag:$0x2] =	stream.indirect.gather [hbm4b:s18+s25], $0x80, s25, s25, $0xb8;
	[tilespmem:$0x1FC80] =	vst v63  }
0x2e0: {  	s5 =	simm.s32 $0x100;
	s7 =	sld [smem:$0x7F9]  }
0x2e1: {  	[tilespmem:s5], [sflag:$0x3] =	stream.linear.gather [hbm4b:s6+s8], $0x100, $0x38;
	[tilespmem:$0x1FC80] =	vst v63  }
0x2e2: {  	s15 =	simm.s32 $0x1;
	s6 =	simm.s32 $0x300  }
0x2e3: {  	[tilespmem:s6], [sflag:$0x3] =	stream.linear.gather [hbm4b:s7+s8], $0x100, $0x38;
	[tilespmem:$0x1FC80] =	vst v63  }
0x2e4: {  	_ =	swait.ge [sflag:s15], $0x4000  }
0x2e5: {  	[sflag:s15] =	ssyncset.done $0x0  }
0x2e6: {  	[sflag:s15] =	ssyncadd.s32 $0xFFFFC000  }
0x2e7: {  	[spmem:s0] =	stream.indirect.scatter.add.f32 [tilespmem:s21], [sflag:$0x4], $0x80, s3, s25, $0xb8;
	[tilespmem:$0x1FC80] =	vst v63  }
0x2e8: {  	_ =	swait.ge [sflag:s20], $0x100  }
0x2e9: {  	[sflag:s20] =	ssyncset.done $0x0  }
0x2ea: {  	[sflag:s20] =	ssyncadd.s32 $0xFFFFFF00  }
0x2eb: {  	_ =	swait.ge [sflag:s20], $0x100  }
0x2ec: {  	[sflag:s20] =	ssyncset.done $0x0  }
0x2ed: {  	[sflag:s20] =	ssyncadd.s32 $0xFFFFFF00  }
0x2ee: {  	_ =	swait.ge [sflag:s30], $0x4000  }
0x2ef: {  	[sflag:s30] =	ssyncset.done $0x0  }
0x2f0: {  	[sflag:s30] =	ssyncadd.s32 $0xFFFFC000  }
0x2f1: {  	[tilespmem:s21], [sflag:$0x1] =	stream.indirect.gather [hbm4b:s18+s25], $0x80, s5, s25, $0xb8;
	[tilespmem:$0x1FC80] =	vst v63  }
0x2f2: {  	_ =	swait.ge [sflag:s28], $0x4000  }
0x2f3: {  	s16 =	simm.s32 $0x280;
	s4 =	sand.u32 $0x1, s15;
	[sflag:s28] =	ssyncset.done $0x0  }
0x2f4: {  	s31 =	sand.u32 $0xFC00, s3;
	s6 =	sshll.u32 s4, $0x8;
	[sflag:s28] =	ssyncadd.s32 $0xFFFFC000  }
0x2f5: {  	[spmem:s0] =	stream.indirect.scatter.add.f32 [tilespmem:s26], [sflag:$0x5], $0x80, s16, s25, $0xb8;
	[tilespmem:$0x1FC80] =	vst v63  }
0x2f6: {  	s3 =	sand.u32 $0x300, s3;
	s5 =	sadd.s32 s2, s31;
	_ =	swait.ge [sflag:s19], $0x4000  }
0x2f7: {  	s4 =	sxor.u32 $0x1, s4;
	s3 =	sor.u32 s3, s5;
	[sflag:s19] =	ssyncset.done $0x0  }
0x2f8: {  	s7 =	sor.u32 $0x80, s6;
	s3 =	sshrl.u32 s3, $0x3;
	[sflag:s19] =	ssyncadd.s32 $0xFFFFC000  }
0x2f9: {  	[tilespmem:s26], [sflag:$0x2] =	stream.indirect.gather [hbm4b:s18+s25], $0x80, s7, s25, $0xb8;
	[tilespmem:$0x1FC80] =	vst v63  }
0x2fa: {  	s4 =	sshll.u32 s4, $0x8;
	s15 =	sadd.s32 s13, s3  }
0x2fb: {  	[tilespmem:s4], [sflag:$0x3] =	stream.linear.gather [hbm4b:s15+s8], $0x100, $0x38;
	[tilespmem:$0x1FC80] =	vst v63  }
0x2fc: {  	s3 =	sadd.s32 s14, s3;
	s16 =	sor.u32 $0x200, s4  }
0x2fd: {  	[tilespmem:s16], [sflag:$0x3] =	stream.linear.gather [hbm4b:s3+s8], $0x100, $0x38;
	[tilespmem:$0x1FC80] =	vst v63  }
0x2fe: {  	_ =	swait.ge [sflag:s1], $0x4000  }
0x2ff: {  	[sflag:s1] =	ssyncset.done $0x0  }
0x300: {  	s31 =	sor.u32 $0x200, s6;
	[sflag:s1] =	ssyncadd.s32 $0xFFFFC000  }
0x301: {  	[spmem:s0] =	stream.indirect.scatter.add.f32 [tilespmem:s21], [sflag:$0x4], $0x80, s31, s25, $0xb8;
	[tilespmem:$0x1FC80] =	vst v63  }
0x302: {  	_ =	swait.ge [sflag:s20], $0x100  }
0x303: {  	[sflag:s20] =	ssyncset.done $0x0  }
0x304: {  	[sflag:s20] =	ssyncadd.s32 $0xFFFFFF00  }
0x305: {  	_ =	swait.ge [sflag:s20], $0x100  }
0x306: {  	[sflag:s20] =	ssyncset.done $0x0  }
0x307: {  	[sflag:s20] =	ssyncadd.s32 $0xFFFFFF00  }
0x308: {  	s6 =	sor.u32 $0x280, s6;
	_ =	swait.ge [sflag:s30], $0x4000  }
0x309: {  	s5 =	simm.s32 $0x2;
	s3 =	simm.s32 $0x300;
	[sflag:s30] =	ssyncset.done $0x0  }
.LBB2_27:
0x30a: {  	s7 =	sand.u32 $0x1, s5  }
0x30b: {  	s15 =	sand.u32 $0xFC00, s3;
	[sflag:s30] =	ssyncadd.s32 $0xFFFFC000;
	s16 =	smov.u32 s5  }
0x30c: {  	[tilespmem:s21], [sflag:$0x1] =	stream.indirect.gather [hbm4b:s18+s25], $0x80, s4, s25, $0xb8;
	[tilespmem:$0x1FC80] =	vst v63  }
0x30d: {  	s16 =	sshll.u32 s7, $0x8;
	s4 =	sadd.s32 s2, s15;
	_ =	swait.ge [sflag:s28], $0x4000  }
0x30e: {  	s31 =	sand.u32 $0x300, s3;
	s15 =	sor.u32 $0x80, s16;
	[sflag:s28] =	ssyncset.done $0x0  }
0x30f: {  	s7 =	sxor.u32 $0x1, s7;
	s4 =	sor.u32 s31, s4;
	[sflag:s28] =	ssyncadd.s32 $0xFFFFC000  }
0x310: {  	[spmem:s0] =	stream.indirect.scatter.add.f32 [tilespmem:s26], [sflag:$0x5], $0x80, s6, s25, $0xb8;
	[tilespmem:$0x1FC80] =	vst v63  }
0x311: {  	s31 =	sadd.s32 $0x1, s5;
	s6 =	sshrl.u32 s4, $0x3;
	_ =	swait.ge [sflag:s19], $0x4000  }
0x312: {  	p5 =	sne.s32 s5, $0x4D;
	[sflag:s19] =	ssyncset.done $0x0  }
0x313: {  	[sflag:s19] =	ssyncadd.s32 $0xFFFFC000  }
0x314: {  	[tilespmem:s26], [sflag:$0x2] =	stream.indirect.gather [hbm4b:s18+s25], $0x80, s15, s25, $0xb8;
	[tilespmem:$0x1FC80] =	vst v63  }
0x315: {  	s4 =	sshll.u32 s7, $0x8;
	s5 =	sadd.s32 s13, s6  }
0x316: {  	[tilespmem:s4], [sflag:$0x3] =	stream.linear.gather [hbm4b:s5+s8], $0x100, $0x38;
	[tilespmem:$0x1FC80] =	vst v63  }
0x317: {  	s6 =	sadd.s32 s14, s6;
	s5 =	sor.u32 $0x200, s4  }
0x318: {  	[tilespmem:s5], [sflag:$0x3] =	stream.linear.gather [hbm4b:s6+s8], $0x100, $0x38;
	[tilespmem:$0x1FC80] =	vst v63  }
0x319: {  	_ =	swait.ge [sflag:s1], $0x4000  }
0x31a: {  	[sflag:s1] =	ssyncset.done $0x0  }
0x31b: {  	s5 =	sor.u32 $0x200, s16;
	[sflag:s1] =	ssyncadd.s32 $0xFFFFC000  }
0x31c: {  	[spmem:s0] =	stream.indirect.scatter.add.f32 [tilespmem:s21], [sflag:$0x4], $0x80, s5, s25, $0xb8;
	[tilespmem:$0x1FC80] =	vst v63  }
0x31d: {  	_ =	swait.ge [sflag:s20], $0x100  }
0x31e: {  	[sflag:s20] =	ssyncset.done $0x0  }
0x31f: {  	[sflag:s20] =	ssyncadd.s32 $0xFFFFFF00  }
.Ltmp15:
0x320: {  	_ =	swait.ge [sflag:s20], $0x100;
	(pc) =	sbr.rel @p5 .LBB2_27-.Ltmp15, $4  }
0x321: {  	[sflag:s20] =	ssyncset.done $0x0  }
0x322: {  	[sflag:s20] =	ssyncadd.s32 $0xFFFFFF00  }
0x323: {  	s3 =	sadd.s32 $0x100, s3;
	_ =	swait.ge [sflag:s30], $0x4000  }
0x324: {  	s6 =	sor.u32 $0x280, s16;
	s5 =	smov.u32 s31;
	[sflag:s30] =	ssyncset.done $0x0  }
0x325: {  	[sflag:s30] =	ssyncadd.s32 $0xFFFFC000  }
0x326: {  	[tilespmem:s21], [sflag:$0x1] =	stream.indirect.gather [hbm4b:s18+s25], $0x80, s4, s25, $0xb8;
	[tilespmem:$0x1FC80] =	vst v63  }
0x327: {  	_ =	swait.ge [sflag:s28], $0x4000  }
0x328: {  	[sflag:s28] =	ssyncset.done $0x0  }
0x329: {  	[sflag:s28] =	ssyncadd.s32 $0xFFFFC000  }
0x32a: {  	[spmem:s0] =	stream.indirect.scatter.add.f32 [tilespmem:s26], [sflag:$0x5], $0x80, s6, s25, $0xb8;
	[tilespmem:$0x1FC80] =	vst v63  }
0x32b: {  	_ =	swait.ge [sflag:s19], $0x4000  }
0x32c: {  	[sflag:s19] =	ssyncset.done $0x0  }
0x32d: {  	[sflag:s19] =	ssyncadd.s32 $0xFFFFC000  }
0x32e: {  	[tilespmem:s26], [sflag:$0x2] =	stream.indirect.gather [hbm4b:s18+s25], $0x80, s25, s25, $0xb8;
	[tilespmem:$0x1FC80] =	vst v63  }
0x32f: {  	_ =	swait.ge [sflag:s1], $0x4000  }
0x330: {  	[sflag:s1] =	ssyncset.done $0x0  }
0x331: {  	s3 =	simm.s32 $0x200;
	[sflag:s1] =	ssyncadd.s32 $0xFFFFC000  }
0x332: {  	[spmem:s0] =	stream.indirect.scatter.add.f32 [tilespmem:s21], [sflag:$0x4], $0x80, s3, s25, $0xb8;
	[tilespmem:$0x1FC80] =	vst v63  }
0x333: {  	_ =	swait.ge [sflag:s28], $0x4000  }
0x334: {  	[sflag:s28] =	ssyncset.done $0x0  }
0x335: {  	s31 =	simm.s32 $0x280;
	[sflag:s28] =	ssyncadd.s32 $0xFFFFC000  }
0x336: {  	[spmem:s0] =	stream.indirect.scatter.add.f32 [tilespmem:s26], [sflag:$0x5], $0x80, s31, s25, $0xb8;
	[tilespmem:$0x1FC80] =	vst v63  }
0x337: {  	_ =	swait.ge [sflag:s30], $0x4000  }
0x338: {  	[sflag:s30] =	ssyncset.done $0x0  }
0x339: {  	[sflag:s30] =	ssyncadd.s32 $0xFFFFC000  }
0x33a: {  	_ =	swait.ge [sflag:s19], $0x4000  }
0x33b: {  	[sflag:s19] =	ssyncset.done $0x0  }
0x33c: {  	[sflag:s19] =	ssyncadd.s32 $0xFFFFC000  }
0x33d: {  	s16 =	rddreg [dreg:$0x3]  }
.LBB2_29:
0x33e: {  	[bflag:$0x0] =	sbarrier.arrive $0xFFFF  }
0x33f: {  	s3 =	simm.s32 $0x0;
	s4 =	simm.s32 $0x0;
	s7 =	rddreg [dreg:$0x5]  }
.LBB2_30:
0x340: {  	s15 =	sshll.u32 s4, $0x7  }
0x341: {  	s5 =	sadd.s32 s29, s15  }
0x342: {  	s5 =	sshll.u32 s5, $0x7  }
0x343: {  	s6 =	sadd.s32 $0x0, s3;
	s5 =	sand.u32 $0x3FFFFF80, s5  }
0x344: {  	v7 =	vmov s6;
	s5 =	sadd.s32 s5, s0  }
0x345: {  	[tilespmem:s21], [sflag:$0x6] =	stream.linear.gather [spmem:s5], $0x4000, $0x38;
	[tilespmem:$0x1FC80] =	vst v63  }
0x346: {  	_ =	swait.ge [sflag:s22], $0x4000  }
0x347: {  	[sflag:s22] =	ssyncset.done $0x0  }
0x348: {  	[sflag:s22] =	ssyncadd.s32 $0xFFFFC000  }
0x349: {  	v7 =	vld.idx.msk [tilespmem:v7+s24+$0x0], $0xffff;
	_ =	sdelay $0x4  }
0x34a: {  	v7 =	vmax.f32 v7, $1.000000000e+00  }
0x34b: {  	(erf) = vrcp.f32 v7  }
0x34c: {  	s31 =	simm.s32 $0x440  }
0x34d: {  	v10 =	vld [tilespmem:s31+$0x30]  }
0x34e: {  	v8 =	vld [tilespmem:s31+$0x10]  }
0x34f: {  	v9 =	vld [tilespmem:s31+$0xFFFFFFC0]  }
0x350: {  	v11 =	vld [tilespmem:s31+$0xFFFFFFD0]  }
0x351: {  	v12 =	vld [tilespmem:s31+$0xFFFFFFE0]  }
0x352: {  	v7 =	vld [tilespmem:s31+$0xFFFFFFF0]  }
0x353: {  	v13 =	vld [tilespmem:s31+$0x0]  }
0x354: {  	v14 =	vld [tilespmem:s31+$0x20];
	v15 =	vpop (erf)  }
0x355: {  	v9 =	vmul.f32 v15, v9  }
0x356: {  	v11 =	vmul.f32 v11, v15  }
0x357: {  	v12 =	vmul.f32 v12, v15;
	v7 =	vmul.f32 v7, v15;
	[tilespmem:s31+$0xFFFFFFC0] =	vst v9  }
0x358: {  	v8 =	vmul.f32 v8, v15;
	v10 =	vmul.f32 v10, v15;
	[tilespmem:s31+$0xFFFFFFD0] =	vst v11  }
0x359: {  	s6 =	sadd.s32 $0x1, s3;
	s5 =	simm.s32 $0x2;
	v9 =	vmul.f32 v13, v15;
	v11 =	vmul.f32 v14, v15;
	[tilespmem:s31+$0xFFFFFFE0] =	vst v12  }
.LBB2_31:
0x35a: {  	p5 =	sne.s32 s5, $0x7F;
	v12 =	vmov s6;
	[tilespmem:s31+$0xFFFFFFF0] =	vst v7  }
0x35b: {  	[tilespmem:s31+$0x0] =	vst v9  }
0x35c: {  	[tilespmem:s31+$0x10] =	vst v8  }
0x35d: {  	[tilespmem:s31+$0x20] =	vst v11  }
0x35e: {  	[tilespmem:s31+$0x30] =	vst v10  }
0x35f: {  	v7 =	vld.idx.msk [tilespmem:v12+s24+$0x0], $0xffff;
	_ =	sdelay $0x5  }
0x360: {  	v7 =	vmax.f32 v7, $1.000000000e+00  }
0x361: {  	s31 =	sadd.s32 $0x80, s31;
	(erf) = vrcp.f32 v7  }
0x362: {  	v7 =	vld [tilespmem:s31+$0xFFFFFFF0]  }
0x363: {  	v10 =	vld [tilespmem:s31+$0x30]  }
0x364: {  	v8 =	vld [tilespmem:s31+$0x10]  }
0x365: {  	v9 =	vld [tilespmem:s31+$0xFFFFFFD0]  }
0x366: {  	v11 =	vld [tilespmem:s31+$0xFFFFFFC0]  }
0x367: {  	v12 =	vld [tilespmem:s31+$0xFFFFFFE0]  }
0x368: {  	v13 =	vld [tilespmem:s31+$0x0]  }
0x369: {  	v14 =	vld [tilespmem:s31+$0x20]  }
0x36a: {  	v15 =	vpop (erf)  }
.Ltmp16:
0x36b: {  	v11 =	vmul.f32 v15, v11;
	v16 =	vmul.f32 v9, v15;
	(pc) =	sbr.rel @p5 .LBB2_31-.Ltmp16, $4  }
0x36c: {  	v7 =	vmul.f32 v7, v15;
	v12 =	vmul.f32 v12, v15  }
0x36d: {  	v8 =	vmul.f32 v8, v15;
	[tilespmem:s31+$0xFFFFFFC0] =	vst v11;
	v9 =	vmul.f32 v13, v15  }
0x36e: {  	v10 =	vmul.f32 v10, v15;
	[tilespmem:s31+$0xFFFFFFD0] =	vst v16;
	v11 =	vmul.f32 v14, v15  }
0x36f: {  	s6 =	sadd.s32 s5, s3;
	s5 =	sadd.s32 $0x1, s5;
	[tilespmem:s31+$0xFFFFFFE0] =	vst v12  }
0x370: {  	v12 =	vmov s6;
	[tilespmem:s31+$0xFFFFFFF0] =	vst v7  }
0x371: {  	[tilespmem:s31+$0x0] =	vst v9  }
0x372: {  	[tilespmem:s31+$0x10] =	vst v8  }
0x373: {  	[tilespmem:s31+$0x20] =	vst v11  }
0x374: {  	[tilespmem:s31+$0x30] =	vst v10  }
0x375: {  	v7 =	vld.idx.msk [tilespmem:v12+s24+$0x0], $0xffff;
	_ =	sdelay $0x4  }
0x376: {  	v7 =	vmax.f32 v7, $1.000000000e+00  }
0x377: {  	(erf) = vrcp.f32 v7;
	_ =	sdelay $0x3  }
0x378: {  	s5 =	sadd.s32 $0x80, s31  }
0x379: {  	v7 =	vld [tilespmem:s5+$0xFFFFFFC0]  }
0x37a: {  	v8 =	vld [tilespmem:s5+$0xFFFFFFD0]  }
0x37b: {  	v9 =	vld [tilespmem:s5+$0xFFFFFFE0]  }
0x37c: {  	v13 =	vld [tilespmem:s5+$0x10]  }
0x37d: {  	v61 =	vld [tilespmem:s5+$0xFFFFFFF0];
	v62 =	vpop (erf)  }
0x37e: {  	v11 =	vld [tilespmem:s5+$0x0];
	v7 =	vmul.f32 v62, v7  }
0x37f: {  	v14 =	vld [tilespmem:s5+$0x20];
	v8 =	vmul.f32 v8, v62  }
0x380: {  	v15 =	vld [tilespmem:s5+$0x30];
	v9 =	vmul.f32 v9, v62;
	[tilespmem:s5+$0xFFFFFFC0] =	vst v7  }
0x381: {  	v63 =	vmul.f32 v13, v62;
	[tilespmem:s5+$0xFFFFFFD0] =	vst v8  }
0x382: {  	v7 =	vmul.f32 v61, v62;
	[tilespmem:s5+$0xFFFFFFE0] =	vst v9  }
0x383: {  	v8 =	vmul.f32 v11, v62;
	[tilespmem:s5+$0x10] =	vst v63  }
0x384: {  	[tilespmem:s5+$0xFFFFFFF0] =	vst v7;
	v7 =	vmul.f32 v14, v62  }
0x385: {  	s4 =	sadd.s32 $0x1, s4;
	[tilespmem:s5+$0x0] =	vst v8;
	v8 =	vmul.f32 v15, v62  }
0x386: {  	p5 =	sne.s32 s4, $0x5;
	[tilespmem:s5+$0x20] =	vst v7  }
.Ltmp17:
0x387: {  	s31 =	sadd.s32 $0xB000, s15;
	[tilespmem:s5+$0x30] =	vst v8;
	(pc) =	sbr.rel @p5 .LBB2_30-.Ltmp17, $4  }
0x388: {  	[spmem:s7] =	stream.indirect.scatter.add.f32 [tilespmem:s21], [sflag:$0x6], $0x80, s31, s25, $0xb8;
	[tilespmem:$0x1FC80] =	vst v63  }
0x389: {  	_ =	swait.ge [sflag:s22], $0x4000  }
0x38a: {  	[sflag:s22] =	ssyncset.done $0x0  }
0x38b: {  	s3 =	sadd.s32 $0x80, s3;
	[sflag:s22] =	ssyncadd.s32 $0xFFFFC000  }
0x38c: {  	[bflag:$0x0] =	sbarrier.arrive $0xFFFF;
	s3 =	simm.s32 @!p2 $0x400;
	s4 =	simm.s32 @!p2 $0x6  }
0x38d: {  	[tilespmem:s3], [sflag:$0x6] =	stream.linear.gather @!p2 [spmem:s16], $0x1000, $0x38;
	[tilespmem:$0x1FC80] =	vst v63  }
0x38e: {  	_ =	swait.ge @!p2 [sflag:s4], $0x1000  }
0x38f: {  	[sflag:s4] =	ssyncset.done @!p2 $0x0  }
0x390: {  	s5 =	simm.s32 @!p2 $0x0;
	s6 =	rddreg [dreg:$0xb];
	[sflag:s4] =	ssyncadd.s32 @!p2 $0xFFFFF000  }
0x391: {  	[hbm4b:s6+s5] =	stream.linear.scatter @!p2 [tilespmem:s3], [sflag:$0x6], $0x1000, $0x38;
	[tilespmem:$0x1FC80] =	vst v63  }
0x392: {  	_ =	swait.ge @!p2 [sflag:s4], $0x1000  }
0x393: {  	[sflag:s4] =	ssyncset.done @!p2 $0x0  }
0x394: {  	[sflag:s4] =	ssyncadd.s32 @!p2 $0xFFFFF000  }
0x395: {  	s31 =	rddreg [dreg:$0x4]  }
0x396: {  	[tilespmem:s3], [sflag:$0x6] =	stream.linear.gather @!p2 [spmem:s31], $0x1000, $0x38;
	[tilespmem:$0x1FC80] =	vst v63  }
0x397: {  	_ =	swait.ge @!p2 [sflag:s4], $0x1000  }
0x398: {  	[sflag:s4] =	ssyncset.done @!p2 $0x0  }
0x399: {  	s6 =	rddreg [dreg:$0xc];
	[sflag:s4] =	ssyncadd.s32 @!p2 $0xFFFFF000  }
0x39a: {  	[hbm4b:s6+s5] =	stream.linear.scatter @!p2 [tilespmem:s3], [sflag:$0x6], $0x1000, $0x38;
	[tilespmem:$0x1FC80] =	vst v63  }
0x39b: {  	_ =	swait.ge @!p2 [sflag:s4], $0x1000  }
0x39c: {  	[sflag:s4] =	ssyncset.done @!p2 $0x0  }
0x39d: {  	[sflag:s4] =	ssyncadd.s32 @!p2 $0xFFFFF000  }
0x39e: {  	[tilespmem:s3], [sflag:$0x6] =	stream.linear.gather @!p2 [spmem:s7], $0x1000, $0x38;
	[tilespmem:$0x1FC80] =	vst v63  }
0x39f: {  	_ =	swait.ge @!p2 [sflag:s4], $0x1000  }
0x3a0: {  	[sflag:s4] =	ssyncset.done @!p2 $0x0  }
0x3a1: {  	s6 =	rddreg [dreg:$0xd];
	[sflag:s4] =	ssyncadd.s32 @!p2 $0xFFFFF000  }
0x3a2: {  	[hbm4b:s6+s5] =	stream.linear.scatter @!p2 [tilespmem:s3], [sflag:$0x6], $0x1000, $0x38;
	[tilespmem:$0x1FC80] =	vst v63  }
0x3a3: {  	_ =	swait.ge @!p2 [sflag:s4], $0x1000  }
0x3a4: {  	[sflag:s4] =	ssyncset.done @!p2 $0x0  }
0x3a5: {  	[sflag:s4] =	ssyncadd.s32 @!p2 $0xFFFFF000  }
0x3a6: {  	s6 =	rddreg [dreg:$0x6]  }
0x3a7: {  	[tilespmem:s3], [sflag:$0x6] =	stream.linear.gather @!p2 [spmem:s6], $0x1000, $0x38;
	[tilespmem:$0x1FC80] =	vst v63  }
0x3a8: {  	_ =	swait.ge @!p2 [sflag:s4], $0x1000  }
0x3a9: {  	[sflag:s4] =	ssyncset.done @!p2 $0x0  }
0x3aa: {  	s15 =	rddreg [dreg:$0xe];
	[sflag:s4] =	ssyncadd.s32 @!p2 $0xFFFFF000  }
0x3ab: {  	[hbm4b:s15+s5] =	stream.linear.scatter @!p2 [tilespmem:s3], [sflag:$0x6], $0x1000, $0x38;
	[tilespmem:$0x1FC80] =	vst v63  }
0x3ac: {  	_ =	swait.ge @!p2 [sflag:s4], $0x1000  }
0x3ad: {  	[sflag:s4] =	ssyncset.done @!p2 $0x0  }
0x3ae: {  	[sflag:s4] =	ssyncadd.s32 @!p2 $0xFFFFF000  }
0x3af: {  	s15 =	rddreg [dreg:$0x7]  }
0x3b0: {  	[tilespmem:s3], [sflag:$0x6] =	stream.linear.gather @!p2 [spmem:s15], $0x1000, $0x38;
	[tilespmem:$0x1FC80] =	vst v63  }
0x3b1: {  	_ =	swait.ge @!p2 [sflag:s4], $0x1000  }
0x3b2: {  	[sflag:s4] =	ssyncset.done @!p2 $0x0  }
0x3b3: {  	s31 =	rddreg [dreg:$0xf];
	[sflag:s4] =	ssyncadd.s32 @!p2 $0xFFFFF000  }
0x3b4: {  	[hbm4b:s31+s5] =	stream.linear.scatter @!p2 [tilespmem:s3], [sflag:$0x6], $0x1000, $0x38;
	[tilespmem:$0x1FC80] =	vst v63  }
0x3b5: {  	_ =	swait.ge @!p2 [sflag:s4], $0x1000  }
0x3b6: {  	[sflag:s4] =	ssyncset.done @!p2 $0x0  }
0x3b7: {  	s3 =	simm.s32 @p4 $0x400;
	[sflag:s4] =	ssyncadd.s32 @!p2 $0xFFFFF000;
	s4 =	simm.s32 @p4 $0x6  }
0x3b8: {  	[tilespmem:s3], [sflag:$0x6] =	stream.linear.gather @p4 [spmem:s16], $0x1000, $0x38;
	[tilespmem:$0x1FC80] =	vst v63  }
0x3b9: {  	_ =	swait.ge @p4 [sflag:s4], $0x1000  }
0x3ba: {  	[sflag:s4] =	ssyncset.done @p4 $0x0  }
0x3bb: {  	s5 =	simm.s32 @p4 $0x0;
	s31 =	rddreg [dreg:$0x10];
	[sflag:s4] =	ssyncadd.s32 @p4 $0xFFFFF000  }
0x3bc: {  	[hbm4b:s31+s5] =	stream.linear.scatter @p4 [tilespmem:s3], [sflag:$0x6], $0x1000, $0x38;
	[tilespmem:$0x1FC80] =	vst v63  }
0x3bd: {  	_ =	swait.ge @p4 [sflag:s4], $0x1000  }
0x3be: {  	[sflag:s4] =	ssyncset.done @p4 $0x0  }
0x3bf: {  	[sflag:s4] =	ssyncadd.s32 @p4 $0xFFFFF000  }
0x3c0: {  	s31 =	rddreg [dreg:$0x4]  }
0x3c1: {  	[tilespmem:s3], [sflag:$0x6] =	stream.linear.gather @p4 [spmem:s31], $0x1000, $0x38;
	[tilespmem:$0x1FC80] =	vst v63  }
0x3c2: {  	_ =	swait.ge @p4 [sflag:s4], $0x1000  }
0x3c3: {  	[sflag:s4] =	ssyncset.done @p4 $0x0  }
0x3c4: {  	s31 =	rddreg [dreg:$0x11];
	[sflag:s4] =	ssyncadd.s32 @p4 $0xFFFFF000  }
0x3c5: {  	[hbm4b:s31+s5] =	stream.linear.scatter @p4 [tilespmem:s3], [sflag:$0x6], $0x1000, $0x38;
	[tilespmem:$0x1FC80] =	vst v63  }
0x3c6: {  	_ =	swait.ge @p4 [sflag:s4], $0x1000  }
0x3c7: {  	[sflag:s4] =	ssyncset.done @p4 $0x0  }
0x3c8: {  	[sflag:s4] =	ssyncadd.s32 @p4 $0xFFFFF000  }
0x3c9: {  	[tilespmem:s3], [sflag:$0x6] =	stream.linear.gather @p4 [spmem:s7], $0x1000, $0x38;
	[tilespmem:$0x1FC80] =	vst v63  }
0x3ca: {  	_ =	swait.ge @p4 [sflag:s4], $0x1000  }
0x3cb: {  	[sflag:s4] =	ssyncset.done @p4 $0x0  }
0x3cc: {  	s31 =	rddreg [dreg:$0x12];
	[sflag:s4] =	ssyncadd.s32 @p4 $0xFFFFF000  }
0x3cd: {  	[hbm4b:s31+s5] =	stream.linear.scatter @p4 [tilespmem:s3], [sflag:$0x6], $0x1000, $0x38;
	[tilespmem:$0x1FC80] =	vst v63  }
0x3ce: {  	_ =	swait.ge @p4 [sflag:s4], $0x1000  }
0x3cf: {  	[sflag:s4] =	ssyncset.done @p4 $0x0  }
0x3d0: {  	[sflag:s4] =	ssyncadd.s32 @p4 $0xFFFFF000  }
0x3d1: {  	[tilespmem:s3], [sflag:$0x6] =	stream.linear.gather @p4 [spmem:s6], $0x1000, $0x38;
	[tilespmem:$0x1FC80] =	vst v63  }
0x3d2: {  	_ =	swait.ge @p4 [sflag:s4], $0x1000  }
0x3d3: {  	[sflag:s4] =	ssyncset.done @p4 $0x0  }
0x3d4: {  	s31 =	rddreg [dreg:$0x13];
	[sflag:s4] =	ssyncadd.s32 @p4 $0xFFFFF000  }
0x3d5: {  	[hbm4b:s31+s5] =	stream.linear.scatter @p4 [tilespmem:s3], [sflag:$0x6], $0x1000, $0x38;
	[tilespmem:$0x1FC80] =	vst v63  }
0x3d6: {  	_ =	swait.ge @p4 [sflag:s4], $0x1000  }
0x3d7: {  	[sflag:s4] =	ssyncset.done @p4 $0x0  }
0x3d8: {  	[sflag:s4] =	ssyncadd.s32 @p4 $0xFFFFF000  }
0x3d9: {  	[tilespmem:s3], [sflag:$0x6] =	stream.linear.gather @p4 [spmem:s15], $0x1000, $0x38;
	[tilespmem:$0x1FC80] =	vst v63  }
0x3da: {  	_ =	swait.ge @p4 [sflag:s4], $0x1000  }
0x3db: {  	[sflag:s4] =	ssyncset.done @p4 $0x0  }
0x3dc: {  	s31 =	rddreg [dreg:$0x14];
	[sflag:s4] =	ssyncadd.s32 @p4 $0xFFFFF000  }
0x3dd: {  	[hbm4b:s31+s5] =	stream.linear.scatter @p4 [tilespmem:s3], [sflag:$0x6], $0x1000, $0x38;
	[tilespmem:$0x1FC80] =	vst v63  }
0x3de: {  	s31 =	rddreg [dreg:$0x4];
	_ =	swait.ge @p4 [sflag:s4], $0x1000  }
0x3df: {  	s3 =	sld [smem:$0x7F7];
	_ =	sdelay $0x2  }
0x3e0: {  	s5 =	sadd.s32 $0x1, s3;
	s3 =	rddreg [dreg:$0x1d]  }
0x3e1: {  	p5 =	sne.s32 s5, s3  }
.Ltmp18:
0x3e2: {  	_ = 	snop;
	(pc) =	sbr.rel @p5 .LBB2_1-.Ltmp18, $3  }
0x3e3: {  	_ =	sdelay $0x1  }
0x3e4: {  	[sflag:s4] =	ssyncset.done @p4 $0x0  }
0x3e5: {  	[sflag:s4] =	ssyncadd.s32 @p4 $0xFFFFF000  }
0x3e6: {  	_ =	sfence.sel $0x180000  }
0x3e7: {  	[bflag:$0x0] =	sbarrier.arrive $0xFFFF  }
0x3e8: {  	_ =	strace $0x90000047  }
0x3e9: {  	[bflag:$0x2] =	sbarrier.arrive $0xFFFF  }
0x3ea: {  	s0 =	rddreg [dreg:$0x8]  }
0x3eb: {  	s0 =	sadd.s32 @!p3 $0x100000, s0  }
0x3ec: {  	[sflag:s0] =	ssyncadd.tile.s32 @!p3 $0x1;
	_ =	shalt  }
.Lfunc_end2:
_tile_overlayer_lowered:
.L_overlay_start_2:
0x3ed: {  	(tag) =	ssettag $0x2  }
0x3ee: {  	s0 =	rddreg [dreg:$0x0];
	s2 =	stileid.u32  }
0x3ef: {  	s1 =	rddreg [dreg:$0x1];
	p0 =	sne.s32 s2, $0x0  }
0x3f0: {  	s3 =	rddreg [dreg:$0x2];
	[bflag:$0x3] =	sbarrier.arrive $0xFFFF;
	s2 =	simm.s32 @!p0 $0x1C06  }
0x3f1: {  	[timem:s3], [sflag:s2] =	dma.local @!p0 [hbm:s0], s1  }
0x3f2: {  	s0 =	simm.s32 @!p0 $0x6  }
0x3f3: {  	_ =	swait.ge @!p0 [sflag:s0], s1  }
0x3f4: {  	s1 =	ssub.s32 @!p0 $0x0, s1;
	[sflag:s0] =	ssyncset.done @!p0 $0x0  }
0x3f5: {  	[sflag:s0] =	ssyncadd.s32 @!p0 s1  }
0x3f6: {  	[bflag:$0x3] =	sbarrier.arrive $0xFFFF  }
0x3f7: {  	_ =	shalt  }

</sc_bundles>
